<compile_context>
chip_gen: v7x
topology: tpu7x:2x2x1
jax: 0.10.2.dev20260603
libtpu: 0.0.44.dev20260713+nightly
codegen_flags: <defaults>
</compile_context>

<pallas_src>
import functools
import jax
import jax.numpy as jnp
from jax import lax
from jax.experimental import pallas as pl
from jax.experimental.pallas import tpu as pltpu
from jax.experimental.pallas import tpu_sc as plsc

N = 10000
NPAD = 10240
E = 320000
D = 128
H = 128
L = 64

NC = 2
NS = 16
ROWS_PER_TILE = NPAD // NS
CHUNK = 128
EPAD = 327680
TRASH = NPAD - 8
EDGES_PER_TILE = EPAD // NS
NCHUNK = EDGES_PER_TILE // CHUNK

PPAD = 40960
WPG = PPAD // (NC * NS)
GCHUNK = 128
NGC = WPG // GCHUNK



def _tc1_body(x_ref, w_ref, h_ref):
    x = x_ref[...]
    rs = jnp.sum(jnp.abs(x), axis=1, keepdims=True)
    xf = x * jnp.where(rs > 0, 1.0 / rs, 0.0)
    h_ref[...] = jnp.dot(xf, w_ref[0], preferred_element_type=jnp.float32,
                  precision=jax.lax.Precision.HIGHEST)


def _tc1(x, Wcat):
    blk = 1000
    nb = N // blk
    return pl.pallas_call(
        _tc1_body,
        grid=(2, nb),
        in_specs=[
            pl.BlockSpec((blk, D), lambda v, i: (i, 0)),
            pl.BlockSpec((1, D, H), lambda v, i: (v, 0, 0)),
        ],
        out_specs=pl.BlockSpec((blk, H), lambda v, i, nb=nb: (v * nb + i, 0)),
        out_shape=jax.ShapeDtypeStruct((2 * N, H), jnp.float32),
    )(x, Wcat)



EGT = 2 * EPAD // (NC * NS)
NEG = EGT // CHUNK


def _sc_edge_gather(table, idx):
    mesh = plsc.VectorSubcoreMesh(
        core_axis_name="c", subcore_axis_name="s",
        num_cores=NC, num_subcores=NS)

    @functools.partial(
        pl.kernel,
        out_type=jax.ShapeDtypeStruct((2 * EPAD, H), jnp.float32),
        mesh=mesh,
        scratch_types=[
            pltpu.VMEM((CHUNK,), jnp.int32),
            pltpu.VMEM((CHUNK,), jnp.int32),
            pltpu.VMEM((CHUNK, H), jnp.float32),
            pltpu.VMEM((CHUNK, H), jnp.float32),
            pltpu.SemaphoreType.DMA,
            pltpu.SemaphoreType.DMA,
            pltpu.SemaphoreType.DMA,
            pltpu.SemaphoreType.DMA,
        ],
    )
    def k(table_hbm, idx_hbm, out_hbm,
          sidx0, sidx1, rows0, rows1, gsem0, gsem1, ssem0, ssem1):
        c = lax.axis_index("c")
        s = lax.axis_index("s")
        wid = s * NC + c
        base = wid * EGT
        bufs = ((sidx0, rows0, gsem0, ssem0), (sidx1, rows1, gsem1, ssem1))

        for b in range(2):
            off = pl.multiple_of(base + b * CHUNK, 8)
            pltpu.async_copy(bufs[b][1], out_hbm.at[pl.ds(off, CHUNK)],
                             bufs[b][3])

        def body(m, carry):
            for b in range(2):
                sidx, rows, gsem, ssem = bufs[b]
                kk = 2 * m + b
                off = pl.multiple_of(base + kk * CHUNK, 8)
                pltpu.make_async_copy(
                    rows, out_hbm.at[pl.ds(off, CHUNK)], ssem).wait()
                pltpu.sync_copy(idx_hbm.at[pl.ds(off, CHUNK)], sidx)
                pltpu.async_copy(table_hbm.at[sidx], rows, gsem).wait()
                pltpu.async_copy(rows, out_hbm.at[pl.ds(off, CHUNK)], ssem)
            return carry

        lax.fori_loop(0, NEG // 2, body, 0)
        for b in range(2):
            off = pl.multiple_of(base, 8)
            pltpu.make_async_copy(
                bufs[b][1], out_hbm.at[pl.ds(off, CHUNK)], bufs[b][3]).wait()

    return k(table, idx)



def _tc2_body(a0_ref, a1_ref, d0_ref, d1_ref, wmu_ref, bmu_ref,
              wsig_ref, bsig_ref, out_ref):
    deg0 = d0_ref[...][:, 0:1] + 1.0
    deg1 = d1_ref[...][:, 0:1] + 1.0
    r0 = jnp.maximum(a0_ref[...] / deg0, 0.0)
    r1 = jnp.maximum(a1_ref[...] / deg1, 0.0)
    wmu = wmu_ref[...]
    wsig = wsig_ref[...]
    mu = (jnp.dot(r0, wmu[:H], preferred_element_type=jnp.float32,
                  precision=jax.lax.Precision.HIGHEST)
          + jnp.dot(r1, wmu[H:], preferred_element_type=jnp.float32,
                  precision=jax.lax.Precision.HIGHEST)
          + bmu_ref[...])
    sp = (jnp.dot(r0, wsig[:H], preferred_element_type=jnp.float32,
                  precision=jax.lax.Precision.HIGHEST)
          + jnp.dot(r1, wsig[H:], preferred_element_type=jnp.float32,
                  precision=jax.lax.Precision.HIGHEST)
          + bsig_ref[...])
    sigma = jnp.where(sp > 0, sp,
                      jnp.exp(jnp.minimum(sp, 0.0)) - 1.0) + (1.0 + 1e-14)
    out_ref[...] = jnp.concatenate([mu, sigma], axis=1)


def _tc2(aggcat, degcat, W_mu, b_mu, W_sigma, b_sigma):
    blk = 1024
    nb = NPAD // blk
    return pl.pallas_call(
        _tc2_body,
        grid=(nb,),
        in_specs=[
            pl.BlockSpec((blk, H), lambda i: (i, 0)),
            pl.BlockSpec((blk, H), lambda i, nb=nb: (nb + i, 0)),
            pl.BlockSpec((blk, 16), lambda i: (i, 0)),
            pl.BlockSpec((blk, 16), lambda i, nb=nb: (nb + i, 0)),
            pl.BlockSpec((2 * H, L), lambda i: (0, 0)),
            pl.BlockSpec((L,), lambda i: (0,)),
            pl.BlockSpec((2 * H, L), lambda i: (0, 0)),
            pl.BlockSpec((L,), lambda i: (0,)),
        ],
        out_specs=pl.BlockSpec((blk, 2 * L), lambda i: (i, 0)),
        out_shape=jax.ShapeDtypeStruct((NPAD, 2 * L), jnp.float32),
    )(aggcat, aggcat, degcat, degcat, W_mu, b_mu, W_sigma, b_sigma)



def _sc_pair_gather(table, idx):
    mesh = plsc.VectorSubcoreMesh(
        core_axis_name="c", subcore_axis_name="s",
        num_cores=NC, num_subcores=NS)

    @functools.partial(
        pl.kernel,
        out_type=jax.ShapeDtypeStruct((PPAD, 2 * L), jnp.float32),
        mesh=mesh,
        scratch_types=[
            pltpu.VMEM((GCHUNK,), jnp.int32),
            pltpu.VMEM((GCHUNK, 2 * L), jnp.float32),
            pltpu.SemaphoreType.DMA,
        ],
    )
    def k(table_hbm, idx_hbm, out_hbm, sidx, rows, sem):
        c = lax.axis_index("c")
        s = lax.axis_index("s")
        wid = s * NC + c
        base = wid * WPG

        def body(kk, carry):
            off = pl.multiple_of(base + kk * GCHUNK, 8)
            pltpu.sync_copy(idx_hbm.at[pl.ds(off, GCHUNK)], sidx)
            pltpu.async_copy(table_hbm.at[sidx], rows, sem).wait()
            pltpu.sync_copy(rows, out_hbm.at[pl.ds(off, GCHUNK)])
            return carry

        lax.fori_loop(0, NGC, body, 0)

    return k(table, idx)



def _tc3_body(g_pi_ref, g_pj_ref, g_ni_ref, g_nj_ref, out_ref):
    i = pl.program_id(0)

    def eng(gi, gj):
        mu_i, s_i = gi[:, :L], gi[:, L:]
        mu_j, s_j = gj[:, :L], gj[:, L:]
        ratio = s_j / s_i
        trace_fac = jnp.sum(ratio, axis=1)
        log_det = jnp.sum(jnp.log(ratio + 1e-14), axis=1)
        mu_diff_sq = jnp.sum((mu_i - mu_j) ** 2 / s_i, axis=1)
        return 0.5 * (trace_fac + mu_diff_sq - L - log_det)

    eng_pos = eng(g_pi_ref[...], g_pj_ref[...])
    eng_neg = eng(g_ni_ref[...], g_nj_ref[...])
    part = jnp.sum(jnp.square(eng_pos) + jnp.exp(-eng_neg)) / N

    @pl.when(i == 0)
    def _():
        out_ref[...] = jnp.zeros_like(out_ref)

    out_ref[...] += jnp.full((1, 1), part, jnp.float32)


def _tc3(g):
    blk = 400
    nblk = N // blk
    return pl.pallas_call(
        _tc3_body,
        grid=(nblk,),
        in_specs=[
            pl.BlockSpec((blk, 2 * L), lambda i: (i, 0)),
            pl.BlockSpec((blk, 2 * L), lambda i, o=nblk: (o + i, 0)),
            pl.BlockSpec((blk, 2 * L), lambda i, o=nblk: (2 * o + i, 0)),
            pl.BlockSpec((blk, 2 * L), lambda i, o=nblk: (3 * o + i, 0)),
        ],
        out_specs=pl.BlockSpec((1, 1), lambda i: (0, 0)),
        out_shape=jax.ShapeDtypeStruct((1, 1), jnp.float32),
    )(g, g, g, g)



def kernel(x, edge_index_v0, edge_index_v1, pos_edges, neg_edges,
           W0, W1, W_mu, b_mu, W_sigma, b_sigma):
    Wcat = jnp.stack([W0, W1])
    hcat = _tc1(x, Wcat)

    pad_s = jnp.zeros((EPAD - E,), jnp.int32)
    es_cat = jnp.concatenate([edge_index_v0[0], pad_s,
                              edge_index_v1[0] + N, pad_s])

    rows = _sc_edge_gather(hcat, es_cat)

    agg0 = jnp.zeros((NPAD, H), jnp.float32).at[edge_index_v0[1]].add(
        rows[:E], mode="drop")
    agg1 = jnp.zeros((NPAD, H), jnp.float32).at[edge_index_v1[1]].add(
        rows[EPAD:EPAD + E], mode="drop")
    deg0 = jnp.zeros((NPAD,), jnp.float32).at[edge_index_v0[1]].add(1.0)
    deg1 = jnp.zeros((NPAD,), jnp.float32).at[edge_index_v1[1]].add(1.0)
    aggcat = jnp.concatenate([agg0, agg1])
    degcat = jnp.broadcast_to(
        jnp.concatenate([deg0, deg1])[:, None], (2 * NPAD, 16))

    table = _tc2(aggcat, degcat, W_mu, b_mu, W_sigma, b_sigma)

    idx = jnp.concatenate([
        pos_edges[:, 0], pos_edges[:, 1],
        neg_edges[:, 0], neg_edges[:, 1],
        jnp.zeros((PPAD - 4 * N,), jnp.int32),
    ])
    g = _sc_pair_gather(table, idx)

    res = _tc3(g)
    return res[0, 0]

# --- scband reference (transcript-rebuilt; emitter-appended) ---
"""Pipeline reference for scband-gene2-gauss-mv-53772990545981 (READ-ONLY COPY).

The authoritative reference and input builder live on the scoring server;
editing this copy changes nothing except your own understanding.
"""

import jax, jax.numpy as jnp
import numpy as np

N = 10000
E = 320000
D = 128
H = 128
L = 64
P = 10000
CONV_DIM = 2 * H  # two views concatenated


def setup_inputs(seed: int = 0) -> dict:
    key = jax.random.key(seed)
    ks = jax.random.split(key, 12)
    x = jax.random.normal(ks[0], (N, D), dtype=jnp.float32)
    edge_index_v0 = jax.random.randint(ks[1], (2, E), 0, N, dtype=jnp.int32)
    edge_index_v1 = jax.random.randint(ks[2], (2, E), 0, N, dtype=jnp.int32)
    pos_edges = jax.random.randint(ks[3], (P, 2), 0, N, dtype=jnp.int32)
    neg_edges = jax.random.randint(ks[4], (P, 2), 0, N, dtype=jnp.int32)
    # learned params: one GCN layer per view (D->H), GaussianEncoder (CONV_DIM -> L mu, sigma)
    glorot = lambda k, shape: jax.random.uniform(k, shape, jnp.float32, -1.0, 1.0) * jnp.sqrt(6.0 / (shape[0] + shape[1]))
    W0 = glorot(ks[5], (D, H))
    W1 = glorot(ks[6], (D, H))
    W_mu = glorot(ks[7], (CONV_DIM, L))
    b_mu = jnp.zeros((L,), jnp.float32)
    W_sigma = glorot(ks[8], (CONV_DIM, L))
    b_sigma = jnp.zeros((L,), jnp.float32)
    return {"x": x, "edge_index_v0": edge_index_v0, "edge_index_v1": edge_index_v1,
            "pos_edges": pos_edges, "neg_edges": neg_edges,
            "W0": W0, "W1": W1, "W_mu": W_mu, "b_mu": b_mu, "W_sigma": W_sigma, "b_sigma": b_sigma}


def _preprocess_features(x):
    # row-normalize features (preprocess_features)
    rowsum = jnp.sum(jnp.abs(x), axis=1, keepdims=True)
    r_inv = jnp.where(rowsum > 0, 1.0 / rowsum, 0.0)
    return x * r_inv


def _gcn_layer(x, edge_index, W):
    # GCN: aggregate transformed neighbor features over edges, relu activation
    src = edge_index[0]
    dst = edge_index[1]
    h = x @ W
    deg = jnp.zeros((N,), x.dtype).at[dst].add(1.0) + 1.0
    agg = jnp.zeros((N, W.shape[1]), x.dtype).at[dst].add(jnp.take(h, src, axis=0))
    agg = agg / deg[:, None]
    return jax.nn.relu(agg)


def _energy_kl(mu, sigma, pairs):
    i = pairs[:, 0]
    j = pairs[:, 1]
    mu_i = jnp.take(mu, i, axis=0)
    mu_j = jnp.take(mu, j, axis=0)
    s_i = jnp.take(sigma, i, axis=0)
    s_j = jnp.take(sigma, j, axis=0)
    sigma_ratio = s_j / s_i
    trace_fac = jnp.sum(sigma_ratio, axis=1)
    log_det = jnp.sum(jnp.log(sigma_ratio + 1e-14), axis=1)
    mu_diff_sq = jnp.sum((mu_i - mu_j) ** 2 / s_i, axis=1)
    return 0.5 * (trace_fac + mu_diff_sq - L - log_det)


def reference(x, edge_index_v0, edge_index_v1, pos_edges, neg_edges, W0, W1, W_mu, b_mu, W_sigma, b_sigma):
    xf = _preprocess_features(x)
    out0 = _gcn_layer(xf, edge_index_v0, W0)
    out1 = _gcn_layer(xf, edge_index_v1, W1)
    concat_outputs = jnp.concatenate([out0, out1], axis=1)
    mu = concat_outputs @ W_mu + b_mu
    sigma = jax.nn.elu(concat_outputs @ W_sigma + b_sigma) + 1.0 + 1e-14
    eng_pos = _energy_kl(mu, sigma, pos_edges)
    eng_neg = _energy_kl(mu, sigma, neg_edges)
    energy = jnp.square(eng_pos) + jnp.exp(-eng_neg)
    loss = jnp.mean(energy)
    return loss

if __name__ == "__main__":
    import jax
    _d = setup_inputs()
    print(jax.jit(kernel)(*tuple(_d.values())))

</pallas_src>

<mosaic_0001>
#map = affine_map<(d0, d1) -> (0, 0)>
#map1 = affine_map<(d0, d1) -> (0)>
module attributes {stable_mosaic.version = 14 : i64} {
  func.func @k(%arg0: i32, %arg1: i32, %arg2: memref<20000x128xf32, #tpu.memory_space<hbm>>, %arg3: memref<655360xi32, #tpu.memory_space<hbm>>, %arg4: memref<655360x128xf32, #tpu.memory_space<hbm>>, %arg5: memref<128xi32, #tpu.memory_space<vmem>>, %arg6: memref<128xi32, #tpu.memory_space<vmem>>, %arg7: memref<128x128xf32, #tpu.memory_space<vmem>>, %arg8: memref<128x128xf32, #tpu.memory_space<vmem>>, %arg9: memref<!tpu.dma_semaphore, #tpu.memory_space<semaphore_mem>>, %arg10: memref<!tpu.dma_semaphore, #tpu.memory_space<semaphore_mem>>, %arg11: memref<!tpu.dma_semaphore, #tpu.memory_space<semaphore_mem>>, %arg12: memref<!tpu.dma_semaphore, #tpu.memory_space<semaphore_mem>>) attributes {dimension_semantics = [#tpu.dimension_semantics<core_parallel>, #tpu.dimension_semantics<subcore_parallel>], iteration_bounds = array<i64: 2, 16>, scalar_prefetch = 0 : i64, scratch_operands = 8 : i64, tpu.core_type = #tpu.core_type<sc_vector_subcore>, window_params = [{transform_indices = #map}, {transform_indices = #map1}, {transform_indices = #map}]} {
    %mul3A = arith.constant 2 : i32
    %mul3A_0 = arith.muli %arg1, %mul3A : i32
    %add3A = arith.addi %mul3A_0, %arg0 : i32
    %mul3A_1 = arith.constant 20480 : i32
    %mul3A_2 = arith.muli %add3A, %mul3A_1 : i32
    %add3A_3 = arith.constant 0 : i32
    %add3A_4 = arith.addi %mul3A_2, %add3A_3 : i32
    %multiple_of3A = tpu.assume_multiple %add3A_4, 8 : i32
    %dma_start3A = arith.constant 0 : i32
    %dma_start3A_5 = tpu.memref_slice %arg4[%multiple_of3A, %dma_start3A] : memref<655360x128xf32, #tpu.memory_space<hbm>> -> memref<128x128xf32, #tpu.memory_space<hbm>>
    %dma_start3A_6 = arith.constant 0 : i32
    %dma_start3A_7 = tpu.memref_slice %arg4[%multiple_of3A, %dma_start3A_6] : memref<655360x128xf32, #tpu.memory_space<hbm>> -> memref<128x128xf32, #tpu.memory_space<hbm>>
    tpu.enqueue_dma source(%arg7 : memref<128x128xf32, #tpu.memory_space<vmem>>) target(%dma_start3A_7 : memref<128x128xf32, #tpu.memory_space<hbm>>) target_semaphore(%arg11 : memref<!tpu.dma_semaphore, #tpu.memory_space<semaphore_mem>>)
    %add3A_8 = arith.constant 128 : i32
    %add3A_9 = arith.addi %mul3A_2, %add3A_8 : i32
    %multiple_of3A_10 = tpu.assume_multiple %add3A_9, 8 : i32
    %dma_start3A_11 = arith.constant 0 : i32
    %dma_start3A_12 = tpu.memref_slice %arg4[%multiple_of3A_10, %dma_start3A_11] : memref<655360x128xf32, #tpu.memory_space<hbm>> -> memref<128x128xf32, #tpu.memory_space<hbm>>
    %dma_start3A_13 = arith.constant 0 : i32
    %dma_start3A_14 = tpu.memref_slice %arg4[%multiple_of3A_10, %dma_start3A_13] : memref<655360x128xf32, #tpu.memory_space<hbm>> -> memref<128x128xf32, #tpu.memory_space<hbm>>
    tpu.enqueue_dma source(%arg8 : memref<128x128xf32, #tpu.memory_space<vmem>>) target(%dma_start3A_14 : memref<128x128xf32, #tpu.memory_space<hbm>>) target_semaphore(%arg12 : memref<!tpu.dma_semaphore, #tpu.memory_space<semaphore_mem>>)
    %scan3A = arith.constant 0 : i32
    %scan3A_15 = arith.constant 0 : i32
    %scan3A_16 = arith.constant 80 : i32
    %scan3A_17 = arith.addi %scan3A_15, %scan3A_16 : i32
    %scan3A_18 = arith.constant 1 : i32
    scf.for %scan3A_29 = %scan3A_15 to %scan3A_17 step %scan3A_18  : i32 {
      %mul3A_30 = arith.constant 2 : i32
      %mul3A_31 = arith.muli %mul3A_30, %scan3A_29 : i32
      %add3A_32 = arith.constant 0 : i32
      %add3A_33 = arith.addi %mul3A_31, %add3A_32 : i32
      %mul3A_34 = arith.constant 128 : i32
      %mul3A_35 = arith.muli %add3A_33, %mul3A_34 : i32
      %add3A_36 = arith.addi %mul3A_2, %mul3A_35 : i32
      %multiple_of3A_37 = tpu.assume_multiple %add3A_36, 8 : i32
      %dma_wait3A_38 = arith.constant 0 : i32
      %dma_wait3A_39 = tpu.memref_slice %arg4[%multiple_of3A_37, %dma_wait3A_38] : memref<655360x128xf32, #tpu.memory_space<hbm>> -> memref<128x128xf32, #tpu.memory_space<hbm>>
      %dma_wait3A_40 = arith.constant 0 : i32
      %dma_wait3A_41 = tpu.memref_slice %arg4[%multiple_of3A_37, %dma_wait3A_40] : memref<655360x128xf32, #tpu.memory_space<hbm>> -> memref<128x128xf32, #tpu.memory_space<hbm>>
      tpu.wait_dma2 semaphore(%arg11 : memref<!tpu.dma_semaphore, #tpu.memory_space<semaphore_mem>>) src(%arg7 : memref<128x128xf32, #tpu.memory_space<vmem>>) dst(%dma_wait3A_41 : memref<128x128xf32, #tpu.memory_space<hbm>>)
      "tpu.region"() ({
        %run_scoped3A = tpu.sem_alloc : memref<!tpu.dma_semaphore, #tpu.memory_space<semaphore_mem>>
        %dma_start3A_74 = tpu.memref_slice %arg3[%multiple_of3A_37] : memref<655360xi32, #tpu.memory_space<hbm>> -> memref<128xi32, #tpu.memory_space<hbm>>
        %dma_start3A_75 = tpu.memref_slice %arg3[%multiple_of3A_37] : memref<655360xi32, #tpu.memory_space<hbm>> -> memref<128xi32, #tpu.memory_space<hbm>>
        tpu.enqueue_dma source(%dma_start3A_75 : memref<128xi32, #tpu.memory_space<hbm>>) target(%arg5 : memref<128xi32, #tpu.memory_space<vmem>>) target_semaphore(%run_scoped3A : memref<!tpu.dma_semaphore, #tpu.memory_space<semaphore_mem>>)
        %dma_wait3A_76 = tpu.memref_slice %arg3[%multiple_of3A_37] : memref<655360xi32, #tpu.memory_space<hbm>> -> memref<128xi32, #tpu.memory_space<hbm>>
        %dma_wait3A_77 = tpu.memref_slice %arg3[%multiple_of3A_37] : memref<655360xi32, #tpu.memory_space<hbm>> -> memref<128xi32, #tpu.memory_space<hbm>>
        tpu.wait_dma2 semaphore(%run_scoped3A : memref<!tpu.dma_semaphore, #tpu.memory_space<semaphore_mem>>) src(%dma_wait3A_77 : memref<128xi32, #tpu.memory_space<hbm>>) dst(%arg5 : memref<128xi32, #tpu.memory_space<vmem>>)
        tpu.yield
      }) : () -> ()
      %dma_start3A_42 = arith.constant 0 : i32
      %dma_start3A_43 = arith.constant 0 : i32
      %dma_start3A_44 = tpu.memref_slice %arg2[%dma_start3A_42, %dma_start3A_43] : memref<20000x128xf32, #tpu.memory_space<hbm>> -> memref<20000x128xf32, #tpu.memory_space<hbm>>
      tpu.enqueue_indirect_dma source(%dma_start3A_44 : memref<20000x128xf32, #tpu.memory_space<hbm>>) target(%arg7 : memref<128x128xf32, #tpu.memory_space<vmem>>) offsets(%arg5 : memref<128xi32, #tpu.memory_space<vmem>>) semaphore(%arg9 : memref<!tpu.dma_semaphore, #tpu.memory_space<semaphore_mem>>)
      %dma_wait3A_45 = arith.constant 0 : i32
      %dma_wait3A_46 = arith.constant 0 : i32
      %dma_wait3A_47 = tpu.memref_slice %arg2[%dma_wait3A_45, %dma_wait3A_46] : memref<20000x128xf32, #tpu.memory_space<hbm>> -> memref<20000x128xf32, #tpu.memory_space<hbm>>
      tpu.wait_indirect_dma semaphore(%arg9 : memref<!tpu.dma_semaphore, #tpu.memory_space<semaphore_mem>>) src(%dma_wait3A_47 : memref<20000x128xf32, #tpu.memory_space<hbm>>) dst(%arg7 : memref<128x128xf32, #tpu.memory_space<vmem>>)
      %dma_start3A_48 = arith.constant 0 : i32
      %dma_start3A_49 = tpu.memref_slice %arg4[%multiple_of3A_37, %dma_start3A_48] : memref<655360x128xf32, #tpu.memory_space<hbm>> -> memref<128x128xf32, #tpu.memory_space<hbm>>
      %dma_start3A_50 = arith.constant 0 : i32
      %dma_start3A_51 = tpu.memref_slice %arg4[%multiple_of3A_37, %dma_start3A_50] : memref<655360x128xf32, #tpu.memory_space<hbm>> -> memref<128x128xf32, #tpu.memory_space<hbm>>
      tpu.enqueue_dma source(%arg7 : memref<128x128xf32, #tpu.memory_space<vmem>>) target(%dma_start3A_51 : memref<128x128xf32, #tpu.memory_space<hbm>>) target_semaphore(%arg11 : memref<!tpu.dma_semaphore, #tpu.memory_space<semaphore_mem>>)
      %mul3A_52 = arith.constant 2 : i32
      %mul3A_53 = arith.muli %mul3A_52, %scan3A_29 : i32
      %add3A_54 = arith.constant 1 : i32
      %add3A_55 = arith.addi %mul3A_53, %add3A_54 : i32
      %mul3A_56 = arith.constant 128 : i32
      %mul3A_57 = arith.muli %add3A_55, %mul3A_56 : i32
      %add3A_58 = arith.addi %mul3A_2, %mul3A_57 : i32
      %multiple_of3A_59 = tpu.assume_multiple %add3A_58, 8 : i32
      %dma_wait3A_60 = arith.constant 0 : i32
      %dma_wait3A_61 = tpu.memref_slice %arg4[%multiple_of3A_59, %dma_wait3A_60] : memref<655360x128xf32, #tpu.memory_space<hbm>> -> memref<128x128xf32, #tpu.memory_space<hbm>>
      %dma_wait3A_62 = arith.constant 0 : i32
      %dma_wait3A_63 = tpu.memref_slice %arg4[%multiple_of3A_59, %dma_wait3A_62] : memref<655360x128xf32, #tpu.memory_space<hbm>> -> memref<128x128xf32, #tpu.memory_space<hbm>>
      tpu.wait_dma2 semaphore(%arg12 : memref<!tpu.dma_semaphore, #tpu.memory_space<semaphore_mem>>) src(%arg8 : memref<128x128xf32, #tpu.memory_space<vmem>>) dst(%dma_wait3A_63 : memref<128x128xf32, #tpu.memory_space<hbm>>)
      "tpu.region"() ({
        %run_scoped3A = tpu.sem_alloc : memref<!tpu.dma_semaphore, #tpu.memory_space<semaphore_mem>>
        %dma_start3A_74 = tpu.memref_slice %arg3[%multiple_of3A_59] : memref<655360xi32, #tpu.memory_space<hbm>> -> memref<128xi32, #tpu.memory_space<hbm>>
        %dma_start3A_75 = tpu.memref_slice %arg3[%multiple_of3A_59] : memref<655360xi32, #tpu.memory_space<hbm>> -> memref<128xi32, #tpu.memory_space<hbm>>
        tpu.enqueue_dma source(%dma_start3A_75 : memref<128xi32, #tpu.memory_space<hbm>>) target(%arg6 : memref<128xi32, #tpu.memory_space<vmem>>) target_semaphore(%run_scoped3A : memref<!tpu.dma_semaphore, #tpu.memory_space<semaphore_mem>>)
        %dma_wait3A_76 = tpu.memref_slice %arg3[%multiple_of3A_59] : memref<655360xi32, #tpu.memory_space<hbm>> -> memref<128xi32, #tpu.memory_space<hbm>>
        %dma_wait3A_77 = tpu.memref_slice %arg3[%multiple_of3A_59] : memref<655360xi32, #tpu.memory_space<hbm>> -> memref<128xi32, #tpu.memory_space<hbm>>
        tpu.wait_dma2 semaphore(%run_scoped3A : memref<!tpu.dma_semaphore, #tpu.memory_space<semaphore_mem>>) src(%dma_wait3A_77 : memref<128xi32, #tpu.memory_space<hbm>>) dst(%arg6 : memref<128xi32, #tpu.memory_space<vmem>>)
        tpu.yield
      }) : () -> ()
      %dma_start3A_64 = arith.constant 0 : i32
      %dma_start3A_65 = arith.constant 0 : i32
      %dma_start3A_66 = tpu.memref_slice %arg2[%dma_start3A_64, %dma_start3A_65] : memref<20000x128xf32, #tpu.memory_space<hbm>> -> memref<20000x128xf32, #tpu.memory_space<hbm>>
      tpu.enqueue_indirect_dma source(%dma_start3A_66 : memref<20000x128xf32, #tpu.memory_space<hbm>>) target(%arg8 : memref<128x128xf32, #tpu.memory_space<vmem>>) offsets(%arg6 : memref<128xi32, #tpu.memory_space<vmem>>) semaphore(%arg10 : memref<!tpu.dma_semaphore, #tpu.memory_space<semaphore_mem>>)
      %dma_wait3A_67 = arith.constant 0 : i32
      %dma_wait3A_68 = arith.constant 0 : i32
      %dma_wait3A_69 = tpu.memref_slice %arg2[%dma_wait3A_67, %dma_wait3A_68] : memref<20000x128xf32, #tpu.memory_space<hbm>> -> memref<20000x128xf32, #tpu.memory_space<hbm>>
      tpu.wait_indirect_dma semaphore(%arg10 : memref<!tpu.dma_semaphore, #tpu.memory_space<semaphore_mem>>) src(%dma_wait3A_69 : memref<20000x128xf32, #tpu.memory_space<hbm>>) dst(%arg8 : memref<128x128xf32, #tpu.memory_space<vmem>>)
      %dma_start3A_70 = arith.constant 0 : i32
      %dma_start3A_71 = tpu.memref_slice %arg4[%multiple_of3A_59, %dma_start3A_70] : memref<655360x128xf32, #tpu.memory_space<hbm>> -> memref<128x128xf32, #tpu.memory_space<hbm>>
      %dma_start3A_72 = arith.constant 0 : i32
      %dma_start3A_73 = tpu.memref_slice %arg4[%multiple_of3A_59, %dma_start3A_72] : memref<655360x128xf32, #tpu.memory_space<hbm>> -> memref<128x128xf32, #tpu.memory_space<hbm>>
      tpu.enqueue_dma source(%arg8 : memref<128x128xf32, #tpu.memory_space<vmem>>) target(%dma_start3A_73 : memref<128x128xf32, #tpu.memory_space<hbm>>) target_semaphore(%arg12 : memref<!tpu.dma_semaphore, #tpu.memory_space<semaphore_mem>>)
    }
    %scan3A_19 = arith.constant 80 : i32
    %multiple_of3A_20 = tpu.assume_multiple %mul3A_2, 8 : i32
    %dma_wait3A = arith.constant 0 : i32
    %dma_wait3A_21 = tpu.memref_slice %arg4[%multiple_of3A_20, %dma_wait3A] : memref<655360x128xf32, #tpu.memory_space<hbm>> -> memref<128x128xf32, #tpu.memory_space<hbm>>
    %dma_wait3A_22 = arith.constant 0 : i32
    %dma_wait3A_23 = tpu.memref_slice %arg4[%multiple_of3A_20, %dma_wait3A_22] : memref<655360x128xf32, #tpu.memory_space<hbm>> -> memref<128x128xf32, #tpu.memory_space<hbm>>
    tpu.wait_dma2 semaphore(%arg11 : memref<!tpu.dma_semaphore, #tpu.memory_space<semaphore_mem>>) src(%arg7 : memref<128x128xf32, #tpu.memory_space<vmem>>) dst(%dma_wait3A_23 : memref<128x128xf32, #tpu.memory_space<hbm>>)
    %multiple_of3A_24 = tpu.assume_multiple %mul3A_2, 8 : i32
    %dma_wait3A_25 = arith.constant 0 : i32
    %dma_wait3A_26 = tpu.memref_slice %arg4[%multiple_of3A_24, %dma_wait3A_25] : memref<655360x128xf32, #tpu.memory_space<hbm>> -> memref<128x128xf32, #tpu.memory_space<hbm>>
    %dma_wait3A_27 = arith.constant 0 : i32
    %dma_wait3A_28 = tpu.memref_slice %arg4[%multiple_of3A_24, %dma_wait3A_27] : memref<655360x128xf32, #tpu.memory_space<hbm>> -> memref<128x128xf32, #tpu.memory_space<hbm>>
    tpu.wait_dma2 semaphore(%arg12 : memref<!tpu.dma_semaphore, #tpu.memory_space<semaphore_mem>>) src(%arg8 : memref<128x128xf32, #tpu.memory_space<vmem>>) dst(%dma_wait3A_28 : memref<128x128xf32, #tpu.memory_space<hbm>>)
    return
  }
}

#map = affine_map<(d0, d1) -> (0, 0)>
#map1 = affine_map<(d0, d1) -> (0)>
module attributes {stable_mosaic.version = 14 : i64} {
  func.func @k(%arg0: i32, %arg1: i32, %arg2: memref<10240x128xf32, #tpu.memory_space<hbm>>, %arg3: memref<40960xi32, #tpu.memory_space<hbm>>, %arg4: memref<40960x128xf32, #tpu.memory_space<hbm>>, %arg5: memref<128xi32, #tpu.memory_space<vmem>>, %arg6: memref<128x128xf32, #tpu.memory_space<vmem>>, %arg7: memref<!tpu.dma_semaphore, #tpu.memory_space<semaphore_mem>>) attributes {dimension_semantics = [#tpu.dimension_semantics<core_parallel>, #tpu.dimension_semantics<subcore_parallel>], iteration_bounds = array<i64: 2, 16>, scalar_prefetch = 0 : i64, scratch_operands = 3 : i64, tpu.core_type = #tpu.core_type<sc_vector_subcore>, window_params = [{transform_indices = #map}, {transform_indices = #map1}, {transform_indices = #map}]} {
    %mul3A = arith.constant 2 : i32
    %mul3A_0 = arith.muli %arg1, %mul3A : i32
    %add3A = arith.addi %mul3A_0, %arg0 : i32
    %mul3A_1 = arith.constant 1280 : i32
    %mul3A_2 = arith.muli %add3A, %mul3A_1 : i32
    %scan3A = arith.constant 0 : i32
    %scan3A_3 = arith.constant 0 : i32
    %scan3A_4 = arith.constant 10 : i32
    %scan3A_5 = arith.addi %scan3A_3, %scan3A_4 : i32
    %scan3A_6 = arith.constant 1 : i32
    scf.for %scan3A_8 = %scan3A_3 to %scan3A_5 step %scan3A_6  : i32 {
      %mul3A_9 = arith.constant 128 : i32
      %mul3A_10 = arith.muli %scan3A_8, %mul3A_9 : i32
      %add3A_11 = arith.addi %mul3A_2, %mul3A_10 : i32
      %multiple_of3A = tpu.assume_multiple %add3A_11, 8 : i32
      "tpu.region"() ({
        %run_scoped3A = tpu.sem_alloc : memref<!tpu.dma_semaphore, #tpu.memory_space<semaphore_mem>>
        %dma_start3A_16 = tpu.memref_slice %arg3[%multiple_of3A] : memref<40960xi32, #tpu.memory_space<hbm>> -> memref<128xi32, #tpu.memory_space<hbm>>
        %dma_start3A_17 = tpu.memref_slice %arg3[%multiple_of3A] : memref<40960xi32, #tpu.memory_space<hbm>> -> memref<128xi32, #tpu.memory_space<hbm>>
        tpu.enqueue_dma source(%dma_start3A_17 : memref<128xi32, #tpu.memory_space<hbm>>) target(%arg5 : memref<128xi32, #tpu.memory_space<vmem>>) target_semaphore(%run_scoped3A : memref<!tpu.dma_semaphore, #tpu.memory_space<semaphore_mem>>)
        %dma_wait3A_18 = tpu.memref_slice %arg3[%multiple_of3A] : memref<40960xi32, #tpu.memory_space<hbm>> -> memref<128xi32, #tpu.memory_space<hbm>>
        %dma_wait3A_19 = tpu.memref_slice %arg3[%multiple_of3A] : memref<40960xi32, #tpu.memory_space<hbm>> -> memref<128xi32, #tpu.memory_space<hbm>>
        tpu.wait_dma2 semaphore(%run_scoped3A : memref<!tpu.dma_semaphore, #tpu.memory_space<semaphore_mem>>) src(%dma_wait3A_19 : memref<128xi32, #tpu.memory_space<hbm>>) dst(%arg5 : memref<128xi32, #tpu.memory_space<vmem>>)
        tpu.yield
      }) : () -> ()
      %dma_start3A = arith.constant 0 : i32
      %dma_start3A_12 = arith.constant 0 : i32
      %dma_start3A_13 = tpu.memref_slice %arg2[%dma_start3A, %dma_start3A_12] : memref<10240x128xf32, #tpu.memory_space<hbm>> -> memref<10240x128xf32, #tpu.memory_space<hbm>>
      tpu.enqueue_indirect_dma source(%dma_start3A_13 : memref<10240x128xf32, #tpu.memory_space<hbm>>) target(%arg6 : memref<128x128xf32, #tpu.memory_space<vmem>>) offsets(%arg5 : memref<128xi32, #tpu.memory_space<vmem>>) semaphore(%arg7 : memref<!tpu.dma_semaphore, #tpu.memory_space<semaphore_mem>>)
      %dma_wait3A = arith.constant 0 : i32
      %dma_wait3A_14 = arith.constant 0 : i32
      %dma_wait3A_15 = tpu.memref_slice %arg2[%dma_wait3A, %dma_wait3A_14] : memref<10240x128xf32, #tpu.memory_space<hbm>> -> memref<10240x128xf32, #tpu.memory_space<hbm>>
      tpu.wait_indirect_dma semaphore(%arg7 : memref<!tpu.dma_semaphore, #tpu.memory_space<semaphore_mem>>) src(%dma_wait3A_15 : memref<10240x128xf32, #tpu.memory_space<hbm>>) dst(%arg6 : memref<128x128xf32, #tpu.memory_space<vmem>>)
      "tpu.region"() ({
        %run_scoped3A = tpu.sem_alloc : memref<!tpu.dma_semaphore, #tpu.memory_space<semaphore_mem>>
        %dma_start3A_16 = arith.constant 0 : i32
        %dma_start3A_17 = tpu.memref_slice %arg4[%multiple_of3A, %dma_start3A_16] : memref<40960x128xf32, #tpu.memory_space<hbm>> -> memref<128x128xf32, #tpu.memory_space<hbm>>
        %dma_start3A_18 = arith.constant 0 : i32
        %dma_start3A_19 = tpu.memref_slice %arg4[%multiple_of3A, %dma_start3A_18] : memref<40960x128xf32, #tpu.memory_space<hbm>> -> memref<128x128xf32, #tpu.memory_space<hbm>>
        tpu.enqueue_dma source(%arg6 : memref<128x128xf32, #tpu.memory_space<vmem>>) target(%dma_start3A_19 : memref<128x128xf32, #tpu.memory_space<hbm>>) target_semaphore(%run_scoped3A : memref<!tpu.dma_semaphore, #tpu.memory_space<semaphore_mem>>)
        %dma_wait3A_20 = arith.constant 0 : i32
        %dma_wait3A_21 = tpu.memref_slice %arg4[%multiple_of3A, %dma_wait3A_20] : memref<40960x128xf32, #tpu.memory_space<hbm>> -> memref<128x128xf32, #tpu.memory_space<hbm>>
        %dma_wait3A_22 = arith.constant 0 : i32
        %dma_wait3A_23 = tpu.memref_slice %arg4[%multiple_of3A, %dma_wait3A_22] : memref<40960x128xf32, #tpu.memory_space<hbm>> -> memref<128x128xf32, #tpu.memory_space<hbm>>
        tpu.wait_dma2 semaphore(%run_scoped3A : memref<!tpu.dma_semaphore, #tpu.memory_space<semaphore_mem>>) src(%arg6 : memref<128x128xf32, #tpu.memory_space<vmem>>) dst(%dma_wait3A_23 : memref<128x128xf32, #tpu.memory_space<hbm>>)
        tpu.yield
      }) : () -> ()
    }
    %scan3A_7 = arith.constant 10 : i32
    return
  }
}

module attributes {stable_mosaic.version = 14 : i64} {
  func.func @_tc1_body(%arg0: i32, %arg1: i32, %arg2: memref<1000x128xf32, #tpu.memory_space<vmem>>, %arg3: memref<1x128x128xf32, #tpu.memory_space<vmem>>, %arg4: memref<1000x128xf32, #tpu.memory_space<vmem>>) attributes {dimension_semantics = [#tpu.dimension_semantics<arbitrary>, #tpu.dimension_semantics<arbitrary>], iteration_bounds = array<i64: 2, 10>, scalar_prefetch = 0 : i64, scratch_operands = 0 : i64, tpu.core_type = #tpu.core_type<tc>, window_params = [{transform_indices = @transform_0, window_bounds = array<i64: 1000, 128>}, {transform_indices = @transform_1, window_bounds = array<i64: 1, 128, 128>}, {transform_indices = @transform_2, window_bounds = array<i64: 1000, 128>}]} {
    %get3A = arith.constant 0 : index
    %get3A_0 = arith.constant 0 : index
    %get3A_1 = vector.load %arg2[%get3A, %get3A_0] : memref<1000x128xf32, #tpu.memory_space<vmem>>, vector<1000x128xf32>
    %abs3A = math.absf %get3A_1 : vector<1000x128xf32>
    %reduce_sum3A = arith.constant dense<0.000000e+00> : vector<1000xf32>
    %reduce_sum3A_2 = vector.multi_reduction <add>, %abs3A, %reduce_sum3A [1] : vector<1000x128xf32> to vector<1000xf32>
    %broadcast_in_dim3A = vector.shape_cast %reduce_sum3A_2 : vector<1000xf32> to vector<1000x1xf32>
    %gt3A = arith.constant 0.000000e+00 : f32
    %gt3A_3 = vector.broadcast %gt3A : f32 to vector<1000x1xf32>
    %gt3A_4 = arith.cmpf ogt, %broadcast_in_dim3A, %gt3A_3 : vector<1000x1xf32>
    %div3A = arith.constant 1.000000e+00 : f32
    %div3A_5 = vector.broadcast %div3A : f32 to vector<1000x1xf32>
    %div3A_6 = arith.divf %div3A_5, %broadcast_in_dim3A : vector<1000x1xf32>
    %jit3A = arith.constant 0.000000e+00 : f32
    %broadcast_in_dim3A_7 = vector.broadcast %jit3A : f32 to vector<1000x1xf32>
    %select_n3A = arith.select %gt3A_4, %div3A_6, %broadcast_in_dim3A_7 : vector<1000x1xi1>, vector<1000x1xf32>
    %mul3A = vector.broadcast %select_n3A : vector<1000x1xf32> to vector<1000x128xf32>
    %mul3A_8 = arith.mulf %get3A_1, %mul3A : vector<1000x128xf32>
    %get3A_9 = arith.constant 0 : index
    %get3A_10 = arith.constant 0 : index
    %get3A_11 = arith.constant 0 : index
    %get3A_12 = vector.load %arg3[%get3A_9, %get3A_10, %get3A_11] : memref<1x128x128xf32, #tpu.memory_space<vmem>>, vector<1x128x128xf32>
    %get3A_13 = vector.shape_cast %get3A_12 : vector<1x128x128xf32> to vector<128x128xf32>
    %dot_general3A = arith.constant dense<0.000000e+00> : vector<1000x128xf32>
    %dot_general3A_14 = tpu.matmul %mul3A_8, %get3A_13, %dot_general3A {dimension_numbers = #tpu.dot_dimension_numbers<[1], [0], [0], [1], [0, 0, 1, 1], [], []>, precision = #tpu.contract_precision<fp32>, transpose_lhs_hint = false} : vector<1000x128xf32>, vector<128x128xf32>, vector<1000x128xf32> -> vector<1000x128xf32>
    %swap3A = arith.constant 0 : index
    %swap3A_15 = arith.constant 0 : index
    %swap3A_16 = vector.load %arg4[%swap3A, %swap3A_15] : memref<1000x128xf32, #tpu.memory_space<vmem>>, vector<1000x128xf32>
    tpu.vector_store %arg4[%swap3A, %swap3A_15], %dot_general3A_14 {strides = array<i32>} : memref<1000x128xf32, #tpu.memory_space<vmem>>, vector<1000x128xf32>,
    return
  }
  func.func @transform_0(%arg0: i32, %arg1: i32) -> (i32, i32) {
    %c0_i32 = arith.constant 0 : i32
    %c0_i32_0 = arith.constant 0 : i32
    return %arg1, %c0_i32 : i32, i32
  }
  func.func @transform_1(%arg0: i32, %arg1: i32) -> (i32, i32, i32) {
    %c0_i32 = arith.constant 0 : i32
    %c0_i32_0 = arith.constant 0 : i32
    %c0_i32_1 = arith.constant 0 : i32
    return %arg0, %c0_i32, %c0_i32_0 : i32, i32, i32
  }
  func.func @transform_2(%arg0: i32, %arg1: i32) -> (i32, i32) {
    %mul3A = arith.constant 10 : i32
    %mul3A_0 = arith.muli %arg0, %mul3A : i32
    %add3A = arith.addi %mul3A_0, %arg1 : i32
    %c0_i32 = arith.constant 0 : i32
    %c0_i32_1 = arith.constant 0 : i32
    return %add3A, %c0_i32 : i32, i32
  }
}

module attributes {stable_mosaic.version = 14 : i64} {
  func.func @_tc2_body(%arg0: i32, %arg1: memref<1024x128xf32, #tpu.memory_space<vmem>>, %arg2: memref<1024x128xf32, #tpu.memory_space<vmem>>, %arg3: memref<1024x16xf32, #tpu.memory_space<vmem>>, %arg4: memref<1024x16xf32, #tpu.memory_space<vmem>>, %arg5: memref<256x64xf32, #tpu.memory_space<vmem>>, %arg6: memref<64xf32, #tpu.memory_space<vmem>>, %arg7: memref<256x64xf32, #tpu.memory_space<vmem>>, %arg8: memref<64xf32, #tpu.memory_space<vmem>>, %arg9: memref<1024x128xf32, #tpu.memory_space<vmem>>) attributes {dimension_semantics = [#tpu.dimension_semantics<arbitrary>], iteration_bounds = array<i64: 10>, scalar_prefetch = 0 : i64, scratch_operands = 0 : i64, tpu.core_type = #tpu.core_type<tc>, window_params = [{transform_indices = @transform_0, window_bounds = array<i64: 1024, 128>}, {transform_indices = @transform_1, window_bounds = array<i64: 1024, 128>}, {transform_indices = @transform_2, window_bounds = array<i64: 1024, 16>}, {transform_indices = @transform_3, window_bounds = array<i64: 1024, 16>}, {pipeline_mode = #tpu.pipeline_mode<synchronous>, transform_indices = @transform_4, window_bounds = array<i64: 256, 64>}, {pipeline_mode = #tpu.pipeline_mode<synchronous>, transform_indices = @transform_5, window_bounds = array<i64: 64>}, {pipeline_mode = #tpu.pipeline_mode<synchronous>, transform_indices = @transform_6, window_bounds = array<i64: 256, 64>}, {pipeline_mode = #tpu.pipeline_mode<synchronous>, transform_indices = @transform_7, window_bounds = array<i64: 64>}, {transform_indices = @transform_8, window_bounds = array<i64: 1024, 128>}]} {
    %get3A = arith.constant 0 : index
    %get3A_0 = arith.constant 0 : index
    %get3A_1 = vector.load %arg3[%get3A, %get3A_0] : memref<1024x16xf32, #tpu.memory_space<vmem>>, vector<1024x16xf32>
    %slice3A = vector.extract_strided_slice %get3A_1 {offsets = [0, 0], sizes = [1024, 1], strides = [1, 1]} : vector<1024x16xf32> to vector<1024x1xf32>
    %add3A = arith.constant 1.000000e+00 : f32
    %add3A_2 = vector.broadcast %add3A : f32 to vector<1024x1xf32>
    %add3A_3 = arith.addf %slice3A, %add3A_2 : vector<1024x1xf32>
    %get3A_4 = arith.constant 0 : index
    %get3A_5 = arith.constant 0 : index
    %get3A_6 = vector.load %arg4[%get3A_4, %get3A_5] : memref<1024x16xf32, #tpu.memory_space<vmem>>, vector<1024x16xf32>
    %slice3A_7 = vector.extract_strided_slice %get3A_6 {offsets = [0, 0], sizes = [1024, 1], strides = [1, 1]} : vector<1024x16xf32> to vector<1024x1xf32>
    %add3A_8 = arith.constant 1.000000e+00 : f32
    %add3A_9 = vector.broadcast %add3A_8 : f32 to vector<1024x1xf32>
    %add3A_10 = arith.addf %slice3A_7, %add3A_9 : vector<1024x1xf32>
    %get3A_11 = arith.constant 0 : index
    %get3A_12 = arith.constant 0 : index
    %get3A_13 = vector.load %arg1[%get3A_11, %get3A_12] : memref<1024x128xf32, #tpu.memory_space<vmem>>, vector<1024x128xf32>
    %div3A = vector.broadcast %add3A_3 : vector<1024x1xf32> to vector<1024x128xf32>
    %div3A_14 = arith.divf %get3A_13, %div3A : vector<1024x128xf32>
    %max3A = arith.constant 0.000000e+00 : f32
    %max3A_15 = vector.broadcast %max3A : f32 to vector<1024x128xf32>
    %max3A_16 = arith.maximumf %div3A_14, %max3A_15 : vector<1024x128xf32>
    %get3A_17 = arith.constant 0 : index
    %get3A_18 = arith.constant 0 : index
    %get3A_19 = vector.load %arg2[%get3A_17, %get3A_18] : memref<1024x128xf32, #tpu.memory_space<vmem>>, vector<1024x128xf32>
    %div3A_20 = vector.broadcast %add3A_10 : vector<1024x1xf32> to vector<1024x128xf32>
    %div3A_21 = arith.divf %get3A_19, %div3A_20 : vector<1024x128xf32>
    %max3A_22 = arith.constant 0.000000e+00 : f32
    %max3A_23 = vector.broadcast %max3A_22 : f32 to vector<1024x128xf32>
    %max3A_24 = arith.maximumf %div3A_21, %max3A_23 : vector<1024x128xf32>
    %get3A_25 = arith.constant 0 : index
    %get3A_26 = arith.constant 0 : index
    %get3A_27 = vector.load %arg5[%get3A_25, %get3A_26] : memref<256x64xf32, #tpu.memory_space<vmem>>, vector<256x64xf32>
    %get3A_28 = arith.constant 0 : index
    %get3A_29 = arith.constant 0 : index
    %get3A_30 = vector.load %arg7[%get3A_28, %get3A_29] : memref<256x64xf32, #tpu.memory_space<vmem>>, vector<256x64xf32>
    %slice3A_31 = vector.extract_strided_slice %get3A_27 {offsets = [0, 0], sizes = [128, 64], strides = [1, 1]} : vector<256x64xf32> to vector<128x64xf32>
    %dot_general3A = arith.constant dense<0.000000e+00> : vector<1024x64xf32>
    %dot_general3A_32 = tpu.matmul %max3A_16, %slice3A_31, %dot_general3A {dimension_numbers = #tpu.dot_dimension_numbers<[1], [0], [0], [1], [0, 0, 1, 1], [], []>, precision = #tpu.contract_precision<fp32>, transpose_lhs_hint = false} : vector<1024x128xf32>, vector<128x64xf32>, vector<1024x64xf32> -> vector<1024x64xf32>
    %slice3A_33 = vector.extract_strided_slice %get3A_27 {offsets = [128, 0], sizes = [128, 64], strides = [1, 1]} : vector<256x64xf32> to vector<128x64xf32>
    %dot_general3A_34 = arith.constant dense<0.000000e+00> : vector<1024x64xf32>
    %dot_general3A_35 = tpu.matmul %max3A_24, %slice3A_33, %dot_general3A_34 {dimension_numbers = #tpu.dot_dimension_numbers<[1], [0], [0], [1], [0, 0, 1, 1], [], []>, precision = #tpu.contract_precision<fp32>, transpose_lhs_hint = false} : vector<1024x128xf32>, vector<128x64xf32>, vector<1024x64xf32> -> vector<1024x64xf32>
    %add3A_36 = arith.addf %dot_general3A_32, %dot_general3A_35 : vector<1024x64xf32>
    %get3A_37 = arith.constant 0 : index
    %get3A_38 = vector.load %arg6[%get3A_37] : memref<64xf32, #tpu.memory_space<vmem>>, vector<64xf32>
    %broadcast_in_dim3A = vector.shape_cast %get3A_38 : vector<64xf32> to vector<1x64xf32>
    %add3A_39 = vector.broadcast %broadcast_in_dim3A : vector<1x64xf32> to vector<1024x64xf32>
    %add3A_40 = arith.addf %add3A_36, %add3A_39 : vector<1024x64xf32>
    %slice3A_41 = vector.extract_strided_slice %get3A_30 {offsets = [0, 0], sizes = [128, 64], strides = [1, 1]} : vector<256x64xf32> to vector<128x64xf32>
    %dot_general3A_42 = arith.constant dense<0.000000e+00> : vector<1024x64xf32>
    %dot_general3A_43 = tpu.matmul %max3A_16, %slice3A_41, %dot_general3A_42 {dimension_numbers = #tpu.dot_dimension_numbers<[1], [0], [0], [1], [0, 0, 1, 1], [], []>, precision = #tpu.contract_precision<fp32>, transpose_lhs_hint = false} : vector<1024x128xf32>, vector<128x64xf32>, vector<1024x64xf32> -> vector<1024x64xf32>
    %slice3A_44 = vector.extract_strided_slice %get3A_30 {offsets = [128, 0], sizes = [128, 64], strides = [1, 1]} : vector<256x64xf32> to vector<128x64xf32>
    %dot_general3A_45 = arith.constant dense<0.000000e+00> : vector<1024x64xf32>
    %dot_general3A_46 = tpu.matmul %max3A_24, %slice3A_44, %dot_general3A_45 {dimension_numbers = #tpu.dot_dimension_numbers<[1], [0], [0], [1], [0, 0, 1, 1], [], []>, precision = #tpu.contract_precision<fp32>, transpose_lhs_hint = false} : vector<1024x128xf32>, vector<128x64xf32>, vector<1024x64xf32> -> vector<1024x64xf32>
    %add3A_47 = arith.addf %dot_general3A_43, %dot_general3A_46 : vector<1024x64xf32>
    %get3A_48 = arith.constant 0 : index
    %get3A_49 = vector.load %arg8[%get3A_48] : memref<64xf32, #tpu.memory_space<vmem>>, vector<64xf32>
    %broadcast_in_dim3A_50 = vector.shape_cast %get3A_49 : vector<64xf32> to vector<1x64xf32>
    %add3A_51 = vector.broadcast %broadcast_in_dim3A_50 : vector<1x64xf32> to vector<1024x64xf32>
    %add3A_52 = arith.addf %add3A_47, %add3A_51 : vector<1024x64xf32>
    %gt3A = arith.constant 0.000000e+00 : f32
    %gt3A_53 = vector.broadcast %gt3A : f32 to vector<1024x64xf32>
    %gt3A_54 = arith.cmpf ogt, %add3A_52, %gt3A_53 : vector<1024x64xf32>
    %min3A = arith.constant 0.000000e+00 : f32
    %min3A_55 = vector.broadcast %min3A : f32 to vector<1024x64xf32>
    %min3A_56 = arith.minimumf %add3A_52, %min3A_55 : vector<1024x64xf32>
    %exp3A = math.exp %min3A_56 : vector<1024x64xf32>
    %sub3A = arith.constant 1.000000e+00 : f32
    %sub3A_57 = vector.broadcast %sub3A : f32 to vector<1024x64xf32>
    %sub3A_58 = arith.subf %exp3A, %sub3A_57 : vector<1024x64xf32>
    %select_n3A = arith.select %gt3A_54, %add3A_52, %sub3A_58 : vector<1024x64xi1>, vector<1024x64xf32>
    %add3A_59 = arith.constant 1.000000e+00 : f32
    %add3A_60 = vector.broadcast %add3A_59 : f32 to vector<1024x64xf32>
    %add3A_61 = arith.addf %select_n3A, %add3A_60 : vector<1024x64xf32>
    %concatenate3A = tpu.concatenate %add3A_40, %add3A_61 in 1 : vector<1024x64xf32>, vector<1024x64xf32> -> vector<1024x128xf32>
    %swap3A = arith.constant 0 : index
    %swap3A_62 = arith.constant 0 : index
    %swap3A_63 = vector.load %arg9[%swap3A, %swap3A_62] : memref<1024x128xf32, #tpu.memory_space<vmem>>, vector<1024x128xf32>
    tpu.vector_store %arg9[%swap3A, %swap3A_62], %concatenate3A {strides = array<i32>} : memref<1024x128xf32, #tpu.memory_space<vmem>>, vector<1024x128xf32>,
    return
  }
  func.func @transform_0(%arg0: i32) -> (i32, i32) {
    %c0_i32 = arith.constant 0 : i32
    %c0_i32_0 = arith.constant 0 : i32
    return %arg0, %c0_i32 : i32, i32
  }
  func.func @transform_1(%arg0: i32) -> (i32, i32) {
    %add3A = arith.constant 10 : i32
    %add3A_0 = arith.addi %add3A, %arg0 : i32
    %c0_i32 = arith.constant 0 : i32
    %c0_i32_1 = arith.constant 0 : i32
    return %add3A_0, %c0_i32 : i32, i32
  }
  func.func @transform_2(%arg0: i32) -> (i32, i32) {
    %c0_i32 = arith.constant 0 : i32
    %c0_i32_0 = arith.constant 0 : i32
    return %arg0, %c0_i32 : i32, i32
  }
  func.func @transform_3(%arg0: i32) -> (i32, i32) {
    %add3A = arith.constant 10 : i32
    %add3A_0 = arith.addi %add3A, %arg0 : i32
    %c0_i32 = arith.constant 0 : i32
    %c0_i32_1 = arith.constant 0 : i32
    return %add3A_0, %c0_i32 : i32, i32
  }
  func.func @transform_4(%arg0: i32) -> (i32, i32) {
    %c0_i32 = arith.constant 0 : i32
    %c0_i32_0 = arith.constant 0 : i32
    %c0_i32_1 = arith.constant 0 : i32
    return %c0_i32, %c0_i32_0 : i32, i32
  }
  func.func @transform_5(%arg0: i32) -> i32 {
    %c0_i32 = arith.constant 0 : i32
    %c0_i32_0 = arith.constant 0 : i32
    return %c0_i32 : i32
  }
  func.func @transform_6(%arg0: i32) -> (i32, i32) {
    %c0_i32 = arith.constant 0 : i32
    %c0_i32_0 = arith.constant 0 : i32
    %c0_i32_1 = arith.constant 0 : i32
    return %c0_i32, %c0_i32_0 : i32, i32
  }
  func.func @transform_7(%arg0: i32) -> i32 {
    %c0_i32 = arith.constant 0 : i32
    %c0_i32_0 = arith.constant 0 : i32
    return %c0_i32 : i32
  }
  func.func @transform_8(%arg0: i32) -> (i32, i32) {
    %c0_i32 = arith.constant 0 : i32
    %c0_i32_0 = arith.constant 0 : i32
    return %arg0, %c0_i32 : i32, i32
  }
}

module attributes {stable_mosaic.version = 14 : i64} {
  func.func @_tc3_body(%arg0: i32, %arg1: memref<400x128xf32, #tpu.memory_space<vmem>>, %arg2: memref<400x128xf32, #tpu.memory_space<vmem>>, %arg3: memref<400x128xf32, #tpu.memory_space<vmem>>, %arg4: memref<400x128xf32, #tpu.memory_space<vmem>>, %arg5: memref<1x1xf32, #tpu.memory_space<vmem>>) attributes {dimension_semantics = [#tpu.dimension_semantics<arbitrary>], iteration_bounds = array<i64: 25>, scalar_prefetch = 0 : i64, scratch_operands = 0 : i64, tpu.core_type = #tpu.core_type<tc>, window_params = [{transform_indices = @transform_0, window_bounds = array<i64: 400, 128>}, {transform_indices = @transform_1, window_bounds = array<i64: 400, 128>}, {transform_indices = @transform_2, window_bounds = array<i64: 400, 128>}, {transform_indices = @transform_3, window_bounds = array<i64: 400, 128>}, {pipeline_mode = #tpu.pipeline_mode<synchronous>, transform_indices = @transform_4, window_bounds = array<i64: 1, 1>}]} {
    %get3A = arith.constant 0 : index
    %get3A_0 = arith.constant 0 : index
    %get3A_1 = vector.load %arg1[%get3A, %get3A_0] : memref<400x128xf32, #tpu.memory_space<vmem>>, vector<400x128xf32>
    %get3A_2 = arith.constant 0 : index
    %get3A_3 = arith.constant 0 : index
    %get3A_4 = vector.load %arg2[%get3A_2, %get3A_3] : memref<400x128xf32, #tpu.memory_space<vmem>>, vector<400x128xf32>
    %slice3A = vector.extract_strided_slice %get3A_1 {offsets = [0, 0], sizes = [400, 64], strides = [1, 1]} : vector<400x128xf32> to vector<400x64xf32>
    %slice3A_5 = vector.extract_strided_slice %get3A_1 {offsets = [0, 64], sizes = [400, 64], strides = [1, 1]} : vector<400x128xf32> to vector<400x64xf32>
    %slice3A_6 = vector.extract_strided_slice %get3A_4 {offsets = [0, 0], sizes = [400, 64], strides = [1, 1]} : vector<400x128xf32> to vector<400x64xf32>
    %slice3A_7 = vector.extract_strided_slice %get3A_4 {offsets = [0, 64], sizes = [400, 64], strides = [1, 1]} : vector<400x128xf32> to vector<400x64xf32>
    %div3A = arith.divf %slice3A_7, %slice3A_5 : vector<400x64xf32>
    %reduce_sum3A = arith.constant dense<0.000000e+00> : vector<400xf32>
    %reduce_sum3A_8 = vector.multi_reduction <add>, %div3A, %reduce_sum3A [1] : vector<400x64xf32> to vector<400xf32>
    %add3A = arith.constant 9.99999982E-15 : f32
    %add3A_9 = vector.broadcast %add3A : f32 to vector<400x64xf32>
    %add3A_10 = arith.addf %div3A, %add3A_9 : vector<400x64xf32>
    %log3A = math.log %add3A_10 : vector<400x64xf32>
    %reduce_sum3A_11 = arith.constant dense<0.000000e+00> : vector<400xf32>
    %reduce_sum3A_12 = vector.multi_reduction <add>, %log3A, %reduce_sum3A_11 [1] : vector<400x64xf32> to vector<400xf32>
    %sub3A = arith.subf %slice3A, %slice3A_6 : vector<400x64xf32>
    %integer_pow3A = arith.mulf %sub3A, %sub3A : vector<400x64xf32>
    %div3A_13 = arith.divf %integer_pow3A, %slice3A_5 : vector<400x64xf32>
    %reduce_sum3A_14 = arith.constant dense<0.000000e+00> : vector<400xf32>
    %reduce_sum3A_15 = vector.multi_reduction <add>, %div3A_13, %reduce_sum3A_14 [1] : vector<400x64xf32> to vector<400xf32>
    %add3A_16 = arith.addf %reduce_sum3A_8, %reduce_sum3A_15 : vector<400xf32>
    %sub3A_17 = arith.constant 6.400000e+01 : f32
    %sub3A_18 = vector.broadcast %sub3A_17 : f32 to vector<400xf32>
    %sub3A_19 = arith.subf %add3A_16, %sub3A_18 : vector<400xf32>
    %sub3A_20 = arith.subf %sub3A_19, %reduce_sum3A_12 : vector<400xf32>
    %mul3A = arith.constant 5.000000e-01 : f32
    %mul3A_21 = vector.broadcast %mul3A : f32 to vector<400xf32>
    %mul3A_22 = arith.mulf %mul3A_21, %sub3A_20 : vector<400xf32>
    %get3A_23 = arith.constant 0 : index
    %get3A_24 = arith.constant 0 : index
    %get3A_25 = vector.load %arg3[%get3A_23, %get3A_24] : memref<400x128xf32, #tpu.memory_space<vmem>>, vector<400x128xf32>
    %get3A_26 = arith.constant 0 : index
    %get3A_27 = arith.constant 0 : index
    %get3A_28 = vector.load %arg4[%get3A_26, %get3A_27] : memref<400x128xf32, #tpu.memory_space<vmem>>, vector<400x128xf32>
    %slice3A_29 = vector.extract_strided_slice %get3A_25 {offsets = [0, 0], sizes = [400, 64], strides = [1, 1]} : vector<400x128xf32> to vector<400x64xf32>
    %slice3A_30 = vector.extract_strided_slice %get3A_25 {offsets = [0, 64], sizes = [400, 64], strides = [1, 1]} : vector<400x128xf32> to vector<400x64xf32>
    %slice3A_31 = vector.extract_strided_slice %get3A_28 {offsets = [0, 0], sizes = [400, 64], strides = [1, 1]} : vector<400x128xf32> to vector<400x64xf32>
    %slice3A_32 = vector.extract_strided_slice %get3A_28 {offsets = [0, 64], sizes = [400, 64], strides = [1, 1]} : vector<400x128xf32> to vector<400x64xf32>
    %div3A_33 = arith.divf %slice3A_32, %slice3A_30 : vector<400x64xf32>
    %reduce_sum3A_34 = arith.constant dense<0.000000e+00> : vector<400xf32>
    %reduce_sum3A_35 = vector.multi_reduction <add>, %div3A_33, %reduce_sum3A_34 [1] : vector<400x64xf32> to vector<400xf32>
    %add3A_36 = arith.constant 9.99999982E-15 : f32
    %add3A_37 = vector.broadcast %add3A_36 : f32 to vector<400x64xf32>
    %add3A_38 = arith.addf %div3A_33, %add3A_37 : vector<400x64xf32>
    %log3A_39 = math.log %add3A_38 : vector<400x64xf32>
    %reduce_sum3A_40 = arith.constant dense<0.000000e+00> : vector<400xf32>
    %reduce_sum3A_41 = vector.multi_reduction <add>, %log3A_39, %reduce_sum3A_40 [1] : vector<400x64xf32> to vector<400xf32>
    %sub3A_42 = arith.subf %slice3A_29, %slice3A_31 : vector<400x64xf32>
    %integer_pow3A_43 = arith.mulf %sub3A_42, %sub3A_42 : vector<400x64xf32>
    %div3A_44 = arith.divf %integer_pow3A_43, %slice3A_30 : vector<400x64xf32>
    %reduce_sum3A_45 = arith.constant dense<0.000000e+00> : vector<400xf32>
    %reduce_sum3A_46 = vector.multi_reduction <add>, %div3A_44, %reduce_sum3A_45 [1] : vector<400x64xf32> to vector<400xf32>
    %add3A_47 = arith.addf %reduce_sum3A_35, %reduce_sum3A_46 : vector<400xf32>
    %sub3A_48 = arith.constant 6.400000e+01 : f32
    %sub3A_49 = vector.broadcast %sub3A_48 : f32 to vector<400xf32>
    %sub3A_50 = arith.subf %add3A_47, %sub3A_49 : vector<400xf32>
    %sub3A_51 = arith.subf %sub3A_50, %reduce_sum3A_41 : vector<400xf32>
    %mul3A_52 = arith.constant 5.000000e-01 : f32
    %mul3A_53 = vector.broadcast %mul3A_52 : f32 to vector<400xf32>
    %mul3A_54 = arith.mulf %mul3A_53, %sub3A_51 : vector<400xf32>
    %square3A = arith.mulf %mul3A_22, %mul3A_22 : vector<400xf32>
    %neg3A = arith.constant 0.000000e+00 : f32
    %neg3A_55 = vector.broadcast %neg3A : f32 to vector<400xf32>
    %neg3A_56 = arith.subf %neg3A_55, %mul3A_54 : vector<400xf32>
    %exp3A = math.exp %neg3A_56 : vector<400xf32>
    %add3A_57 = arith.addf %square3A, %exp3A : vector<400xf32>
    %reduce_sum3A_58 = vector.shape_cast %add3A_57 : vector<400xf32> to vector<1x400xf32>
    %reduce_sum3A_59 = arith.constant dense<0.000000e+00> : vector<1xf32>
    %reduce_sum3A_60 = vector.multi_reduction <add>, %reduce_sum3A_58, %reduce_sum3A_59 [1] : vector<1x400xf32> to vector<1xf32>
    %reduce_sum3A_61 = vector.shape_cast %reduce_sum3A_60 : vector<1xf32> to vector<1x1xf32>
    %reduce_sum3A_62 = vector.extract %reduce_sum3A_61[0, 0] : f32 from vector<1x1xf32>
    %div3A_63 = arith.constant 1.000000e+04 : f32
    %div3A_64 = arith.divf %reduce_sum3A_62, %div3A_63 : f32
    %eq3A = arith.constant 0 : i32
    %eq3A_65 = arith.cmpi eq, %arg0, %eq3A : i32
    %convert_element_type3A = arith.extui %eq3A_65 : i1 to i32
    %cond3A = arith.constant 0 : i32
    %cond3A_66 = arith.cmpi ne, %convert_element_type3A, %cond3A : i32
    scf.if %cond3A_66 {
      %broadcast_in_dim3A_73 = arith.constant 0.000000e+00 : f32
      %broadcast_in_dim3A_74 = vector.broadcast %broadcast_in_dim3A_73 : f32 to vector<1x1xf32>
      %swap3A_75 = arith.constant 0 : index
      %swap3A_76 = arith.constant 0 : index
      %swap3A_77 = vector.load %arg5[%swap3A_75, %swap3A_76] : memref<1x1xf32, #tpu.memory_space<vmem>>, vector<1x1xf32>
      tpu.vector_store %arg5[%swap3A_75, %swap3A_76], %broadcast_in_dim3A_74 {strides = array<i32>} : memref<1x1xf32, #tpu.memory_space<vmem>>, vector<1x1xf32>,
    } else {
    }
    %get3A_67 = arith.constant 0 : index
    %get3A_68 = arith.constant 0 : index
    %get3A_69 = vector.load %arg5[%get3A_67, %get3A_68] : memref<1x1xf32, #tpu.memory_space<vmem>>, vector<1x1xf32>
    %broadcast_in_dim3A = vector.broadcast %div3A_64 : f32 to vector<1x1xf32>
    %add3A_70 = arith.addf %get3A_69, %broadcast_in_dim3A : vector<1x1xf32>
    %swap3A = arith.constant 0 : index
    %swap3A_71 = arith.constant 0 : index
    %swap3A_72 = vector.load %arg5[%swap3A, %swap3A_71] : memref<1x1xf32, #tpu.memory_space<vmem>>, vector<1x1xf32>
    tpu.vector_store %arg5[%swap3A, %swap3A_71], %add3A_70 {strides = array<i32>} : memref<1x1xf32, #tpu.memory_space<vmem>>, vector<1x1xf32>,
    return
  }
  func.func @transform_0(%arg0: i32) -> (i32, i32) {
    %c0_i32 = arith.constant 0 : i32
    %c0_i32_0 = arith.constant 0 : i32
    return %arg0, %c0_i32 : i32, i32
  }
  func.func @transform_1(%arg0: i32) -> (i32, i32) {
    %add3A = arith.constant 25 : i32
    %add3A_0 = arith.addi %add3A, %arg0 : i32
    %c0_i32 = arith.constant 0 : i32
    %c0_i32_1 = arith.constant 0 : i32
    return %add3A_0, %c0_i32 : i32, i32
  }
  func.func @transform_2(%arg0: i32) -> (i32, i32) {
    %add3A = arith.constant 50 : i32
    %add3A_0 = arith.addi %add3A, %arg0 : i32
    %c0_i32 = arith.constant 0 : i32
    %c0_i32_1 = arith.constant 0 : i32
    return %add3A_0, %c0_i32 : i32, i32
  }
  func.func @transform_3(%arg0: i32) -> (i32, i32) {
    %add3A = arith.constant 75 : i32
    %add3A_0 = arith.addi %add3A, %arg0 : i32
    %c0_i32 = arith.constant 0 : i32
    %c0_i32_1 = arith.constant 0 : i32
    return %add3A_0, %c0_i32 : i32, i32
  }
  func.func @transform_4(%arg0: i32) -> (i32, i32) {
    %c0_i32 = arith.constant 0 : i32
    %c0_i32_0 = arith.constant 0 : i32
    %c0_i32_1 = arith.constant 0 : i32
    return %c0_i32, %c0_i32_0 : i32, i32
  }
}

</mosaic_0001>

<sc_bundles>
// kernel: kernel.10.cloned.1.call-start
scs
__scs_entry_jumppad:
0x0: {  	(pc) =	sbr.rel $0x88, $3  }
0x1: {  	(tag) =	ssettag $0x0;
	lr =	simm.s32 $0x1  }
0x2: {  	[smem:$0x3F96] =	sst lr;
	_ =	strace $0xD0000000  }
0x3: {  	_ = 	snop  }
0x4: {  	_ = 	snop  }
0x5: {  	_ = 	snop  }
0x6: {  	_ = 	snop  }
0x7: {  	_ = 	snop  }
__scs_overlays_trampoline_lowered:
0x8: {  	[smem:$0x3FA5] =	sst s0  }
0x9: {  	[smem:$0x3FA6] =	sst s1  }
0xa: {  	[smem:$0x3FA7] =	sst s2  }
0xb: {  	[smem:$0x3FA8] =	sst s3  }
0xc: {  	[smem:$0x3FA9] =	sst s4  }
0xd: {  	[smem:$0x3FAA] =	sst s5  }
0xe: {  	[smem:$0x3FAB] =	sst s6  }
0xf: {  	[smem:$0x3FAC] =	sst s7  }
0x10: {  	[smem:$0x3FAD] =	sst s8  }
0x11: {  	[smem:$0x3FAE] =	sst s9;
	s0 =	simm.s32 @!p0 $0x0  }
0x12: {  	s1 =	sld [smem:$0x3F94];
	s0 =	simm.s32 @p0 $0x1  }
0x13: {  	[smem:$0x3FAF] =	sst s0;
	s0 =	simm.s32 @!p1 $0x0  }
0x14: {  	s2 =	sld [smem:$0x3F93];
	s0 =	simm.s32 @p1 $0x1  }
0x15: {  	[smem:$0x3FB0] =	sst s0;
	s0 =	simm.s32 @!p2 $0x0  }
0x16: {  	s3 =	sld [smem:$0x3FDB];
	s0 =	simm.s32 @p2 $0x1  }
0x17: {  	s4 =	simm.s32 $0x1BF5;
	[smem:$0x3FB2] =	sst s0  }
0x18: {  	s0 =	sld [smem:$0x3F95];
	_ =	swait.ge [sflag:s4], $0x0  }
0x19: {  	s7 =	sld [smem:$0x3F96]  }
0x1a: {  	s8 =	sadd.s32 $0xFFFFE003, lr  }
0x1b: {  	s9 =	sadd.s32 $0xFFFFFEF7, lr;
	s5 =	simm.s32 $0xFFFFFFFF;
	p2 =	slt.u32 s8, $0xFFFFF086  }
0x1c: {  	p1 =	slt.u32 s9, $0xF7A;
	s5 =	simm.s32 @!p2 $0x0  }
0x1d: {  	s5 =	simm.s32 @p1 $0x1;
	p0 =	seq.s32 s7, s2  }
0x1e: {  	s7 =	smul.u32 @!p0 $0xF7A, s2;
	p2 =	seq.s32 @!p0 s5, $0x0  }
0x1f: {  	s9 =	smul.u32 $0xF7A, s1;
	s8 =	simm.s32 @!p0 $0x1BF5;
	p2 =	por !p2, p0  }
0x20: {  	[sflag:s8] =	ssyncset.s32 @!p0 $0xFFFFF086;
	s6 =	sadd.s32 @!p0 s3, s7;
	s7 =	simm.s32 @!p0 $0x108  }
0x21: {  	s3 =	sadd.s32 s3, s9;
	s6 =	sadd.s32 @!p0 $0x88, s6;
	s7 =	simm.s32 @p2 $0x1082  }
0x22: {  	[simem:s7], [sflag:s8] =	dma.local @!p0 [hbm:s6], $0xF7A  }
0x23: {  	s9 =	sor.u32 $0xD0000000, s2;
	s6 =	simm.s32 $0x108;
	_ =	swait.ge @!p0 [sflag:s8], $0x0  }
0x24: {  	s3 =	sadd.s32 $0x88, s3;
	s6 =	simm.s32 @!p1 $0x1082;
	[sflag:s4] =	ssyncset.s32 $0xFFFFF086  }
0x25: {  	[simem:s6], [sflag:s4] =	dma.local [hbm:s3], $0xF7A  }
0x26: {  	[smem:$0x3F96] =	sst s1;
	(tag) =	ssettag s2;
	_ =	strace s9  }
0x27: {  	s1 =	sld [smem:$0x3FA6]  }
0x28: {  	s2 =	sld [smem:$0x3FA7]  }
0x29: {  	s4 =	sld [smem:$0x3FA9]  }
0x2a: {  	p0 =	seq.s32 s5, $0x0;
	s5 =	sld [smem:$0x3FAA]  }
0x2b: {  	s6 =	sld [smem:$0x3FAB]  }
0x2c: {  	s7 =	sld [smem:$0x3FAC]  }
0x2d: {  	s3 =	simm.s32 $0x108;
	s8 =	sld [smem:$0x3FAD]  }
0x2e: {  	s3 =	simm.s32 @!p0 $0x1082;
	s9 =	sld [smem:$0x3FAE]  }
0x2f: {  	lr =	sadd.s32 s0, s3;
	s0 =	sld [smem:$0x3FA5]  }
0x30: {  	s3 =	sld [smem:$0x3FA8]  }
0x31: {  	[smem:$0x3FB1] =	sst s10  }
0x32: {  	s10 =	sld [smem:$0x3FAF];
	_ =	sdelay $0x3  }
0x33: {  	p0 =	seq.s32 s10, $0x1;
	s10 =	sld [smem:$0x3FB1];
	_ =	sdelay $0x3  }
0x34: {  	[smem:$0x3FB1] =	sst s10  }
0x35: {  	s10 =	sld [smem:$0x3FB0];
	_ =	sdelay $0x3  }
0x36: {  	p1 =	seq.s32 s10, $0x1;
	s10 =	sld [smem:$0x3FB1];
	_ =	sdelay $0x3  }
0x37: {  	[smem:$0x3FB1] =	sst s10  }
0x38: {  	s10 =	sld [smem:$0x3FB2]  }
0x39: {  	_ = 	snop;
	(pc) =	sbr.ind lr, $3  }
0x3a: {  	_ = 	snop  }
0x3b: {  	_ = 	snop  }
0x3c: {  	p2 =	seq.s32 s10, $0x1;
	s10 =	sld [smem:$0x3FB1]  }
0x3d: {  	_ =	shalt  }
0x3e: {  	_ =	shalt  }
0x3f: {  	_ =	shalt  }
0x40: {  	_ =	shalt  }
0x41: {  	_ =	shalt  }
0x42: {  	_ =	shalt  }
0x43: {  	_ =	shalt  }
0x44: {  	_ =	shalt  }
0x45: {  	_ =	shalt  }
0x46: {  	_ =	shalt  }
0x47: {  	_ =	shalt  }
0x48: {  	_ =	shalt  }
0x49: {  	_ =	shalt  }
0x4a: {  	_ =	shalt  }
0x4b: {  	_ =	shalt  }
0x4c: {  	_ =	shalt  }
0x4d: {  	_ =	shalt  }
0x4e: {  	_ =	shalt  }
0x4f: {  	_ =	shalt  }
0x50: {  	_ =	shalt  }
0x51: {  	_ =	shalt  }
0x52: {  	_ =	shalt  }
0x53: {  	_ =	shalt  }
0x54: {  	_ =	shalt  }
0x55: {  	_ =	shalt  }
0x56: {  	_ =	shalt  }
0x57: {  	_ =	shalt  }
0x58: {  	_ =	shalt  }
0x59: {  	_ =	shalt  }
0x5a: {  	_ =	shalt  }
0x5b: {  	_ =	shalt  }
0x5c: {  	_ =	shalt  }
0x5d: {  	_ =	shalt  }
0x5e: {  	_ =	shalt  }
0x5f: {  	_ =	shalt  }
0x60: {  	_ =	shalt  }
0x61: {  	_ =	shalt  }
0x62: {  	_ =	shalt  }
0x63: {  	_ =	shalt  }
0x64: {  	_ =	shalt  }
0x65: {  	_ =	shalt  }
0x66: {  	_ =	shalt  }
0x67: {  	_ =	shalt  }
0x68: {  	_ =	shalt  }
0x69: {  	_ =	shalt  }
0x6a: {  	_ =	shalt  }
0x6b: {  	_ =	shalt  }
0x6c: {  	_ =	shalt  }
0x6d: {  	_ =	shalt  }
0x6e: {  	_ =	shalt  }
0x6f: {  	_ =	shalt  }
0x70: {  	_ =	shalt  }
0x71: {  	_ =	shalt  }
0x72: {  	_ =	shalt  }
0x73: {  	_ =	shalt  }
0x74: {  	_ =	shalt  }
0x75: {  	_ =	shalt  }
0x76: {  	_ =	shalt  }
0x77: {  	_ =	shalt  }
0x78: {  	_ =	shalt  }
0x79: {  	_ =	shalt  }
0x7a: {  	_ =	shalt  }
0x7b: {  	_ =	shalt  }
0x7c: {  	_ =	shalt  }
0x7d: {  	_ =	shalt  }
0x7e: {  	_ =	shalt  }
0x7f: {  	_ =	shalt  }
0x80: {  	_ =	shalt  }
0x81: {  	_ =	shalt  }
0x82: {  	_ =	shalt  }
0x83: {  	_ =	shalt  }
0x84: {  	_ =	shalt  }
0x85: {  	_ =	shalt  }
0x86: {  	_ =	shalt  }
0x87: {  	_ =	shalt  }
.Lfunc_end0:
.L_simem_size_0:
called_computation.5_lowered:
.L_overlay_start_0:
0x88: {  	s2 =	sld [smem:$0x3FD9]  }
0x89: {  	s3 =	sld [smem:$0x3FFE];
	_ =	sdelay $0x1  }
0x8a: {  	s1 =	srdreg.scid  }
0x8b: {  	s0 =	sand.u32 $0x1, s1  }
0x8c: {  	s16 =	sshll.u32 s0, $0xA;
	s2 =	sadd.s32 s3, s2  }
0x8d: {  	s2 =	sadd.s32 s2, s16  }
0x8e: {  	[smem:$0x3FBD] =	sst s2  }
0x8f: {  	_ = 	snop  }
0x90: {  	(tm) =	ssettm $0x1  }
0x91: {  	s17 =	sld [smem:$0x3FFB];
	_ =	sdelay $0x3  }
0x92: {  	_ =	strace s17  }
0x93: {  	s2 =	sld [smem:$0x3FFC];
	_ =	sdelay $0x3  }
0x94: {  	_ =	strace s2  }
0x95: {  	s2 =	sld [smem:$0x3FFD];
	_ =	sdelay $0x3  }
0x96: {  	_ =	strace s2  }
0x97: {  	_ =	strace $0x8FFFFFFF  }
0x98: {  	s18 =	sld [smem:$0x3FDB];
	_ =	sdelay $0x1  }
0x99: {  	s19 =	simm.s32 $_scs_section_size  }
0x9a: {  	s4 =	simm.s32 $_size__tile_overlayer_lowered;
	s5 =	simm.s32 $_tile_overlayer_lowered  }
0x9b: {  	s22 =	simm.s32 $0x1BFF;
	s21 =	sshll.u32 s5, $0x1;
	s2 =	sadd.s32 s19, s18  }
0x9c: {  	s6 =	simm.s32 $0x0;
	s20 =	sshll.u32 s4, $0x1;
	s4 =	sadd.s32 s21, s2  }
0x9d: {  	[timem:s6], [sflag:s22] =	dma.local [hbm:s4], s20  }
0x9e: {  	_ =	swait.ge [sflag:s22], s20  }
0x9f: {  	s3 =	ssub.s32 $0x0, s20;
	[sflag:s22] =	ssyncset.done $0x0  }
0xa0: {  	[sflag:s22] =	ssyncadd.s32 s3;
	_ =	sdelay $0x1  }
0xa1: {  	s23 =	simm.s32 $0x1B8B  }
0xa2: {  	_ =	swait.ge [sflag:s23], $0x1  }
0xa3: {  	[sflag:s23] =	ssyncset.done $0x0  }
0xa4: {  	s25 =	simm.s32 $0x1B8E;
	s24 =	sld [smem:$0x3FFE];
	[sflag:s23] =	ssyncadd.s32 $0xFFFFFFFF  }
0xa5: {  	s26 =	simm.s32 $execute0_lowered;
	[smem:$0x3FD2] =	sst s25  }
0xa6: {  	s4 =	sshll.u32 s26, $0x1;
	_ =	strace $0x80000061;
	[dreg:$0x1] =	wrdreg $0xFFFFFFFF  }
0xa7: {  	s28 =	simm.s32 $_size_execute0_lowered;
	s2 =	sadd.s32 s2, s4;
	[dreg:$0x0] =	wrdreg $0x0  }
0xa8: {  	s4 =	sshll.u32 s28, $0x1;
	[dreg:$0x2] =	wrdreg s2  }
0xa9: {  	[dreg:$0x3] =	wrdreg s4  }
0xaa: {  	[dreg:$0x4] =	wrdreg $0xC0  }
0xab: {  	_ =	task [dreg:s6], $0x5FFFF  }
0xac: {  	[dreg:$0x1] =	wrdreg $0xFFFFFFFF  }
0xad: {  	[dreg:$0x0] =	wrdreg $0x60  }
0xae: {  	[dreg:$0x2] =	wrdreg s24  }
0xaf: {  	[dreg:$0x3] =	wrdreg $0x9  }
0xb0: {  	_ =	task.clear_ibuf [dreg:s6], $0x4FFFF;
	_ =	strace $0x90000061  }
0xb1: {  	s29 =	simm.s32 $0x9;
	_ =	strace $0x80000063  }
0xb2: {  	_ =	swait.ge [sflag:s29], $0x1  }
0xb3: {  	[sflag:s29] =	ssyncadd.s32 $0xFFFFFFFF  }
0xb4: {  	_ =	strace $0x90000063  }
0xb5: {  	_ =	sfence  }
0xb6: {  	s30 =	sld [smem:$0x0];
	_ =	sdelay $0x2  }
0xb7: {  	s31 =	sshll.u32 s1, $0xD;
	s1 =	sshrl.u32 s1, $0x2  }
0xb8: {  	s3 =	sand.u32 $0x4000, s31;
	s1 =	sadd.s32 s1, s30  }
0xb9: {  	s0 =	sor.u32 s3, s0;
	s1 =	sshll.u32 s1, $0x11  }
0xba: {  	s0 =	sor.u32 s1, s0  }
0xbb: {  	s0 =	sadd.s32 $0x8F2B, s0  }
0xbc: {  	[sflag:s0] =	ssyncadd.remote.s32 $0x1  }
0xbd: {  	_ =	sfence.sel $0xFFFF  }
0xbe: {  	[dreg:$0x0] =	wrdreg $0xFFFFFFFF;
	(pc) =	sbr.abs _section_cstart, $3  }
0xbf: {  	[dreg:$0x1] =	wrdreg $0xFFFFFFFF  }
0xc0: {  	_ =	task.clear_ibuf [dreg:s6], $0x2FFFF;
	_ =	strace $0x9FFFFFFF  }
0xc1: {  	(tm) =	ssettm $0x7FFFFFFF  }
tec
execute0_lowered:
.L_overlay_start_1:
0x0: {  	(tag) =	ssettag $0x1  }
0x1: {  	s2 =	rddreg [dreg:$0x0]  }
0x2: {  	s0 =	rddreg [dreg:$0x1];
	s1 =	stileid.u32  }
0x3: {  	s4 =	srdreg.scid;
	s3 =	simm.s32 $0x0;
	s5 =	smul.u32 $0xA00, s1  }
0x4: {  	s10 =	simm.s32 $0x0;
	s4 =	sand.u32 $0x1, s4;
	s7 =	smul.u32 $0xA000, s1  }
0x5: {  	[smem:$0x7FF] =	sst s3;
	s6 =	smul.u32 $0x500, s4;
	s8 =	ssub.s32 $0x2, s4  }
0x6: {  	_ =	strace $0x80000062;
	s9 =	smul.u32 $0x5000, s4;
	s28 =	sshrl.u32 s8, $0x1  }
0x7: {  	s30 =	sadd.s32 s7, s2;
	s7 =	simm.s32 $0x2;
	s5 =	sadd.s32 s6, s5  }
0x8: {  	s6 =	ssub.s32 s8, s28;
	s8 =	simm.s32 $0x80;
	s29 =	sshrl.u32 s5, $0x3  }
0x9: {  	s4 =	smax.u32 s6, $0x1;
	s5 =	sadd.s32 s9, s30;
	s31 =	sadd.s32 s29, s2  }
0xa: {  	s9 =	simm.s32 $0x1;
	s5 =	sadd.s32 $0x28000, s5;
	s6 =	sadd.s32 $0xA8A600, s31  }
.LBB2_1:
0xb: {  	s11 =	sadd.s32 $0x0, s6  }
0xc: {  	[tilespmem:s3], [sflag:$0x2] =	stream.linear.gather [hbm4b:s11+s3], $0x80, $0x38;
	[tilespmem:$0x4080] =	vst v63  }
0xd: {  	_ =	swait.ge [sflag:s7], $0x80  }
0xe: {  	[sflag:s7] =	ssyncset.done $0x0  }
0xf: {  	[sflag:s7] =	ssyncadd.s32 $0xFFFFFF80  }
0x10: {  	[tilespmem:s8], [sflag:$0x1] =	stream.indirect.gather [hbm4b:s2+s8], $0x80, s3, s8, $0xb8;
	[tilespmem:$0x4080] =	vst v63  }
0x11: {  	_ =	swait.ge [sflag:s9], $0x4000  }
0x12: {  	[sflag:s9] =	ssyncset.done $0x0  }
0x13: {  	[sflag:s9] =	ssyncadd.s32 $0xFFFFC000  }
0x14: {  	[hbm4b:s5+s3] =	stream.linear.scatter [tilespmem:s8], [sflag:$0x2], $0x4000, $0x38;
	[tilespmem:$0x4080] =	vst v63  }
0x15: {  	s12 =	simm.s32 $0x10;
	_ =	swait.ge [sflag:s7], $0x4000  }
0x16: {  	s13 =	simm.s32 $0x20;
	s11 =	sadd.s32 $0x800, s5;
	[sflag:s7] =	ssyncset.done $0x0  }
.LBB2_2:
0x17: {  	s14 =	sadd.s32 s12, s6  }
0x18: {  	[sflag:s7] =	ssyncadd.s32 $0xFFFFC000;
	s12 =	smov.u32 s13;
	s15 =	sadd.s32 $0x10, s13  }
0x19: {  	[tilespmem:s3], [sflag:$0x2] =	stream.linear.gather [hbm4b:s14+s3], $0x80, $0x38;
	[tilespmem:$0x4080] =	vst v63  }
0x1a: {  	p0 =	sne.s32 s13, $0x90;
	_ =	swait.ge [sflag:s7], $0x80  }
0x1b: {  	[sflag:s7] =	ssyncset.done $0x0  }
0x1c: {  	[sflag:s7] =	ssyncadd.s32 $0xFFFFFF80  }
0x1d: {  	[tilespmem:s8], [sflag:$0x1] =	stream.indirect.gather [hbm4b:s2+s8], $0x80, s3, s8, $0xb8;
	[tilespmem:$0x4080] =	vst v63  }
0x1e: {  	_ =	swait.ge [sflag:s9], $0x4000  }
.Ltmp0:
0x1f: {  	[sflag:s9] =	ssyncset.done $0x0;
	(pc) =	sbr.rel @p0 .LBB2_2-.Ltmp0, $4  }
0x20: {  	[sflag:s9] =	ssyncadd.s32 $0xFFFFC000  }
0x21: {  	[hbm4b:s11+s3] =	stream.linear.scatter [tilespmem:s8], [sflag:$0x2], $0x4000, $0x38;
	[tilespmem:$0x4080] =	vst v63  }
0x22: {  	_ =	swait.ge [sflag:s7], $0x4000  }
0x23: {  	s13 =	smov.u32 s15;
	s11 =	sadd.s32 $0x800, s11;
	[sflag:s7] =	ssyncset.done $0x0  }
0x24: {  	s12 =	sadd.s32 s12, s6;
	[sflag:s7] =	ssyncadd.s32 $0xFFFFC000  }
0x25: {  	[tilespmem:s3], [sflag:$0x2] =	stream.linear.gather [hbm4b:s12+s3], $0x80, $0x38;
	[tilespmem:$0x4080] =	vst v63  }
0x26: {  	_ =	swait.ge [sflag:s7], $0x80  }
0x27: {  	[sflag:s7] =	ssyncset.done $0x0  }
0x28: {  	[sflag:s7] =	ssyncadd.s32 $0xFFFFFF80  }
0x29: {  	[tilespmem:s8], [sflag:$0x1] =	stream.indirect.gather [hbm4b:s2+s8], $0x80, s3, s8, $0xb8;
	[tilespmem:$0x4080] =	vst v63  }
0x2a: {  	s10 =	sadd.s32 $0x1, s10;
	_ =	swait.ge [sflag:s9], $0x4000  }
0x2b: {  	p0 =	sne.s32 s10, s4;
	[sflag:s9] =	ssyncset.done $0x0  }
.Ltmp1:
0x2c: {  	[sflag:s9] =	ssyncadd.s32 $0xFFFFC000;
	(pc) =	sbr.rel @p0 .LBB2_1-.Ltmp1, $4  }
0x2d: {  	[hbm4b:s11+s3] =	stream.linear.scatter [tilespmem:s8], [sflag:$0x2], $0x4000, $0x38;
	[tilespmem:$0x4080] =	vst v63  }
0x2e: {  	_ =	swait.ge [sflag:s7], $0x4000  }
0x2f: {  	[sflag:s7] =	ssyncset.done $0x0  }
0x30: {  	[sflag:s7] =	ssyncadd.s32 $0xFFFFC000  }
0x31: {  	_ =	sfence.sel $0x180000  }
0x32: {  	[bflag:$0x0] =	sbarrier.arrive $0xFFFF  }
0x33: {  	p0 =	sne.s32 s1, $0x0;
	_ =	strace $0x90000062  }
0x34: {  	s0 =	sadd.s32 @!p0 $0x100000, s0;
	[bflag:$0x2] =	sbarrier.arrive $0xFFFF  }
0x35: {  	[sflag:s0] =	ssyncadd.tile.s32 @!p0 $0x1;
	_ =	shalt  }
.Lfunc_end2:
_tile_overlayer_lowered:
.L_overlay_start_2:
0x36: {  	(tag) =	ssettag $0x2  }
0x37: {  	s0 =	rddreg [dreg:$0x0];
	s2 =	stileid.u32  }
0x38: {  	s1 =	rddreg [dreg:$0x1];
	p0 =	sne.s32 s2, $0x0  }
0x39: {  	s3 =	rddreg [dreg:$0x2];
	[bflag:$0x3] =	sbarrier.arrive $0xFFFF;
	s2 =	simm.s32 @!p0 $0x1C02  }
0x3a: {  	[timem:s3], [sflag:s2] =	dma.local @!p0 [hbm:s0], s1  }
0x3b: {  	s0 =	simm.s32 @!p0 $0x2  }
0x3c: {  	_ =	swait.ge @!p0 [sflag:s0], s1  }
0x3d: {  	s1 =	ssub.s32 @!p0 $0x0, s1;
	[sflag:s0] =	ssyncset.done @!p0 $0x0  }
0x3e: {  	[sflag:s0] =	ssyncadd.s32 @!p0 s1  }
0x3f: {  	[bflag:$0x3] =	sbarrier.arrive $0xFFFF  }
0x40: {  	_ =	shalt  }

// kernel: kernel.7.cloned.1.call-start
scs
__scs_entry_jumppad:
0x0: {  	(pc) =	sbr.rel $0x88, $3  }
0x1: {  	(tag) =	ssettag $0x0;
	lr =	simm.s32 $0x1  }
0x2: {  	[smem:$0x3F96] =	sst lr;
	_ =	strace $0xD0000000  }
0x3: {  	_ = 	snop  }
0x4: {  	_ = 	snop  }
0x5: {  	_ = 	snop  }
0x6: {  	_ = 	snop  }
0x7: {  	_ = 	snop  }
__scs_overlays_trampoline_lowered:
0x8: {  	[smem:$0x3FA5] =	sst s0  }
0x9: {  	[smem:$0x3FA6] =	sst s1  }
0xa: {  	[smem:$0x3FA7] =	sst s2  }
0xb: {  	[smem:$0x3FA8] =	sst s3  }
0xc: {  	[smem:$0x3FA9] =	sst s4  }
0xd: {  	[smem:$0x3FAA] =	sst s5  }
0xe: {  	[smem:$0x3FAB] =	sst s6  }
0xf: {  	[smem:$0x3FAC] =	sst s7  }
0x10: {  	[smem:$0x3FAD] =	sst s8  }
0x11: {  	[smem:$0x3FAE] =	sst s9;
	s0 =	simm.s32 @!p0 $0x0  }
0x12: {  	s1 =	sld [smem:$0x3F94];
	s0 =	simm.s32 @p0 $0x1  }
0x13: {  	[smem:$0x3FAF] =	sst s0;
	s0 =	simm.s32 @!p1 $0x0  }
0x14: {  	s2 =	sld [smem:$0x3F93];
	s0 =	simm.s32 @p1 $0x1  }
0x15: {  	[smem:$0x3FB0] =	sst s0;
	s0 =	simm.s32 @!p2 $0x0  }
0x16: {  	s3 =	sld [smem:$0x3FDB];
	s0 =	simm.s32 @p2 $0x1  }
0x17: {  	s4 =	simm.s32 $0x1BF5;
	[smem:$0x3FB2] =	sst s0  }
0x18: {  	s0 =	sld [smem:$0x3F95];
	_ =	swait.ge [sflag:s4], $0x0  }
0x19: {  	s7 =	sld [smem:$0x3F96]  }
0x1a: {  	s8 =	sadd.s32 $0xFFFFE003, lr  }
0x1b: {  	s9 =	sadd.s32 $0xFFFFFEF7, lr;
	s5 =	simm.s32 $0xFFFFFFFF;
	p2 =	slt.u32 s8, $0xFFFFF086  }
0x1c: {  	p1 =	slt.u32 s9, $0xF7A;
	s5 =	simm.s32 @!p2 $0x0  }
0x1d: {  	s5 =	simm.s32 @p1 $0x1;
	p0 =	seq.s32 s7, s2  }
0x1e: {  	s7 =	smul.u32 @!p0 $0xF7A, s2;
	p2 =	seq.s32 @!p0 s5, $0x0  }
0x1f: {  	s9 =	smul.u32 $0xF7A, s1;
	s8 =	simm.s32 @!p0 $0x1BF5;
	p2 =	por !p2, p0  }
0x20: {  	[sflag:s8] =	ssyncset.s32 @!p0 $0xFFFFF086;
	s6 =	sadd.s32 @!p0 s3, s7;
	s7 =	simm.s32 @!p0 $0x108  }
0x21: {  	s3 =	sadd.s32 s3, s9;
	s6 =	sadd.s32 @!p0 $0x88, s6;
	s7 =	simm.s32 @p2 $0x1082  }
0x22: {  	[simem:s7], [sflag:s8] =	dma.local @!p0 [hbm:s6], $0xF7A  }
0x23: {  	s9 =	sor.u32 $0xD0000000, s2;
	s6 =	simm.s32 $0x108;
	_ =	swait.ge @!p0 [sflag:s8], $0x0  }
0x24: {  	s3 =	sadd.s32 $0x88, s3;
	s6 =	simm.s32 @!p1 $0x1082;
	[sflag:s4] =	ssyncset.s32 $0xFFFFF086  }
0x25: {  	[simem:s6], [sflag:s4] =	dma.local [hbm:s3], $0xF7A  }
0x26: {  	[smem:$0x3F96] =	sst s1;
	(tag) =	ssettag s2;
	_ =	strace s9  }
0x27: {  	s1 =	sld [smem:$0x3FA6]  }
0x28: {  	s2 =	sld [smem:$0x3FA7]  }
0x29: {  	s4 =	sld [smem:$0x3FA9]  }
0x2a: {  	p0 =	seq.s32 s5, $0x0;
	s5 =	sld [smem:$0x3FAA]  }
0x2b: {  	s6 =	sld [smem:$0x3FAB]  }
0x2c: {  	s7 =	sld [smem:$0x3FAC]  }
0x2d: {  	s3 =	simm.s32 $0x108;
	s8 =	sld [smem:$0x3FAD]  }
0x2e: {  	s3 =	simm.s32 @!p0 $0x1082;
	s9 =	sld [smem:$0x3FAE]  }
0x2f: {  	lr =	sadd.s32 s0, s3;
	s0 =	sld [smem:$0x3FA5]  }
0x30: {  	s3 =	sld [smem:$0x3FA8]  }
0x31: {  	[smem:$0x3FB1] =	sst s10  }
0x32: {  	s10 =	sld [smem:$0x3FAF];
	_ =	sdelay $0x3  }
0x33: {  	p0 =	seq.s32 s10, $0x1;
	s10 =	sld [smem:$0x3FB1];
	_ =	sdelay $0x3  }
0x34: {  	[smem:$0x3FB1] =	sst s10  }
0x35: {  	s10 =	sld [smem:$0x3FB0];
	_ =	sdelay $0x3  }
0x36: {  	p1 =	seq.s32 s10, $0x1;
	s10 =	sld [smem:$0x3FB1];
	_ =	sdelay $0x3  }
0x37: {  	[smem:$0x3FB1] =	sst s10  }
0x38: {  	s10 =	sld [smem:$0x3FB2]  }
0x39: {  	_ = 	snop;
	(pc) =	sbr.ind lr, $3  }
0x3a: {  	_ = 	snop  }
0x3b: {  	_ = 	snop  }
0x3c: {  	p2 =	seq.s32 s10, $0x1;
	s10 =	sld [smem:$0x3FB1]  }
0x3d: {  	_ =	shalt  }
0x3e: {  	_ =	shalt  }
0x3f: {  	_ =	shalt  }
0x40: {  	_ =	shalt  }
0x41: {  	_ =	shalt  }
0x42: {  	_ =	shalt  }
0x43: {  	_ =	shalt  }
0x44: {  	_ =	shalt  }
0x45: {  	_ =	shalt  }
0x46: {  	_ =	shalt  }
0x47: {  	_ =	shalt  }
0x48: {  	_ =	shalt  }
0x49: {  	_ =	shalt  }
0x4a: {  	_ =	shalt  }
0x4b: {  	_ =	shalt  }
0x4c: {  	_ =	shalt  }
0x4d: {  	_ =	shalt  }
0x4e: {  	_ =	shalt  }
0x4f: {  	_ =	shalt  }
0x50: {  	_ =	shalt  }
0x51: {  	_ =	shalt  }
0x52: {  	_ =	shalt  }
0x53: {  	_ =	shalt  }
0x54: {  	_ =	shalt  }
0x55: {  	_ =	shalt  }
0x56: {  	_ =	shalt  }
0x57: {  	_ =	shalt  }
0x58: {  	_ =	shalt  }
0x59: {  	_ =	shalt  }
0x5a: {  	_ =	shalt  }
0x5b: {  	_ =	shalt  }
0x5c: {  	_ =	shalt  }
0x5d: {  	_ =	shalt  }
0x5e: {  	_ =	shalt  }
0x5f: {  	_ =	shalt  }
0x60: {  	_ =	shalt  }
0x61: {  	_ =	shalt  }
0x62: {  	_ =	shalt  }
0x63: {  	_ =	shalt  }
0x64: {  	_ =	shalt  }
0x65: {  	_ =	shalt  }
0x66: {  	_ =	shalt  }
0x67: {  	_ =	shalt  }
0x68: {  	_ =	shalt  }
0x69: {  	_ =	shalt  }
0x6a: {  	_ =	shalt  }
0x6b: {  	_ =	shalt  }
0x6c: {  	_ =	shalt  }
0x6d: {  	_ =	shalt  }
0x6e: {  	_ =	shalt  }
0x6f: {  	_ =	shalt  }
0x70: {  	_ =	shalt  }
0x71: {  	_ =	shalt  }
0x72: {  	_ =	shalt  }
0x73: {  	_ =	shalt  }
0x74: {  	_ =	shalt  }
0x75: {  	_ =	shalt  }
0x76: {  	_ =	shalt  }
0x77: {  	_ =	shalt  }
0x78: {  	_ =	shalt  }
0x79: {  	_ =	shalt  }
0x7a: {  	_ =	shalt  }
0x7b: {  	_ =	shalt  }
0x7c: {  	_ =	shalt  }
0x7d: {  	_ =	shalt  }
0x7e: {  	_ =	shalt  }
0x7f: {  	_ =	shalt  }
0x80: {  	_ =	shalt  }
0x81: {  	_ =	shalt  }
0x82: {  	_ =	shalt  }
0x83: {  	_ =	shalt  }
0x84: {  	_ =	shalt  }
0x85: {  	_ =	shalt  }
0x86: {  	_ =	shalt  }
0x87: {  	_ =	shalt  }
.Lfunc_end0:
.L_simem_size_0:
called_computation.4_lowered:
.L_overlay_start_0:
0x88: {  	s2 =	sld [smem:$0x3FD9]  }
0x89: {  	s3 =	sld [smem:$0x3FFE];
	_ =	sdelay $0x1  }
0x8a: {  	s1 =	srdreg.scid  }
0x8b: {  	s0 =	sand.u32 $0x1, s1  }
0x8c: {  	s16 =	sshll.u32 s0, $0xA;
	s2 =	sadd.s32 s3, s2  }
0x8d: {  	s2 =	sadd.s32 s2, s16  }
0x8e: {  	[smem:$0x3FBD] =	sst s2  }
0x8f: {  	_ = 	snop  }
0x90: {  	(tm) =	ssettm $0x1  }
0x91: {  	s17 =	sld [smem:$0x3FFB];
	_ =	sdelay $0x3  }
0x92: {  	_ =	strace s17  }
0x93: {  	s2 =	sld [smem:$0x3FFC];
	_ =	sdelay $0x3  }
0x94: {  	_ =	strace s2  }
0x95: {  	s2 =	sld [smem:$0x3FFD];
	_ =	sdelay $0x3  }
0x96: {  	_ =	strace s2  }
0x97: {  	_ =	strace $0x8FFFFFFF  }
0x98: {  	s18 =	sld [smem:$0x3FDB];
	_ =	sdelay $0x1  }
0x99: {  	s19 =	simm.s32 $_scs_section_size  }
0x9a: {  	s4 =	simm.s32 $_size__tile_overlayer_lowered;
	s5 =	simm.s32 $_tile_overlayer_lowered  }
0x9b: {  	s22 =	simm.s32 $0x1BFF;
	s21 =	sshll.u32 s5, $0x1;
	s2 =	sadd.s32 s19, s18  }
0x9c: {  	s6 =	simm.s32 $0x0;
	s20 =	sshll.u32 s4, $0x1;
	s4 =	sadd.s32 s21, s2  }
0x9d: {  	[timem:s6], [sflag:s22] =	dma.local [hbm:s4], s20  }
0x9e: {  	_ =	swait.ge [sflag:s22], s20  }
0x9f: {  	s3 =	ssub.s32 $0x0, s20;
	[sflag:s22] =	ssyncset.done $0x0  }
0xa0: {  	[sflag:s22] =	ssyncadd.s32 s3;
	_ =	sdelay $0x1  }
0xa1: {  	s23 =	simm.s32 $0x1B8B  }
0xa2: {  	_ =	swait.ge [sflag:s23], $0x1  }
0xa3: {  	[sflag:s23] =	ssyncset.done $0x0  }
0xa4: {  	s25 =	simm.s32 $0x1B8E;
	s24 =	sld [smem:$0x3FFE];
	[sflag:s23] =	ssyncadd.s32 $0xFFFFFFFF  }
0xa5: {  	s26 =	simm.s32 $execute0_lowered;
	[smem:$0x3FD2] =	sst s25  }
0xa6: {  	s4 =	sshll.u32 s26, $0x1;
	_ =	strace $0x80000046;
	[dreg:$0x1] =	wrdreg $0xFFFFFFFF  }
0xa7: {  	s28 =	simm.s32 $_size_execute0_lowered;
	s2 =	sadd.s32 s2, s4;
	[dreg:$0x0] =	wrdreg $0x0  }
0xa8: {  	s4 =	sshll.u32 s28, $0x1;
	[dreg:$0x2] =	wrdreg s2  }
0xa9: {  	[dreg:$0x3] =	wrdreg s4  }
0xaa: {  	[dreg:$0x4] =	wrdreg $0xC0  }
0xab: {  	_ =	task [dreg:s6], $0x5FFFF  }
0xac: {  	[dreg:$0x1] =	wrdreg $0xFFFFFFFF  }
0xad: {  	[dreg:$0x0] =	wrdreg $0x60  }
0xae: {  	[dreg:$0x2] =	wrdreg s24  }
0xaf: {  	[dreg:$0x3] =	wrdreg $0xD  }
0xb0: {  	_ =	task.clear_ibuf [dreg:s6], $0x4FFFF;
	_ =	strace $0x90000046  }
0xb1: {  	s29 =	simm.s32 $0xD;
	_ =	strace $0x80000048  }
0xb2: {  	_ =	swait.ge [sflag:s29], $0x1  }
0xb3: {  	[sflag:s29] =	ssyncadd.s32 $0xFFFFFFFF  }
0xb4: {  	_ =	strace $0x90000048  }
0xb5: {  	_ =	sfence  }
0xb6: {  	s30 =	sld [smem:$0x0];
	_ =	sdelay $0x2  }
0xb7: {  	s31 =	sshll.u32 s1, $0xD;
	s1 =	sshrl.u32 s1, $0x2  }
0xb8: {  	s3 =	sand.u32 $0x4000, s31;
	s1 =	sadd.s32 s1, s30  }
0xb9: {  	s0 =	sor.u32 s3, s0;
	s1 =	sshll.u32 s1, $0x11  }
0xba: {  	s0 =	sor.u32 s1, s0  }
0xbb: {  	s0 =	sadd.s32 $0x8F2B, s0  }
0xbc: {  	[sflag:s0] =	ssyncadd.remote.s32 $0x1  }
0xbd: {  	_ =	sfence.sel $0xFFFF  }
0xbe: {  	[dreg:$0x0] =	wrdreg $0xFFFFFFFF;
	(pc) =	sbr.abs _section_cstart, $3  }
0xbf: {  	[dreg:$0x1] =	wrdreg $0xFFFFFFFF  }
0xc0: {  	_ =	task.clear_ibuf [dreg:s6], $0x2FFFF;
	_ =	strace $0x9FFFFFFF  }
0xc1: {  	(tm) =	ssettm $0x7FFFFFFF  }
tec
execute0_lowered:
.L_overlay_start_1:
0x0: {  	(tag) =	ssettag $0x1  }
0x1: {  	s2 =	rddreg [dreg:$0x0]  }
0x2: {  	s0 =	rddreg [dreg:$0x1]  }
0x3: {  	s4 =	srdreg.scid;
	s1 =	stileid.u32;
	s3 =	simm.s32 $0x0  }
0x4: {  	s14 =	simm.s32 $0x80;
	s15 =	simm.s32 $0x1;
	s16 =	simm.s32 $0x4  }
0x5: {  	s17 =	simm.s32 $0x2;
	s18 =	simm.s32 $0x0;
	s6 =	sand.u32 $0x1, s4  }
0x6: {  	s30 =	sshll.u32 s1, $0x1;
	[smem:$0x7FF] =	sst s3;
	s7 =	smul.u32 $0xA000, s1  }
0x7: {  	s9 =	sadd.s32 $0x4E200, s2;
	s8 =	sadd.s32 $0x62200, s2;
	s12 =	smul.u32 $0xA0000, s1  }
0x8: {  	s4 =	sor.u32 s6, s30;
	s5 =	ssub.s32 $0x2, s6;
	s11 =	smul.u32 $0x5000, s6  }
0x9: {  	_ =	strace $0x80000047;
	s4 =	smul.u32 $0x50000, s4;
	s10 =	sshrl.u32 s5, $0x1  }
0xa: {  	s13 =	smul.u32 $0x50000, s6;
	s10 =	ssub.s32 s5, s10;
	s7 =	sadd.s32 s11, s7  }
0xb: {  	s4 =	sadd.s32 s8, s4;
	s6 =	smax.u32 s10, $0x1;
	s8 =	sadd.s32 s12, s8  }
0xc: {  	s31 =	sor.u32 $0x80, s7;
	s11 =	sshrl.u32 s7, $0x3;
	s12 =	simm.s32 $0x3  }
0xd: {  	s5 =	sadd.s32 $0x800, s4;
	s8 =	sadd.s32 s13, s8;
	s10 =	sshrl.u32 s31, $0x3  }
0xe: {  	s13 =	simm.s32 $0x5;
	s7 =	sadd.s32 $0x800, s8;
	s8 =	sadd.s32 s10, s9  }
0xf: {  	s9 =	sadd.s32 s11, s9;
	s10 =	simm.s32 $0x100;
	s11 =	simm.s32 $0x4100  }
.LBB2_1:
0x10: {  	[hbm4b:s4+s3] =	stream.linear.scatter [tilespmem:s10], [sflag:$0x3], $0x4000, $0x38;
	[tilespmem:$0x8100] =	vst v63  }
0x11: {  	_ = 	snop  }
0x12: {  	[hbm4b:s5+s3] =	stream.linear.scatter [tilespmem:s11], [sflag:$0x4], $0x4000, $0x38;
	[tilespmem:$0x8100] =	vst v63  }
0x13: {  	_ =	swait.ge [sflag:s12], $0x4000  }
0x14: {  	[sflag:s12] =	ssyncset.done $0x0  }
0x15: {  	s19 =	sadd.s32 $0x0, s9;
	[sflag:s12] =	ssyncadd.s32 $0xFFFFC000  }
0x16: {  	[tilespmem:s3], [sflag:$0x5] =	stream.linear.gather [hbm4b:s19+s3], $0x80, $0x38;
	[tilespmem:$0x8100] =	vst v63  }
0x17: {  	_ =	swait.ge [sflag:s13], $0x80  }
0x18: {  	[sflag:s13] =	ssyncset.done $0x0  }
0x19: {  	[sflag:s13] =	ssyncadd.s32 $0xFFFFFF80  }
0x1a: {  	[tilespmem:s10], [sflag:$0x1] =	stream.indirect.gather [hbm4b:s2+s14], $0x80, s3, s14, $0xb8;
	[tilespmem:$0x8100] =	vst v63  }
0x1b: {  	_ =	swait.ge [sflag:s15], $0x4000  }
0x1c: {  	[sflag:s15] =	ssyncset.done $0x0  }
0x1d: {  	s30 =	sadd.s32 $0xFFFFF800, s7;
	[sflag:s15] =	ssyncadd.s32 $0xFFFFC000  }
0x1e: {  	[hbm4b:s30+s3] =	stream.linear.scatter [tilespmem:s10], [sflag:$0x3], $0x4000, $0x38;
	[tilespmem:$0x8100] =	vst v63  }
0x1f: {  	_ =	swait.ge [sflag:s16], $0x4000  }
0x20: {  	[sflag:s16] =	ssyncset.done $0x0  }
0x21: {  	s31 =	sadd.s32 $0x0, s8;
	[sflag:s16] =	ssyncadd.s32 $0xFFFFC000  }
0x22: {  	[tilespmem:s14], [sflag:$0x5] =	stream.linear.gather [hbm4b:s31+s3], $0x80, $0x38;
	[tilespmem:$0x8100] =	vst v63  }
0x23: {  	_ =	swait.ge [sflag:s13], $0x80  }
0x24: {  	[sflag:s13] =	ssyncset.done $0x0  }
0x25: {  	[sflag:s13] =	ssyncadd.s32 $0xFFFFFF80  }
0x26: {  	[tilespmem:s11], [sflag:$0x2] =	stream.indirect.gather [hbm4b:s2+s14], $0x80, s14, s14, $0xb8;
	[tilespmem:$0x8100] =	vst v63  }
0x27: {  	_ =	swait.ge [sflag:s17], $0x4000  }
0x28: {  	s20 =	sadd.s32 $0x1000, s7;
	[sflag:s17] =	ssyncset.done $0x0  }
0x29: {  	s21 =	smov.u32 s7;
	s19 =	simm.s32 $0x20;
	[sflag:s17] =	ssyncadd.s32 $0xFFFFC000  }
.LBB2_2:
0x2a: {  	[hbm4b:s21+s3] =	stream.linear.scatter [tilespmem:s11], [sflag:$0x4], $0x4000, $0x38;
	[tilespmem:$0x8100] =	vst v63  }
0x2b: {  	s22 =	smov.u32 s19;
	s21 =	smov.u32 s20  }
0x2c: {  	p0 =	sne.s32 s19, $0x9E0;
	s19 =	sadd.s32 $0x20, s19;
	_ =	swait.ge [sflag:s12], $0x4000  }
0x2d: {  	[sflag:s12] =	ssyncset.done $0x0  }
0x2e: {  	s23 =	sadd.s32 s22, s9;
	[sflag:s12] =	ssyncadd.s32 $0xFFFFC000  }
0x2f: {  	[tilespmem:s3], [sflag:$0x5] =	stream.linear.gather [hbm4b:s23+s3], $0x80, $0x38;
	[tilespmem:$0x8100] =	vst v63  }
0x30: {  	_ =	swait.ge [sflag:s13], $0x80  }
0x31: {  	[sflag:s13] =	ssyncset.done $0x0  }
0x32: {  	[sflag:s13] =	ssyncadd.s32 $0xFFFFFF80  }
0x33: {  	[tilespmem:s10], [sflag:$0x1] =	stream.indirect.gather [hbm4b:s2+s14], $0x80, s3, s14, $0xb8;
	[tilespmem:$0x8100] =	vst v63  }
0x34: {  	_ =	swait.ge [sflag:s15], $0x4000  }
0x35: {  	[sflag:s15] =	ssyncset.done $0x0  }
0x36: {  	s23 =	sadd.s32 $0xFFFFF800, s20;
	[sflag:s15] =	ssyncadd.s32 $0xFFFFC000  }
0x37: {  	[hbm4b:s23+s3] =	stream.linear.scatter [tilespmem:s10], [sflag:$0x3], $0x4000, $0x38;
	[tilespmem:$0x8100] =	vst v63  }
0x38: {  	_ =	swait.ge [sflag:s16], $0x4000  }
0x39: {  	[sflag:s16] =	ssyncset.done $0x0  }
0x3a: {  	s22 =	sadd.s32 s22, s8;
	[sflag:s16] =	ssyncadd.s32 $0xFFFFC000  }
0x3b: {  	[tilespmem:s14], [sflag:$0x5] =	stream.linear.gather [hbm4b:s22+s3], $0x80, $0x38;
	[tilespmem:$0x8100] =	vst v63  }
0x3c: {  	_ =	swait.ge [sflag:s13], $0x80  }
0x3d: {  	[sflag:s13] =	ssyncset.done $0x0  }
.Ltmp0:
0x3e: {  	[sflag:s13] =	ssyncadd.s32 $0xFFFFFF80;
	(pc) =	sbr.rel @p0 .LBB2_2-.Ltmp0, $4  }
0x3f: {  	[tilespmem:s11], [sflag:$0x2] =	stream.indirect.gather [hbm4b:s2+s14], $0x80, s14, s14, $0xb8;
	[tilespmem:$0x8100] =	vst v63  }
0x40: {  	_ =	swait.ge [sflag:s17], $0x4000  }
0x41: {  	[sflag:s17] =	ssyncset.done $0x0  }
0x42: {  	s20 =	sadd.s32 $0x1000, s20;
	[sflag:s17] =	ssyncadd.s32 $0xFFFFC000  }
0x43: {  	[hbm4b:s21+s3] =	stream.linear.scatter [tilespmem:s11], [sflag:$0x4], $0x4000, $0x38;
	[tilespmem:$0x8100] =	vst v63  }
0x44: {  	s18 =	sadd.s32 $0x1, s18  }
0x45: {  	_ =	swait.ge [sflag:s12], $0x4000;
	p0 =	sne.s32 s18, s6  }
.Ltmp1:
0x46: {  	[sflag:s12] =	ssyncset.done $0x0;
	(pc) =	sbr.rel @p0 .LBB2_1-.Ltmp1, $4  }
0x47: {  	[sflag:s12] =	ssyncadd.s32 $0xFFFFC000  }
0x48: {  	_ =	swait.ge [sflag:s16], $0x4000  }
0x49: {  	[sflag:s16] =	ssyncset.done $0x0  }
0x4a: {  	[sflag:s16] =	ssyncadd.s32 $0xFFFFC000  }
0x4b: {  	_ =	sfence.sel $0x180000  }
0x4c: {  	[bflag:$0x0] =	sbarrier.arrive $0xFFFF  }
0x4d: {  	p0 =	sne.s32 s1, $0x0;
	_ =	strace $0x90000047  }
0x4e: {  	s0 =	sadd.s32 @!p0 $0x100000, s0;
	[bflag:$0x2] =	sbarrier.arrive $0xFFFF  }
0x4f: {  	[sflag:s0] =	ssyncadd.tile.s32 @!p0 $0x1;
	_ =	shalt  }
.Lfunc_end2:
_tile_overlayer_lowered:
.L_overlay_start_2:
0x50: {  	(tag) =	ssettag $0x2  }
0x51: {  	s0 =	rddreg [dreg:$0x0];
	s2 =	stileid.u32  }
0x52: {  	s1 =	rddreg [dreg:$0x1];
	p0 =	sne.s32 s2, $0x0  }
0x53: {  	s3 =	rddreg [dreg:$0x2];
	[bflag:$0x3] =	sbarrier.arrive $0xFFFF;
	s2 =	simm.s32 @!p0 $0x1C05  }
0x54: {  	[timem:s3], [sflag:s2] =	dma.local @!p0 [hbm:s0], s1  }
0x55: {  	s0 =	simm.s32 @!p0 $0x5  }
0x56: {  	_ =	swait.ge @!p0 [sflag:s0], s1  }
0x57: {  	s1 =	ssub.s32 @!p0 $0x0, s1;
	[sflag:s0] =	ssyncset.done @!p0 $0x0  }
0x58: {  	[sflag:s0] =	ssyncadd.s32 @!p0 s1  }
0x59: {  	[bflag:$0x3] =	sbarrier.arrive $0xFFFF  }
0x5a: {  	_ =	shalt  }

// kernel: scatter_offload_async_start.1
scs
__scs_entry_jumppad:
0x0: {  	(pc) =	sbr.rel $0x88, $3  }
0x1: {  	(tag) =	ssettag $0x0;
	lr =	simm.s32 $0x1  }
0x2: {  	[smem:$0x3F96] =	sst lr;
	_ =	strace $0xD0000000  }
0x3: {  	_ = 	snop  }
0x4: {  	_ = 	snop  }
0x5: {  	_ = 	snop  }
0x6: {  	_ = 	snop  }
0x7: {  	_ = 	snop  }
__scs_overlays_trampoline_lowered:
0x8: {  	[smem:$0x3FA5] =	sst s0  }
0x9: {  	[smem:$0x3FA6] =	sst s1  }
0xa: {  	[smem:$0x3FA7] =	sst s2  }
0xb: {  	[smem:$0x3FA8] =	sst s3  }
0xc: {  	[smem:$0x3FA9] =	sst s4  }
0xd: {  	[smem:$0x3FAA] =	sst s5  }
0xe: {  	[smem:$0x3FAB] =	sst s6  }
0xf: {  	[smem:$0x3FAC] =	sst s7  }
0x10: {  	[smem:$0x3FAD] =	sst s8  }
0x11: {  	[smem:$0x3FAE] =	sst s9;
	s0 =	simm.s32 @!p0 $0x0  }
0x12: {  	s1 =	sld [smem:$0x3F94];
	s0 =	simm.s32 @p0 $0x1  }
0x13: {  	[smem:$0x3FAF] =	sst s0;
	s0 =	simm.s32 @!p1 $0x0  }
0x14: {  	s2 =	sld [smem:$0x3F93];
	s0 =	simm.s32 @p1 $0x1  }
0x15: {  	[smem:$0x3FB0] =	sst s0;
	s0 =	simm.s32 @!p2 $0x0  }
0x16: {  	s3 =	sld [smem:$0x3FDB];
	s0 =	simm.s32 @p2 $0x1  }
0x17: {  	s4 =	simm.s32 $0x1BF5;
	[smem:$0x3FB2] =	sst s0  }
0x18: {  	s0 =	sld [smem:$0x3F95];
	_ =	swait.ge [sflag:s4], $0x0  }
0x19: {  	s7 =	sld [smem:$0x3F96]  }
0x1a: {  	s8 =	sadd.s32 $0xFFFFE003, lr  }
0x1b: {  	s9 =	sadd.s32 $0xFFFFFEF7, lr;
	s5 =	simm.s32 $0xFFFFFFFF;
	p2 =	slt.u32 s8, $0xFFFFF086  }
0x1c: {  	p1 =	slt.u32 s9, $0xF7A;
	s5 =	simm.s32 @!p2 $0x0  }
0x1d: {  	s5 =	simm.s32 @p1 $0x1;
	p0 =	seq.s32 s7, s2  }
0x1e: {  	s7 =	smul.u32 @!p0 $0xF7A, s2;
	p2 =	seq.s32 @!p0 s5, $0x0  }
0x1f: {  	s9 =	smul.u32 $0xF7A, s1;
	s8 =	simm.s32 @!p0 $0x1BF5;
	p2 =	por !p2, p0  }
0x20: {  	[sflag:s8] =	ssyncset.s32 @!p0 $0xFFFFF086;
	s6 =	sadd.s32 @!p0 s3, s7;
	s7 =	simm.s32 @!p0 $0x108  }
0x21: {  	s3 =	sadd.s32 s3, s9;
	s6 =	sadd.s32 @!p0 $0x88, s6;
	s7 =	simm.s32 @p2 $0x1082  }
0x22: {  	[simem:s7], [sflag:s8] =	dma.local @!p0 [hbm:s6], $0xF7A  }
0x23: {  	s9 =	sor.u32 $0xD0000000, s2;
	s6 =	simm.s32 $0x108;
	_ =	swait.ge @!p0 [sflag:s8], $0x0  }
0x24: {  	s3 =	sadd.s32 $0x88, s3;
	s6 =	simm.s32 @!p1 $0x1082;
	[sflag:s4] =	ssyncset.s32 $0xFFFFF086  }
0x25: {  	[simem:s6], [sflag:s4] =	dma.local [hbm:s3], $0xF7A  }
0x26: {  	[smem:$0x3F96] =	sst s1;
	(tag) =	ssettag s2;
	_ =	strace s9  }
0x27: {  	s1 =	sld [smem:$0x3FA6]  }
0x28: {  	s2 =	sld [smem:$0x3FA7]  }
0x29: {  	s4 =	sld [smem:$0x3FA9]  }
0x2a: {  	p0 =	seq.s32 s5, $0x0;
	s5 =	sld [smem:$0x3FAA]  }
0x2b: {  	s6 =	sld [smem:$0x3FAB]  }
0x2c: {  	s7 =	sld [smem:$0x3FAC]  }
0x2d: {  	s3 =	simm.s32 $0x108;
	s8 =	sld [smem:$0x3FAD]  }
0x2e: {  	s3 =	simm.s32 @!p0 $0x1082;
	s9 =	sld [smem:$0x3FAE]  }
0x2f: {  	lr =	sadd.s32 s0, s3;
	s0 =	sld [smem:$0x3FA5]  }
0x30: {  	s3 =	sld [smem:$0x3FA8]  }
0x31: {  	[smem:$0x3FB1] =	sst s10  }
0x32: {  	s10 =	sld [smem:$0x3FAF];
	_ =	sdelay $0x3  }
0x33: {  	p0 =	seq.s32 s10, $0x1;
	s10 =	sld [smem:$0x3FB1];
	_ =	sdelay $0x3  }
0x34: {  	[smem:$0x3FB1] =	sst s10  }
0x35: {  	s10 =	sld [smem:$0x3FB0];
	_ =	sdelay $0x3  }
0x36: {  	p1 =	seq.s32 s10, $0x1;
	s10 =	sld [smem:$0x3FB1];
	_ =	sdelay $0x3  }
0x37: {  	[smem:$0x3FB1] =	sst s10  }
0x38: {  	s10 =	sld [smem:$0x3FB2]  }
0x39: {  	_ = 	snop;
	(pc) =	sbr.ind lr, $3  }
0x3a: {  	_ = 	snop  }
0x3b: {  	_ = 	snop  }
0x3c: {  	p2 =	seq.s32 s10, $0x1;
	s10 =	sld [smem:$0x3FB1]  }
0x3d: {  	_ =	shalt  }
0x3e: {  	_ =	shalt  }
0x3f: {  	_ =	shalt  }
0x40: {  	_ =	shalt  }
0x41: {  	_ =	shalt  }
0x42: {  	_ =	shalt  }
0x43: {  	_ =	shalt  }
0x44: {  	_ =	shalt  }
0x45: {  	_ =	shalt  }
0x46: {  	_ =	shalt  }
0x47: {  	_ =	shalt  }
0x48: {  	_ =	shalt  }
0x49: {  	_ =	shalt  }
0x4a: {  	_ =	shalt  }
0x4b: {  	_ =	shalt  }
0x4c: {  	_ =	shalt  }
0x4d: {  	_ =	shalt  }
0x4e: {  	_ =	shalt  }
0x4f: {  	_ =	shalt  }
0x50: {  	_ =	shalt  }
0x51: {  	_ =	shalt  }
0x52: {  	_ =	shalt  }
0x53: {  	_ =	shalt  }
0x54: {  	_ =	shalt  }
0x55: {  	_ =	shalt  }
0x56: {  	_ =	shalt  }
0x57: {  	_ =	shalt  }
0x58: {  	_ =	shalt  }
0x59: {  	_ =	shalt  }
0x5a: {  	_ =	shalt  }
0x5b: {  	_ =	shalt  }
0x5c: {  	_ =	shalt  }
0x5d: {  	_ =	shalt  }
0x5e: {  	_ =	shalt  }
0x5f: {  	_ =	shalt  }
0x60: {  	_ =	shalt  }
0x61: {  	_ =	shalt  }
0x62: {  	_ =	shalt  }
0x63: {  	_ =	shalt  }
0x64: {  	_ =	shalt  }
0x65: {  	_ =	shalt  }
0x66: {  	_ =	shalt  }
0x67: {  	_ =	shalt  }
0x68: {  	_ =	shalt  }
0x69: {  	_ =	shalt  }
0x6a: {  	_ =	shalt  }
0x6b: {  	_ =	shalt  }
0x6c: {  	_ =	shalt  }
0x6d: {  	_ =	shalt  }
0x6e: {  	_ =	shalt  }
0x6f: {  	_ =	shalt  }
0x70: {  	_ =	shalt  }
0x71: {  	_ =	shalt  }
0x72: {  	_ =	shalt  }
0x73: {  	_ =	shalt  }
0x74: {  	_ =	shalt  }
0x75: {  	_ =	shalt  }
0x76: {  	_ =	shalt  }
0x77: {  	_ =	shalt  }
0x78: {  	_ =	shalt  }
0x79: {  	_ =	shalt  }
0x7a: {  	_ =	shalt  }
0x7b: {  	_ =	shalt  }
0x7c: {  	_ =	shalt  }
0x7d: {  	_ =	shalt  }
0x7e: {  	_ =	shalt  }
0x7f: {  	_ =	shalt  }
0x80: {  	_ =	shalt  }
0x81: {  	_ =	shalt  }
0x82: {  	_ =	shalt  }
0x83: {  	_ =	shalt  }
0x84: {  	_ =	shalt  }
0x85: {  	_ =	shalt  }
0x86: {  	_ =	shalt  }
0x87: {  	_ =	shalt  }
.Lfunc_end0:
.L_simem_size_0:
called_computation.1_lowered:
.L_overlay_start_0:
0x88: {  	s2 =	sld [smem:$0x3FD9]  }
0x89: {  	s3 =	sld [smem:$0x3FFE];
	_ =	sdelay $0x1  }
0x8a: {  	s1 =	srdreg.scid  }
0x8b: {  	s0 =	sand.u32 $0x1, s1  }
0x8c: {  	s12 =	sshll.u32 s0, $0xA;
	s2 =	sadd.s32 s3, s2  }
0x8d: {  	s2 =	sadd.s32 s2, s12  }
0x8e: {  	[smem:$0x3FBD] =	sst s2  }
0x8f: {  	_ = 	snop  }
0x90: {  	(tm) =	ssettm $0x1  }
0x91: {  	s13 =	sld [smem:$0x3FFB];
	_ =	sdelay $0x3  }
0x92: {  	_ =	strace s13  }
0x93: {  	s2 =	sld [smem:$0x3FFC];
	_ =	sdelay $0x3  }
0x94: {  	_ =	strace s2  }
0x95: {  	s2 =	sld [smem:$0x3FFD];
	_ =	sdelay $0x3  }
0x96: {  	_ =	strace s2  }
0x97: {  	_ =	strace $0x8FFFFFFF  }
0x98: {  	s14 =	sld [smem:$0x3FDB];
	_ =	sdelay $0x1  }
0x99: {  	s15 =	simm.s32 $_scs_section_size  }
0x9a: {  	s4 =	simm.s32 $_size__tile_overlayer_lowered;
	s5 =	simm.s32 $_tile_overlayer_lowered  }
0x9b: {  	s19 =	simm.s32 $0x1BFF;
	s17 =	sshll.u32 s5, $0x1;
	s6 =	sadd.s32 s15, s14  }
0x9c: {  	s20 =	simm.s32 $0x0;
	s16 =	sshll.u32 s4, $0x1;
	s18 =	sadd.s32 s17, s6  }
0x9d: {  	[timem:s20], [sflag:s19] =	dma.local [hbm:s18], s16  }
0x9e: {  	_ =	swait.ge [sflag:s19], s16  }
0x9f: {  	s3 =	ssub.s32 $0x0, s16;
	[sflag:s19] =	ssyncset.done $0x0  }
0xa0: {  	[sflag:s19] =	ssyncadd.s32 s3;
	_ =	sdelay $0x1  }
0xa1: {  	s21 =	simm.s32 $0x1B8B  }
0xa2: {  	_ =	swait.ge [sflag:s21], $0x1  }
0xa3: {  	[sflag:s21] =	ssyncset.done $0x0  }
0xa4: {  	[sflag:s21] =	ssyncadd.s32 $0xFFFFFFFF  }
0xa5: {  	s3 =	sld [smem:$0x0]  }
0xa6: {  	s4 =	sand.u32 $0xFFFFFFFE, s1  }
0xa7: {  	p0 =	sne.s32 s1, s4  }
0xa8: {  	s4 =	sshll.u32 @p0 s4, $0xE  }
0xa9: {  	s5 =	sadd.s32 @p0 $0x11B8D, s4;
	s7 =	sshll.u32 @p0 s3, $0x11  }
0xaa: {  	s5 =	sor.u32 @p0 s7, s5  }
0xab: {  	[sflag:s5] =	ssyncadd.remote.s32 @p0 $0x1;
	_ =	sdelay $0x1  }
0xac: {  	s5 =	simm.s32 @p0 $0x1B8D  }
0xad: {  	_ =	swait.eq @p0 [sflag:s5], $0x1  }
0xae: {  	[sflag:s5] =	ssyncadd.s32 @p0 $0xFFFFFFFF  }
0xaf: {  	s7 =	sshll.u32 @!p0 s1, $0xE  }
0xb0: {  	s7 =	sor.u32 @!p0 $0x4000, s7;
	s5 =	simm.s32 @!p0 $0x1B8D  }
0xb1: {  	s9 =	sshll.u32 @!p0 s3, $0x11;
	s8 =	sadd.s32 @!p0 $0x11B8D, s7;
	_ =	swait.eq @!p0 [sflag:s5], $0x1  }
0xb2: {  	[sflag:s5] =	ssyncadd.s32 @!p0 $0xFFFFFFFF;
	s5 =	sor.u32 @!p0 s9, s8  }
0xb3: {  	s23 =	simm.s32 $0x1B8E;
	s22 =	sld [smem:$0x3FFE];
	[sflag:s5] =	ssyncadd.remote.s32 @!p0 $0x1  }
0xb4: {  	s24 =	simm.s32 $execute0_lowered;
	[smem:$0x3FD2] =	sst s23  }
0xb5: {  	s8 =	sshll.u32 s24, $0x1;
	_ =	strace $0x8000005B;
	[dreg:$0x1] =	wrdreg $0xFFFFFFFF  }
0xb6: {  	s25 =	simm.s32 $_size_execute0_lowered;
	s8 =	sadd.s32 s6, s8;
	[dreg:$0x0] =	wrdreg $0x0  }
0xb7: {  	s9 =	sshll.u32 s25, $0x1;
	[dreg:$0x2] =	wrdreg s8  }
0xb8: {  	[dreg:$0x3] =	wrdreg s9  }
0xb9: {  	[dreg:$0x4] =	wrdreg $0xC0  }
0xba: {  	s26 =	simm.s32 $execute1_lowered;
	_ =	task [dreg:s20], $0x5FFFF  }
0xbb: {  	s8 =	sshll.u32 s26, $0x1;
	[dreg:$0x1] =	wrdreg $0xFFFFFFFF  }
0xbc: {  	s6 =	sadd.s32 s6, s8;
	[dreg:$0x0] =	wrdreg $0x60  }
0xbd: {  	[dreg:$0x2] =	wrdreg s6  }
0xbe: {  	[dreg:$0x3] =	wrdreg s22  }
0xbf: {  	[dreg:$0x4] =	wrdreg $0xF  }
0xc0: {  	_ =	task.clear_ibuf [dreg:s20], $0x5FFFF;
	_ =	strace $0x9000005B  }
0xc1: {  	s28 =	simm.s32 $0xF;
	_ =	strace $0x8000005D  }
0xc2: {  	_ =	swait.ge [sflag:s28], $0x1  }
0xc3: {  	[sflag:s28] =	ssyncadd.s32 $0xFFFFFFFF  }
0xc4: {  	_ =	strace $0x9000005D  }
0xc5: {  	s6 =	sld [smem:$0x0];
	_ =	sdelay $0x3  }
0xc6: {  	s4 =	sadd.s32 @p0 $0x11BF3, s4;
	s8 =	sshll.u32 @p0 s6, $0x11  }
0xc7: {  	s4 =	sor.u32 @p0 s8, s4  }
0xc8: {  	[sflag:s4] =	ssyncadd.remote.s32 @p0 $0x1;
	_ =	sdelay $0x1  }
0xc9: {  	s4 =	simm.s32 @p0 $0x1BF3  }
0xca: {  	_ =	swait.eq @p0 [sflag:s4], $0x1  }
0xcb: {  	[sflag:s4] =	ssyncadd.s32 @p0 $0xFFFFFFFF;
	_ =	sdelay $0x1  }
0xcc: {  	s4 =	simm.s32 @!p0 $0x1BF3  }
0xcd: {  	s7 =	sadd.s32 @!p0 $0x11BF3, s7;
	s6 =	sshll.u32 @!p0 s6, $0x11;
	_ =	swait.eq @!p0 [sflag:s4], $0x1  }
0xce: {  	[sflag:s4] =	ssyncadd.s32 @!p0 $0xFFFFFFFF;
	s4 =	sor.u32 @!p0 s6, s7  }
0xcf: {  	[sflag:s4] =	ssyncadd.remote.s32 @!p0 $0x1  }
0xd0: {  	_ =	strace $0x8000005E;
	[dreg:$0x1] =	wrdreg $0xFFFFFFFF  }
0xd1: {  	[dreg:$0x0] =	wrdreg $0x2030  }
0xd2: {  	[dreg:$0x2] =	wrdreg s22  }
0xd3: {  	[dreg:$0x3] =	wrdreg s1  }
0xd4: {  	[dreg:$0x4] =	wrdreg s3  }
0xd5: {  	[dreg:$0x5] =	wrdreg $0x10  }
0xd6: {  	_ =	task.clear_ibuf [dreg:s20], $0x6FFFF;
	_ =	strace $0x9000005E  }
0xd7: {  	s29 =	simm.s32 $0x10;
	_ =	strace $0x80000060  }
0xd8: {  	_ =	swait.ge [sflag:s29], $0x1  }
0xd9: {  	[sflag:s29] =	ssyncadd.s32 $0xFFFFFFFF  }
0xda: {  	_ =	strace $0x90000060  }
0xdb: {  	_ =	sfence  }
0xdc: {  	s30 =	sld [smem:$0x0];
	_ =	sdelay $0x2  }
0xdd: {  	s31 =	sshll.u32 s1, $0xD;
	s1 =	sshrl.u32 s1, $0x2  }
0xde: {  	s4 =	sand.u32 $0x4000, s31;
	s1 =	sadd.s32 s1, s30  }
0xdf: {  	s0 =	sor.u32 s4, s0;
	s1 =	sshll.u32 s1, $0x11  }
0xe0: {  	s0 =	sor.u32 s1, s0  }
0xe1: {  	s0 =	sadd.s32 $0x8F2B, s0  }
0xe2: {  	[sflag:s0] =	ssyncadd.remote.s32 $0x1  }
0xe3: {  	_ =	sfence.sel $0xFFFF  }
0xe4: {  	[dreg:$0x0] =	wrdreg $0xFFFFFFFF;
	(pc) =	sbr.abs _section_cstart, $3  }
0xe5: {  	[dreg:$0x1] =	wrdreg $0xFFFFFFFF  }
0xe6: {  	_ =	task.clear_ibuf [dreg:s20], $0x2FFFF;
	_ =	strace $0x9FFFFFFF  }
0xe7: {  	(tm) =	ssettm $0x7FFFFFFF  }
tec
execute0_lowered:
.L_overlay_start_1:
0x0: {  	(tag) =	ssettag $0x1  }
0x1: {  	s3 =	rddreg [dreg:$0x0]  }
0x2: {  	s2 =	rddreg [dreg:$0x1]  }
0x3: {  	s0 =	rddreg [dreg:$0x2];
	s4 =	stileid.u32;
	[bflag:$0x3] =	sbarrier.arrive $0xFFFF  }
0x4: {  	s1 =	simm.s32 $_size_execute1_lowered;
	s29 =	srdreg.scid;
	p0 =	sne.s32 s4, $0x0  }
0x5: {  	s1 =	sshll.u32 s1, $0x1;
	s5 =	simm.s32 @!p0 $0x1C3F;
	s6 =	simm.s32 @!p0 $0x4060  }
0x6: {  	[timem:s6], [sflag:s5] =	dma.local @!p0 [hbm:s3], s1  }
0x7: {  	s3 =	sshll.u32 s29, $0x7  }
0x8: {  	s4 =	sshll.u32 s4, $0x8;
	s3 =	sand.u32 $0x80, s3  }
0x9: {  	s7 =	simm.s32 $0x1;
	s8 =	simm.s32 $0x2;
	s3 =	sor.u32 s4, s3  }
0xa: {  	s9 =	simm.s32 $0x0;
	s12 =	simm.s32 $0x0;
	s30 =	ssub.s32 $0x2800, s3  }
.Ltmp0:
0xb: {  	s11 =	simm.s32 $0x0;
	s31 =	sand.u32 $0xF80, s30;
	(pc) =	sbr.rel .LBB2_1-.Ltmp0, $4  }
0xc: {  	s5 =	simm.s32 $0x1;
	_ =	strace $0x8000005C;
	p1 =	sne.s32 s31, $0x0  }
0xd: {  	[sflag:s5] =	ssyncpa.u1 $0x0;
	s6 =	sshrl.u32 s30, $0xC;
	s7 =	simm.s32 @!p1 $0x0  }
0xe: {  	s4 =	sadd.s32 $0x63C00, s2;
	[sflag:s8] =	ssyncpa.u1 $0x0;
	s6 =	sadd.s32 s7, s6  }
0xf: {  	s8 =	simm.s32 $0x0;
	s10 =	smov.u32 s3;
	s7 =	sadd.s32 $0x1, s6  }
.LBB2_4:
0x10: {  	_ =	sdelay $0x3  }
0x11: {  	[tilespmem:v0+s14+$0xFFFFFFA0 ss:$0x1] =	vst.idx.msk $0xffff, v6  }
0x12: {  	v56 =	vld.idx.msk [tilespmem:v1+s15+$0x30 ss:$0x1], $0xffff;
	[tilespmem:v0+s14+$0xFFFFFFB0 ss:$0x1] =	vst.idx.msk $0xffff, v4  }
0x13: {  	v57 =	vld.idx.msk [tilespmem:v1+s15+$0xFFFFFFC0 ss:$0x1], $0xffff;
	[tilespmem:v0+s14+$0xFFFFFFC0 ss:$0x1] =	vst.idx.msk $0xffff, v2  }
0x14: {  	v58 =	vld.idx.msk [tilespmem:v1+s15+$0xFFFFFFD0 ss:$0x1], $0xffff;
	[tilespmem:v0+s14+$0xFFFFFFD0 ss:$0x1] =	vst.idx.msk $0xffff, v3  }
0x15: {  	v59 =	vld.idx.msk [tilespmem:v1+s15+$0xFFFFFFE0 ss:$0x1], $0xffff;
	[tilespmem:v0+s14+$0xFFFFFFE0 ss:$0x1] =	vst.idx.msk $0xffff, v5  }
0x16: {  	v60 =	vld.idx.msk [tilespmem:v1+s15+$0xFFFFFFF0 ss:$0x1], $0xffff;
	[tilespmem:v0+s14+$0xFFFFFFF0 ss:$0x1] =	vst.idx.msk $0xffff, v7;
	s12 =	sand.u32 $0x1FFFFFF, s12  }
0x17: {  	v61 =	vld.idx.msk [tilespmem:v1+s15+$0x0 ss:$0x1], $0xffff;
	s31 =	smulhi.u32 $0xCCCCCD, s12;
	[tilespmem:v0+s15+$0x0 ss:$0x1] =	vst.idx.msk $0xffff, v56  }
0x18: {  	v62 =	vld.idx.msk [tilespmem:v1+s15+$0x10 ss:$0x1], $0xffff;
	[tilespmem:v0+s15+$0xFFFFFF90 ss:$0x1] =	vst.idx.msk $0xffff, v57  }
0x19: {  	v63 =	vld.idx.msk [tilespmem:v1+s15+$0x20 ss:$0x1], $0xffff;
	s14 =	sshrl.u32 s31, $0x5;
	[tilespmem:v0+s15+$0xFFFFFFA0 ss:$0x1] =	vst.idx.msk $0xffff, v58  }
0x1a: {  	s14 =	smul.u32 $0x2800, s14;
	[tilespmem:v0+s15+$0xFFFFFFB0 ss:$0x1] =	vst.idx.msk $0xffff, v59  }
0x1b: {  	[tilespmem:v0+s15+$0xFFFFFFC0 ss:$0x1] =	vst.idx.msk $0xffff, v60  }
0x1c: {  	[tilespmem:v0+s15+$0xFFFFFFD0 ss:$0x1] =	vst.idx.msk $0xffff, v61;
	s12 =	ssub.s32 s12, s14  }
0x1d: {  	[tilespmem:v0+s15+$0xFFFFFFE0 ss:$0x1] =	vst.idx.msk $0xffff, v62;
	s12 =	sshll.u32 s12, $0x4  }
0x1e: {  	[tilespmem:v0+s15+$0xFFFFFFF0 ss:$0x1] =	vst.idx.msk $0xffff, v63;
	s12 =	sadd.s32 s4, s12  }
0x1f: {  	[hbm4b:s12+s8] =	stream.linear.scatter [tilespmem:s13], [sflag:$0x2], $0x4000, $0x38;
	[tilespmem:$0x10000] =	vst v63  }
.LBB2_5:
0x20: {  	s14 =	sadd.s32 $0x1000, s10  }
0x21: {  	p2 =	sgt.s32 s14, $0x27FF  }
0x22: {  	s14 =	smov.u32 @p2 s3;
	p2 =	sne.s32 s11, s7  }
.Ltmp1:
0x23: {  	p1 =	slt.u32 s11, $0x2;
	(pc) =	sbr.rel @!p2 .LBB2_6-.Ltmp1, $4  }
0x24: {  	s13 =	simm.s32 @!p1 $0x2  }
0x25: {  	s15 =	sadd.s32 $0x1, s11;
	_ =	swait.ge @!p1 [sflag:s13], $0x4000  }
0x26: {  	s12 =	smov.u32 s10;
	s9 =	sadd.s32 $0x4000, s9;
	[sflag:s13] =	ssyncset.done @!p1 $0x0  }
0x27: {  	s11 =	smov.u32 s15;
	s10 =	smov.u32 s14;
	[sflag:s13] =	ssyncadd.s32 @!p1 $0xFFFFC000  }
.LBB2_1:
0x28: {  	p1 =	sge.u32 s11, s6  }
0x29: {  	s13 =	sand.u32 @!p1 $0x1FFFFFF, s10  }
0x2a: {  	s14 =	smulhi.u32 @!p1 $0xCCCCCD, s13;
	_ =	sdelay $0x1  }
0x2b: {  	s14 =	sshrl.u32 @!p1 s14, $0x5  }
0x2c: {  	s14 =	smul.u32 @!p1 $0x2800, s14;
	_ =	sdelay $0x1  }
0x2d: {  	s15 =	sxor.u32 @!p1 $0xFFFFFFFF, s11;
	s13 =	ssub.s32 @!p1 s13, s14  }
0x2e: {  	s31 =	sadd.s32 $0xFFFFFFFF, s11;
	s14 =	sshll.u32 @!p1 s15, $0xE;
	s13 =	sshll.u32 @!p1 s13, $0x4  }
0x2f: {  	s15 =	simm.s32 @!p1 $0x0;
	s14 =	sand.u32 @!p1 $0x4000, s14;
	s13 =	sadd.s32 @!p1 s2, s13  }
0x30: {  	[tilespmem:s14], [sflag:$0x1] =	stream.linear.gather @!p1 [hbm4b:s13+s15], $0x4000, $0x38;
	[tilespmem:$0x10000] =	vst v63  }
0x31: {  	p1 =	sge.u32 s31, s6  }
.Ltmp2:
0x32: {  	_ = 	snop;
	(pc) =	sbr.rel @p1 .LBB2_5-.Ltmp2, $1  }
0x33: {  	_ =	sdelay $0x3  }
0x34: {  	s13 =	sand.u32 $0x4000, s9  }
0x35: {  	s14 =	sor.u32 $0x40, s13  }
0x36: {  	v1 =	vmov s14;
	_ =	sdelay $0x1  }
0x37: {  	_ =	swait.ge [sflag:s5], $0x4000  }
0x38: {  	[sflag:s5] =	ssyncset.done $0x0  }
0x39: {  	[sflag:s5] =	ssyncadd.s32 $0xFFFFC000;
	s14 =	simm.s32 $0x0  }
0x3a: {  	s13 =	sor.u32 $0x8070, s13;
	v7 =	vld.idx.msk [tilespmem:v1+s14+$0x30 ss:$0x1], $0xffff  }
0x3b: {  	v0 =	vmov s13;
	v8 =	vld.idx.msk [tilespmem:v1+s14+$0xFFFFFFC0 ss:$0x1], $0xffff  }
0x3c: {  	v6 =	vld.idx.msk [tilespmem:v1+s14+$0xFFFFFFD0 ss:$0x1], $0xffff  }
0x3d: {  	v4 =	vld.idx.msk [tilespmem:v1+s14+$0xFFFFFFE0 ss:$0x1], $0xffff  }
0x3e: {  	v2 =	vld.idx.msk [tilespmem:v1+s14+$0xFFFFFFF0 ss:$0x1], $0xffff  }
0x3f: {  	s31 =	sshll.u32 s11, $0xE;
	v3 =	vld.idx.msk [tilespmem:v1+s14+$0x0 ss:$0x1], $0xffff  }
0x40: {  	s13 =	sand.u32 $0x4000, s31;
	v5 =	vld.idx.msk [tilespmem:v1+s14+$0x10 ss:$0x1], $0xffff;
	[tilespmem:v0+s14+$0x0 ss:$0x1] =	vst.idx.msk $0xffff, v7  }
0x41: {  	s15 =	simm.s32 $0x80;
	s16 =	simm.s32 $0x400;
	s13 =	sor.u32 $0x8000, s13;
	[tilespmem:v0+s14+$0xFFFFFF90 ss:$0x1] =	vst.idx.msk $0xffff, v8;
	v7 =	vld.idx.msk [tilespmem:v1+s14+$0x20 ss:$0x1], $0xffff  }
.LBB2_3:
0x42: {  	p1 =	sne.s32 s16, $0xFE00;
	v8 =	vld.idx.msk [tilespmem:v1+s15+$0x30 ss:$0x1], $0xffff;
	[tilespmem:v0+s14+$0xFFFFFFA0 ss:$0x1] =	vst.idx.msk $0xffff, v6  }
0x43: {  	v9 =	vld.idx.msk [tilespmem:v1+s15+$0xFFFFFFC0 ss:$0x1], $0xffff;
	[tilespmem:v0+s14+$0xFFFFFFB0 ss:$0x1] =	vst.idx.msk $0xffff, v4  }
0x44: {  	v6 =	vld.idx.msk [tilespmem:v1+s15+$0xFFFFFFD0 ss:$0x1], $0xffff;
	[tilespmem:v0+s14+$0xFFFFFFC0 ss:$0x1] =	vst.idx.msk $0xffff, v2  }
.Ltmp3:
0x45: {  	v4 =	vld.idx.msk [tilespmem:v1+s15+$0xFFFFFFE0 ss:$0x1], $0xffff;
	[tilespmem:v0+s14+$0xFFFFFFD0 ss:$0x1] =	vst.idx.msk $0xffff, v3;
	(pc) =	sbr.rel @p1 .LBB2_3-.Ltmp3, $4  }
0x46: {  	v2 =	vld.idx.msk [tilespmem:v1+s15+$0xFFFFFFF0 ss:$0x1], $0xffff;
	[tilespmem:v0+s14+$0xFFFFFFE0 ss:$0x1] =	vst.idx.msk $0xffff, v5  }
0x47: {  	v3 =	vld.idx.msk [tilespmem:v1+s15+$0x0 ss:$0x1], $0xffff;
	[tilespmem:v0+s14+$0xFFFFFFF0 ss:$0x1] =	vst.idx.msk $0xffff, v7;
	s14 =	smov.u32 s15  }
0x48: {  	v5 =	vld.idx.msk [tilespmem:v1+s14+$0x10 ss:$0x1], $0xffff;
	[tilespmem:v0+s14+$0x0 ss:$0x1] =	vst.idx.msk $0xffff, v8  }
0x49: {  	s15 =	sshra.s32 s16, $0x2;
	s16 =	sadd.s32 $0x200, s16;
	[tilespmem:v0+s14+$0xFFFFFF90 ss:$0x1] =	vst.idx.msk $0xffff, v9;
	v7 =	vld.idx.msk [tilespmem:v1+s14+$0x20 ss:$0x1], $0xffff  }
.Ltmp4:
0x4a: {  	_ = 	snop;
	(pc) =	sbr.rel .LBB2_4-.Ltmp4, $1  }
0x4b: {  	_ =	sdelay $0x3  }
.LBB2_6:
0x4c: {  	_ =	sfence.sel $0x180000  }
0x4d: {  	s2 =	simm.s32 $0x1;
	[bflag:$0x0] =	sbarrier.arrive $0xFFFF  }
0x4e: {  	s31 =	simm.s32 $0x2;
	[sflag:s2] =	ssyncpa.u1 $0x1  }
0x4f: {  	[sflag:s31] =	ssyncpa.u1 $0x1  }
0x50: {  	_ =	strace $0x9000005C  }
0x51: {  	s0 =	sadd.s32 @!p0 $0x100000, s0;
	[bflag:$0x2] =	sbarrier.arrive $0xFFFF  }
0x52: {  	[sflag:s0] =	ssyncadd.tile.s32 @!p0 $0x1;
	s0 =	simm.s32 @!p0 $0x3F  }
0x53: {  	_ =	swait.ge @!p0 [sflag:s0], s1  }
0x54: {  	s1 =	ssub.s32 @!p0 $0x0, s1;
	[sflag:s0] =	ssyncset.done @!p0 $0x0  }
0x55: {  	[sflag:s0] =	ssyncadd.s32 @!p0 s1  }
0x56: {  	[bflag:$0x3] =	sbarrier.arrive $0xFFFF  }
0x57: {  	_ =	shalt  }
.Lfunc_end2:
execute1_lowered:
.L_overlay_start_2:
0x58: {  	(tag) =	ssettag $0x2  }
0x59: {  	s2 =	rddreg [dreg:$0x0]  }
0x5a: {  	s3 =	rddreg [dreg:$0x1];
	_ =	strace $0x8000005F;
	s0 =	simm.s32 $0x1  }
0x5b: {  	v0 =	vimm.s32 $0x0;
	[sflag:s0] =	ssyncpa.u1 $0x0;
	s0 =	simm.s32 $0x108  }
0x5c: {  	[tilespmem:s0+$0x70] =	vst v0  }
0x5d: {  	[tilespmem:s0+$0x60] =	vst v0  }
0x5e: {  	[tilespmem:s0+$0x50] =	vst v0  }
0x5f: {  	[tilespmem:s0+$0x40] =	vst v0  }
0x60: {  	[tilespmem:s0+$0x30] =	vst v0  }
0x61: {  	s1 =	sadd.s32 $0x63C00, s2;
	s15 =	sadd.s32 $0x50000, s2;
	s6 =	sadd.s32 $0xF8A600, s2;
	[tilespmem:s0+$0x20] =	vst v0  }
0x62: {  	s14 =	sadd.s32 $0x59E00, s2;
	s5 =	sand.u32 $0x1, s3;
	s3 =	simm.s32 $0x40;
	[tilespmem:s0+$0x10] =	vst v0  }
.LBB3_1:
0x63: {  	s3 =	sadd.s32 $0x40, s3;
	[tilespmem:s0+$0x0] =	vst v0;
	s0 =	sadd.s32 $0x80, s0  }
0x64: {  	p0 =	slt.u32 s3, $0x3C40;
	[tilespmem:s0+$0x70] =	vst v0  }
0x65: {  	[tilespmem:s0+$0x60] =	vst v0  }
.Ltmp5:
0x66: {  	[tilespmem:s0+$0x50] =	vst v0;
	(pc) =	sbr.rel @p0 .LBB3_1-.Ltmp5, $4  }
0x67: {  	[tilespmem:s0+$0x40] =	vst v0  }
0x68: {  	[tilespmem:s0+$0x30] =	vst v0  }
0x69: {  	[tilespmem:s0+$0x20] =	vst v0  }
0x6a: {  	[tilespmem:s0+$0x10] =	vst v0  }
0x6b: {  	s9 =	stileid.u32  }
0x6c: {  	s2 =	smul.u32 $0x29, s9  }
0x6d: {  	s3 =	smin.u32 s9, $0xB  }
0x6e: {  	s2 =	sadd.s32 s3, s2  }
0x6f: {  	p0 =	slt.u32 s9, $0xB;
	s7 =	smul.u32 $0xF0, s2;
	s2 =	simm.s32 $0x2760  }
0x70: {  	s2 =	simm.s32 @!p0 $0x2670  }
0x71: {  	s2 =	sadd.s32 s2, s7  }
0x72: {  	s8 =	smin.u32 s2, $0x27100  }
0x73: {  	s2 =	ssub.s32 s8, s7  }
0x74: {  	p0 =	sgt.s32 s2, $0x0  }
0x75: {  	s29 =	simm.s32 $0x2;
	s10 =	simm.s32 $0x9;
	s2 =	simm.s32 @!p0 $0x0  }
0x76: {  	s4 =	simm.s32 $0xA;
	s11 =	simm.s32 $0xB;
	s28 =	smulhi.u32 $0x88888889, s2  }
0x77: {  	[dreg:$0x4] =	wrdreg s5;
	s31 =	smul.u32 $0x4E20, s5;
	s12 =	simm.s32 $0x1  }
0x78: {  	s22 =	simm.s32 $0x0;
	s18 =	simm.s32 $0xC;
	s30 =	sshrl.u32 s28, $0x7  }
0x79: {  	s20 =	simm.s32 $0x0;
	s21 =	simm.s32 $0x0;
	s3 =	smul.u32 $0xF0, s30  }
.Ltmp6:
0x7a: {  	[tilespmem:s0+$0x0] =	vst v0;
	v0 =	vimm.s32 $0xFFFFFFFF;
	[sflag:s29] =	ssyncpa.u1 $0x0;
	s16 =	sshll.u32 s9, $0x8;
	(pc) =	sbr.rel .LBB3_3-.Ltmp6, $4  }
0x7b: {  	[tilespmem:$0xF208] =	vst v0;
	[sflag:s10] =	ssyncpa.u1 $0x0;
	p0 =	sne.s32 s2, s3;
	s2 =	simm.s32 $0x1  }
0x7c: {  	s14 =	sadd.s32 s31, s14;
	[sflag:s4] =	ssyncpa.u1 $0x0;
	s2 =	simm.s32 @!p0 $0x0  }
0x7d: {  	s15 =	sadd.s32 s31, s15;
	[sflag:s11] =	ssyncpa.u1 $0x0;
	s13 =	sadd.s32 s2, s30  }
0x7e: {  	v0 =	vlaneseq.u32;
	s19 =	smov.u32 s7;
	p0 =	por $0x0, $0x0;
	s17 =	sadd.s32 $0x1, s13  }
.LBB3_18:
0x7f: {  	s0 =	sshrl.u32 s31, $0x2  }
.LBB3_20:
0x80: {  	_ =	swait.ge [sflag:s18], s0  }
0x81: {  	s31 =	ssub.s32 $0x0, s0;
	v1 =	vmov s24;
	vm0 =	veq.s32 v0, $0x0;
	[sflag:s18] =	ssyncset.done $0x0  }
0x82: {  	vm15 =	veq.s32 v0, $0x2;
	v1 =	vsel vm0, s30, v1;
	[sflag:s18] =	ssyncadd.s32 s31  }
0x83: {  	v1 =	vsel vm15, s22, v1;
	[sflag:s18] =	ssyncpa.u1 $0x1  }
0x84: {  	[tilespmem:$0xF208] =	vst v1  }
.LBB3_21:
0x85: {  	s0 =	sadd.s32 $0xF0, s19  }
0x86: {  	s2 =	smov.u32 s7;
	p1 =	slt.s32 s0, s8  }
0x87: {  	s2 =	smov.u32 @p1 s0;
	p1 =	sne.s32 s21, s17  }
.Ltmp7:
0x88: {  	_ = 	snop;
	(pc) =	sbr.rel @!p1 .LBB3_22-.Ltmp7, $3  }
0x89: {  	_ =	sdelay $0x1  }
0x8a: {  	s22 =	smov.u32 s20;
	s31 =	sadd.s32 $0x1, s21;
	s20 =	smov.u32 s19  }
0x8b: {  	p0 =	por !p0, !p0;
	s21 =	smov.u32 s31;
	s19 =	smov.u32 s2  }
.LBB3_3:
0x8c: {  	p1 =	sge.u32 s21, s13  }
0x8d: {  	s0 =	smulhi.u32 @!p1 $0xAAAAAAAB, s21  }
0x8e: {  	s2 =	smov.u32 s19;
	p2 =	sgt.s32 @!p1 s19, $0x27010  }
0x8f: {  	s3 =	sshra.s32 @!p1 s19, $0x1F;
	p2 =	por !p2, p1;
	s0 =	sshrl.u32 @!p1 s0, $0x1  }
0x90: {  	s3 =	sand.u32 @!p1 s3, s19;
	s2 =	simm.s32 @p2 $0x27010;
	s0 =	smul.u32 @!p1 $0x3, s0  }
0x91: {  	s2 =	ssub.s32 @!p1 s2, s3  }
0x92: {  	s2 =	sadd.s32 @!p1 $0xFFFD8FF0, s2;
	s0 =	ssub.s32 @!p1 s21, s0  }
0x93: {  	s3 =	sshll.u32 @!p1 s2, $0x2;
	p2 =	sgt.s32 @!p1 s2, $0xEF;
	s0 =	smul.u32 @!p1 $0x3C0, s0  }
0x94: {  	s4 =	sand.u32 @!p1 $0x7, s19;
	s2 =	ssub.s32 @!p1 $0x3C0, s3;
	p2 =	por !p2, p1  }
0x95: {  	s3 =	sshrl.u32 @!p1 s19, $0x3;
	s2 =	sshrl.u32 @!p1 s2, $0x2;
	s0 =	sshrl.u32 @!p1 s0, $0x2  }
0x96: {  	s3 =	sadd.s32 @!p1 s3, s14;
	s2 =	simm.s32 @!p2 $0x0;
	s0 =	sadd.s32 @!p1 $0x10248, s0  }
0x97: {  	[tilespmem:s0], [sflag:$0xA] =	stream.linear.gather @!p1 [hbm4b:s3+s4], s2, $0x38;
	[tilespmem:$0x1F6F8] =	vst v63  }
0x98: {  	s0 =	sadd.s32 $0xFFFFFFFF, s21  }
0x99: {  	p1 =	sge.u32 s0, s13  }
0x9a: {  	p2 =	sgt.s32 @!p1 s20, $0x27010  }
0x9b: {  	s2 =	smov.u32 s20;
	s3 =	sshra.s32 @!p1 s20, $0x1F;
	p2 =	por !p2, p1  }
0x9c: {  	s3 =	sand.u32 @!p1 s3, s20;
	s2 =	simm.s32 @p2 $0x27010  }
0x9d: {  	s2 =	ssub.s32 @!p1 s2, s3  }
0x9e: {  	s2 =	sadd.s32 @!p1 $0xFFFD8FF0, s2  }
0x9f: {  	s4 =	sand.u32 @!p1 $0x1, s0;
	s3 =	sshll.u32 @!p1 s2, $0x2  }
0xa0: {  	p2 =	sgt.s32 @!p1 s2, $0xEF;
	s2 =	ssub.s32 @!p1 $0x3C0, s3;
	s3 =	smulhi.u32 @!p1 $0xAAAAAAAB, s0  }
0xa1: {  	s23 =	smul.u32 @!p1 $0x3C0, s4;
	p2 =	por !p2, p1;
	s2 =	sshrl.u32 @!p1 s2, $0x2  }
0xa2: {  	s5 =	simm.s32 @!p1 $0xA;
	s2 =	simm.s32 @!p2 $0x0;
	s3 =	sshrl.u32 @!p1 s3, $0x1  }
0xa3: {  	s23 =	sshrl.u32 @!p1 s23, $0x2;
	_ =	swait.ge @!p1 [sflag:s5], s2;
	s3 =	smul.u32 @!p1 $0x3, s3  }
0xa4: {  	s23 =	sadd.s32 @!p1 $0x10518, s23;
	s24 =	ssub.s32 @!p1 $0x0, s2;
	[sflag:s5] =	ssyncset.done @!p1 $0x0  }
0xa5: {  	[sflag:s5] =	ssyncadd.s32 @!p1 s24;
	s5 =	sshrl.u32 @!p1 s20, $0x3;
	s0 =	ssub.s32 @!p1 s0, s3  }
0xa6: {  	s24 =	sand.u32 @!p1 $0x7, s20;
	s5 =	sadd.s32 @!p1 s5, s15;
	s0 =	smul.u32 @!p1 $0x3C0, s0  }
0xa7: {  	[tilespmem:s23], [sflag:$0xB] =	stream.linear.gather @!p1 [hbm4b:s5+s24], s2, $0x38;
	[tilespmem:$0x1F6F8] =	vst v63  }
0xa8: {  	s3 =	ssub.s32 @!p1 $0x27100, s20;
	s2 =	smul.u32 @!p1 $0x1E000, s4  }
0xa9: {  	p2 =	slt.s32 @!p1 s3, $0xF0  }
0xaa: {  	p2 =	por !p2, p1;
	s0 =	sshrl.u32 @!p1 s0, $0x2;
	s2 =	sshrl.u32 @!p1 s2, $0x2  }
0xab: {  	s3 =	simm.s32 @p2 $0xF0;
	s0 =	sadd.s32 @!p1 $0x10248, s0;
	s2 =	sor.u32 @!p1 $0x106F8, s2  }
0xac: {  	[tilespmem:s2], [sflag:$0x9] =	stream.indirect.gather @!p1 [hbm4b:s6+s3], $0x80, s0, s3, $0xb8;
	[tilespmem:$0x1F6F8] =	vst v63  }
0xad: {  	p1 =	slt.u32 s21, $0x2  }
.Ltmp8:
0xae: {  	_ = 	snop;
	(pc) =	sbr.rel @p1 .LBB3_21-.Ltmp8, $1  }
0xaf: {  	_ =	sdelay $0x3  }
0xb0: {  	p1 =	sgt.s32 s22, $0x27010  }
0xb1: {  	s0 =	smov.u32 s22;
	s2 =	sshra.s32 s22, $0x1F;
	s3 =	ssub.s32 $0x27100, s22  }
0xb2: {  	s0 =	simm.s32 @!p1 $0x27010;
	s2 =	sand.u32 s2, s22;
	p1 =	slt.s32 s3, $0xF0  }
0xb3: {  	s0 =	ssub.s32 s0, s2;
	s3 =	simm.s32 @!p1 $0xF0  }
0xb4: {  	s0 =	sadd.s32 $0xFFFD8FF0, s0;
	s25 =	sshll.u32 s3, $0x7  }
0xb5: {  	s26 =	sshll.u32 s0, $0x2;
	s2 =	sand.u32 $0x3FFFFF80, s25  }
0xb6: {  	p1 =	sgt.s32 s0, $0xEF;
	s29 =	ssub.s32 $0x3C0, s26;
	_ =	swait.ge [sflag:s10], s2  }
0xb7: {  	s2 =	ssub.s32 $0x0, s2;
	[sflag:s10] =	ssyncset.done $0x0;
	s0 =	sshrl.u32 s29, $0x2  }
0xb8: {  	[sflag:s10] =	ssyncadd.s32 s2;
	s0 =	simm.s32 @p1 $0x0  }
0xb9: {  	_ =	swait.ge [sflag:s11], s0  }
0xba: {  	s0 =	ssub.s32 $0x0, s0;
	[sflag:s11] =	ssyncset.done $0x0  }
0xbb: {  	[sflag:s11] =	ssyncadd.s32 s0  }
0xbc: {  	v1 =	vld [tilespmem:$0xF208];
	_ =	sdelay $0x4  }
0xbd: {  	(v2sf) =	vpush v1, $0x0  }
0xbe: {  	(v2sf) =	vpush v1, $0x1  }
0xbf: {  	(v2sf) =	vpush v1, $0x2;
	_ =	sdelay $0x3  }
0xc0: {  	s0 =	sadd.s32 $0xF0, s22  }
0xc1: {  	s2 =	ssub.s32 $0x4E200, s22;
	p1 =	slt.s32 s8, s0  }
0xc2: {  	s0 =	smov.u32 @p1 s8;
	p1 =	sgt.s32 s2, $0x0  }
0xc3: {  	s26 =	ssub.s32 s0, s22;
	s2 =	simm.s32 @!p1 $0x0  }
0xc4: {  	p1 =	slt.s32 s2, s26  }
0xc5: {  	s26 =	smov.u32 @p1 s2  }
0xc6: {  	s25 =	simm.s32 $0x1;
	p1 =	slt.s32 s26, $0x1  }
.Ltmp9:
0xc7: {  	s25 =	simm.s32 @!p0 $0x0;
	(pc) =	sbr.rel @p1 .LBB3_8-.Ltmp9, $4  }
0xc8: {  	s31 =	smul.u32 $0x3C0, s25  }
0xc9: {  	s28 =	spop (v2sf)  }
0xca: {  	s0 =	sshrl.u32 s31, $0x2;
	s30 =	spop (v2sf)  }
0xcb: {  	s23 =	sadd.s32 $0x10518, s0;
	s22 =	spop (v2sf)  }
0xcc: {  	s0 =	smin.u32 s26, $0x10  }
0xcd: {  	v1 =	vmov s0  }
0xce: {  	p2 =	sgt.s32 s26, $0x10;
	vm1 =	vgt.u32 v1, v0  }
.Ltmp10:
0xcf: {  	_ = 	snop;
	(pc) =	sbr.rel @!p2 .LBB3_7-.Ltmp10, $2  }
0xd0: {  	_ =	sdelay $0x2  }
0xd1: {  	s4 =	simm.s32 $0x10;
	s24 =	sadd.s32 $0xFFFFFFF0, s26;
	s0 =	smov.u32 s23;
	vm0 =	vmmov vm1  }
.LBB3_6:
0xd2: {  	s2 =	smin.u32 s24, $0x10;
	s4 =	sadd.s32 $0x10, s4;
	v1 =	vld.msk [tilespmem:s0+$0x0 ss:$0x1], vm1  }
0xd3: {  	v2 =	vmov s2;
	p2 =	slt.s32 s4, s26  }
0xd4: {  	vm1 =	vgt.u32 v2, v0  }
.Ltmp11:
0xd5: {  	(pc) =	sbr.rel @p2 .LBB3_6-.Ltmp11, $3  }
0xd6: {  	_ =	sdelay $0x1  }
0xd7: {  	v1 =	vshll.u32 v1, $0x4  }
0xd8: {  	s24 =	sadd.s32 $0xFFFFFFF0, s24;
	[tilespmem:s0+$0x0] =	vst.msk vm0, v1;
	s0 =	sadd.s32 $0x10, s0;
	vm0 =	vmmov vm1  }
.LBB3_7:
0xd9: {  	_ =	sdelay $0x4  }
0xda: {  	v1 =	vld.msk [tilespmem:s0+$0x0 ss:$0x1], vm1;
	_ =	sdelay $0x4  }
0xdb: {  	v1 =	vshll.u32 v1, $0x4  }
0xdc: {  	[tilespmem:s0+$0x0] =	vst.msk vm0, v1  }
.LBB3_8:
0xdd: {  	s0 =	sand.u32 $0x1, s21  }
0xde: {  	s0 =	smul.u32 $0xF0, s0  }
0xdf: {  	p2 =	sne.s32 s30, $0xFFFFFFFF  }
0xe0: {  	v1 =	vld.msk @!p2 [tilespmem:s0+$0x10518], $0x1;
	_ =	sdelay $0x4  }
0xe1: {  	(v2sf) =	vpush @!p2 v1, $0x0;
	_ =	sdelay $0xc  }
.Ltmp12:
0xe2: {  	_ = 	snop;
	(pc) =	sbr.rel @p1 .LBB3_19-.Ltmp12, $4  }
0xe3: {  	_ = 	snop  }
0xe4: {  	s29 =	spop @!p2 (v2sf)  }
0xe5: {  	s22 =	simm.s32 @!p2 $0x0;
	s24 =	smov.u32 s29  }
0xe6: {  	[sflag:s18] =	ssyncpa.u1 $0x0;
	s29 =	smov.u32 @p2 s28;
	s24 =	smov.u32 @p2 s30  }
0xe7: {  	v1 =	vld.msk [tilespmem:s23+$0x0], $0x1;
	_ =	sdelay $0x4  }
0xe8: {  	(v2sf) =	vpush v1, $0x0;
	_ =	sdelay $0xe  }
0xe9: {  	s2 =	smul.u32 $0x1E000, s25;
	s0 =	spop (v2sf)  }
0xea: {  	s26 =	ssub.s32 $0x0, s26;
	p1 =	seq.s32 s29, s0  }
0xeb: {  	s30 =	sadd.s32 $0x1, s26;
	s2 =	sshrl.u32 s2, $0x2;
	p2 =	sgt.s32 @!p1 s29, $0x0  }
0xec: {  	s25 =	sor.u32 $0x10738, s2;
	s2 =	smov.u32 s29;
	p2 =	por !p2, p1  }
0xed: {  	s2 =	simm.s32 @p2 $0x0;
	p2 =	seq.s32 s30, $0x0  }
.Ltmp13:
0xee: {  	_ = 	snop;
	(pc) =	sbr.rel @p2 .LBB3_11-.Ltmp13, $4  }
0xef: {  	_ = 	snop  }
0xf0: {  	s28 =	simm.s32 $0x0;
	s31 =	sadd.s32 $0x1, s23;
	s2 =	smin.u32 @!p1 s2, $0x27FF0  }
0xf1: {  	s4 =	simm.s32 @!p1 $0x1;
	s5 =	simm.s32 @!p1 $0x7988;
	s3 =	sand.u32 @!p1 $0x3FFF8, s2  }
0xf2: {  	s4 =	smov.u32 @p1 s28;
	s2 =	sand.u32 @!p1 $0x7, s2;
	s3 =	sadd.s32 @!p1 s1, s3  }
.LBB3_10:
0xf3: {  	s9 =	smov.u32 s4  }
0xf4: {  	[tilespmem:s5], [sflag:$0x2] =	stream.linear.gather @!p1 [hbm4b:s3+s2], $0x80, $0x38;
	[tilespmem:$0x1F6F8] =	vst v63  }
0xf5: {  	s30 =	sadd.s32 $0x1, s30;
	s2 =	smov.u32 s0;
	v1 =	vld.msk [tilespmem:s31+$0x0], $0x1  }
0xf6: {  	p2 =	seq.s32 s30, $0x0;
	_ =	sdelay $0x3  }
0xf7: {  	(v2sf) =	vpush v1, $0x0;
	_ =	sdelay $0xe  }
0xf8: {  	s0 =	spop (v2sf)  }
0xf9: {  	p1 =	seq.s32 s2, s0  }
0xfa: {  	p3 =	sgt.s32 @!p1 s2, $0x0;
	s3 =	sshll.u32 @!p1 s4, $0x9;
	s4 =	sadd.s32 @!p1 $0x1, s4  }
.Ltmp14:
0xfb: {  	p3 =	por !p3, p1;
	s3 =	sshra.s32 @!p1 s3, $0x2;
	(pc) =	sbr.rel @!p2 .LBB3_10-.Ltmp14, $4  }
0xfc: {  	s4 =	smov.u32 @p1 s9;
	s2 =	simm.s32 @p3 $0x0;
	s5 =	sadd.s32 @!p1 $0x7988, s3  }
0xfd: {  	s2 =	smin.u32 @!p1 s2, $0x27FF0  }
0xfe: {  	s3 =	sand.u32 @!p1 $0x3FFF8, s2;
	s2 =	sand.u32 @!p1 $0x7, s2  }
0xff: {  	s31 =	sadd.s32 $0x1, s31;
	s3 =	sadd.s32 @!p1 s1, s3  }
.LBB3_11:
0x100: {  	[tilespmem:s5], [sflag:$0x2] =	stream.linear.gather @!p1 [hbm4b:s3+s2], $0x80, $0x38;
	[tilespmem:$0x1F6F8] =	vst v63  }
.Ltmp15:
0x101: {  	s0 =	sshll.u32 s4, $0x7;
	(pc) =	sbr.rel .LBB3_12-.Ltmp15, $4  }
0x102: {  	s30 =	simm.s32 $0x2;
	s0 =	sand.u32 $0x3FFFFF80, s0  }
0x103: {  	_ =	swait.ge [sflag:s30], s0  }
0x104: {  	s0 =	ssub.s32 $0x0, s0;
	[sflag:s30] =	ssyncset.done $0x0  }
0x105: {  	s31 =	simm.s32 $0x0;
	[sflag:s30] =	ssyncadd.s32 s0  }
.LBB3_13:
0x106: {  	v1 =	vld [tilespmem:s25+$0xFFFFFFC0];
	_ =	sdelay $0x3  }
0x107: {  	s0 =	sshra.s32 s0, $0x2  }
0x108: {  	[tilespmem:s0+$0x108] =	vst.add.f32.msk $0xffff, v1  }
0x109: {  	v1 =	vld [tilespmem:s25+$0xFFFFFFD0];
	_ =	sdelay $0x4  }
0x10a: {  	[tilespmem:s0+$0x118] =	vst.add.f32.msk $0xffff, v1  }
0x10b: {  	v1 =	vld [tilespmem:s25+$0xFFFFFFE0];
	_ =	sdelay $0x4  }
0x10c: {  	[tilespmem:s0+$0x128] =	vst.add.f32.msk $0xffff, v1  }
0x10d: {  	v1 =	vld [tilespmem:s25+$0xFFFFFFF0];
	_ =	sdelay $0x4  }
0x10e: {  	[tilespmem:s0+$0x138] =	vst.add.f32.msk $0xffff, v1  }
0x10f: {  	v1 =	vld [tilespmem:s25+$0x0];
	_ =	sdelay $0x4  }
0x110: {  	[tilespmem:s0+$0x148] =	vst.add.f32.msk $0xffff, v1  }
0x111: {  	v1 =	vld [tilespmem:s25+$0x10];
	_ =	sdelay $0x4  }
0x112: {  	[tilespmem:s0+$0x158] =	vst.add.f32.msk $0xffff, v1  }
0x113: {  	v1 =	vld [tilespmem:s25+$0x20];
	_ =	sdelay $0x4  }
0x114: {  	[tilespmem:s0+$0x168] =	vst.add.f32.msk $0xffff, v1  }
0x115: {  	v1 =	vld [tilespmem:s25+$0x30];
	_ =	sdelay $0x4  }
0x116: {  	[tilespmem:s0+$0x178] =	vst.add.f32.msk $0xffff, v1  }
.LBB3_17:
0x117: {  	s26 =	sadd.s32 $0x1, s26  }
0x118: {  	p1 =	seq.s32 s26, $0x0  }
.Ltmp16:
0x119: {  	_ = 	snop;
	(pc) =	sbr.rel @p1 .LBB3_18-.Ltmp16, $2  }
0x11a: {  	_ =	sdelay $0x2  }
0x11b: {  	s23 =	sadd.s32 $0x1, s23;
	s25 =	sadd.s32 $0x80, s25;
	s29 =	smov.u32 s30  }
.LBB3_12:
0x11c: {  	v1 =	vld.msk [tilespmem:s23+$0x0], $0x1;
	_ =	sdelay $0x4  }
0x11d: {  	(v2sf) =	vpush v1, $0x0;
	_ =	sdelay $0xe  }
0x11e: {  	s30 =	spop (v2sf)  }
0x11f: {  	p1 =	sne.s32 s29, s30  }
.Ltmp17:
0x120: {  	_ = 	snop;
	(pc) =	sbr.rel @!p1 .LBB3_13-.Ltmp17, $2  }
0x121: {  	_ =	sdelay $0x2  }
0x122: {  	s0 =	sshll.u32 s22, $0x9  }
0x123: {  	p1 =	seq.s32 s29, s24  }
.Ltmp18:
0x124: {  	_ = 	snop;
	(pc) =	sbr.rel @!p1 .LBB3_15-.Ltmp18, $1  }
0x125: {  	_ =	sdelay $0x3  }
0x126: {  	s0 =	sshra.s32 s0, $0x2  }
.Ltmp19:
0x127: {  	s0 =	sadd.s32 $0x108, s0;
	(pc) =	sbr.rel .LBB3_16-.Ltmp19, $4  }
0x128: {  	[spmem:s16] =	stream.linear.scatter [tilespmem:s0], [sflag:$0x1], $0x80, $0x38;
	[tilespmem:$0x1F6F8] =	vst v63  }
0x129: {  	_ =	swait.ge [sflag:s12], $0x80  }
0x12a: {  	[sflag:s12] =	ssyncset.done $0x0  }
0x12b: {  	[sflag:s12] =	ssyncadd.s32 $0xFFFFFF80  }
.LBB3_15:
0x12c: {  	s2 =	sshll.u32 s28, $0x9  }
0x12d: {  	s2 =	sshra.s32 s2, $0x2  }
0x12e: {  	v1 =	vld [tilespmem:s2+$0x7988];
	_ =	sdelay $0x3  }
0x12f: {  	s0 =	sshra.s32 s0, $0x2  }
0x130: {  	[tilespmem:s0+$0x108] =	vst.add.f32.msk $0xffff, v1  }
0x131: {  	v1 =	vld [tilespmem:s2+$0x7998];
	_ =	sdelay $0x4  }
0x132: {  	[tilespmem:s0+$0x118] =	vst.add.f32.msk $0xffff, v1  }
0x133: {  	v1 =	vld [tilespmem:s2+$0x79A8];
	_ =	sdelay $0x4  }
0x134: {  	[tilespmem:s0+$0x128] =	vst.add.f32.msk $0xffff, v1  }
0x135: {  	v1 =	vld [tilespmem:s2+$0x79B8];
	_ =	sdelay $0x4  }
0x136: {  	[tilespmem:s0+$0x138] =	vst.add.f32.msk $0xffff, v1  }
0x137: {  	v1 =	vld [tilespmem:s2+$0x79C8];
	_ =	sdelay $0x4  }
0x138: {  	[tilespmem:s0+$0x148] =	vst.add.f32.msk $0xffff, v1  }
0x139: {  	v1 =	vld [tilespmem:s2+$0x79D8];
	_ =	sdelay $0x4  }
0x13a: {  	[tilespmem:s0+$0x158] =	vst.add.f32.msk $0xffff, v1  }
0x13b: {  	v1 =	vld [tilespmem:s2+$0x79E8];
	_ =	sdelay $0x4  }
0x13c: {  	[tilespmem:s0+$0x168] =	vst.add.f32.msk $0xffff, v1  }
0x13d: {  	v1 =	vld [tilespmem:s2+$0x79F8];
	_ =	sdelay $0x2  }
0x13e: {  	p1 =	sgt.u32 s29, $0x27FF0  }
0x13f: {  	s2 =	sand.u32 @!p1 $0x3FFF8, s29  }
0x140: {  	s3 =	sadd.s32 $0x108, s0;
	[tilespmem:s0+$0x178] =	vst.add.f32.msk $0xffff, v1;
	s0 =	sadd.s32 @!p1 s1, s2;
	s2 =	sand.u32 @!p1 $0x7, s29  }
0x141: {  	[hbm4b:s0+s2] =	stream.linear.scatter @!p1 [tilespmem:s3], [sflag:$0xC], $0x80, $0x38;
	[tilespmem:$0x1F6F8] =	vst v63  }
0x142: {  	s0 =	simm.s32 $0x0  }
0x143: {  	s0 =	simm.s32 @!p1 $0x200  }
0x144: {  	s31 =	sadd.s32 s0, s31  }
.LBB3_16:
0x145: {  	s0 =	sadd.s32 $0x1, s22  }
0x146: {  	s2 =	smulhi.u32 $0x88888889, s0;
	_ =	sdelay $0x1  }
0x147: {  	v1 =	vld [tilespmem:s25+$0xFFFFFFC0];
	s2 =	sshrl.u32 s2, $0x7  }
0x148: {  	s2 =	smul.u32 $0xF0, s2;
	_ =	sdelay $0x1  }
0x149: {  	s22 =	ssub.s32 s0, s2  }
0x14a: {  	s0 =	sshll.u32 s22, $0x7  }
0x14b: {  	[tilespmem:s0+$0x108] =	vst v1  }
0x14c: {  	v1 =	vld [tilespmem:s25+$0xFFFFFFD0];
	_ =	sdelay $0x4  }
0x14d: {  	[tilespmem:s0+$0x118] =	vst v1  }
0x14e: {  	v1 =	vld [tilespmem:s25+$0xFFFFFFE0];
	_ =	sdelay $0x4  }
0x14f: {  	[tilespmem:s0+$0x128] =	vst v1  }
0x150: {  	v1 =	vld [tilespmem:s25+$0xFFFFFFF0];
	_ =	sdelay $0x4  }
0x151: {  	[tilespmem:s0+$0x138] =	vst v1  }
0x152: {  	v1 =	vld [tilespmem:s25+$0x0];
	_ =	sdelay $0x4  }
0x153: {  	[tilespmem:s0+$0x148] =	vst v1  }
0x154: {  	v1 =	vld [tilespmem:s25+$0x10];
	_ =	sdelay $0x4  }
0x155: {  	[tilespmem:s0+$0x158] =	vst v1  }
0x156: {  	v1 =	vld [tilespmem:s25+$0x20];
	_ =	sdelay $0x4  }
0x157: {  	[tilespmem:s0+$0x168] =	vst v1  }
0x158: {  	v1 =	vld [tilespmem:s25+$0x30]  }
.Ltmp20:
0x159: {  	_ = 	snop;
	(pc) =	sbr.rel .LBB3_17-.Ltmp20, $2  }
0x15a: {  	_ =	sdelay $0x2  }
0x15b: {  	s28 =	sadd.s32 $0x1, s28;
	[tilespmem:s0+$0x178] =	vst v1  }
.LBB3_19:
.Ltmp21:
0x15c: {  	(pc) =	sbr.rel .LBB3_20-.Ltmp21, $4  }
0x15d: {  	_ = 	snop  }
0x15e: {  	s0 =	simm.s32 $0x2  }
0x15f: {  	_ =	swait.ge [sflag:s0], $0x0  }
0x160: {  	s30 =	smov.u32 s29;
	[sflag:s0] =	ssyncset.done $0x0;
	s0 =	simm.s32 $0x0  }
.LBB3_22:
0x161: {  	_ =	sfence.sel $0x180000  }
0x162: {  	s0 =	simm.s32 $0x9;
	[bflag:$0x0] =	sbarrier.arrive $0xFFFF  }
0x163: {  	s24 =	simm.s32 $0xA;
	[sflag:s0] =	ssyncpa.u1 $0x1  }
0x164: {  	s25 =	simm.s32 $0xB;
	[sflag:s24] =	ssyncpa.u1 $0x1  }
0x165: {  	s26 =	simm.s32 $0x2;
	[sflag:s25] =	ssyncpa.u1 $0x1  }
0x166: {  	[sflag:s26] =	ssyncpa.u1 $0x1  }
0x167: {  	v0 =	vld [tilespmem:$0xF208];
	_ =	sdelay $0x4  }
0x168: {  	(v2sf) =	vpush v0, $0x0  }
0x169: {  	(v2sf) =	vpush v0, $0x1;
	_ =	sdelay $0x1  }
0x16a: {  	(v2sf) =	vpush v0, $0x2;
	_ =	sdelay $0xb  }
0x16b: {  	s0 =	spop (v2sf)  }
0x16c: {  	s2 =	spop (v2sf)  }
0x16d: {  	s3 =	smov.u32 s0;
	p0 =	sne.s32 s0, s2  }
0x16e: {  	s4 =	spop (v2sf);
	s3 =	simm.s32 @!p0 $0xFFFFFFFF  }
0x16f: {  	v2 =	vimm.s32 $0x1;
	v3 =	vlaneseq.u32;
	p0 =	seq.s32 s4, $0xFFFFFFFF;
	v1 =	vmov s3  }
0x170: {  	s16 =	stileid.u32;
	v0 =	vperm.xlane v0, v2;
	p1 =	sne.s32 @!p0 s0, s2;
	v1 =	vperm.xlane v1, v3  }
0x171: {  	vm0 =	vcmask $0x3F04;
	s6 =	simm.s32 $0xF208;
	s0 =	simm.s32 @!p0 $0x1;
	p1 =	por !p1, p0  }
0x172: {  	s3 =	sshll.u32 s16, $0x1;
	s2 =	sshll.u32 @!p0 s4, $0x9;
	s0 =	simm.s32 @p1 $0x0;
	v0 =	vsel vm0, v1, v0  }
0x173: {  	s5 =	sor.u32 $0x1000, s3;
	s2 =	sshra.s32 @!p0 s2, $0x2;
	s0 =	sor.u32 @!p0 s0, s3;
	[tilespmem:$0xF208] =	vst v0  }
0x174: {  	[spmem:s5] =	stream.linear.scatter [tilespmem:s6], [sflag:$0x1], $0x2, $0x38;
	[tilespmem:$0x1F6F8] =	vst v63  }
0x175: {  	s2 =	sadd.s32 @!p0 $0x108, s2;
	s0 =	sshll.u32 @!p0 s0, $0x7  }
0x176: {  	[spmem:s0] =	stream.linear.scatter @!p0 [tilespmem:s2], [sflag:$0x1], $0x80, $0x38;
	[tilespmem:$0x1F6F8] =	vst v63  }
0x177: {  	s0 =	simm.s32 @!p0 $0x82  }
0x178: {  	s28 =	simm.s32 $0x1;
	s0 =	simm.s32 @p0 $0x2  }
0x179: {  	_ =	swait.ge [sflag:s28], s0  }
0x17a: {  	s0 =	ssub.s32 $0x0, s0;
	[sflag:s28] =	ssyncset.done $0x0  }
0x17b: {  	p0 =	sne.s32 s16, $0x0;
	[sflag:s28] =	ssyncadd.s32 s0  }
.Ltmp22:
0x17c: {  	_ =	sfence.stream.spmem;
	(pc) =	sbr.rel @p0 .LBB3_39-.Ltmp22, $4  }
0x17d: {  	s29 =	simm.s32 $0x3;
	[bflag:$0x0] =	sbarrier.arrive $0xFFFF  }
0x17e: {  	s30 =	simm.s32 $0x4;
	[sflag:s29] =	ssyncpa.u1 $0x1  }
0x17f: {  	s31 =	simm.s32 $0x3C;
	[sflag:s30] =	ssyncpa.u1 $0x1  }
0x180: {  	s15 =	rddreg [dreg:$0x4];
	[sflag:s31] =	ssyncpa.u1 $0x1  }
0x181: {  	_ =	sfence.stream.spmem;
	s0 =	simm.s32 $0x5  }
0x182: {  	s2 =	simm.s32 $0x1000;
	s3 =	simm.s32 $0xF218;
	[sflag:s0] =	ssyncpa.u1 $0x0  }
0x183: {  	[tilespmem:s3], [sflag:$0x5] =	stream.linear.gather [spmem:s2], $0x20, $0x38;
	[tilespmem:$0x1F6F8] =	vst v63  }
0x184: {  	s26 =	simm.s32 $0x0;
	s28 =	simm.s32 $0xF238  }
0x185: {  	[tilespmem:s28], [sflag:$0x5] =	stream.linear.gather [spmem:s26], $0x1000, $0x38;
	[tilespmem:$0x1F6F8] =	vst v63  }
0x186: {  	_ =	swait.ge [sflag:s0], $0x1020  }
0x187: {  	[sflag:s0] =	ssyncset.done $0x0  }
0x188: {  	s29 =	simm.s32 $0x0;
	[sflag:s0] =	ssyncadd.s32 $0xFFFFEFE0  }
0x189: {  	v0 =	vld.msk [tilespmem:s29+$0xF218], $0x1;
	_ =	sdelay $0x1  }
0x18a: {  	s30 =	simm.s32 $0x1  }
0x18b: {  	v1 =	vld.msk [tilespmem:s30+$0xF218], $0x1;
	_ =	sdelay $0x1  }
0x18c: {  	(v2sf) =	vpush v0, $0x0;
	_ =	sdelay $0x2  }
0x18d: {  	(v2sf) =	vpush v1, $0x0;
	_ =	sdelay $0x2  }
0x18e: {  	s31 =	simm.s32 $0x2  }
0x18f: {  	v0 =	vld.msk [tilespmem:s31+$0xF218], $0x1;
	_ =	sdelay $0x2  }
0x190: {  	s4 =	simm.s32 $0xFFFFFFFF;
	s5 =	simm.s32 $0xFFFFFFFF;
	s0 =	simm.s32 $0xC  }
.LBB3_24:
0x191: {  	s2 =	smov.u32 s5;
	s3 =	smov.u32 s4  }
0x192: {  	s4 =	sshra.s32 s0, $0x2;
	p1 =	sne.s32 s0, $0x7C;
	s0 =	sadd.s32 $0x4, s0;
	(v2sf) =	vpush v0, $0x0  }
0x193: {  	v0 =	vld.msk [tilespmem:s4+$0xF218], $0x1  }
.Ltmp23:
0x194: {  	(pc) =	sbr.rel @p1 .LBB3_24-.Ltmp23, $4  }
0x195: {  	s5 =	spop (v2sf)  }
0x196: {  	p2 =	sne.s32 s3, $0xFFFFFFFF;
	s4 =	smov.u32 s5  }
0x197: {  	p3 =	seq.s32 s5, $0xFFFFFFFF;
	s4 =	smov.u32 @p2 s3  }
0x198: {  	s5 =	smov.u32 @p3 s2;
	s4 =	smov.u32 @p3 s3  }
0x199: {  	(v2sf) =	vpush v0, $0x0;
	_ =	sdelay $0x8  }
0x19a: {  	s0 =	spop (v2sf)  }
0x19b: {  	p1 =	sne.s32 s4, $0xFFFFFFFF;
	s2 =	smov.u32 s0  }
0x19c: {  	s9 =	simm.s32 $0x6;
	p2 =	seq.s32 s0, $0xFFFFFFFF;
	s2 =	smov.u32 @p1 s4  }
0x19d: {  	s6 =	simm.s32 $0x0;
	s2 =	smov.u32 @p2 s4;
	s3 =	spop (v2sf)  }
0x19e: {  	s0 =	smov.u32 @p2 s5;
	p1 =	sne.s32 s2, $0xFFFFFFFF;
	s4 =	smov.u32 s3  }
.Ltmp24:
0x19f: {  	p2 =	seq.s32 s3, $0xFFFFFFFF;
	s4 =	smov.u32 @p1 s2;
	(pc) =	sbr.rel .LBB3_26-.Ltmp24, $4  }
0x1a0: {  	s10 =	simm.s32 $0xF188;
	s4 =	smov.u32 @p2 s2;
	s7 =	spop (v2sf)  }
0x1a1: {  	s11 =	simm.s32 $0x0;
	p1 =	sne.s32 s4, $0xFFFFFFFF;
	s8 =	smov.u32 s7  }
0x1a2: {  	s3 =	smov.u32 @p2 s0;
	p2 =	seq.s32 s7, $0xFFFFFFFF;
	s8 =	smov.u32 @p1 s4  }
0x1a3: {  	[sflag:s9] =	ssyncpa.u1 $0x0;
	s7 =	smov.u32 @p2 s3;
	s8 =	smov.u32 @p2 s4  }
.LBB3_32:
0x1a4: {  	p1 =	sgt.u32 s12, $0x27FF0  }
0x1a5: {  	p2 =	seq.s32 @!p1 s12, s8  }
0x1a6: {  	p1 =	por p1, p2  }
0x1a7: {  	p2 =	sne.s32 @!p1 s12, s7  }
0x1a8: {  	p1 =	por p1, !p2  }
0x1a9: {  	s0 =	sshll.u32 @p1 s11, $0x9  }
0x1aa: {  	s0 =	sand.u32 @!p1 $0x3FFF8, s12  }
0x1ab: {  	s2 =	sand.u32 @!p1 $0x7, s12;
	s0 =	sadd.s32 @!p1 s1, s0  }
0x1ac: {  	[tilespmem:s10], [sflag:$0x6] =	stream.linear.gather @!p1 [hbm4b:s0+s2], $0x80, $0x38;
	[tilespmem:$0x1F6F8] =	vst v63  }
0x1ad: {  	_ =	swait.ge @!p1 [sflag:s9], $0x80  }
0x1ae: {  	[sflag:s9] =	ssyncset.done @!p1 $0x0  }
0x1af: {  	[sflag:s9] =	ssyncadd.s32 @!p1 $0xFFFFFF80  }
0x1b0: {  	v1 =	vld @!p1 [tilespmem:$0xF188];
	_ =	sdelay $0x2  }
0x1b1: {  	s0 =	sshll.u32 @!p1 s11, $0x9  }
0x1b2: {  	s2 =	sshrl.u32 @!p1 s0, $0x2  }
0x1b3: {  	[tilespmem:s2+$0xF238] =	vst.add.f32.msk @!p1 $0xffff, v1  }
0x1b4: {  	v1 =	vld @!p1 [tilespmem:$0xF198];
	_ =	sdelay $0x4  }
0x1b5: {  	[tilespmem:s2+$0xF248] =	vst.add.f32.msk @!p1 $0xffff, v1  }
0x1b6: {  	v1 =	vld @!p1 [tilespmem:$0xF1A8];
	_ =	sdelay $0x4  }
0x1b7: {  	[tilespmem:s2+$0xF258] =	vst.add.f32.msk @!p1 $0xffff, v1  }
0x1b8: {  	v1 =	vld @!p1 [tilespmem:$0xF1B8];
	_ =	sdelay $0x4  }
0x1b9: {  	[tilespmem:s2+$0xF268] =	vst.add.f32.msk @!p1 $0xffff, v1  }
0x1ba: {  	v1 =	vld @!p1 [tilespmem:$0xF1C8];
	_ =	sdelay $0x4  }
0x1bb: {  	[tilespmem:s2+$0xF278] =	vst.add.f32.msk @!p1 $0xffff, v1  }
0x1bc: {  	v1 =	vld @!p1 [tilespmem:$0xF1D8];
	_ =	sdelay $0x4  }
0x1bd: {  	[tilespmem:s2+$0xF288] =	vst.add.f32.msk @!p1 $0xffff, v1  }
0x1be: {  	v1 =	vld @!p1 [tilespmem:$0xF1E8];
	_ =	sdelay $0x4  }
0x1bf: {  	[tilespmem:s2+$0xF298] =	vst.add.f32.msk @!p1 $0xffff, v1  }
0x1c0: {  	v1 =	vld @!p1 [tilespmem:$0xF1F8];
	_ =	sdelay $0x4  }
0x1c1: {  	[tilespmem:s2+$0xF2A8] =	vst.add.f32.msk @!p1 $0xffff, v1  }
0x1c2: {  	s0 =	sshrl.u32 s0, $0x2;
	[tilespmem:s6+$0xF218] =	vst.msk $0x1, v0  }
0x1c3: {  	v0 =	vld [tilespmem:s0+$0xF238];
	_ =	sdelay $0x2  }
0x1c4: {  	s31 =	sshll.u32 s6, $0x9  }
0x1c5: {  	s2 =	sshra.s32 s31, $0x2  }
0x1c6: {  	[tilespmem:s2+$0xF238] =	vst v0  }
0x1c7: {  	v0 =	vld [tilespmem:s0+$0xF248];
	_ =	sdelay $0x4  }
0x1c8: {  	[tilespmem:s2+$0xF248] =	vst v0  }
0x1c9: {  	v0 =	vld [tilespmem:s0+$0xF258];
	_ =	sdelay $0x4  }
0x1ca: {  	[tilespmem:s2+$0xF258] =	vst v0  }
0x1cb: {  	v0 =	vld [tilespmem:s0+$0xF268];
	_ =	sdelay $0x4  }
0x1cc: {  	[tilespmem:s2+$0xF268] =	vst v0  }
0x1cd: {  	v0 =	vld [tilespmem:s0+$0xF278];
	_ =	sdelay $0x4  }
0x1ce: {  	[tilespmem:s2+$0xF278] =	vst v0  }
0x1cf: {  	v0 =	vld [tilespmem:s0+$0xF288];
	_ =	sdelay $0x4  }
0x1d0: {  	[tilespmem:s2+$0xF288] =	vst v0  }
0x1d1: {  	v0 =	vld [tilespmem:s0+$0xF298];
	_ =	sdelay $0x4  }
0x1d2: {  	[tilespmem:s2+$0xF298] =	vst v0  }
0x1d3: {  	v0 =	vld [tilespmem:s0+$0xF2A8];
	_ =	sdelay $0x4  }
0x1d4: {  	s6 =	sadd.s32 $0x1, s6;
	[tilespmem:s2+$0xF2A8] =	vst v0  }
.LBB3_33:
0x1d5: {  	s11 =	sadd.s32 $0x1, s11  }
0x1d6: {  	p1 =	sne.s32 s11, $0x20  }
.Ltmp25:
0x1d7: {  	_ = 	snop;
	(pc) =	sbr.rel @!p1 .LBB3_34-.Ltmp25, $1  }
0x1d8: {  	_ =	sdelay $0x3  }
.LBB3_26:
0x1d9: {  	v0 =	vld.msk [tilespmem:s11+$0xF218], $0x1;
	_ =	sdelay $0x4  }
0x1da: {  	(v2sf) =	vpush v0, $0x0;
	_ =	sdelay $0xe  }
0x1db: {  	s12 =	spop (v2sf)  }
0x1dc: {  	p1 =	seq.s32 s12, $0xFFFFFFFF  }
.Ltmp26:
0x1dd: {  	_ = 	snop;
	(pc) =	sbr.rel @p1 .LBB3_33-.Ltmp26, $1  }
0x1de: {  	_ =	sdelay $0x3  }
0x1df: {  	p1 =	slt.s32 s6, $0x1  }
.Ltmp27:
0x1e0: {  	_ = 	snop;
	(pc) =	sbr.rel @p1 .LBB3_32-.Ltmp27, $1  }
0x1e1: {  	_ =	sdelay $0x3  }
0x1e2: {  	s13 =	simm.s32 $0xF218;
	p1 =	por $0x0, $0x0  }
0x1e3: {  	v1 =	vld.msk @!p1 [tilespmem:s13+$0x0], $0x1;
	_ =	sdelay $0x4  }
0x1e4: {  	(v2sf) =	vpush @!p1 v1, $0x0;
	_ =	sdelay $0xd  }
0x1e5: {  	p3 =	sne.s32 s6, $0x1  }
.Ltmp28:
0x1e6: {  	s0 =	spop @!p1 (v2sf);
	(pc) =	sbr.rel @!p3 .LBB3_30-.Ltmp28, $4  }
0x1e7: {  	p2 =	seq.s32 @!p1 s12, s0  }
0x1e8: {  	s14 =	simm.s32 $0x0;
	p2 =	por !p2, p1  }
0x1e9: {  	s2 =	simm.s32 $0xFFFFFFFF;
	s14 =	simm.s32 @p2 $0xFFFFFFFF  }
0x1ea: {  	s0 =	simm.s32 $0x1;
	s14 =	smov.u32 @p1 s2  }
.LBB3_29:
0x1eb: {  	s2 =	smov.u32 s14;
	p1 =	sne.s32 s14, $0xFFFFFFFF  }
0x1ec: {  	s13 =	sadd.s32 $0x1, s13;
	s14 =	smov.u32 s0;
	s0 =	sadd.s32 $0x1, s0  }
0x1ed: {  	p2 =	sne.s32 s6, s0;
	v1 =	vld.msk @!p1 [tilespmem:s13+$0x0], $0x1;
	_ =	sdelay $0x4  }
0x1ee: {  	(v2sf) =	vpush @!p1 v1, $0x0;
	_ =	sdelay $0xe  }
.Ltmp29:
0x1ef: {  	s3 =	spop @!p1 (v2sf);
	(pc) =	sbr.rel @p2 .LBB3_29-.Ltmp29, $4  }
0x1f0: {  	p3 =	seq.s32 @!p1 s12, s3  }
0x1f1: {  	p3 =	por !p3, p1  }
0x1f2: {  	s14 =	simm.s32 @p3 $0xFFFFFFFF  }
0x1f3: {  	s14 =	smov.u32 @p1 s2  }
.LBB3_30:
0x1f4: {  	p1 =	seq.s32 s14, $0xFFFFFFFF  }
.Ltmp30:
0x1f5: {  	_ = 	snop;
	(pc) =	sbr.rel @p1 .LBB3_32-.Ltmp30, $1  }
0x1f6: {  	_ =	sdelay $0x3  }
0x1f7: {  	s0 =	sshll.u32 s11, $0x7  }
0x1f8: {  	s0 =	sand.u32 $0x3FFFFF80, s0  }
0x1f9: {  	v0 =	vld [tilespmem:s0+$0xF238];
	_ =	sdelay $0x2  }
0x1fa: {  	s2 =	sshll.u32 s14, $0x9  }
0x1fb: {  	s2 =	sshra.s32 s2, $0x2  }
0x1fc: {  	[tilespmem:s2+$0xF238] =	vst.add.f32.msk $0xffff, v0  }
0x1fd: {  	v0 =	vld [tilespmem:s0+$0xF248];
	_ =	sdelay $0x4  }
0x1fe: {  	[tilespmem:s2+$0xF248] =	vst.add.f32.msk $0xffff, v0  }
0x1ff: {  	v0 =	vld [tilespmem:s0+$0xF258];
	_ =	sdelay $0x4  }
0x200: {  	[tilespmem:s2+$0xF258] =	vst.add.f32.msk $0xffff, v0  }
0x201: {  	v0 =	vld [tilespmem:s0+$0xF268];
	_ =	sdelay $0x4  }
0x202: {  	[tilespmem:s2+$0xF268] =	vst.add.f32.msk $0xffff, v0  }
0x203: {  	v0 =	vld [tilespmem:s0+$0xF278];
	_ =	sdelay $0x4  }
0x204: {  	[tilespmem:s2+$0xF278] =	vst.add.f32.msk $0xffff, v0  }
0x205: {  	v0 =	vld [tilespmem:s0+$0xF288];
	_ =	sdelay $0x4  }
0x206: {  	[tilespmem:s2+$0xF288] =	vst.add.f32.msk $0xffff, v0  }
0x207: {  	v0 =	vld [tilespmem:s0+$0xF298];
	_ =	sdelay $0x4  }
0x208: {  	[tilespmem:s2+$0xF298] =	vst.add.f32.msk $0xffff, v0  }
0x209: {  	v0 =	vld [tilespmem:s0+$0xF2A8]  }
.Ltmp31:
0x20a: {  	_ = 	snop;
	(pc) =	sbr.rel .LBB3_33-.Ltmp31, $2  }
0x20b: {  	_ =	sdelay $0x2  }
0x20c: {  	[tilespmem:s2+$0xF2A8] =	vst.add.f32.msk $0xffff, v0  }
.LBB3_34:
0x20d: {  	s0 =	simm.s32 $0x6;
	p1 =	seq.s32 s6, $0x0  }
0x20e: {  	[sflag:s0] =	ssyncpa.u1 $0x1;
	v0 =	vimm.s32 @p1 $0xFFFFFFFF  }
0x20f: {  	s9 =	sadd.s32 $0xFFFFFFFF, s6;
	[tilespmem:$0x10238] =	vst @p1 v0  }
0x210: {  	v0 =	vld.msk @!p1 [tilespmem:s9+$0xF218], $0x1;
	_ =	sdelay $0x1  }
0x211: {  	v1 =	vld.msk @!p1 [tilespmem:$0xF218], $0x1;
	_ =	sdelay $0x2  }
0x212: {  	p2 =	seq.s32 @!p1 s9, $0x0;
	v0 =	vbroadcast @!p1 v0, $0x0  }
0x213: {  	vm0 =	vmmov @!p1 $0x1;
	p2 =	por !p2, p1  }
0x214: {  	v1 =	vnsel @!p1 vm0, $0xFFFFFFFF, v1;
	vm0 =	vcmask @!p1 $0x308;
	v0 =	vpsel !p2, $0xFFFFFFFF, v0  }
0x215: {  	p2 =	sne.s32 @!p1 s8, s7;
	v0 =	vsel @!p1 vm0, v1, v0  }
0x216: {  	s0 =	simm.s32 @!p1 $0xF238;
	s2 =	simm.s32 @!p1 $0x0;
	p3 =	por !p2, p1;
	[tilespmem:$0x10238] =	vst @!p1 v0  }
0x217: {  	[spmem:s2] =	stream.linear.scatter @!p1 [tilespmem:s0], [sflag:$0x1], $0x80, $0x38;
	[tilespmem:$0x1F6F8] =	vst v63  }
0x218: {  	s0 =	sshll.u32 @!p3 s9, $0x9  }
0x219: {  	s0 =	sshra.s32 @!p3 s0, $0x2  }
0x21a: {  	s2 =	simm.s32 @!p3 $0x80;
	s0 =	sadd.s32 @!p3 $0xF238, s0  }
0x21b: {  	[spmem:s2] =	stream.linear.scatter @!p3 [tilespmem:s0], [sflag:$0x1], $0x80, $0x38;
	[tilespmem:$0x1F6F8] =	vst v63  }
0x21c: {  	s0 =	simm.s32 @!p3 $0x1  }
0x21d: {  	_ =	swait.ge @!p3 [sflag:s0], $0x100  }
0x21e: {  	p1 =	por p2, p1;
	[sflag:s0] =	ssyncset.done @!p3 $0x0  }
0x21f: {  	[sflag:s0] =	ssyncadd.s32 @!p3 $0xFFFFFF00;
	s0 =	simm.s32 @!p1 $0x1  }
0x220: {  	_ =	swait.ge @!p1 [sflag:s0], $0x80  }
0x221: {  	s29 =	simm.s32 $0x10238;
	[sflag:s0] =	ssyncset.done @!p1 $0x0  }
0x222: {  	s30 =	simm.s32 $0x1000;
	s31 =	simm.s32 $0x1;
	[sflag:s0] =	ssyncadd.s32 @!p1 $0xFFFFFF80  }
0x223: {  	[spmem:s30] =	stream.linear.scatter [tilespmem:s29], [sflag:$0x1], $0x10, $0x38;
	[tilespmem:$0x1F6F8] =	vst v63  }
0x224: {  	_ =	swait.ge [sflag:s31], $0x10  }
0x225: {  	[sflag:s31] =	ssyncset.done $0x0  }
0x226: {  	p1 =	seq.s32 s15, $0x0;
	s8 =	rddreg [dreg:$0x1];
	[sflag:s31] =	ssyncadd.s32 $0xFFFFFFF0  }
0x227: {  	s2 =	sshll.u32 @p1 s8, $0xE;
	s7 =	rddreg [dreg:$0x2]  }
0x228: {  	s0 =	sadd.s32 @p1 $0x15C3C, s2;
	s2 =	sshll.u32 @p1 s7, $0x11  }
0x229: {  	_ =	sfence.stream.spmem;
	s0 =	sor.u32 @p1 s2, s0  }
0x22a: {  	[sflag:s0] =	ssyncadd.remote.s32 @p1 $0x1;
	s0 =	simm.s32 @p1 $0x4  }
0x22b: {  	s3 =	simm.s32 @!p1 $0x3C;
	s2 =	sand.u32 $0xFFFFFFFE, s8;
	_ =	swait.ge @p1 [sflag:s0], $0x22  }
0x22c: {  	s4 =	simm.s32 @!p1 $0x0;
	s2 =	sadd.s32 @!p1 $0x4, s2;
	[sflag:s0] =	ssyncset.done @p1 $0x0  }
0x22d: {  	s5 =	simm.s32 @!p1 $0x100;
	[sflag:s0] =	ssyncadd.s32 @p1 $0xFFFFFFDE;
	s0 =	sshll.u32 @!p1 s2, $0x1A  }
0x22e: {  	s2 =	sshll.u32 @!p1 s2, $0xD;
	s0 =	sor.u32 @!p1 s0, s7;
	_ =	swait.eq @!p1 [sflag:s3], $0x1  }
0x22f: {  	s2 =	sor.u32 @!p1 $0x1C04, s2;
	s3 =	simm.s32 @!p1 $0x1C03;
	s0 =	sor.u32 @!p1 $0x80004000, s0  }
0x230: {  	[spmem:s5], [sflag:s2] =	dma.general @!p1 [spmem:s4], [sflag:s3], length:$0x20, [dreg:$0x0], stride_count:$0x0, ici_dest:s0, dma_misc:DstOpCode:WRITE  }
0x231: {  	p2 =	slt.s32 s9, $0x2;
	s4 =	simm.s32 @!p1 $0x200;
	s5 =	simm.s32 @!p1 $0x202  }
0x232: {  	[spmem:s5], [sflag:s2] =	dma.general @!p1 [spmem:s4], [sflag:s3], length:$0x2, [dreg:$0x0], stride_count:$0x0, ici_dest:s0, dma_misc:DstOpCode:WRITE  }
.Ltmp32:
0x233: {  	s0 =	simm.s32 @!p1 $0x3;
	(pc) =	sbr.rel @p2 .LBB3_38-.Ltmp32, $4  }
0x234: {  	s2 =	sshll.u32 @!p1 s8, $0xE;
	_ =	swait.ge @!p1 [sflag:s0], $0x22  }
0x235: {  	s3 =	sshll.u32 @!p1 s7, $0x11;
	s2 =	sadd.s32 @!p1 $0x11C3C, s2;
	[sflag:s0] =	ssyncset.done @!p1 $0x0  }
0x236: {  	[sflag:s0] =	ssyncadd.s32 @!p1 $0xFFFFFFDE;
	s0 =	sor.u32 @!p1 s3, s2  }
0x237: {  	[sflag:s0] =	ssyncadd.remote.s32 @!p1 $0xFFFFFFFF;
	s0 =	simm.s32 $0x0  }
0x238: {  	s0 =	simm.s32 $0xF219  }
0x239: {  	v0 =	vld.msk [tilespmem:s0+$0x0], $0x1;
	_ =	sdelay $0x4  }
0x23a: {  	(v2sf) =	vpush v0, $0x0;
	_ =	sdelay $0xb  }
0x23b: {  	s31 =	sadd.s32 $0xFFFFFFFE, s6  }
0x23c: {  	s0 =	sadd.s32 $0xFFFFFFFF, s31  }
0x23d: {  	p2 =	sne.s32 s0, $0x0  }
.Ltmp33:
0x23e: {  	s2 =	spop (v2sf);
	(pc) =	sbr.rel @!p2 .LBB3_37-.Ltmp33, $4  }
0x23f: {  	s4 =	simm.s32 $0xF2B8;
	s7 =	simm.s32 $0x0;
	p1 =	sgt.u32 s2, $0x27FF0  }
0x240: {  	s5 =	simm.s32 $0x0;
	s6 =	simm.s32 $0xF21A;
	s3 =	sand.u32 @!p1 $0x3FFF8, s2  }
0x241: {  	s2 =	sand.u32 @!p1 $0x7, s2;
	s7 =	simm.s32 @!p1 $0x200;
	s3 =	sadd.s32 @!p1 s1, s3  }
0x242: {  	[hbm4b:s3+s2] =	stream.linear.scatter @!p1 [tilespmem:s4], [sflag:$0x5], $0x80, $0x38;
	[tilespmem:$0x1F6F8] =	vst v63  }
.LBB3_36:
0x243: {  	v0 =	vld.msk [tilespmem:s6+$0x0], $0x1;
	s0 =	sadd.s32 $0xFFFFFFFF, s0;
	s5 =	sadd.s32 s5, s7  }
0x244: {  	p1 =	sne.s32 s0, $0x0;
	_ =	sdelay $0x3  }
0x245: {  	(v2sf) =	vpush v0, $0x0;
	_ =	sdelay $0xe  }
.Ltmp34:
0x246: {  	s2 =	spop (v2sf);
	(pc) =	sbr.rel @p1 .LBB3_36-.Ltmp34, $4  }
0x247: {  	s7 =	simm.s32 $0x0;
	p2 =	sgt.u32 s2, $0x27FF0  }
0x248: {  	s4 =	sadd.s32 $0x80, s4;
	s7 =	simm.s32 @!p2 $0x200;
	s3 =	sand.u32 @!p2 $0x3FFF8, s2  }
0x249: {  	s6 =	sadd.s32 $0x1, s6;
	s2 =	sand.u32 @!p2 $0x7, s2;
	s3 =	sadd.s32 @!p2 s1, s3  }
0x24a: {  	[hbm4b:s3+s2] =	stream.linear.scatter @!p2 [tilespmem:s4], [sflag:$0x5], $0x80, $0x38;
	[tilespmem:$0x1F6F8] =	vst v63  }
.LBB3_37:
0x24b: {  	s0 =	sadd.s32 s5, s7  }
0x24c: {  	s0 =	sshrl.u32 s0, $0x2  }
.LBB3_38:
0x24d: {  	s2 =	simm.s32 $0x5  }
0x24e: {  	_ =	swait.ge [sflag:s2], s0  }
0x24f: {  	s31 =	ssub.s32 $0x0, s0;
	[sflag:s2] =	ssyncset.done $0x0  }
0x250: {  	[sflag:s2] =	ssyncadd.s32 s31  }
0x251: {  	[sflag:s2] =	ssyncpa.u1 $0x1  }
.LBB3_39:
0x252: {  	s0 =	sor.u32 s15, s16  }
0x253: {  	p1 =	sne.s32 s0, $0x0  }
.Ltmp35:
0x254: {  	_ = 	snop;
	(pc) =	sbr.rel @p1 .LBB3_54-.Ltmp35, $3  }
0x255: {  	_ =	sdelay $0x1  }
0x256: {  	[bflag:$0x0] =	sbarrier.arrive $0xFFFF  }
0x257: {  	_ =	sfence  }
0x258: {  	s0 =	simm.s32 $0x7  }
0x259: {  	s2 =	simm.s32 $0x1000;
	s3 =	simm.s32 $0xF218;
	[sflag:s0] =	ssyncpa.u1 $0x0  }
0x25a: {  	[tilespmem:s3], [sflag:$0x7] =	stream.linear.gather [spmem:s2], $0x20, $0x38;
	[tilespmem:$0x1F6F8] =	vst v63  }
0x25b: {  	s30 =	simm.s32 $0xF238;
	s2 =	simm.s32 $0x0  }
0x25c: {  	[tilespmem:s30], [sflag:$0x7] =	stream.linear.gather [spmem:s2], $0x1000, $0x38;
	[tilespmem:$0x1F6F8] =	vst v63  }
.Ltmp36:
0x25d: {  	_ = 	snop;
	(pc) =	sbr.rel .LBB3_41-.Ltmp36, $4  }
0x25e: {  	_ =	swait.ge [sflag:s0], $0x1020  }
0x25f: {  	[sflag:s0] =	ssyncset.done $0x0  }
0x260: {  	s31 =	simm.s32 $0x8;
	[sflag:s0] =	ssyncadd.s32 $0xFFFFEFE0  }
0x261: {  	s3 =	simm.s32 $0x0;
	[sflag:s31] =	ssyncpa.u1 $0x0  }
.LBB3_47:
0x262: {  	p1 =	slt.u32 s4, $0x27FF1  }
0x263: {  	s0 =	sand.u32 @p1 $0x3FFF8, s4  }
0x264: {  	s4 =	sand.u32 @p1 $0x7, s4;
	s5 =	simm.s32 @p1 $0xF188;
	s0 =	sadd.s32 @p1 s1, s0  }
0x265: {  	[tilespmem:s5], [sflag:$0x8] =	stream.linear.gather @p1 [hbm4b:s0+s4], $0x80, $0x38;
	[tilespmem:$0x1F6F8] =	vst v63  }
0x266: {  	s0 =	simm.s32 @p1 $0x8  }
0x267: {  	_ =	swait.ge @p1 [sflag:s0], $0x80  }
0x268: {  	[sflag:s0] =	ssyncset.done @p1 $0x0  }
0x269: {  	[sflag:s0] =	ssyncadd.s32 @p1 $0xFFFFFF80  }
0x26a: {  	v1 =	vld @p1 [tilespmem:$0xF188];
	_ =	sdelay $0x2  }
0x26b: {  	s0 =	sshll.u32 @p1 s3, $0x9  }
0x26c: {  	s4 =	sshrl.u32 @p1 s0, $0x2  }
0x26d: {  	[tilespmem:s4+$0xF238] =	vst.add.f32.msk @p1 $0xffff, v1  }
0x26e: {  	v1 =	vld @p1 [tilespmem:$0xF198];
	_ =	sdelay $0x4  }
0x26f: {  	[tilespmem:s4+$0xF248] =	vst.add.f32.msk @p1 $0xffff, v1  }
0x270: {  	v1 =	vld @p1 [tilespmem:$0xF1A8];
	_ =	sdelay $0x4  }
0x271: {  	[tilespmem:s4+$0xF258] =	vst.add.f32.msk @p1 $0xffff, v1  }
0x272: {  	v1 =	vld @p1 [tilespmem:$0xF1B8];
	_ =	sdelay $0x4  }
0x273: {  	[tilespmem:s4+$0xF268] =	vst.add.f32.msk @p1 $0xffff, v1  }
0x274: {  	v1 =	vld @p1 [tilespmem:$0xF1C8];
	_ =	sdelay $0x4  }
0x275: {  	[tilespmem:s4+$0xF278] =	vst.add.f32.msk @p1 $0xffff, v1  }
0x276: {  	v1 =	vld @p1 [tilespmem:$0xF1D8];
	_ =	sdelay $0x4  }
0x277: {  	[tilespmem:s4+$0xF288] =	vst.add.f32.msk @p1 $0xffff, v1  }
0x278: {  	v1 =	vld @p1 [tilespmem:$0xF1E8];
	_ =	sdelay $0x4  }
0x279: {  	[tilespmem:s4+$0xF298] =	vst.add.f32.msk @p1 $0xffff, v1  }
0x27a: {  	v1 =	vld @p1 [tilespmem:$0xF1F8];
	_ =	sdelay $0x3  }
0x27b: {  	s5 =	sshll.u32 @!p1 s3, $0x9  }
0x27c: {  	s5 =	smov.u32 @p1 s0;
	[tilespmem:s4+$0xF2A8] =	vst.add.f32.msk @p1 $0xffff, v1  }
0x27d: {  	s0 =	sshrl.u32 s5, $0x2;
	[tilespmem:s2+$0xF218] =	vst.msk $0x1, v0  }
0x27e: {  	v0 =	vld [tilespmem:s0+$0xF238];
	_ =	sdelay $0x2  }
0x27f: {  	s31 =	sshll.u32 s2, $0x9  }
0x280: {  	s4 =	sshra.s32 s31, $0x2  }
0x281: {  	[tilespmem:s4+$0xF238] =	vst v0  }
0x282: {  	v0 =	vld [tilespmem:s0+$0xF248];
	_ =	sdelay $0x4  }
0x283: {  	[tilespmem:s4+$0xF248] =	vst v0  }
0x284: {  	v0 =	vld [tilespmem:s0+$0xF258];
	_ =	sdelay $0x4  }
0x285: {  	[tilespmem:s4+$0xF258] =	vst v0  }
0x286: {  	v0 =	vld [tilespmem:s0+$0xF268];
	_ =	sdelay $0x4  }
0x287: {  	[tilespmem:s4+$0xF268] =	vst v0  }
0x288: {  	v0 =	vld [tilespmem:s0+$0xF278];
	_ =	sdelay $0x4  }
0x289: {  	[tilespmem:s4+$0xF278] =	vst v0  }
0x28a: {  	v0 =	vld [tilespmem:s0+$0xF288];
	_ =	sdelay $0x4  }
0x28b: {  	[tilespmem:s4+$0xF288] =	vst v0  }
0x28c: {  	v0 =	vld [tilespmem:s0+$0xF298];
	_ =	sdelay $0x4  }
0x28d: {  	[tilespmem:s4+$0xF298] =	vst v0  }
0x28e: {  	v0 =	vld [tilespmem:s0+$0xF2A8];
	_ =	sdelay $0x4  }
0x28f: {  	s2 =	sadd.s32 $0x1, s2;
	[tilespmem:s4+$0xF2A8] =	vst v0  }
.LBB3_48:
0x290: {  	s3 =	sadd.s32 $0x1, s3  }
0x291: {  	p1 =	sne.s32 s3, $0x20  }
.Ltmp37:
0x292: {  	_ = 	snop;
	(pc) =	sbr.rel @!p1 .LBB3_49-.Ltmp37, $1  }
0x293: {  	_ =	sdelay $0x3  }
.LBB3_41:
0x294: {  	v0 =	vld.msk [tilespmem:s3+$0xF218], $0x1;
	_ =	sdelay $0x4  }
0x295: {  	(v2sf) =	vpush v0, $0x0;
	_ =	sdelay $0xe  }
0x296: {  	s4 =	spop (v2sf)  }
0x297: {  	p1 =	seq.s32 s4, $0xFFFFFFFF  }
.Ltmp38:
0x298: {  	_ = 	snop;
	(pc) =	sbr.rel @p1 .LBB3_48-.Ltmp38, $1  }
0x299: {  	_ =	sdelay $0x3  }
0x29a: {  	p1 =	slt.s32 s2, $0x1  }
.Ltmp39:
0x29b: {  	_ = 	snop;
	(pc) =	sbr.rel @p1 .LBB3_47-.Ltmp39, $1  }
0x29c: {  	_ =	sdelay $0x3  }
0x29d: {  	s5 =	simm.s32 $0xF218;
	p1 =	por $0x0, $0x0  }
0x29e: {  	v1 =	vld.msk @!p1 [tilespmem:s5+$0x0], $0x1;
	_ =	sdelay $0x4  }
0x29f: {  	(v2sf) =	vpush @!p1 v1, $0x0;
	_ =	sdelay $0xd  }
0x2a0: {  	p3 =	sne.s32 s2, $0x1  }
.Ltmp40:
0x2a1: {  	s0 =	spop @!p1 (v2sf);
	(pc) =	sbr.rel @!p3 .LBB3_45-.Ltmp40, $4  }
0x2a2: {  	p2 =	seq.s32 @!p1 s4, s0  }
0x2a3: {  	s6 =	simm.s32 $0x0;
	p2 =	por !p2, p1  }
0x2a4: {  	s7 =	simm.s32 $0xFFFFFFFF;
	s6 =	simm.s32 @p2 $0xFFFFFFFF  }
0x2a5: {  	s0 =	simm.s32 $0x1;
	s6 =	smov.u32 @p1 s7  }
.LBB3_44:
0x2a6: {  	s7 =	smov.u32 s6;
	p1 =	sne.s32 s6, $0xFFFFFFFF  }
0x2a7: {  	s5 =	sadd.s32 $0x1, s5;
	s6 =	smov.u32 s0;
	s0 =	sadd.s32 $0x1, s0  }
0x2a8: {  	p2 =	sne.s32 s2, s0;
	v1 =	vld.msk @!p1 [tilespmem:s5+$0x0], $0x1;
	_ =	sdelay $0x4  }
0x2a9: {  	(v2sf) =	vpush @!p1 v1, $0x0;
	_ =	sdelay $0xe  }
.Ltmp41:
0x2aa: {  	s8 =	spop @!p1 (v2sf);
	(pc) =	sbr.rel @p2 .LBB3_44-.Ltmp41, $4  }
0x2ab: {  	p3 =	seq.s32 @!p1 s4, s8  }
0x2ac: {  	p3 =	por !p3, p1  }
0x2ad: {  	s6 =	simm.s32 @p3 $0xFFFFFFFF  }
0x2ae: {  	s6 =	smov.u32 @p1 s7  }
.LBB3_45:
0x2af: {  	p1 =	seq.s32 s6, $0xFFFFFFFF  }
.Ltmp42:
0x2b0: {  	_ = 	snop;
	(pc) =	sbr.rel @p1 .LBB3_47-.Ltmp42, $1  }
0x2b1: {  	_ =	sdelay $0x3  }
0x2b2: {  	s0 =	sshll.u32 s3, $0x7  }
0x2b3: {  	s0 =	sand.u32 $0x3FFFFF80, s0  }
0x2b4: {  	v0 =	vld [tilespmem:s0+$0xF238];
	_ =	sdelay $0x2  }
0x2b5: {  	s4 =	sshll.u32 s6, $0x9  }
0x2b6: {  	s4 =	sshra.s32 s4, $0x2  }
0x2b7: {  	[tilespmem:s4+$0xF238] =	vst.add.f32.msk $0xffff, v0  }
0x2b8: {  	v0 =	vld [tilespmem:s0+$0xF248];
	_ =	sdelay $0x4  }
0x2b9: {  	[tilespmem:s4+$0xF248] =	vst.add.f32.msk $0xffff, v0  }
0x2ba: {  	v0 =	vld [tilespmem:s0+$0xF258];
	_ =	sdelay $0x4  }
0x2bb: {  	[tilespmem:s4+$0xF258] =	vst.add.f32.msk $0xffff, v0  }
0x2bc: {  	v0 =	vld [tilespmem:s0+$0xF268];
	_ =	sdelay $0x4  }
0x2bd: {  	[tilespmem:s4+$0xF268] =	vst.add.f32.msk $0xffff, v0  }
0x2be: {  	v0 =	vld [tilespmem:s0+$0xF278];
	_ =	sdelay $0x4  }
0x2bf: {  	[tilespmem:s4+$0xF278] =	vst.add.f32.msk $0xffff, v0  }
0x2c0: {  	v0 =	vld [tilespmem:s0+$0xF288];
	_ =	sdelay $0x4  }
0x2c1: {  	[tilespmem:s4+$0xF288] =	vst.add.f32.msk $0xffff, v0  }
0x2c2: {  	v0 =	vld [tilespmem:s0+$0xF298];
	_ =	sdelay $0x4  }
0x2c3: {  	[tilespmem:s4+$0xF298] =	vst.add.f32.msk $0xffff, v0  }
0x2c4: {  	v0 =	vld [tilespmem:s0+$0xF2A8]  }
.Ltmp43:
0x2c5: {  	_ = 	snop;
	(pc) =	sbr.rel .LBB3_48-.Ltmp43, $2  }
0x2c6: {  	_ =	sdelay $0x2  }
0x2c7: {  	[tilespmem:s4+$0xF2A8] =	vst.add.f32.msk $0xffff, v0  }
.LBB3_49:
0x2c8: {  	p1 =	slt.s32 s2, $0x1  }
.Ltmp44:
0x2c9: {  	_ = 	snop;
	(pc) =	sbr.rel @p1 .LBB3_53-.Ltmp44, $3  }
0x2ca: {  	_ =	sdelay $0x1  }
0x2cb: {  	s0 =	simm.s32 $0x8  }
0x2cc: {  	s3 =	simm.s32 $0x0;
	[sflag:s0] =	ssyncpa.u1 $0x1  }
0x2cd: {  	s0 =	simm.s32 $0xF218  }
0x2ce: {  	v0 =	vld.msk [tilespmem:s0+$0x0], $0x1;
	_ =	sdelay $0x4  }
0x2cf: {  	(v2sf) =	vpush v0, $0x0;
	_ =	sdelay $0xe  }
0x2d0: {  	s0 =	sadd.s32 $0xFFFFFFFF, s2;
	s5 =	spop (v2sf)  }
0x2d1: {  	p2 =	sne.s32 s0, $0x0;
	p1 =	sgt.u32 s5, $0x27FF0  }
.Ltmp45:
0x2d2: {  	s6 =	sand.u32 @!p1 $0x3FFF8, s5;
	(pc) =	sbr.rel @!p2 .LBB3_52-.Ltmp45, $4  }
0x2d3: {  	s4 =	simm.s32 $0xF238;
	s5 =	sand.u32 @!p1 $0x7, s5;
	s2 =	sadd.s32 @!p1 s1, s6  }
0x2d4: {  	[hbm4b:s2+s5] =	stream.linear.scatter @!p1 [tilespmem:s4], [sflag:$0x7], $0x80, $0x38;
	[tilespmem:$0x1F6F8] =	vst v63  }
0x2d5: {  	s5 =	simm.s32 $0x0  }
0x2d6: {  	s2 =	simm.s32 $0xF219;
	s5 =	simm.s32 @!p1 $0x200  }
.LBB3_51:
0x2d7: {  	v0 =	vld.msk [tilespmem:s2+$0x0], $0x1;
	s0 =	sadd.s32 $0xFFFFFFFF, s0;
	s3 =	sadd.s32 s3, s5  }
0x2d8: {  	p1 =	sne.s32 s0, $0x0;
	_ =	sdelay $0x3  }
0x2d9: {  	(v2sf) =	vpush v0, $0x0;
	_ =	sdelay $0xe  }
.Ltmp46:
0x2da: {  	s6 =	spop (v2sf);
	(pc) =	sbr.rel @p1 .LBB3_51-.Ltmp46, $4  }
0x2db: {  	s5 =	simm.s32 $0x0;
	p2 =	sgt.u32 s6, $0x27FF0  }
0x2dc: {  	s4 =	sadd.s32 $0x80, s4;
	s5 =	simm.s32 @!p2 $0x200;
	s7 =	sand.u32 @!p2 $0x3FFF8, s6  }
0x2dd: {  	s2 =	sadd.s32 $0x1, s2;
	s6 =	sand.u32 @!p2 $0x7, s6;
	s7 =	sadd.s32 @!p2 s1, s7  }
0x2de: {  	[hbm4b:s7+s6] =	stream.linear.scatter @!p2 [tilespmem:s4], [sflag:$0x7], $0x80, $0x38;
	[tilespmem:$0x1F6F8] =	vst v63  }
.LBB3_52:
0x2df: {  	s0 =	sadd.s32 s3, s5  }
0x2e0: {  	s3 =	sshrl.u32 s0, $0x2  }
.LBB3_53:
0x2e1: {  	s0 =	simm.s32 $0x7  }
0x2e2: {  	_ =	swait.ge [sflag:s0], s3  }
0x2e3: {  	s1 =	ssub.s32 $0x0, s3;
	[sflag:s0] =	ssyncset.done $0x0  }
0x2e4: {  	[sflag:s0] =	ssyncadd.s32 s1  }
0x2e5: {  	[sflag:s0] =	ssyncpa.u1 $0x1  }
.LBB3_54:
0x2e6: {  	_ =	sfence;
	s0 =	simm.s32 $0x1  }
0x2e7: {  	[sflag:s0] =	ssyncpa.u1 $0x1  }
0x2e8: {  	_ =	strace $0x9000005F  }
0x2e9: {  	[bflag:$0x2] =	sbarrier.arrive $0xFFFF  }
0x2ea: {  	s0 =	rddreg [dreg:$0x3]  }
0x2eb: {  	s0 =	sadd.s32 @!p0 $0x100000, s0  }
0x2ec: {  	[sflag:s0] =	ssyncadd.tile.s32 @!p0 $0x1;
	_ =	shalt  }
.Lfunc_end3:
_tile_overlayer_lowered:
.L_overlay_start_3:
0x2ed: {  	(tag) =	ssettag $0x3  }
0x2ee: {  	s0 =	rddreg [dreg:$0x0];
	s2 =	stileid.u32  }
0x2ef: {  	s1 =	rddreg [dreg:$0x1];
	p0 =	sne.s32 s2, $0x0  }
0x2f0: {  	s3 =	rddreg [dreg:$0x2];
	[bflag:$0x3] =	sbarrier.arrive $0xFFFF;
	s2 =	simm.s32 @!p0 $0x1C01  }
0x2f1: {  	[timem:s3], [sflag:s2] =	dma.local @!p0 [hbm:s0], s1  }
0x2f2: {  	s0 =	simm.s32 @!p0 $0x1  }
0x2f3: {  	_ =	swait.ge @!p0 [sflag:s0], s1  }
0x2f4: {  	s1 =	ssub.s32 @!p0 $0x0, s1;
	[sflag:s0] =	ssyncset.done @!p0 $0x0  }
0x2f5: {  	[sflag:s0] =	ssyncadd.s32 @!p0 s1  }
0x2f6: {  	[bflag:$0x3] =	sbarrier.arrive $0xFFFF  }
0x2f7: {  	_ =	shalt  }

// kernel: scatter_offload_async_start.2
scs
__scs_entry_jumppad:
0x0: {  	(pc) =	sbr.rel $0x88, $3  }
0x1: {  	(tag) =	ssettag $0x0;
	lr =	simm.s32 $0x1  }
0x2: {  	[smem:$0x3F96] =	sst lr;
	_ =	strace $0xD0000000  }
0x3: {  	_ = 	snop  }
0x4: {  	_ = 	snop  }
0x5: {  	_ = 	snop  }
0x6: {  	_ = 	snop  }
0x7: {  	_ = 	snop  }
__scs_overlays_trampoline_lowered:
0x8: {  	[smem:$0x3FA5] =	sst s0  }
0x9: {  	[smem:$0x3FA6] =	sst s1  }
0xa: {  	[smem:$0x3FA7] =	sst s2  }
0xb: {  	[smem:$0x3FA8] =	sst s3  }
0xc: {  	[smem:$0x3FA9] =	sst s4  }
0xd: {  	[smem:$0x3FAA] =	sst s5  }
0xe: {  	[smem:$0x3FAB] =	sst s6  }
0xf: {  	[smem:$0x3FAC] =	sst s7  }
0x10: {  	[smem:$0x3FAD] =	sst s8  }
0x11: {  	[smem:$0x3FAE] =	sst s9;
	s0 =	simm.s32 @!p0 $0x0  }
0x12: {  	s1 =	sld [smem:$0x3F94];
	s0 =	simm.s32 @p0 $0x1  }
0x13: {  	[smem:$0x3FAF] =	sst s0;
	s0 =	simm.s32 @!p1 $0x0  }
0x14: {  	s2 =	sld [smem:$0x3F93];
	s0 =	simm.s32 @p1 $0x1  }
0x15: {  	[smem:$0x3FB0] =	sst s0;
	s0 =	simm.s32 @!p2 $0x0  }
0x16: {  	s3 =	sld [smem:$0x3FDB];
	s0 =	simm.s32 @p2 $0x1  }
0x17: {  	s4 =	simm.s32 $0x1BF5;
	[smem:$0x3FB2] =	sst s0  }
0x18: {  	s0 =	sld [smem:$0x3F95];
	_ =	swait.ge [sflag:s4], $0x0  }
0x19: {  	s7 =	sld [smem:$0x3F96]  }
0x1a: {  	s8 =	sadd.s32 $0xFFFFE003, lr  }
0x1b: {  	s9 =	sadd.s32 $0xFFFFFEF7, lr;
	s5 =	simm.s32 $0xFFFFFFFF;
	p2 =	slt.u32 s8, $0xFFFFF086  }
0x1c: {  	p1 =	slt.u32 s9, $0xF7A;
	s5 =	simm.s32 @!p2 $0x0  }
0x1d: {  	s5 =	simm.s32 @p1 $0x1;
	p0 =	seq.s32 s7, s2  }
0x1e: {  	s7 =	smul.u32 @!p0 $0xF7A, s2;
	p2 =	seq.s32 @!p0 s5, $0x0  }
0x1f: {  	s9 =	smul.u32 $0xF7A, s1;
	s8 =	simm.s32 @!p0 $0x1BF5;
	p2 =	por !p2, p0  }
0x20: {  	[sflag:s8] =	ssyncset.s32 @!p0 $0xFFFFF086;
	s6 =	sadd.s32 @!p0 s3, s7;
	s7 =	simm.s32 @!p0 $0x108  }
0x21: {  	s3 =	sadd.s32 s3, s9;
	s6 =	sadd.s32 @!p0 $0x88, s6;
	s7 =	simm.s32 @p2 $0x1082  }
0x22: {  	[simem:s7], [sflag:s8] =	dma.local @!p0 [hbm:s6], $0xF7A  }
0x23: {  	s9 =	sor.u32 $0xD0000000, s2;
	s6 =	simm.s32 $0x108;
	_ =	swait.ge @!p0 [sflag:s8], $0x0  }
0x24: {  	s3 =	sadd.s32 $0x88, s3;
	s6 =	simm.s32 @!p1 $0x1082;
	[sflag:s4] =	ssyncset.s32 $0xFFFFF086  }
0x25: {  	[simem:s6], [sflag:s4] =	dma.local [hbm:s3], $0xF7A  }
0x26: {  	[smem:$0x3F96] =	sst s1;
	(tag) =	ssettag s2;
	_ =	strace s9  }
0x27: {  	s1 =	sld [smem:$0x3FA6]  }
0x28: {  	s2 =	sld [smem:$0x3FA7]  }
0x29: {  	s4 =	sld [smem:$0x3FA9]  }
0x2a: {  	p0 =	seq.s32 s5, $0x0;
	s5 =	sld [smem:$0x3FAA]  }
0x2b: {  	s6 =	sld [smem:$0x3FAB]  }
0x2c: {  	s7 =	sld [smem:$0x3FAC]  }
0x2d: {  	s3 =	simm.s32 $0x108;
	s8 =	sld [smem:$0x3FAD]  }
0x2e: {  	s3 =	simm.s32 @!p0 $0x1082;
	s9 =	sld [smem:$0x3FAE]  }
0x2f: {  	lr =	sadd.s32 s0, s3;
	s0 =	sld [smem:$0x3FA5]  }
0x30: {  	s3 =	sld [smem:$0x3FA8]  }
0x31: {  	[smem:$0x3FB1] =	sst s10  }
0x32: {  	s10 =	sld [smem:$0x3FAF];
	_ =	sdelay $0x3  }
0x33: {  	p0 =	seq.s32 s10, $0x1;
	s10 =	sld [smem:$0x3FB1];
	_ =	sdelay $0x3  }
0x34: {  	[smem:$0x3FB1] =	sst s10  }
0x35: {  	s10 =	sld [smem:$0x3FB0];
	_ =	sdelay $0x3  }
0x36: {  	p1 =	seq.s32 s10, $0x1;
	s10 =	sld [smem:$0x3FB1];
	_ =	sdelay $0x3  }
0x37: {  	[smem:$0x3FB1] =	sst s10  }
0x38: {  	s10 =	sld [smem:$0x3FB2]  }
0x39: {  	_ = 	snop;
	(pc) =	sbr.ind lr, $3  }
0x3a: {  	_ = 	snop  }
0x3b: {  	_ = 	snop  }
0x3c: {  	p2 =	seq.s32 s10, $0x1;
	s10 =	sld [smem:$0x3FB1]  }
0x3d: {  	_ =	shalt  }
0x3e: {  	_ =	shalt  }
0x3f: {  	_ =	shalt  }
0x40: {  	_ =	shalt  }
0x41: {  	_ =	shalt  }
0x42: {  	_ =	shalt  }
0x43: {  	_ =	shalt  }
0x44: {  	_ =	shalt  }
0x45: {  	_ =	shalt  }
0x46: {  	_ =	shalt  }
0x47: {  	_ =	shalt  }
0x48: {  	_ =	shalt  }
0x49: {  	_ =	shalt  }
0x4a: {  	_ =	shalt  }
0x4b: {  	_ =	shalt  }
0x4c: {  	_ =	shalt  }
0x4d: {  	_ =	shalt  }
0x4e: {  	_ =	shalt  }
0x4f: {  	_ =	shalt  }
0x50: {  	_ =	shalt  }
0x51: {  	_ =	shalt  }
0x52: {  	_ =	shalt  }
0x53: {  	_ =	shalt  }
0x54: {  	_ =	shalt  }
0x55: {  	_ =	shalt  }
0x56: {  	_ =	shalt  }
0x57: {  	_ =	shalt  }
0x58: {  	_ =	shalt  }
0x59: {  	_ =	shalt  }
0x5a: {  	_ =	shalt  }
0x5b: {  	_ =	shalt  }
0x5c: {  	_ =	shalt  }
0x5d: {  	_ =	shalt  }
0x5e: {  	_ =	shalt  }
0x5f: {  	_ =	shalt  }
0x60: {  	_ =	shalt  }
0x61: {  	_ =	shalt  }
0x62: {  	_ =	shalt  }
0x63: {  	_ =	shalt  }
0x64: {  	_ =	shalt  }
0x65: {  	_ =	shalt  }
0x66: {  	_ =	shalt  }
0x67: {  	_ =	shalt  }
0x68: {  	_ =	shalt  }
0x69: {  	_ =	shalt  }
0x6a: {  	_ =	shalt  }
0x6b: {  	_ =	shalt  }
0x6c: {  	_ =	shalt  }
0x6d: {  	_ =	shalt  }
0x6e: {  	_ =	shalt  }
0x6f: {  	_ =	shalt  }
0x70: {  	_ =	shalt  }
0x71: {  	_ =	shalt  }
0x72: {  	_ =	shalt  }
0x73: {  	_ =	shalt  }
0x74: {  	_ =	shalt  }
0x75: {  	_ =	shalt  }
0x76: {  	_ =	shalt  }
0x77: {  	_ =	shalt  }
0x78: {  	_ =	shalt  }
0x79: {  	_ =	shalt  }
0x7a: {  	_ =	shalt  }
0x7b: {  	_ =	shalt  }
0x7c: {  	_ =	shalt  }
0x7d: {  	_ =	shalt  }
0x7e: {  	_ =	shalt  }
0x7f: {  	_ =	shalt  }
0x80: {  	_ =	shalt  }
0x81: {  	_ =	shalt  }
0x82: {  	_ =	shalt  }
0x83: {  	_ =	shalt  }
0x84: {  	_ =	shalt  }
0x85: {  	_ =	shalt  }
0x86: {  	_ =	shalt  }
0x87: {  	_ =	shalt  }
.Lfunc_end0:
.L_simem_size_0:
called_computation.2_lowered:
.L_overlay_start_0:
0x88: {  	s0 =	sld [smem:$0x3FD9]  }
0x89: {  	s1 =	sld [smem:$0x3FFE];
	_ =	sdelay $0x3  }
0x8a: {  	s0 =	sadd.s32 s1, s0  }
0x8b: {  	[smem:$0x3FBD] =	sst s0  }
0x8c: {  	_ = 	snop  }
0x8d: {  	(tm) =	ssettm $0x1  }
0x8e: {  	s14 =	sld [smem:$0x3FFB];
	_ =	sdelay $0x3  }
0x8f: {  	_ =	strace s14  }
0x90: {  	s0 =	sld [smem:$0x3FFC];
	_ =	sdelay $0x3  }
0x91: {  	_ =	strace s0  }
0x92: {  	s0 =	sld [smem:$0x3FFD];
	_ =	sdelay $0x3  }
0x93: {  	_ =	strace s0  }
0x94: {  	_ =	strace $0x8FFFFFFF  }
0x95: {  	s15 =	sld [smem:$0x3FDB];
	_ =	sdelay $0x1  }
0x96: {  	s16 =	simm.s32 $_scs_section_size  }
0x97: {  	s2 =	simm.s32 $_size__tile_overlayer_lowered;
	s3 =	simm.s32 $_tile_overlayer_lowered  }
0x98: {  	s4 =	simm.s32 $0x1BFF;
	s17 =	sshll.u32 s3, $0x1;
	s1 =	sadd.s32 s16, s15  }
0x99: {  	s18 =	simm.s32 $0x0;
	s2 =	sshll.u32 s2, $0x1;
	s3 =	sadd.s32 s17, s1  }
0x9a: {  	[timem:s18], [sflag:s4] =	dma.local [hbm:s3], s2  }
0x9b: {  	_ =	swait.ge [sflag:s4], s2  }
0x9c: {  	s2 =	ssub.s32 $0x0, s2;
	[sflag:s4] =	ssyncset.done $0x0  }
0x9d: {  	[sflag:s4] =	ssyncadd.s32 s2;
	_ =	sdelay $0x1  }
0x9e: {  	s19 =	simm.s32 $0x1B8B  }
0x9f: {  	_ =	swait.ge [sflag:s19], $0x1  }
0xa0: {  	[sflag:s19] =	ssyncset.done $0x0  }
0xa1: {  	s21 =	simm.s32 $0x1B8E;
	s20 =	sld [smem:$0x3FFE];
	[sflag:s19] =	ssyncadd.s32 $0xFFFFFFFF  }
0xa2: {  	s22 =	simm.s32 $execute0_lowered;
	[smem:$0x3FD2] =	sst s21  }
0xa3: {  	s3 =	sshll.u32 s22, $0x1;
	_ =	strace $0x80000049;
	[dreg:$0x1] =	wrdreg $0xFFFFFFFF  }
0xa4: {  	s23 =	simm.s32 $_size_execute0_lowered;
	s3 =	sadd.s32 s1, s3;
	[dreg:$0x0] =	wrdreg $0x0  }
0xa5: {  	s4 =	sshll.u32 s23, $0x1;
	[dreg:$0x2] =	wrdreg s3  }
0xa6: {  	[dreg:$0x3] =	wrdreg s4  }
0xa7: {  	[dreg:$0x4] =	wrdreg $0xC0  }
0xa8: {  	s24 =	simm.s32 $execute1_lowered;
	_ =	task [dreg:s18], $0x5FFFF  }
0xa9: {  	s3 =	sshll.u32 s24, $0x1;
	[dreg:$0x1] =	wrdreg $0xFFFFFFFF  }
0xaa: {  	s1 =	sadd.s32 s1, s3;
	[dreg:$0x0] =	wrdreg $0x60  }
0xab: {  	[dreg:$0x2] =	wrdreg s1  }
0xac: {  	[dreg:$0x3] =	wrdreg s20  }
0xad: {  	[dreg:$0x4] =	wrdreg $0x9  }
0xae: {  	_ =	task.clear_ibuf [dreg:s18], $0x5FFFF;
	_ =	strace $0x90000049  }
0xaf: {  	s25 =	simm.s32 $0x9;
	_ =	strace $0x8000004B  }
0xb0: {  	_ =	swait.ge [sflag:s25], $0x1  }
0xb1: {  	[sflag:s25] =	ssyncadd.s32 $0xFFFFFFFF  }
0xb2: {  	_ =	strace $0x9000004B  }
0xb3: {  	_ =	strace $0x8000004C;
	[dreg:$0x1] =	wrdreg $0xFFFFFFFF  }
0xb4: {  	[dreg:$0x0] =	wrdreg $0x2030  }
0xb5: {  	[dreg:$0x2] =	wrdreg s20  }
0xb6: {  	[dreg:$0x3] =	wrdreg $0xA  }
0xb7: {  	_ =	task.clear_ibuf [dreg:s18], $0x4FFFF;
	_ =	strace $0x9000004C  }
0xb8: {  	s26 =	simm.s32 $0xA;
	_ =	strace $0x8000004E  }
0xb9: {  	_ =	swait.ge [sflag:s26], $0x1  }
0xba: {  	[sflag:s26] =	ssyncadd.s32 $0xFFFFFFFF  }
0xbb: {  	_ =	strace $0x9000004E  }
0xbc: {  	_ =	sfence  }
0xbd: {  	s28 =	sld [smem:$0x0];
	_ =	sdelay $0x1  }
0xbe: {  	s29 =	srdreg.scid  }
0xbf: {  	s30 =	sshll.u32 s29, $0xD;
	s31 =	sshrl.u32 s29, $0x2  }
0xc0: {  	s2 =	sand.u32 $0x1, s29;
	s3 =	sand.u32 $0x4000, s30;
	s1 =	sadd.s32 s31, s28  }
0xc1: {  	s2 =	sor.u32 s3, s2;
	s1 =	sshll.u32 s1, $0x11  }
0xc2: {  	s1 =	sor.u32 s1, s2  }
0xc3: {  	s1 =	sadd.s32 $0x8F2B, s1  }
0xc4: {  	[sflag:s1] =	ssyncadd.remote.s32 $0x1  }
0xc5: {  	_ =	sfence.sel $0xFFFF  }
0xc6: {  	[dreg:$0x0] =	wrdreg $0xFFFFFFFF;
	(pc) =	sbr.abs _section_cstart, $3  }
0xc7: {  	[dreg:$0x1] =	wrdreg $0xFFFFFFFF  }
0xc8: {  	_ =	task.clear_ibuf [dreg:s18], $0x2FFFF;
	_ =	strace $0x9FFFFFFF  }
0xc9: {  	(tm) =	ssettm $0x7FFFFFFF  }
tec
execute0_lowered:
.L_overlay_start_1:
0x0: {  	(tag) =	ssettag $0x1  }
0x1: {  	s2 =	rddreg [dreg:$0x0]  }
0x2: {  	s4 =	rddreg [dreg:$0x1]  }
0x3: {  	s0 =	rddreg [dreg:$0x2];
	s5 =	stileid.u32;
	[bflag:$0x3] =	sbarrier.arrive $0xFFFF  }
0x4: {  	s1 =	simm.s32 $_size_execute1_lowered;
	s9 =	simm.s32 $0x1;
	s31 =	simm.s32 $0x2  }
0x5: {  	s10 =	simm.s32 $0x0;
	p0 =	sne.s32 s5, $0x0;
	s1 =	sshll.u32 s1, $0x1  }
0x6: {  	p1 =	seq.s32 s5, $0x0;
	s3 =	simm.s32 @!p0 $0x1C3F;
	s6 =	simm.s32 @!p0 $0x4060  }
0x7: {  	[timem:s6], [sflag:s3] =	dma.local @!p0 [hbm:s2], s1  }
0x8: {  	s9 =	simm.s32 @!p1 $0x0;
	s2 =	smul.u32 $0x280, s5;
	s6 =	simm.s32 @!p0 $0x2800  }
0x9: {  	s3 =	simm.s32 $0x0;
	s5 =	simm.s32 $0x1;
	s6 =	simm.s32 @p0 $0x0  }
.Ltmp0:
0xa: {  	_ =	strace $0x8000004A;
	s8 =	ssub.s32 $0x2800, s2;
	(pc) =	sbr.rel .LBB2_1-.Ltmp0, $4  }
0xb: {  	s30 =	sshrl.u32 s2, $0x3;
	p1 =	sne.s32 s8, s6;
	s6 =	simm.s32 $0x1  }
0xc: {  	[sflag:s5] =	ssyncpa.u1 $0x0;
	s7 =	sadd.s32 s30, s4;
	s6 =	simm.s32 @!p1 $0x0  }
0xd: {  	s4 =	sadd.s32 $0xA8A000, s4;
	[sflag:s31] =	ssyncpa.u1 $0x0;
	s6 =	sadd.s32 s9, s6  }
0xe: {  	s7 =	sadd.s32 $0xA89A00, s7;
	s9 =	simm.s32 $0x0;
	s8 =	sadd.s32 $0x1, s6  }
.LBB2_7:
0xf: {  	p2 =	sne.s32 s9, s8  }
.Ltmp1:
0x10: {  	p1 =	slt.u32 s9, $0x2;
	(pc) =	sbr.rel @!p2 .LBB2_8-.Ltmp1, $4  }
0x11: {  	s10 =	simm.s32 @!p1 $0x2  }
0x12: {  	_ =	swait.ge @!p1 [sflag:s10], $0x280  }
0x13: {  	s11 =	sadd.s32 $0x1, s9;
	[sflag:s10] =	ssyncset.done @!p1 $0x0  }
0x14: {  	s9 =	smov.u32 s11;
	[sflag:s10] =	ssyncadd.s32 @!p1 $0xFFFFFD80;
	s10 =	smov.u32 s2  }
.LBB2_1:
0x15: {  	p1 =	sge.u32 s9, s6  }
0x16: {  	s11 =	sxor.u32 @!p1 $0x1, s9  }
0x17: {  	s11 =	smul.u32 @!p1 $0xA00, s11;
	_ =	sdelay $0x1  }
0x18: {  	s31 =	sadd.s32 $0xFFFFFFFF, s9;
	s12 =	simm.s32 @!p1 $0x0;
	s11 =	sshra.s32 @!p1 s11, $0x2  }
0x19: {  	[tilespmem:s11], [sflag:$0x1] =	stream.linear.gather @!p1 [hbm4b:s7+s12], $0x280, $0x38;
	[tilespmem:$0xA00] =	vst v63  }
0x1a: {  	p1 =	sge.u32 s31, s6  }
.Ltmp2:
0x1b: {  	_ = 	snop;
	(pc) =	sbr.rel @p1 .LBB2_7-.Ltmp2, $1  }
0x1c: {  	_ =	sdelay $0x3  }
0x1d: {  	s11 =	sand.u32 $0x1, s9  }
0x1e: {  	s12 =	simm.s32 $0x280;
	p1 =	seq.s32 s11, $0x1  }
0x1f: {  	s12 =	simm.s32 @!p1 $0x0  }
0x20: {  	v0 =	vmov s12  }
0x21: {  	_ =	swait.ge [sflag:s5], $0x280  }
0x22: {  	[sflag:s5] =	ssyncset.done $0x0;
	s11 =	sor.u32 $0x500, s12  }
0x23: {  	s13 =	simm.s32 $0x0;
	[sflag:s5] =	ssyncadd.s32 $0xFFFFFD80;
	p1 =	por $0x1, $0x1;
	v1 =	vmov s11  }
.LBB2_3:
0x24: {  	s14 =	sor.u32 $0x10, s13  }
0x25: {  	v2 =	vld.idx.msk [tilespmem:v0+s14+$0x0 ss:$0x1], $0xffff  }
0x26: {  	s15 =	sor.u32 $0x20, s13;
	v60 =	vld.idx.msk [tilespmem:v0+s13+$0x0 ss:$0x1], $0xffff  }
0x27: {  	s16 =	sor.u32 $0x30, s13;
	v3 =	vld.idx.msk [tilespmem:v0+s15+$0x0 ss:$0x1], $0xffff  }
0x28: {  	s17 =	sor.u32 $0x40, s13;
	v4 =	vld.idx.msk [tilespmem:v0+s16+$0x0 ss:$0x1], $0xffff  }
0x29: {  	s19 =	sor.u32 $0x60, s13;
	v5 =	vld.idx.msk [tilespmem:v0+s17+$0x0 ss:$0x1], $0xffff  }
0x2a: {  	s18 =	sor.u32 $0x50, s13;
	[tilespmem:v1+s14+$0x0 ss:$0x1] =	vst.idx.msk $0xffff, v2;
	v2 =	vld.idx.msk [tilespmem:v0+s19+$0x0 ss:$0x1], $0xffff  }
0x2b: {  	s23 =	sor.u32 $0x80, s13;
	v6 =	vld.idx.msk [tilespmem:v0+s18+$0x0 ss:$0x1], $0xffff;
	[tilespmem:v1+s13+$0x0 ss:$0x1] =	vst.idx.msk $0xffff, v60  }
0x2c: {  	s24 =	sor.u32 $0x90, s13;
	v58 =	vld.idx.msk [tilespmem:v0+s23+$0x0 ss:$0x1], $0xffff;
	[tilespmem:v1+s15+$0x0 ss:$0x1] =	vst.idx.msk $0xffff, v3  }
0x2d: {  	s22 =	sor.u32 $0x70, s13;
	v59 =	vld.idx.msk [tilespmem:v0+s24+$0x0 ss:$0x1], $0xffff;
	[tilespmem:v1+s16+$0x0 ss:$0x1] =	vst.idx.msk $0xffff, v4  }
0x2e: {  	s25 =	sor.u32 $0xA0, s13;
	v3 =	vld.idx.msk [tilespmem:v0+s22+$0x0 ss:$0x1], $0xffff;
	[tilespmem:v1+s17+$0x0 ss:$0x1] =	vst.idx.msk $0xffff, v5  }
0x2f: {  	s28 =	sor.u32 $0xC0, s13;
	[tilespmem:v1+s19+$0x0 ss:$0x1] =	vst.idx.msk $0xffff, v2;
	v2 =	vld.idx.msk [tilespmem:v0+s25+$0x0 ss:$0x1], $0xffff  }
0x30: {  	s29 =	sor.u32 $0xD0, s13;
	v61 =	vld.idx.msk [tilespmem:v0+s28+$0x0 ss:$0x1], $0xffff;
	[tilespmem:v1+s18+$0x0 ss:$0x1] =	vst.idx.msk $0xffff, v6  }
0x31: {  	s30 =	sor.u32 $0xE0, s13;
	v62 =	vld.idx.msk [tilespmem:v0+s29+$0x0 ss:$0x1], $0xffff;
	[tilespmem:v1+s23+$0x0 ss:$0x1] =	vst.idx.msk $0xffff, v58  }
0x32: {  	s26 =	sor.u32 $0xB0, s13;
	v63 =	vld.idx.msk [tilespmem:v0+s30+$0x0 ss:$0x1], $0xffff;
	[tilespmem:v1+s24+$0x0 ss:$0x1] =	vst.idx.msk $0xffff, v59  }
0x33: {  	s31 =	sor.u32 $0xF0, s13;
	[tilespmem:v1+s22+$0x0 ss:$0x1] =	vst.idx.msk $0xffff, v3;
	v3 =	vld.idx.msk [tilespmem:v0+s26+$0x0 ss:$0x1], $0xffff  }
0x34: {  	p2 =	por p1, p1;
	[tilespmem:v1+s25+$0x0 ss:$0x1] =	vst.idx.msk $0xffff, v2;
	v2 =	vld.idx.msk [tilespmem:v0+s31+$0x0 ss:$0x1], $0xffff  }
.Ltmp3:
0x35: {  	[tilespmem:v1+s28+$0x0 ss:$0x1] =	vst.idx.msk $0xffff, v61;
	(pc) =	sbr.rel @p2 .LBB2_3-.Ltmp3, $4  }
0x36: {  	[tilespmem:v1+s29+$0x0 ss:$0x1] =	vst.idx.msk $0xffff, v62  }
0x37: {  	[tilespmem:v1+s30+$0x0 ss:$0x1] =	vst.idx.msk $0xffff, v63  }
0x38: {  	[tilespmem:v1+s26+$0x0 ss:$0x1] =	vst.idx.msk $0xffff, v3  }
0x39: {  	p1 =	por $0x0, $0x0;
	s13 =	simm.s32 $0x100;
	[tilespmem:v1+s31+$0x0 ss:$0x1] =	vst.idx.msk $0xffff, v2  }
0x3a: {  	s13 =	sadd.s32 $0x700, s12;
	s12 =	sadd.s32 $0x200, s12;
	s14 =	simm.s32 $0x1F0  }
.LBB2_5:
0x3b: {  	s14 =	sadd.s32 $0x10, s14  }
0x3c: {  	v0 =	vld [tilespmem:s12+$0x0];
	p1 =	slt.u32 s14, $0x270  }
.Ltmp4:
0x3d: {  	_ = 	snop;
	(pc) =	sbr.rel @p1 .LBB2_5-.Ltmp4, $2  }
0x3e: {  	_ =	sdelay $0x2  }
0x3f: {  	s12 =	sadd.s32 $0x10, s12;
	[tilespmem:s13+$0x0] =	vst v0;
	s13 =	sadd.s32 $0x10, s13  }
.Ltmp5:
0x40: {  	(pc) =	sbr.rel .LBB2_7-.Ltmp5, $4  }
0x41: {  	_ = 	snop  }
0x42: {  	s10 =	sshrl.u32 s10, $0x3  }
0x43: {  	s10 =	sadd.s32 s4, s10  }
0x44: {  	[hbm4b:s10+s3] =	stream.linear.scatter [tilespmem:s11], [sflag:$0x2], $0x280, $0x38;
	[tilespmem:$0xA00] =	vst v63  }
.LBB2_8:
0x45: {  	_ =	sfence.sel $0x180000  }
0x46: {  	s2 =	simm.s32 $0x1;
	[bflag:$0x0] =	sbarrier.arrive $0xFFFF  }
0x47: {  	s31 =	simm.s32 $0x2;
	[sflag:s2] =	ssyncpa.u1 $0x1  }
0x48: {  	[sflag:s31] =	ssyncpa.u1 $0x1  }
0x49: {  	_ =	strace $0x9000004A  }
0x4a: {  	s0 =	sadd.s32 @!p0 $0x100000, s0;
	[bflag:$0x2] =	sbarrier.arrive $0xFFFF  }
0x4b: {  	[sflag:s0] =	ssyncadd.tile.s32 @!p0 $0x1;
	s0 =	simm.s32 @!p0 $0x3F  }
0x4c: {  	_ =	swait.ge @!p0 [sflag:s0], s1  }
0x4d: {  	s1 =	ssub.s32 @!p0 $0x0, s1;
	[sflag:s0] =	ssyncset.done @!p0 $0x0  }
0x4e: {  	[sflag:s0] =	ssyncadd.s32 @!p0 s1  }
0x4f: {  	[bflag:$0x3] =	sbarrier.arrive $0xFFFF  }
0x50: {  	_ =	shalt  }
.Lfunc_end2:
execute1_lowered:
.L_overlay_start_2:
0x51: {  	(tag) =	ssettag $0x2  }
0x52: {  	s0 =	rddreg [dreg:$0x0];
	_ =	strace $0x8000004D;
	s15 =	stileid.u32  }
0x53: {  	s2 =	simm.s32 $0x1;
	s1 =	smin.u32 s15, $0x8;
	s3 =	sshll.u32 s15, $0x1  }
0x54: {  	v1 =	vimm.s32 $0xFFFFFFFF;
	[sflag:s2] =	ssyncpa.u1 $0x0;
	s1 =	sadd.s32 s1, s3  }
0x55: {  	p0 =	slt.u32 s15, $0x8;
	[tilespmem:$0x10] =	vst v1;
	s4 =	smul.u32 $0x1F40, s1;
	s1 =	simm.s32 $0x5DC0  }
0x56: {  	v0 =	vimm.f32 $0.0e+00;
	[tilespmem:$0x20] =	vst v1;
	s1 =	simm.s32 @!p0 $0x3E80  }
0x57: {  	[tilespmem:$0x30] =	vst v0;
	s1 =	sadd.s32 s1, s4  }
0x58: {  	[tilespmem:$0x40] =	vst v0;
	s5 =	smin.u32 s1, $0x4E200  }
0x59: {  	s7 =	simm.s32 $0x2;
	s8 =	simm.s32 $0x8;
	[tilespmem:$0x50] =	vst v0;
	s9 =	ssub.s32 s5, s4  }
0x5a: {  	s31 =	simm.s32 $0x9;
	s16 =	simm.s32 $0x0;
	[tilespmem:$0x60] =	vst v1;
	p0 =	sgt.s32 s9, $0x0  }
0x5b: {  	s17 =	simm.s32 $0xF0;
	s18 =	simm.s32 $0xFFFFFFFF;
	[tilespmem:$0x70] =	vst v1;
	s9 =	simm.s32 @!p0 $0x0  }
0x5c: {  	s19 =	simm.s32 $0xFFFFC280;
	s20 =	simm.s32 $0xFFFFFFFE;
	[tilespmem:$0x80] =	vst v1;
	s30 =	smulhi.u32 $0x10624DD3, s9  }
0x5d: {  	s21 =	simm.s32 $0xF;
	s25 =	simm.s32 $0x0;
	s24 =	simm.s32 $0x0;
	v1 =	vimm.s32 $0x0;
	[tilespmem:$0xB0] =	vst v0  }
0x5e: {  	s6 =	sadd.s32 $0xA75E00, s0;
	s15 =	sshllo.u32 s15, $0x1;
	[tilespmem:$0x90] =	vst v1;
	s10 =	sshrl.u32 s30, $0x9  }
0x5f: {  	[tilespmem:$0xA0] =	vst v1;
	[sflag:s7] =	ssyncpa.u1 $0x0;
	s7 =	simm.s32 $0x7;
	s11 =	smul.u32 $0x1F40, s10  }
.Ltmp6:
0x60: {  	s13 =	sor.u32 $0x80, s3;
	[sflag:s7] =	ssyncpa.u1 $0x0;
	(pc) =	sbr.rel .LBB3_1-.Ltmp6, $4  }
0x61: {  	s14 =	sor.u32 $0x81, s3;
	[sflag:s8] =	ssyncpa.u1 $0x0;
	p0 =	sne.s32 s9, s11  }
0x62: {  	s23 =	smov.u32 s4;
	s1 =	sadd.s32 $0xA8A000, s0;
	s2 =	simm.s32 @!p0 $0x0  }
0x63: {  	vm0 =	vmmov $0xffff;
	v2 =	vlaneseq.u32;
	[sflag:s31] =	ssyncpa.u1 $0x0;
	s9 =	sadd.s32 $0xA7FC00, s0;
	s10 =	sadd.s32 s2, s10  }
0x64: {  	vm1 =	vmxor vm1, vm1;
	vm2 =	vmmov $0x1;
	vm3 =	vcmask $0x3F3C;
	p0 =	por $0x0, $0x0;
	s11 =	sadd.s32 $0x1, s10;
	s12 =	sadd.s32 $0x2, s10  }
.LBB3_9:
0x65: {  	p1 =	slt.u32 s24, $0x3  }
0x66: {  	s0 =	simm.s32 @!p1 $0x2  }
0x67: {  	_ =	swait.ge @!p1 [sflag:s0], $0x1F40  }
0x68: {  	[sflag:s0] =	ssyncset.done @!p1 $0x0  }
0x69: {  	[sflag:s0] =	ssyncadd.s32 @!p1 $0xFFFFE0C0;
	s0 =	simm.s32 @!p1 $0x9  }
0x6a: {  	_ =	swait.ge @!p1 [sflag:s0], $0x10  }
0x6b: {  	[sflag:s0] =	ssyncset.done @!p1 $0x0  }
0x6c: {  	[sflag:s0] =	ssyncadd.s32 @!p1 $0xFFFFFFF0;
	p1 =	sne.s32 s24, s12  }
.Ltmp7:
0x6d: {  	s2 =	sadd.s32 $0x1F40, s23;
	(pc) =	sbr.rel @!p1 .LBB3_10-.Ltmp7, $4  }
0x6e: {  	s22 =	smov.u32 s4;
	s31 =	sadd.s32 $0x1, s24;
	s17 =	sadd.s32 $0x1F40, s17  }
0x6f: {  	s18 =	sadd.s32 $0x1, s18;
	s25 =	smov.u32 s23;
	p2 =	slt.s32 s2, s5  }
0x70: {  	p0 =	por !p0, !p0;
	s19 =	sadd.s32 $0x1F40, s19;
	s22 =	smov.u32 @p2 s2  }
0x71: {  	s20 =	sadd.s32 $0x1, s20;
	s23 =	smov.u32 s22;
	s24 =	smov.u32 s31  }
.LBB3_1:
0x72: {  	p1 =	sge.u32 s24, s10  }
0x73: {  	s0 =	smulhi.u32 @!p1 $0xAAAAAAAB, s24;
	_ =	sdelay $0x1  }
0x74: {  	s0 =	sshrl.u32 @!p1 s0, $0x1  }
0x75: {  	s0 =	smul.u32 @!p1 $0x3, s0;
	_ =	sdelay $0x1  }
0x76: {  	s0 =	ssub.s32 @!p1 s24, s0  }
0x77: {  	s0 =	smul.u32 @!p1 $0x7D00, s0;
	_ =	sdelay $0x1  }
0x78: {  	s2 =	sshrl.u32 @!p1 s23, $0x3;
	s0 =	sshrl.u32 @!p1 s0, $0x2  }
0x79: {  	s22 =	sand.u32 @!p1 $0x7, s23;
	s2 =	sadd.s32 @!p1 s6, s2;
	s0 =	sadd.s32 @!p1 $0x100, s0  }
0x7a: {  	[tilespmem:s0], [sflag:$0x7] =	stream.linear.gather @!p1 [hbm4b:s2+s22], $0x1F40, $0x38;
	[tilespmem:$0x11A60] =	vst v63  }
0x7b: {  	s0 =	sadd.s32 $0xFFFFFFFF, s24  }
0x7c: {  	p1 =	sge.u32 s0, s10  }
.Ltmp8:
0x7d: {  	_ = 	snop;
	(pc) =	sbr.rel @p1 .LBB3_5-.Ltmp8, $1  }
0x7e: {  	_ =	sdelay $0x3  }
0x7f: {  	s2 =	smulhi.u32 $0xAAAAAAAB, s0;
	_ =	sdelay $0x1  }
0x80: {  	s2 =	sshrl.u32 s2, $0x1  }
0x81: {  	s2 =	smul.u32 $0x3, s2;
	_ =	sdelay $0x1  }
0x82: {  	s2 =	ssub.s32 s0, s2  }
0x83: {  	s2 =	smul.u32 $0x7D00, s2  }
0x84: {  	_ =	swait.ge [sflag:s7], $0x1F40  }
0x85: {  	[sflag:s7] =	ssyncset.done $0x0;
	s2 =	sshrl.u32 s2, $0x2  }
0x86: {  	[sflag:s7] =	ssyncadd.s32 $0xFFFFE0C0;
	(ifvalue) =	ssetifvalue $0xFFFFFFFF;
	v3 =	vld.msk [tilespmem:s2+$0x100 ss:$0x1], $0xffff;
	_ =	sdelay $0x2  }
0x87: {  	s30 =	smulhi.u32 $0xAAAAAAAB, s18;
	p1 =	sne.s32 s24, $0x1  }
0x88: {  	v4 =	vimm.s32 @!p1 $0x0  }
0x89: {  	s2 =	sshrl.u32 s30, $0x1;
	v4 =	vperm.xlane @!p1 v3, v4  }
0x8a: {  	s22 =	sshll.u32 s24, $0x4;
	s2 =	smul.u32 $0xFFFE8900, s2;
	vm4 =	vlt.u32 v3, $0x2800  }
0x8b: {  	s22 =	sand.u32 $0x10, s22;
	v3 =	vnsel vm4, $0xFFFFFFFE, v3;
	vm4 =	vlt.u32 @!p1 v4, $0x2800  }
0x8c: {  	s2 =	sshra.s32 s2, $0x2;
	[tilespmem:s22+$0x60] =	vst v3;
	v3 =	vnsel @!p1 vm4, $0xFFFFFFFE, v4  }
0x8d: {  	s28 =	sadd.s32 s2, s17;
	[tilespmem:$0x80] =	vst @!p1 v3  }
0x8e: {  	v3 =	vld.msk [tilespmem:s28+$0x0 ss:$0x1], $0xffff;
	_ =	sdelay $0x4  }
0x8f: {  	(xrf1) =	vunique.msk.u32 $0xffff, v3;
	_ =	sdelay $0xd  }
0x90: {  	v4 =	vimm.s32 $0xFFFFFFFF;
	v5, _, _ =	vpop (xrf1)  }
0x91: {  	vm5 =	vne.s32 v3, v4;
	vm4 =	veq.s32 v5, v2  }
0x92: {  	vm6 =	vlt.u32 v3, $0x2800;
	vm4 =	vmand vm5, vm4  }
0x93: {  	vm4 =	vmand vm6, vm4  }
0x94: {  	v4 =	vnsel vm4, $0xFFFFFFFF, v3  }
0x95: {  	s31 =	sand.u32 $0x1, s0  }
0x96: {  	s0 =	simm.s32 $0x1F40;
	p1 =	seq.s32 s31, $0x1  }
0x97: {  	s0 =	simm.s32 @!p1 $0x0  }
0x98: {  	s26 =	sadd.s32 $0x7DF0, s0;
	(ifvalue) =	ssetifvalue $0xFFFFFFFF  }
0x99: {  	v3 =	vperm.xlane v3, v1;
	[tilespmem:s26], [sflag:$0x8] =	stream.indirect_vreg.gather [hbm4b:s1+s16], $0x1, v4, vm0, $0x4038;
	v4 =	vnsel vm6, $0xFFFFFFFE, v4;
	[tilespmem:$0x11A60] =	vst v63  }
0x9a: {  	s2 =	simm.s32 $0x0;
	s22 =	sadd.s32 $0xFFFFFFF0, s28;
	[tilespmem:s28+$0x0] =	vst v4  }
.LBB3_3:
0x9b: {  	v4 =	vld.msk [tilespmem:s22+$0x0 ss:$0x1], $0xffff;
	s2 =	sadd.s32 $0x10, s2;
	v5 =	vmov v3;
	s28 =	smov.u32 s22  }
0x9c: {  	p1 =	slt.u32 s2, $0x1F30;
	_ =	sdelay $0x4  }
0x9d: {  	v3 =	vperm.xlane v4, v1;
	(xrf1) =	vunique.msk.u32 $0xffff, v4;
	_ =	sdelay $0xd  }
0x9e: {  	v6, _, _ =	vpop (xrf1)  }
0x9f: {  	vm5 =	vne.s32 v4, v5;
	vm4 =	veq.s32 v6, v2  }
0xa0: {  	vm6 =	vlt.u32 v4, $0x2800;
	vm4 =	vmand vm5, vm4  }
0xa1: {  	vm4 =	vmand vm6, vm4  }
0xa2: {  	v4 =	vnsel vm4, $0xFFFFFFFF, v4  }
.Ltmp9:
0xa3: {  	v5 =	vnsel vm6, $0xFFFFFFFE, v4;
	(pc) =	sbr.rel @p1 .LBB3_3-.Ltmp9, $3  }
0xa4: {  	_ =	sdelay $0x1  }
0xa5: {  	s22 =	sadd.s32 $0xFFFFFFF0, s22;
	s26 =	sadd.s32 $0xFFFFFFF0, s26;
	(ifvalue) =	ssetifvalue $0xFFFFFFFF  }
0xa6: {  	[tilespmem:s26], [sflag:$0x8] =	stream.indirect_vreg.gather [hbm4b:s1+s16], $0x1, v4, vm0, $0x4038;
	[tilespmem:s28+$0x0] =	vst v5  }
0xa7: {  	s2 =	sshrl.u32 s25, $0x3  }
0xa8: {  	s0 =	sadd.s32 $0x9D40, s0;
	s2 =	sadd.s32 s9, s2  }
0xa9: {  	[tilespmem:s0], [sflag:$0x8] =	stream.linear.gather [hbm:s2], $0x1F40, $0x38;
	[tilespmem:$0x11A60] =	vst v63  }
.LBB3_5:
0xaa: {  	p1 =	slt.u32 s24, $0x2  }
0xab: {  	p2 =	sge.u32 @!p1 s24, s12  }
0xac: {  	p1 =	por p1, p2  }
.Ltmp10:
0xad: {  	_ = 	snop;
	(pc) =	sbr.rel @p1 .LBB3_9-.Ltmp10, $1  }
0xae: {  	_ =	sdelay $0x3  }
0xaf: {  	s0 =	sadd.s32 $0xFFFFFFFE, s24  }
0xb0: {  	s2 =	smulhi.u32 $0xAAAAAAAB, s0;
	_ =	sdelay $0x1  }
0xb1: {  	s2 =	sshrl.u32 s2, $0x1  }
0xb2: {  	s2 =	smul.u32 $0x3, s2;
	_ =	sdelay $0x1  }
0xb3: {  	s0 =	ssub.s32 s0, s2  }
0xb4: {  	_ =	swait.ge [sflag:s8], $0x3E80;
	s0 =	smul.u32 $0x1F40, s0  }
0xb5: {  	p1 =	sne.s32 s24, s11;
	[sflag:s8] =	ssyncset.done $0x0  }
0xb6: {  	[sflag:s8] =	ssyncadd.s32 $0xFFFFC180;
	s2 =	sadd.s32 @!p1 $0x203F, s0  }
0xb7: {  	[spmem:s14] =	stream.linear.scatter @!p1 [tilespmem:s2], [sflag:$0x1], $0x1, $0x38;
	[tilespmem:$0x11A60] =	vst v63  }
0xb8: {  	s2 =	simm.s32 @!p1 $0x1  }
0xb9: {  	_ =	swait.ge @!p1 [sflag:s2], $0x1  }
0xba: {  	s22 =	sshll.u32 s24, $0x4;
	[sflag:s2] =	ssyncset.done @!p1 $0x0  }
0xbb: {  	s25 =	sand.u32 $0x10, s22;
	[sflag:s2] =	ssyncadd.s32 @!p1 $0xFFFFFFFF  }
0xbc: {  	s2 =	sxor.u32 $0x10, s25;
	v4 =	vld [tilespmem:s25+$0x10]  }
0xbd: {  	v5 =	vld [tilespmem:s2+$0x60]  }
0xbe: {  	v3 =	vld [tilespmem:$0x80];
	_ =	sdelay $0x2  }
0xbf: {  	(v2sf) =	vpush v4, $0x0  }
0xc0: {  	(v2sf) =	vpush v5, $0x0  }
0xc1: {  	(v2sf) =	vpush v3, $0x0;
	_ =	sdelay $0xc  }
0xc2: {  	s22 =	spop (v2sf)  }
0xc3: {  	s26 =	spop (v2sf)  }
0xc4: {  	s28 =	spop (v2sf)  }
0xc5: {  	p2 =	seq.s32 s22, s26;
	p3 =	seq.s32 s28, s22  }
0xc6: {  	p3 =	por p2, p3  }
0xc7: {  	s26 =	sand.u32 $0x1, s24;
	v4 =	vpsel p3, $0xFFFFFFFF, v4  }
0xc8: {  	s29 =	smul.u32 $0x1F40, s26;
	[tilespmem:s25+$0x10] =	vst.msk $0x1, v4  }
0xc9: {  	v4 =	vld [tilespmem:$0x30]  }
0xca: {  	v5 =	vld [tilespmem:s29+$0x9D40]  }
0xcb: {  	v6 =	vld [tilespmem:s25+$0x40];
	_ =	sdelay $0x3  }
0xcc: {  	vm4 =	vmmov vm1;
	v5 =	vadd.f32 v5, v4  }
0xcd: {  	vm5 =	vmmov vm2;
	vm4 =	vmmov @p2 vm2;
	s22 =	sshll.u32 s26, $0x4;
	v4 =	vadd.f32 v6, v4  }
0xce: {  	s26 =	sor.u32 $0x11A40, s22;
	vm5 =	vmmov @p3 vm1;
	[tilespmem:s29+$0x9D40] =	vst.msk vm4, v5  }
0xcf: {  	[tilespmem:s26+$0x0] =	vst.msk vm5, v4  }
0xd0: {  	v4 =	vld [tilespmem:s29+$0x7DF0];
	_ =	sdelay $0x3  }
0xd1: {  	v5 =	vimm.f32 $0.0e+00  }
0xd2: {  	v4 =	vshift.insert v4, v5, s21  }
0xd3: {  	s22 =	sor.u32 $0x40, s2  }
0xd4: {  	[tilespmem:s22+$0x0] =	vst.msk $0x1, v4  }
0xd5: {  	[tilespmem:s29+$0x7DFF] =	vst.msk $0x1, v5  }
0xd6: {  	v4 =	vld [tilespmem:s0+$0x2030];
	_ =	sdelay $0x1  }
0xd7: {  	s22 =	smulhi.u32 $0xAAAAAAAB, s20;
	s0 =	simm.s32 $0x1  }
0xd8: {  	s0 =	simm.s32 @!p0 $0x0  }
0xd9: {  	s22 =	sshrl.u32 s22, $0x1;
	s0 =	smul.u32 $0x7D00, s0  }
0xda: {  	s22 =	smul.u32 $0xFFFE8900, s22;
	v4 =	vshift.insert v4, v1, s21  }
0xdb: {  	s0 =	sshrl.u32 s0, $0x2  }
0xdc: {  	s22 =	sshra.s32 s22, $0x2;
	s30 =	sadd.s32 $0x9D40, s0;
	[tilespmem:s2+$0x10] =	vst.msk $0x1, v4  }
0xdd: {  	s22 =	sadd.s32 s22, s19;
	v6 =	vld [tilespmem:s30+$0x0]  }
0xde: {  	v7 =	vld [tilespmem:s22+$0x0];
	_ =	sdelay $0x3  }
0xdf: {  	v5 =	vadd.f32 v6, v5  }
0xe0: {  	vm4 =	vne.s32 v7, $0xFFFFFFFF  }
0xe1: {  	(xrf2) =	vadd.seg.scan.f32 vm4, v5;
	_ =	sdelay $0x3  }
0xe2: {  	s31 =	sadd.s32 $0x5EC0, s0;
	v5 =	vperm.xlane v4, v1  }
0xe3: {  	v6 =	vld [tilespmem:s31+$0x0]  }
0xe4: {  	vm5 =	veq.s32 v7, v3;
	vm6 =	veq.s32 v7, v5  }
0xe5: {  	vm7 =	vgt.u32 v7, $0xFFFFFFFD;
	vm6 =	vmor vm6, vm5  }
0xe6: {  	vm6 =	vmor vm6, vm7  }
0xe7: {  	v9 =	vld [tilespmem:$0xA0];
	v7 =	vsel vm6, $0xFFFFFFFF, v7  }
0xe8: {  	v10 =	vld [tilespmem:$0x90];
	v6 =	vsel vm5, $0x0, v6;
	v8, _, _ =	vpop (xrf2)  }
0xe9: {  	v6 =	vadd.f32 v8, v6  }
0xea: {  	s0 =	sadd.s32 $0xDBC0, s0  }
0xeb: {  	vm4 =	vmand vm4, vm3;
	[tilespmem:s0+$0x0] =	vst v6;
	(ifvalue) =	ssetifvalue $0xFFFFFFFF  }
0xec: {  	vm6 =	veq.s32 v9, $0x1;
	[hbm4b:s1+s16] =	stream.indirect_vreg.scatter [tilespmem:s0], [sflag:$0x2], $0x1, v7, vm0, $0x4038;
	v7 =	vsel vm4, $0x0, v8;
	[tilespmem:$0x11A60] =	vst v63  }
0xed: {  	s2 =	simm.s32 $0x0;
	s22 =	sadd.s32 $0x10, s22;
	vm4 =	vmor vm6, vm5;
	v6 =	vsel vm5, v8, v10;
	v7 =	vshift.insert v7, v0, s21  }
.LBB3_7:
0xee: {  	v8 =	vld [tilespmem:s22+$0x0];
	s30 =	sadd.s32 $0x10, s30  }
0xef: {  	s31 =	sadd.s32 $0x10, s31;
	v9 =	vld [tilespmem:s30+$0x0]  }
0xf0: {  	s2 =	sadd.s32 $0x10, s2;
	v10 =	vld [tilespmem:s31+$0x0]  }
0xf1: {  	p2 =	slt.u32 s2, $0x1F30;
	_ =	sdelay $0x2  }
0xf2: {  	v7 =	vadd.f32 v9, v7  }
0xf3: {  	vm5 =	vne.s32 v8, $0xFFFFFFFF  }
0xf4: {  	vm6 =	vmand vm5, vm3;
	(xrf2) =	vadd.seg.scan.f32 vm5, v7;
	_ =	sdelay $0x5  }
0xf5: {  	vm7 =	veq.s32 v8, v5;
	vm5 =	veq.s32 v8, v3  }
0xf6: {  	vm8 =	vgt.u32 v8, $0xFFFFFFFD;
	vm4 =	vmor vm4, vm5;
	vm7 =	vmor vm7, vm5  }
0xf7: {  	vm7 =	vmor vm7, vm8  }
0xf8: {  	v8 =	vsel vm7, $0xFFFFFFFF, v8  }
.Ltmp11:
0xf9: {  	v7 =	vsel vm5, $0x0, v10;
	v9, _, _ =	vpop (xrf2);
	(pc) =	sbr.rel @p2 .LBB3_7-.Ltmp11, $4  }
0xfa: {  	v6 =	vsel vm5, v9, v6;
	v10 =	vadd.f32 v9, v7;
	v7 =	vsel vm6, $0x0, v9  }
0xfb: {  	s0 =	sadd.s32 $0x10, s0;
	v7 =	vshift.insert v7, v0, s21  }
0xfc: {  	s22 =	sadd.s32 $0x10, s22;
	[tilespmem:s0+$0x0] =	vst v10;
	(ifvalue) =	ssetifvalue $0xFFFFFFFF  }
0xfd: {  	[hbm4b:s1+s16] =	stream.indirect_vreg.scatter [tilespmem:s0], [sflag:$0x2], $0x1, v8, vm0, $0x4038;
	[tilespmem:$0x11A60] =	vst v63  }
0xfe: {  	v3 =	vld [tilespmem:s29+$0xFAF0];
	_ =	sdelay $0x4  }
0xff: {  	v3 =	vshift.insert v3, v0, s21  }
0x100: {  	s0 =	simm.s32 $0x30  }
0x101: {  	[tilespmem:s0+$0x0] =	vst.msk $0x1, v3  }
0x102: {  	v3 =	vsel vm4, $0x1, v1;
	[tilespmem:$0x90] =	vst v6  }
0x103: {  	s0 =	sadd.s32 @!p1 $0xFAFF, s29;
	[tilespmem:$0xA0] =	vst v3  }
0x104: {  	[spmem:s15] =	stream.linear.scatter @!p1 [tilespmem:s0], [sflag:$0x1], $0x1, $0x38;
	[tilespmem:$0x11A60] =	vst v63  }
0x105: {  	s0 =	simm.s32 @!p1 $0x1  }
0x106: {  	v3 =	vmctz.xlane @!p1 vm4;
	_ =	swait.ge @!p1 [sflag:s0], $0x1  }
0x107: {  	(v2sf) =	vpush @!p1 v4, $0x0  }
0x108: {  	(v2sf) =	vpush @!p1 v3, $0x0;
	_ =	sdelay $0xd  }
0x109: {  	s2 =	spop @!p1 (v2sf)  }
0x10a: {  	s22 =	spop @!p1 (v2sf)  }
0x10b: {  	p2 =	sne.s32 @!p1 s28, s2;
	p3 =	slt.s32 @!p1 s22, $0xF  }
0x10c: {  	[sflag:s0] =	ssyncset.done @!p1 $0x0;
	p2 =	por p2, p1;
	p3 =	por !p3, p1  }
0x10d: {  	[sflag:s0] =	ssyncadd.s32 @!p1 $0xFFFFFFFF;
	v3 =	vimm.s32 @!p2 $0xFFFFFFFF;
	s22 =	simm.s32 @p3 $0xF  }
0x10e: {  	[tilespmem:$0x80] =	vst @!p2 v3;
	s2 =	sadd.s32 @!p1 $0x90, s22  }
0x10f: {  	[spmem:s3] =	stream.linear.scatter @!p1 [tilespmem:s2], [sflag:$0x1], $0x1, $0x38;
	[tilespmem:$0x11A60] =	vst v63  }
0x110: {  	_ =	swait.ge @!p1 [sflag:s0], $0x1  }
0x111: {  	[sflag:s0] =	ssyncset.done @!p1 $0x0  }
0x112: {  	s2 =	simm.s32 @!p1 $0x80;
	[sflag:s0] =	ssyncadd.s32 @!p1 $0xFFFFFFFF  }
0x113: {  	[spmem:s13] =	stream.linear.scatter @!p1 [tilespmem:s2], [sflag:$0x1], $0x1, $0x38;
	[tilespmem:$0x11A60] =	vst v63  }
0x114: {  	_ =	swait.ge @!p1 [sflag:s0], $0x1  }
0x115: {  	[sflag:s0] =	ssyncset.done @!p1 $0x0  }
0x116: {  	[sflag:s0] =	ssyncadd.s32 @!p1 $0xFFFFFFFF;
	(ifvalue) =	ssetifvalue $0xFFFFFFFF;
	v3 =	vld [tilespmem:s25+$0x10];
	_ =	sdelay $0x3  }
.Ltmp12:
0x117: {  	_ = 	snop;
	(pc) =	sbr.rel .LBB3_9-.Ltmp12, $3  }
0x118: {  	_ =	sdelay $0x1  }
0x119: {  	(ifvalue) =	ssetifvalue $0xFFFFFFFF  }
0x11a: {  	[hbm4b:s1+s16] =	stream.indirect_vreg.scatter [tilespmem:s26], [sflag:$0x9], $0x1, v3, vm0, $0x4038;
	[tilespmem:$0x11A60] =	vst v63  }
.LBB3_10:
0x11b: {  	_ =	sfence.sel $0x180000  }
0x11c: {  	s0 =	simm.s32 $0x7;
	[bflag:$0x0] =	sbarrier.arrive $0xFFFF  }
0x11d: {  	s26 =	simm.s32 $0x8;
	[sflag:s0] =	ssyncpa.u1 $0x1  }
0x11e: {  	s28 =	simm.s32 $0x9;
	[sflag:s26] =	ssyncpa.u1 $0x1  }
0x11f: {  	[sflag:s28] =	ssyncpa.u1 $0x1  }
0x120: {  	_ =	sfence.stream.spmem  }
0x121: {  	s29 =	simm.s32 $0x3;
	[bflag:$0x0] =	sbarrier.arrive $0xFFFF  }
0x122: {  	s30 =	simm.s32 $0x4;
	[sflag:s29] =	ssyncpa.u1 $0x1  }
0x123: {  	s31 =	simm.s32 $0x3C;
	s2 =	stileid.u32;
	[sflag:s30] =	ssyncpa.u1 $0x1  }
0x124: {  	p0 =	sne.s32 s2, $0x0;
	[sflag:s31] =	ssyncpa.u1 $0x1  }
0x125: {  	s0 =	simm.s32 @p0 $0x1;
	_ =	sfence @p0  }
0x126: {  	[sflag:s0] =	ssyncpa.u1 @p0 $0x1;
	s0 =	simm.s32 @p0 $0x2  }
0x127: {  	[sflag:s0] =	ssyncpa.u1 @p0 $0x1  }
0x128: {  	_ =	strace @p0 $0x9000004D  }
0x129: {  	[bflag:$0x2] =	sbarrier.arrive @p0 $0xFFFF  }
0x12a: {  	_ =	shalt @p0  }
.LBB3_11:
0x12b: {  	_ =	sfence.stream.spmem;
	s0 =	simm.s32 $0x5  }
0x12c: {  	s2 =	simm.s32 $0x80;
	s3 =	simm.s32 $0xC0;
	[sflag:s0] =	ssyncpa.u1 $0x0  }
0x12d: {  	[tilespmem:s3], [sflag:$0x5] =	stream.linear.gather [spmem:s2], $0x20, $0x38;
	[tilespmem:$0x11A60] =	vst v63  }
0x12e: {  	s2 =	simm.s32 $0x0;
	s3 =	simm.s32 $0xE0  }
0x12f: {  	[tilespmem:s3], [sflag:$0x5] =	stream.linear.gather [spmem:s2], $0x20, $0x38;
	[tilespmem:$0x11A60] =	vst v63  }
.Ltmp13:
0x130: {  	_ = 	snop;
	(pc) =	sbr.rel .LBB3_12-.Ltmp13, $4  }
0x131: {  	_ =	swait.ge [sflag:s0], $0x40  }
0x132: {  	[sflag:s0] =	ssyncset.done $0x0  }
0x133: {  	s31 =	simm.s32 $0x6;
	[sflag:s0] =	ssyncadd.s32 $0xFFFFFFC0  }
0x134: {  	s4 =	simm.s32 $0x0;
	[sflag:s31] =	ssyncpa.u1 $0x0  }
.LBB3_17:
0x135: {  	p0 =	sgt.u32 s5, $0x27FF  }
0x136: {  	s0 =	sshrl.u32 @!p0 s5, $0x3  }
0x137: {  	s5 =	sand.u32 @!p0 $0x7, s5;
	s6 =	simm.s32 @!p0 $0xB0;
	s0 =	sadd.s32 @!p0 s1, s0  }
0x138: {  	[tilespmem:s6], [sflag:$0x6] =	stream.linear.gather @!p0 [hbm4b:s0+s5], $0x1, $0x38;
	[tilespmem:$0x11A60] =	vst v63  }
0x139: {  	s0 =	simm.s32 @!p0 $0x6  }
0x13a: {  	_ =	swait.ge @!p0 [sflag:s0], $0x1  }
0x13b: {  	[sflag:s0] =	ssyncset.done @!p0 $0x0  }
0x13c: {  	[sflag:s0] =	ssyncadd.s32 @!p0 $0xFFFFFFFF  }
0x13d: {  	v2 =	vmov @!p0 s4;
	v1 =	vld.msk @!p0 [tilespmem:$0xB0], $0x1;
	_ =	sdelay $0x3  }
0x13e: {  	s0 =	simm.s32 @!p0 $0xE0  }
0x13f: {  	[tilespmem:v2+s0+$0x0], v1 =	vst.idx.ret.add.f32.msk @!p0 $0x1, v1  }
0x140: {  	[tilespmem:s2+$0xC0] =	vst.msk $0x1, v0  }
0x141: {  	v0 =	vld.msk [tilespmem:s4+$0xE0], $0x1;
	_ =	sdelay $0x4  }
0x142: {  	[tilespmem:s2+$0xE0] =	vst.msk $0x1, v0;
	s2 =	sadd.s32 $0x1, s2  }
.LBB3_19:
0x143: {  	s4 =	sadd.s32 $0x1, s4  }
0x144: {  	p0 =	sne.s32 s4, $0x20  }
.Ltmp14:
0x145: {  	_ = 	snop;
	(pc) =	sbr.rel @!p0 .LBB3_20-.Ltmp14, $1  }
0x146: {  	_ =	sdelay $0x3  }
.LBB3_12:
0x147: {  	v0 =	vld.msk [tilespmem:s4+$0xC0], $0x1;
	_ =	sdelay $0x4  }
0x148: {  	(v2sf) =	vpush v0, $0x0;
	_ =	sdelay $0xe  }
0x149: {  	s5 =	spop (v2sf)  }
0x14a: {  	p0 =	seq.s32 s5, $0xFFFFFFFF  }
.Ltmp15:
0x14b: {  	_ = 	snop;
	(pc) =	sbr.rel @p0 .LBB3_19-.Ltmp15, $1  }
0x14c: {  	_ =	sdelay $0x3  }
0x14d: {  	p0 =	slt.s32 s2, $0x1  }
.Ltmp16:
0x14e: {  	_ = 	snop;
	(pc) =	sbr.rel @p0 .LBB3_17-.Ltmp16, $1  }
0x14f: {  	_ =	sdelay $0x3  }
0x150: {  	s0 =	simm.s32 $0xC0;
	p0 =	por $0x0, $0x0  }
0x151: {  	v1 =	vld.msk @!p0 [tilespmem:s0+$0x0], $0x1;
	_ =	sdelay $0x4  }
0x152: {  	(v2sf) =	vpush @!p0 v1, $0x0;
	_ =	sdelay $0xd  }
0x153: {  	p2 =	sne.s32 s2, $0x1  }
.Ltmp17:
0x154: {  	s6 =	spop @!p0 (v2sf);
	(pc) =	sbr.rel @!p2 .LBB3_16-.Ltmp17, $4  }
0x155: {  	p1 =	seq.s32 @!p0 s5, s6  }
0x156: {  	s6 =	simm.s32 $0x0;
	p1 =	por !p1, p0  }
0x157: {  	s8 =	simm.s32 $0xFFFFFFFF;
	s6 =	simm.s32 @p1 $0xFFFFFFFF  }
0x158: {  	s7 =	simm.s32 $0x1;
	s6 =	smov.u32 @p0 s8  }
.LBB3_15:
0x159: {  	s8 =	smov.u32 s6;
	p0 =	sne.s32 s6, $0xFFFFFFFF  }
0x15a: {  	s0 =	sadd.s32 $0x1, s0;
	s6 =	smov.u32 s7;
	s7 =	sadd.s32 $0x1, s7  }
0x15b: {  	p1 =	sne.s32 s2, s7;
	v1 =	vld.msk @!p0 [tilespmem:s0+$0x0], $0x1;
	_ =	sdelay $0x4  }
0x15c: {  	(v2sf) =	vpush @!p0 v1, $0x0;
	_ =	sdelay $0xe  }
.Ltmp18:
0x15d: {  	s9 =	spop @!p0 (v2sf);
	(pc) =	sbr.rel @p1 .LBB3_15-.Ltmp18, $4  }
0x15e: {  	p2 =	seq.s32 @!p0 s5, s9  }
0x15f: {  	p2 =	por !p2, p0  }
0x160: {  	s6 =	simm.s32 @p2 $0xFFFFFFFF  }
0x161: {  	s6 =	smov.u32 @p0 s8  }
.LBB3_16:
0x162: {  	p0 =	sne.s32 s6, $0xFFFFFFFF  }
.Ltmp19:
0x163: {  	_ = 	snop;
	(pc) =	sbr.rel @!p0 .LBB3_17-.Ltmp19, $1  }
0x164: {  	_ =	sdelay $0x3  }
0x165: {  	v0 =	vld.msk [tilespmem:s4+$0xE0], $0x1;
	v1 =	vmov s6  }
.Ltmp20:
0x166: {  	_ = 	snop;
	(pc) =	sbr.rel .LBB3_19-.Ltmp20, $2  }
0x167: {  	_ =	sdelay $0x2  }
0x168: {  	[tilespmem:v1+s3+$0x0], v0 =	vst.idx.ret.add.f32.msk $0x1, v0  }
.LBB3_20:
0x169: {  	p0 =	slt.s32 s2, $0x1  }
.Ltmp21:
0x16a: {  	_ = 	snop;
	(pc) =	sbr.rel @p0 .LBB3_24-.Ltmp21, $3  }
0x16b: {  	_ =	sdelay $0x1  }
0x16c: {  	s0 =	simm.s32 $0x6  }
0x16d: {  	s3 =	simm.s32 $0x0;
	[sflag:s0] =	ssyncpa.u1 $0x1  }
0x16e: {  	s0 =	simm.s32 $0xC0  }
0x16f: {  	v0 =	vld.msk [tilespmem:s0+$0x0], $0x1;
	_ =	sdelay $0x4  }
0x170: {  	(v2sf) =	vpush v0, $0x0;
	_ =	sdelay $0xe  }
0x171: {  	s2 =	sadd.s32 $0xFFFFFFFF, s2;
	s4 =	spop (v2sf)  }
0x172: {  	p1 =	sne.s32 s2, $0x0;
	p0 =	sgt.u32 s4, $0x27FF  }
.Ltmp22:
0x173: {  	s5 =	sshrl.u32 @!p0 s4, $0x3;
	(pc) =	sbr.rel @!p1 .LBB3_23-.Ltmp22, $4  }
0x174: {  	s0 =	simm.s32 $0xE0;
	s4 =	sand.u32 @!p0 $0x7, s4;
	s5 =	sadd.s32 @!p0 s1, s5  }
0x175: {  	[hbm4b:s5+s4] =	stream.linear.scatter @!p0 [tilespmem:s0], [sflag:$0x5], $0x1, $0x38;
	[tilespmem:$0x11A60] =	vst v63  }
0x176: {  	s5 =	simm.s32 $0x0  }
0x177: {  	s4 =	simm.s32 $0xC1;
	s5 =	simm.s32 @!p0 $0x4  }
.LBB3_22:
0x178: {  	v0 =	vld.msk [tilespmem:s4+$0x0], $0x1;
	s2 =	sadd.s32 $0xFFFFFFFF, s2;
	s3 =	sadd.s32 s3, s5  }
0x179: {  	p0 =	sne.s32 s2, $0x0;
	_ =	sdelay $0x3  }
0x17a: {  	(v2sf) =	vpush v0, $0x0;
	_ =	sdelay $0xe  }
.Ltmp23:
0x17b: {  	s6 =	spop (v2sf);
	(pc) =	sbr.rel @p0 .LBB3_22-.Ltmp23, $4  }
0x17c: {  	s5 =	simm.s32 $0x0;
	p1 =	sgt.u32 s6, $0x27FF  }
0x17d: {  	s0 =	sadd.s32 $0x1, s0;
	s5 =	simm.s32 @!p1 $0x4;
	s7 =	sshrl.u32 @!p1 s6, $0x3  }
0x17e: {  	s4 =	sadd.s32 $0x1, s4;
	s6 =	sand.u32 @!p1 $0x7, s6;
	s7 =	sadd.s32 @!p1 s1, s7  }
0x17f: {  	[hbm4b:s7+s6] =	stream.linear.scatter @!p1 [tilespmem:s0], [sflag:$0x5], $0x1, $0x38;
	[tilespmem:$0x11A60] =	vst v63  }
.LBB3_23:
0x180: {  	s0 =	sadd.s32 s3, s5  }
0x181: {  	s3 =	sshrl.u32 s0, $0x2  }
.LBB3_24:
0x182: {  	s0 =	simm.s32 $0x5  }
0x183: {  	_ =	swait.ge [sflag:s0], s3  }
0x184: {  	s1 =	ssub.s32 $0x0, s3;
	[sflag:s0] =	ssyncset.done $0x0  }
0x185: {  	[sflag:s0] =	ssyncadd.s32 s1  }
0x186: {  	[sflag:s0] =	ssyncpa.u1 $0x1  }
0x187: {  	s29 =	simm.s32 $0x1;
	_ =	sfence  }
0x188: {  	s30 =	simm.s32 $0x2;
	[sflag:s29] =	ssyncpa.u1 $0x1  }
0x189: {  	[sflag:s30] =	ssyncpa.u1 $0x1  }
0x18a: {  	_ =	strace $0x9000004D  }
0x18b: {  	[bflag:$0x2] =	sbarrier.arrive $0xFFFF  }
0x18c: {  	s31 =	rddreg [dreg:$0x1]  }
0x18d: {  	s0 =	sadd.s32 $0x100000, s31  }
0x18e: {  	[sflag:s0] =	ssyncadd.tile.s32 $0x1;
	_ =	shalt  }
.Lfunc_end3:
_tile_overlayer_lowered:
.L_overlay_start_3:
0x18f: {  	(tag) =	ssettag $0x3  }
0x190: {  	s0 =	rddreg [dreg:$0x0];
	s2 =	stileid.u32  }
0x191: {  	s1 =	rddreg [dreg:$0x1];
	p0 =	sne.s32 s2, $0x0  }
0x192: {  	s3 =	rddreg [dreg:$0x2];
	[bflag:$0x3] =	sbarrier.arrive $0xFFFF;
	s2 =	simm.s32 @!p0 $0x1C01  }
0x193: {  	[timem:s3], [sflag:s2] =	dma.local @!p0 [hbm:s0], s1  }
0x194: {  	s0 =	simm.s32 @!p0 $0x1  }
0x195: {  	_ =	swait.ge @!p0 [sflag:s0], s1  }
0x196: {  	s1 =	ssub.s32 @!p0 $0x0, s1;
	[sflag:s0] =	ssyncset.done @!p0 $0x0  }
0x197: {  	[sflag:s0] =	ssyncadd.s32 @!p0 s1  }
0x198: {  	[bflag:$0x3] =	sbarrier.arrive $0xFFFF  }
0x199: {  	_ =	shalt  }

// kernel: scatter_offload_async_start.3
scs
__scs_entry_jumppad:
0x0: {  	(pc) =	sbr.rel $0x88, $3  }
0x1: {  	(tag) =	ssettag $0x0;
	lr =	simm.s32 $0x1  }
0x2: {  	[smem:$0x3F96] =	sst lr;
	_ =	strace $0xD0000000  }
0x3: {  	_ = 	snop  }
0x4: {  	_ = 	snop  }
0x5: {  	_ = 	snop  }
0x6: {  	_ = 	snop  }
0x7: {  	_ = 	snop  }
__scs_overlays_trampoline_lowered:
0x8: {  	[smem:$0x3FA5] =	sst s0  }
0x9: {  	[smem:$0x3FA6] =	sst s1  }
0xa: {  	[smem:$0x3FA7] =	sst s2  }
0xb: {  	[smem:$0x3FA8] =	sst s3  }
0xc: {  	[smem:$0x3FA9] =	sst s4  }
0xd: {  	[smem:$0x3FAA] =	sst s5  }
0xe: {  	[smem:$0x3FAB] =	sst s6  }
0xf: {  	[smem:$0x3FAC] =	sst s7  }
0x10: {  	[smem:$0x3FAD] =	sst s8  }
0x11: {  	[smem:$0x3FAE] =	sst s9;
	s0 =	simm.s32 @!p0 $0x0  }
0x12: {  	s1 =	sld [smem:$0x3F94];
	s0 =	simm.s32 @p0 $0x1  }
0x13: {  	[smem:$0x3FAF] =	sst s0;
	s0 =	simm.s32 @!p1 $0x0  }
0x14: {  	s2 =	sld [smem:$0x3F93];
	s0 =	simm.s32 @p1 $0x1  }
0x15: {  	[smem:$0x3FB0] =	sst s0;
	s0 =	simm.s32 @!p2 $0x0  }
0x16: {  	s3 =	sld [smem:$0x3FDB];
	s0 =	simm.s32 @p2 $0x1  }
0x17: {  	s4 =	simm.s32 $0x1BF5;
	[smem:$0x3FB2] =	sst s0  }
0x18: {  	s0 =	sld [smem:$0x3F95];
	_ =	swait.ge [sflag:s4], $0x0  }
0x19: {  	s7 =	sld [smem:$0x3F96]  }
0x1a: {  	s8 =	sadd.s32 $0xFFFFE003, lr  }
0x1b: {  	s9 =	sadd.s32 $0xFFFFFEF7, lr;
	s5 =	simm.s32 $0xFFFFFFFF;
	p2 =	slt.u32 s8, $0xFFFFF086  }
0x1c: {  	p1 =	slt.u32 s9, $0xF7A;
	s5 =	simm.s32 @!p2 $0x0  }
0x1d: {  	s5 =	simm.s32 @p1 $0x1;
	p0 =	seq.s32 s7, s2  }
0x1e: {  	s7 =	smul.u32 @!p0 $0xF7A, s2;
	p2 =	seq.s32 @!p0 s5, $0x0  }
0x1f: {  	s9 =	smul.u32 $0xF7A, s1;
	s8 =	simm.s32 @!p0 $0x1BF5;
	p2 =	por !p2, p0  }
0x20: {  	[sflag:s8] =	ssyncset.s32 @!p0 $0xFFFFF086;
	s6 =	sadd.s32 @!p0 s3, s7;
	s7 =	simm.s32 @!p0 $0x108  }
0x21: {  	s3 =	sadd.s32 s3, s9;
	s6 =	sadd.s32 @!p0 $0x88, s6;
	s7 =	simm.s32 @p2 $0x1082  }
0x22: {  	[simem:s7], [sflag:s8] =	dma.local @!p0 [hbm:s6], $0xF7A  }
0x23: {  	s9 =	sor.u32 $0xD0000000, s2;
	s6 =	simm.s32 $0x108;
	_ =	swait.ge @!p0 [sflag:s8], $0x0  }
0x24: {  	s3 =	sadd.s32 $0x88, s3;
	s6 =	simm.s32 @!p1 $0x1082;
	[sflag:s4] =	ssyncset.s32 $0xFFFFF086  }
0x25: {  	[simem:s6], [sflag:s4] =	dma.local [hbm:s3], $0xF7A  }
0x26: {  	[smem:$0x3F96] =	sst s1;
	(tag) =	ssettag s2;
	_ =	strace s9  }
0x27: {  	s1 =	sld [smem:$0x3FA6]  }
0x28: {  	s2 =	sld [smem:$0x3FA7]  }
0x29: {  	s4 =	sld [smem:$0x3FA9]  }
0x2a: {  	p0 =	seq.s32 s5, $0x0;
	s5 =	sld [smem:$0x3FAA]  }
0x2b: {  	s6 =	sld [smem:$0x3FAB]  }
0x2c: {  	s7 =	sld [smem:$0x3FAC]  }
0x2d: {  	s3 =	simm.s32 $0x108;
	s8 =	sld [smem:$0x3FAD]  }
0x2e: {  	s3 =	simm.s32 @!p0 $0x1082;
	s9 =	sld [smem:$0x3FAE]  }
0x2f: {  	lr =	sadd.s32 s0, s3;
	s0 =	sld [smem:$0x3FA5]  }
0x30: {  	s3 =	sld [smem:$0x3FA8]  }
0x31: {  	[smem:$0x3FB1] =	sst s10  }
0x32: {  	s10 =	sld [smem:$0x3FAF];
	_ =	sdelay $0x3  }
0x33: {  	p0 =	seq.s32 s10, $0x1;
	s10 =	sld [smem:$0x3FB1];
	_ =	sdelay $0x3  }
0x34: {  	[smem:$0x3FB1] =	sst s10  }
0x35: {  	s10 =	sld [smem:$0x3FB0];
	_ =	sdelay $0x3  }
0x36: {  	p1 =	seq.s32 s10, $0x1;
	s10 =	sld [smem:$0x3FB1];
	_ =	sdelay $0x3  }
0x37: {  	[smem:$0x3FB1] =	sst s10  }
0x38: {  	s10 =	sld [smem:$0x3FB2]  }
0x39: {  	_ = 	snop;
	(pc) =	sbr.ind lr, $3  }
0x3a: {  	_ = 	snop  }
0x3b: {  	_ = 	snop  }
0x3c: {  	p2 =	seq.s32 s10, $0x1;
	s10 =	sld [smem:$0x3FB1]  }
0x3d: {  	_ =	shalt  }
0x3e: {  	_ =	shalt  }
0x3f: {  	_ =	shalt  }
0x40: {  	_ =	shalt  }
0x41: {  	_ =	shalt  }
0x42: {  	_ =	shalt  }
0x43: {  	_ =	shalt  }
0x44: {  	_ =	shalt  }
0x45: {  	_ =	shalt  }
0x46: {  	_ =	shalt  }
0x47: {  	_ =	shalt  }
0x48: {  	_ =	shalt  }
0x49: {  	_ =	shalt  }
0x4a: {  	_ =	shalt  }
0x4b: {  	_ =	shalt  }
0x4c: {  	_ =	shalt  }
0x4d: {  	_ =	shalt  }
0x4e: {  	_ =	shalt  }
0x4f: {  	_ =	shalt  }
0x50: {  	_ =	shalt  }
0x51: {  	_ =	shalt  }
0x52: {  	_ =	shalt  }
0x53: {  	_ =	shalt  }
0x54: {  	_ =	shalt  }
0x55: {  	_ =	shalt  }
0x56: {  	_ =	shalt  }
0x57: {  	_ =	shalt  }
0x58: {  	_ =	shalt  }
0x59: {  	_ =	shalt  }
0x5a: {  	_ =	shalt  }
0x5b: {  	_ =	shalt  }
0x5c: {  	_ =	shalt  }
0x5d: {  	_ =	shalt  }
0x5e: {  	_ =	shalt  }
0x5f: {  	_ =	shalt  }
0x60: {  	_ =	shalt  }
0x61: {  	_ =	shalt  }
0x62: {  	_ =	shalt  }
0x63: {  	_ =	shalt  }
0x64: {  	_ =	shalt  }
0x65: {  	_ =	shalt  }
0x66: {  	_ =	shalt  }
0x67: {  	_ =	shalt  }
0x68: {  	_ =	shalt  }
0x69: {  	_ =	shalt  }
0x6a: {  	_ =	shalt  }
0x6b: {  	_ =	shalt  }
0x6c: {  	_ =	shalt  }
0x6d: {  	_ =	shalt  }
0x6e: {  	_ =	shalt  }
0x6f: {  	_ =	shalt  }
0x70: {  	_ =	shalt  }
0x71: {  	_ =	shalt  }
0x72: {  	_ =	shalt  }
0x73: {  	_ =	shalt  }
0x74: {  	_ =	shalt  }
0x75: {  	_ =	shalt  }
0x76: {  	_ =	shalt  }
0x77: {  	_ =	shalt  }
0x78: {  	_ =	shalt  }
0x79: {  	_ =	shalt  }
0x7a: {  	_ =	shalt  }
0x7b: {  	_ =	shalt  }
0x7c: {  	_ =	shalt  }
0x7d: {  	_ =	shalt  }
0x7e: {  	_ =	shalt  }
0x7f: {  	_ =	shalt  }
0x80: {  	_ =	shalt  }
0x81: {  	_ =	shalt  }
0x82: {  	_ =	shalt  }
0x83: {  	_ =	shalt  }
0x84: {  	_ =	shalt  }
0x85: {  	_ =	shalt  }
0x86: {  	_ =	shalt  }
0x87: {  	_ =	shalt  }
.Lfunc_end0:
.L_simem_size_0:
called_computation.3_lowered:
.L_overlay_start_0:
0x88: {  	s0 =	sld [smem:$0x3FD9]  }
0x89: {  	s1 =	sld [smem:$0x3FFE];
	_ =	sdelay $0x3  }
0x8a: {  	s0 =	sadd.s32 s1, s0  }
0x8b: {  	[smem:$0x3FBD] =	sst s0  }
0x8c: {  	_ = 	snop  }
0x8d: {  	(tm) =	ssettm $0x1  }
0x8e: {  	s14 =	sld [smem:$0x3FFB];
	_ =	sdelay $0x3  }
0x8f: {  	_ =	strace s14  }
0x90: {  	s0 =	sld [smem:$0x3FFC];
	_ =	sdelay $0x3  }
0x91: {  	_ =	strace s0  }
0x92: {  	s0 =	sld [smem:$0x3FFD];
	_ =	sdelay $0x3  }
0x93: {  	_ =	strace s0  }
0x94: {  	_ =	strace $0x8FFFFFFF  }
0x95: {  	s15 =	sld [smem:$0x3FDB];
	_ =	sdelay $0x1  }
0x96: {  	s16 =	simm.s32 $_scs_section_size  }
0x97: {  	s2 =	simm.s32 $_size__tile_overlayer_lowered;
	s3 =	simm.s32 $_tile_overlayer_lowered  }
0x98: {  	s4 =	simm.s32 $0x1BFF;
	s17 =	sshll.u32 s3, $0x1;
	s1 =	sadd.s32 s16, s15  }
0x99: {  	s18 =	simm.s32 $0x0;
	s2 =	sshll.u32 s2, $0x1;
	s3 =	sadd.s32 s17, s1  }
0x9a: {  	[timem:s18], [sflag:s4] =	dma.local [hbm:s3], s2  }
0x9b: {  	_ =	swait.ge [sflag:s4], s2  }
0x9c: {  	s2 =	ssub.s32 $0x0, s2;
	[sflag:s4] =	ssyncset.done $0x0  }
0x9d: {  	[sflag:s4] =	ssyncadd.s32 s2;
	_ =	sdelay $0x1  }
0x9e: {  	s19 =	simm.s32 $0x1B8B  }
0x9f: {  	_ =	swait.ge [sflag:s19], $0x1  }
0xa0: {  	[sflag:s19] =	ssyncset.done $0x0  }
0xa1: {  	s21 =	simm.s32 $0x1B8E;
	s20 =	sld [smem:$0x3FFE];
	[sflag:s19] =	ssyncadd.s32 $0xFFFFFFFF  }
0xa2: {  	s22 =	simm.s32 $execute0_lowered;
	[smem:$0x3FD2] =	sst s21  }
0xa3: {  	s3 =	sshll.u32 s22, $0x1;
	_ =	strace $0x8000004F;
	[dreg:$0x1] =	wrdreg $0xFFFFFFFF  }
0xa4: {  	s23 =	simm.s32 $_size_execute0_lowered;
	s3 =	sadd.s32 s1, s3;
	[dreg:$0x0] =	wrdreg $0x0  }
0xa5: {  	s4 =	sshll.u32 s23, $0x1;
	[dreg:$0x2] =	wrdreg s3  }
0xa6: {  	[dreg:$0x3] =	wrdreg s4  }
0xa7: {  	[dreg:$0x4] =	wrdreg $0xC0  }
0xa8: {  	s24 =	simm.s32 $execute1_lowered;
	_ =	task [dreg:s18], $0x5FFFF  }
0xa9: {  	s3 =	sshll.u32 s24, $0x1;
	[dreg:$0x1] =	wrdreg $0xFFFFFFFF  }
0xaa: {  	s1 =	sadd.s32 s1, s3;
	[dreg:$0x0] =	wrdreg $0x60  }
0xab: {  	[dreg:$0x2] =	wrdreg s1  }
0xac: {  	[dreg:$0x3] =	wrdreg s20  }
0xad: {  	[dreg:$0x4] =	wrdreg $0xB  }
0xae: {  	_ =	task.clear_ibuf [dreg:s18], $0x5FFFF;
	_ =	strace $0x9000004F  }
0xaf: {  	s25 =	simm.s32 $0xB;
	_ =	strace $0x80000051  }
0xb0: {  	_ =	swait.ge [sflag:s25], $0x1  }
0xb1: {  	[sflag:s25] =	ssyncadd.s32 $0xFFFFFFFF  }
0xb2: {  	_ =	strace $0x90000051  }
0xb3: {  	_ =	strace $0x80000052;
	[dreg:$0x1] =	wrdreg $0xFFFFFFFF  }
0xb4: {  	[dreg:$0x0] =	wrdreg $0x2030  }
0xb5: {  	[dreg:$0x2] =	wrdreg s20  }
0xb6: {  	[dreg:$0x3] =	wrdreg $0xC  }
0xb7: {  	_ =	task.clear_ibuf [dreg:s18], $0x4FFFF;
	_ =	strace $0x90000052  }
0xb8: {  	s26 =	simm.s32 $0xC;
	_ =	strace $0x80000054  }
0xb9: {  	_ =	swait.ge [sflag:s26], $0x1  }
0xba: {  	[sflag:s26] =	ssyncadd.s32 $0xFFFFFFFF  }
0xbb: {  	_ =	strace $0x90000054  }
0xbc: {  	_ =	sfence  }
0xbd: {  	s28 =	sld [smem:$0x0];
	_ =	sdelay $0x1  }
0xbe: {  	s29 =	srdreg.scid  }
0xbf: {  	s30 =	sshll.u32 s29, $0xD;
	s31 =	sshrl.u32 s29, $0x2  }
0xc0: {  	s2 =	sand.u32 $0x1, s29;
	s3 =	sand.u32 $0x4000, s30;
	s1 =	sadd.s32 s31, s28  }
0xc1: {  	s2 =	sor.u32 s3, s2;
	s1 =	sshll.u32 s1, $0x11  }
0xc2: {  	s1 =	sor.u32 s1, s2  }
0xc3: {  	s1 =	sadd.s32 $0x8F2B, s1  }
0xc4: {  	[sflag:s1] =	ssyncadd.remote.s32 $0x1  }
0xc5: {  	_ =	sfence.sel $0xFFFF  }
0xc6: {  	[dreg:$0x0] =	wrdreg $0xFFFFFFFF;
	(pc) =	sbr.abs _section_cstart, $3  }
0xc7: {  	[dreg:$0x1] =	wrdreg $0xFFFFFFFF  }
0xc8: {  	_ =	task.clear_ibuf [dreg:s18], $0x2FFFF;
	_ =	strace $0x9FFFFFFF  }
0xc9: {  	(tm) =	ssettm $0x7FFFFFFF  }
tec
execute0_lowered:
.L_overlay_start_1:
0x0: {  	(tag) =	ssettag $0x1  }
0x1: {  	s2 =	rddreg [dreg:$0x0]  }
0x2: {  	s4 =	rddreg [dreg:$0x1]  }
0x3: {  	s0 =	rddreg [dreg:$0x2];
	s5 =	stileid.u32;
	[bflag:$0x3] =	sbarrier.arrive $0xFFFF  }
0x4: {  	s1 =	simm.s32 $_size_execute1_lowered;
	s9 =	simm.s32 $0x1;
	s31 =	simm.s32 $0x2  }
0x5: {  	s10 =	simm.s32 $0x0;
	p0 =	sne.s32 s5, $0x0;
	s1 =	sshll.u32 s1, $0x1  }
0x6: {  	p1 =	seq.s32 s5, $0x0;
	s3 =	simm.s32 @!p0 $0x1C3F;
	s6 =	simm.s32 @!p0 $0x4060  }
0x7: {  	[timem:s6], [sflag:s3] =	dma.local @!p0 [hbm:s2], s1  }
0x8: {  	s9 =	simm.s32 @!p1 $0x0;
	s2 =	smul.u32 $0x280, s5;
	s6 =	simm.s32 @!p0 $0x2800  }
0x9: {  	s3 =	simm.s32 $0x0;
	s5 =	simm.s32 $0x1;
	s6 =	simm.s32 @p0 $0x0  }
.Ltmp0:
0xa: {  	_ =	strace $0x80000050;
	s8 =	ssub.s32 $0x2800, s2;
	(pc) =	sbr.rel .LBB2_1-.Ltmp0, $4  }
0xb: {  	s30 =	sshrl.u32 s2, $0x3;
	p1 =	sne.s32 s8, s6;
	s6 =	simm.s32 $0x1  }
0xc: {  	[sflag:s5] =	ssyncpa.u1 $0x0;
	s7 =	sadd.s32 s30, s4;
	s6 =	simm.s32 @!p1 $0x0  }
0xd: {  	s4 =	sadd.s32 $0xAA8000, s4;
	[sflag:s31] =	ssyncpa.u1 $0x0;
	s6 =	sadd.s32 s9, s6  }
0xe: {  	s7 =	sadd.s32 $0xA89A00, s7;
	s9 =	simm.s32 $0x0;
	s8 =	sadd.s32 $0x1, s6  }
.LBB2_7:
0xf: {  	p2 =	sne.s32 s9, s8  }
.Ltmp1:
0x10: {  	p1 =	slt.u32 s9, $0x2;
	(pc) =	sbr.rel @!p2 .LBB2_8-.Ltmp1, $4  }
0x11: {  	s10 =	simm.s32 @!p1 $0x2  }
0x12: {  	_ =	swait.ge @!p1 [sflag:s10], $0x280  }
0x13: {  	s11 =	sadd.s32 $0x1, s9;
	[sflag:s10] =	ssyncset.done @!p1 $0x0  }
0x14: {  	s9 =	smov.u32 s11;
	[sflag:s10] =	ssyncadd.s32 @!p1 $0xFFFFFD80;
	s10 =	smov.u32 s2  }
.LBB2_1:
0x15: {  	p1 =	sge.u32 s9, s6  }
0x16: {  	s11 =	sxor.u32 @!p1 $0x1, s9  }
0x17: {  	s11 =	smul.u32 @!p1 $0xA00, s11;
	_ =	sdelay $0x1  }
0x18: {  	s31 =	sadd.s32 $0xFFFFFFFF, s9;
	s12 =	simm.s32 @!p1 $0x0;
	s11 =	sshra.s32 @!p1 s11, $0x2  }
0x19: {  	[tilespmem:s11], [sflag:$0x1] =	stream.linear.gather @!p1 [hbm4b:s7+s12], $0x280, $0x38;
	[tilespmem:$0xA00] =	vst v63  }
0x1a: {  	p1 =	sge.u32 s31, s6  }
.Ltmp2:
0x1b: {  	_ = 	snop;
	(pc) =	sbr.rel @p1 .LBB2_7-.Ltmp2, $1  }
0x1c: {  	_ =	sdelay $0x3  }
0x1d: {  	s11 =	sand.u32 $0x1, s9  }
0x1e: {  	s12 =	simm.s32 $0x280;
	p1 =	seq.s32 s11, $0x1  }
0x1f: {  	s12 =	simm.s32 @!p1 $0x0  }
0x20: {  	v0 =	vmov s12  }
0x21: {  	_ =	swait.ge [sflag:s5], $0x280  }
0x22: {  	[sflag:s5] =	ssyncset.done $0x0;
	s11 =	sor.u32 $0x500, s12  }
0x23: {  	s13 =	simm.s32 $0x0;
	[sflag:s5] =	ssyncadd.s32 $0xFFFFFD80;
	p1 =	por $0x1, $0x1;
	v1 =	vmov s11  }
.LBB2_3:
0x24: {  	s14 =	sor.u32 $0x10, s13  }
0x25: {  	v2 =	vld.idx.msk [tilespmem:v0+s14+$0x0 ss:$0x1], $0xffff  }
0x26: {  	s15 =	sor.u32 $0x20, s13;
	v60 =	vld.idx.msk [tilespmem:v0+s13+$0x0 ss:$0x1], $0xffff  }
0x27: {  	s16 =	sor.u32 $0x30, s13;
	v3 =	vld.idx.msk [tilespmem:v0+s15+$0x0 ss:$0x1], $0xffff  }
0x28: {  	s17 =	sor.u32 $0x40, s13;
	v4 =	vld.idx.msk [tilespmem:v0+s16+$0x0 ss:$0x1], $0xffff  }
0x29: {  	s19 =	sor.u32 $0x60, s13;
	v5 =	vld.idx.msk [tilespmem:v0+s17+$0x0 ss:$0x1], $0xffff  }
0x2a: {  	s18 =	sor.u32 $0x50, s13;
	[tilespmem:v1+s14+$0x0 ss:$0x1] =	vst.idx.msk $0xffff, v2;
	v2 =	vld.idx.msk [tilespmem:v0+s19+$0x0 ss:$0x1], $0xffff  }
0x2b: {  	s23 =	sor.u32 $0x80, s13;
	v6 =	vld.idx.msk [tilespmem:v0+s18+$0x0 ss:$0x1], $0xffff;
	[tilespmem:v1+s13+$0x0 ss:$0x1] =	vst.idx.msk $0xffff, v60  }
0x2c: {  	s24 =	sor.u32 $0x90, s13;
	v58 =	vld.idx.msk [tilespmem:v0+s23+$0x0 ss:$0x1], $0xffff;
	[tilespmem:v1+s15+$0x0 ss:$0x1] =	vst.idx.msk $0xffff, v3  }
0x2d: {  	s22 =	sor.u32 $0x70, s13;
	v59 =	vld.idx.msk [tilespmem:v0+s24+$0x0 ss:$0x1], $0xffff;
	[tilespmem:v1+s16+$0x0 ss:$0x1] =	vst.idx.msk $0xffff, v4  }
0x2e: {  	s25 =	sor.u32 $0xA0, s13;
	v3 =	vld.idx.msk [tilespmem:v0+s22+$0x0 ss:$0x1], $0xffff;
	[tilespmem:v1+s17+$0x0 ss:$0x1] =	vst.idx.msk $0xffff, v5  }
0x2f: {  	s28 =	sor.u32 $0xC0, s13;
	[tilespmem:v1+s19+$0x0 ss:$0x1] =	vst.idx.msk $0xffff, v2;
	v2 =	vld.idx.msk [tilespmem:v0+s25+$0x0 ss:$0x1], $0xffff  }
0x30: {  	s29 =	sor.u32 $0xD0, s13;
	v61 =	vld.idx.msk [tilespmem:v0+s28+$0x0 ss:$0x1], $0xffff;
	[tilespmem:v1+s18+$0x0 ss:$0x1] =	vst.idx.msk $0xffff, v6  }
0x31: {  	s30 =	sor.u32 $0xE0, s13;
	v62 =	vld.idx.msk [tilespmem:v0+s29+$0x0 ss:$0x1], $0xffff;
	[tilespmem:v1+s23+$0x0 ss:$0x1] =	vst.idx.msk $0xffff, v58  }
0x32: {  	s26 =	sor.u32 $0xB0, s13;
	v63 =	vld.idx.msk [tilespmem:v0+s30+$0x0 ss:$0x1], $0xffff;
	[tilespmem:v1+s24+$0x0 ss:$0x1] =	vst.idx.msk $0xffff, v59  }
0x33: {  	s31 =	sor.u32 $0xF0, s13;
	[tilespmem:v1+s22+$0x0 ss:$0x1] =	vst.idx.msk $0xffff, v3;
	v3 =	vld.idx.msk [tilespmem:v0+s26+$0x0 ss:$0x1], $0xffff  }
0x34: {  	p2 =	por p1, p1;
	[tilespmem:v1+s25+$0x0 ss:$0x1] =	vst.idx.msk $0xffff, v2;
	v2 =	vld.idx.msk [tilespmem:v0+s31+$0x0 ss:$0x1], $0xffff  }
.Ltmp3:
0x35: {  	[tilespmem:v1+s28+$0x0 ss:$0x1] =	vst.idx.msk $0xffff, v61;
	(pc) =	sbr.rel @p2 .LBB2_3-.Ltmp3, $4  }
0x36: {  	[tilespmem:v1+s29+$0x0 ss:$0x1] =	vst.idx.msk $0xffff, v62  }
0x37: {  	[tilespmem:v1+s30+$0x0 ss:$0x1] =	vst.idx.msk $0xffff, v63  }
0x38: {  	[tilespmem:v1+s26+$0x0 ss:$0x1] =	vst.idx.msk $0xffff, v3  }
0x39: {  	p1 =	por $0x0, $0x0;
	s13 =	simm.s32 $0x100;
	[tilespmem:v1+s31+$0x0 ss:$0x1] =	vst.idx.msk $0xffff, v2  }
0x3a: {  	s13 =	sadd.s32 $0x700, s12;
	s12 =	sadd.s32 $0x200, s12;
	s14 =	simm.s32 $0x1F0  }
.LBB2_5:
0x3b: {  	s14 =	sadd.s32 $0x10, s14  }
0x3c: {  	v0 =	vld [tilespmem:s12+$0x0];
	p1 =	slt.u32 s14, $0x270  }
.Ltmp4:
0x3d: {  	_ = 	snop;
	(pc) =	sbr.rel @p1 .LBB2_5-.Ltmp4, $2  }
0x3e: {  	_ =	sdelay $0x2  }
0x3f: {  	s12 =	sadd.s32 $0x10, s12;
	[tilespmem:s13+$0x0] =	vst v0;
	s13 =	sadd.s32 $0x10, s13  }
.Ltmp5:
0x40: {  	(pc) =	sbr.rel .LBB2_7-.Ltmp5, $4  }
0x41: {  	_ = 	snop  }
0x42: {  	s10 =	sshrl.u32 s10, $0x3  }
0x43: {  	s10 =	sadd.s32 s4, s10  }
0x44: {  	[hbm4b:s10+s3] =	stream.linear.scatter [tilespmem:s11], [sflag:$0x2], $0x280, $0x38;
	[tilespmem:$0xA00] =	vst v63  }
.LBB2_8:
0x45: {  	_ =	sfence.sel $0x180000  }
0x46: {  	s2 =	simm.s32 $0x1;
	[bflag:$0x0] =	sbarrier.arrive $0xFFFF  }
0x47: {  	s31 =	simm.s32 $0x2;
	[sflag:s2] =	ssyncpa.u1 $0x1  }
0x48: {  	[sflag:s31] =	ssyncpa.u1 $0x1  }
0x49: {  	_ =	strace $0x90000050  }
0x4a: {  	s0 =	sadd.s32 @!p0 $0x100000, s0;
	[bflag:$0x2] =	sbarrier.arrive $0xFFFF  }
0x4b: {  	[sflag:s0] =	ssyncadd.tile.s32 @!p0 $0x1;
	s0 =	simm.s32 @!p0 $0x3F  }
0x4c: {  	_ =	swait.ge @!p0 [sflag:s0], s1  }
0x4d: {  	s1 =	ssub.s32 @!p0 $0x0, s1;
	[sflag:s0] =	ssyncset.done @!p0 $0x0  }
0x4e: {  	[sflag:s0] =	ssyncadd.s32 @!p0 s1  }
0x4f: {  	[bflag:$0x3] =	sbarrier.arrive $0xFFFF  }
0x50: {  	_ =	shalt  }
.Lfunc_end2:
execute1_lowered:
.L_overlay_start_2:
0x51: {  	(tag) =	ssettag $0x2  }
0x52: {  	s0 =	rddreg [dreg:$0x0];
	_ =	strace $0x80000053;
	s15 =	stileid.u32  }
0x53: {  	s2 =	simm.s32 $0x1;
	s1 =	smin.u32 s15, $0x8;
	s3 =	sshll.u32 s15, $0x1  }
0x54: {  	v1 =	vimm.s32 $0xFFFFFFFF;
	[sflag:s2] =	ssyncpa.u1 $0x0;
	s1 =	sadd.s32 s1, s3  }
0x55: {  	p0 =	slt.u32 s15, $0x8;
	[tilespmem:$0x10] =	vst v1;
	s4 =	smul.u32 $0x1F40, s1;
	s1 =	simm.s32 $0x5DC0  }
0x56: {  	v0 =	vimm.f32 $0.0e+00;
	[tilespmem:$0x20] =	vst v1;
	s1 =	simm.s32 @!p0 $0x3E80  }
0x57: {  	[tilespmem:$0x30] =	vst v0;
	s1 =	sadd.s32 s1, s4  }
0x58: {  	[tilespmem:$0x40] =	vst v0;
	s5 =	smin.u32 s1, $0x4E200  }
0x59: {  	s7 =	simm.s32 $0x2;
	s8 =	simm.s32 $0x8;
	[tilespmem:$0x50] =	vst v0;
	s9 =	ssub.s32 s5, s4  }
0x5a: {  	s31 =	simm.s32 $0x9;
	s16 =	simm.s32 $0x0;
	[tilespmem:$0x60] =	vst v1;
	p0 =	sgt.s32 s9, $0x0  }
0x5b: {  	s17 =	simm.s32 $0xF0;
	s18 =	simm.s32 $0xFFFFFFFF;
	[tilespmem:$0x70] =	vst v1;
	s9 =	simm.s32 @!p0 $0x0  }
0x5c: {  	s19 =	simm.s32 $0xFFFFC280;
	s20 =	simm.s32 $0xFFFFFFFE;
	[tilespmem:$0x80] =	vst v1;
	s30 =	smulhi.u32 $0x10624DD3, s9  }
0x5d: {  	s21 =	simm.s32 $0xF;
	s25 =	simm.s32 $0x0;
	s24 =	simm.s32 $0x0;
	v1 =	vimm.s32 $0x0;
	[tilespmem:$0xB0] =	vst v0  }
0x5e: {  	s6 =	sadd.s32 $0xA6C000, s0;
	s15 =	sshllo.u32 s15, $0x1;
	[tilespmem:$0x90] =	vst v1;
	s10 =	sshrl.u32 s30, $0x9  }
0x5f: {  	[tilespmem:$0xA0] =	vst v1;
	[sflag:s7] =	ssyncpa.u1 $0x0;
	s7 =	simm.s32 $0x7;
	s11 =	smul.u32 $0x1F40, s10  }
.Ltmp6:
0x60: {  	s13 =	sor.u32 $0x80, s3;
	[sflag:s7] =	ssyncpa.u1 $0x0;
	(pc) =	sbr.rel .LBB3_1-.Ltmp6, $4  }
0x61: {  	s14 =	sor.u32 $0x81, s3;
	[sflag:s8] =	ssyncpa.u1 $0x0;
	p0 =	sne.s32 s9, s11  }
0x62: {  	s23 =	smov.u32 s4;
	s1 =	sadd.s32 $0xAA8000, s0;
	s2 =	simm.s32 @!p0 $0x0  }
0x63: {  	vm0 =	vmmov $0xffff;
	v2 =	vlaneseq.u32;
	[sflag:s31] =	ssyncpa.u1 $0x0;
	s9 =	sadd.s32 $0xA9E200, s0;
	s10 =	sadd.s32 s2, s10  }
0x64: {  	vm1 =	vmxor vm1, vm1;
	vm2 =	vmmov $0x1;
	vm3 =	vcmask $0x3F3C;
	p0 =	por $0x0, $0x0;
	s11 =	sadd.s32 $0x1, s10;
	s12 =	sadd.s32 $0x2, s10  }
.LBB3_9:
0x65: {  	p1 =	slt.u32 s24, $0x3  }
0x66: {  	s0 =	simm.s32 @!p1 $0x2  }
0x67: {  	_ =	swait.ge @!p1 [sflag:s0], $0x1F40  }
0x68: {  	[sflag:s0] =	ssyncset.done @!p1 $0x0  }
0x69: {  	[sflag:s0] =	ssyncadd.s32 @!p1 $0xFFFFE0C0;
	s0 =	simm.s32 @!p1 $0x9  }
0x6a: {  	_ =	swait.ge @!p1 [sflag:s0], $0x10  }
0x6b: {  	[sflag:s0] =	ssyncset.done @!p1 $0x0  }
0x6c: {  	[sflag:s0] =	ssyncadd.s32 @!p1 $0xFFFFFFF0;
	p1 =	sne.s32 s24, s12  }
.Ltmp7:
0x6d: {  	s2 =	sadd.s32 $0x1F40, s23;
	(pc) =	sbr.rel @!p1 .LBB3_10-.Ltmp7, $4  }
0x6e: {  	s22 =	smov.u32 s4;
	s31 =	sadd.s32 $0x1, s24;
	s17 =	sadd.s32 $0x1F40, s17  }
0x6f: {  	s18 =	sadd.s32 $0x1, s18;
	s25 =	smov.u32 s23;
	p2 =	slt.s32 s2, s5  }
0x70: {  	p0 =	por !p0, !p0;
	s19 =	sadd.s32 $0x1F40, s19;
	s22 =	smov.u32 @p2 s2  }
0x71: {  	s20 =	sadd.s32 $0x1, s20;
	s23 =	smov.u32 s22;
	s24 =	smov.u32 s31  }
.LBB3_1:
0x72: {  	p1 =	sge.u32 s24, s10  }
0x73: {  	s0 =	smulhi.u32 @!p1 $0xAAAAAAAB, s24;
	_ =	sdelay $0x1  }
0x74: {  	s0 =	sshrl.u32 @!p1 s0, $0x1  }
0x75: {  	s0 =	smul.u32 @!p1 $0x3, s0;
	_ =	sdelay $0x1  }
0x76: {  	s0 =	ssub.s32 @!p1 s24, s0  }
0x77: {  	s0 =	smul.u32 @!p1 $0x7D00, s0;
	_ =	sdelay $0x1  }
0x78: {  	s2 =	sshrl.u32 @!p1 s23, $0x3;
	s0 =	sshrl.u32 @!p1 s0, $0x2  }
0x79: {  	s22 =	sand.u32 @!p1 $0x7, s23;
	s2 =	sadd.s32 @!p1 s6, s2;
	s0 =	sadd.s32 @!p1 $0x100, s0  }
0x7a: {  	[tilespmem:s0], [sflag:$0x7] =	stream.linear.gather @!p1 [hbm4b:s2+s22], $0x1F40, $0x38;
	[tilespmem:$0x11A60] =	vst v63  }
0x7b: {  	s0 =	sadd.s32 $0xFFFFFFFF, s24  }
0x7c: {  	p1 =	sge.u32 s0, s10  }
.Ltmp8:
0x7d: {  	_ = 	snop;
	(pc) =	sbr.rel @p1 .LBB3_5-.Ltmp8, $1  }
0x7e: {  	_ =	sdelay $0x3  }
0x7f: {  	s2 =	smulhi.u32 $0xAAAAAAAB, s0;
	_ =	sdelay $0x1  }
0x80: {  	s2 =	sshrl.u32 s2, $0x1  }
0x81: {  	s2 =	smul.u32 $0x3, s2;
	_ =	sdelay $0x1  }
0x82: {  	s2 =	ssub.s32 s0, s2  }
0x83: {  	s2 =	smul.u32 $0x7D00, s2  }
0x84: {  	_ =	swait.ge [sflag:s7], $0x1F40  }
0x85: {  	[sflag:s7] =	ssyncset.done $0x0;
	s2 =	sshrl.u32 s2, $0x2  }
0x86: {  	[sflag:s7] =	ssyncadd.s32 $0xFFFFE0C0;
	(ifvalue) =	ssetifvalue $0xFFFFFFFF;
	v3 =	vld.msk [tilespmem:s2+$0x100 ss:$0x1], $0xffff;
	_ =	sdelay $0x2  }
0x87: {  	s30 =	smulhi.u32 $0xAAAAAAAB, s18;
	p1 =	sne.s32 s24, $0x1  }
0x88: {  	v4 =	vimm.s32 @!p1 $0x0  }
0x89: {  	s2 =	sshrl.u32 s30, $0x1;
	v4 =	vperm.xlane @!p1 v3, v4  }
0x8a: {  	s22 =	sshll.u32 s24, $0x4;
	s2 =	smul.u32 $0xFFFE8900, s2;
	vm4 =	vlt.u32 v3, $0x2800  }
0x8b: {  	s22 =	sand.u32 $0x10, s22;
	v3 =	vnsel vm4, $0xFFFFFFFE, v3;
	vm4 =	vlt.u32 @!p1 v4, $0x2800  }
0x8c: {  	s2 =	sshra.s32 s2, $0x2;
	[tilespmem:s22+$0x60] =	vst v3;
	v3 =	vnsel @!p1 vm4, $0xFFFFFFFE, v4  }
0x8d: {  	s28 =	sadd.s32 s2, s17;
	[tilespmem:$0x80] =	vst @!p1 v3  }
0x8e: {  	v3 =	vld.msk [tilespmem:s28+$0x0 ss:$0x1], $0xffff;
	_ =	sdelay $0x4  }
0x8f: {  	(xrf1) =	vunique.msk.u32 $0xffff, v3;
	_ =	sdelay $0xd  }
0x90: {  	v4 =	vimm.s32 $0xFFFFFFFF;
	v5, _, _ =	vpop (xrf1)  }
0x91: {  	vm5 =	vne.s32 v3, v4;
	vm4 =	veq.s32 v5, v2  }
0x92: {  	vm6 =	vlt.u32 v3, $0x2800;
	vm4 =	vmand vm5, vm4  }
0x93: {  	vm4 =	vmand vm6, vm4  }
0x94: {  	v4 =	vnsel vm4, $0xFFFFFFFF, v3  }
0x95: {  	s31 =	sand.u32 $0x1, s0  }
0x96: {  	s0 =	simm.s32 $0x1F40;
	p1 =	seq.s32 s31, $0x1  }
0x97: {  	s0 =	simm.s32 @!p1 $0x0  }
0x98: {  	s26 =	sadd.s32 $0x7DF0, s0;
	(ifvalue) =	ssetifvalue $0xFFFFFFFF  }
0x99: {  	v3 =	vperm.xlane v3, v1;
	[tilespmem:s26], [sflag:$0x8] =	stream.indirect_vreg.gather [hbm4b:s1+s16], $0x1, v4, vm0, $0x4038;
	v4 =	vnsel vm6, $0xFFFFFFFE, v4;
	[tilespmem:$0x11A60] =	vst v63  }
0x9a: {  	s2 =	simm.s32 $0x0;
	s22 =	sadd.s32 $0xFFFFFFF0, s28;
	[tilespmem:s28+$0x0] =	vst v4  }
.LBB3_3:
0x9b: {  	v4 =	vld.msk [tilespmem:s22+$0x0 ss:$0x1], $0xffff;
	s2 =	sadd.s32 $0x10, s2;
	v5 =	vmov v3;
	s28 =	smov.u32 s22  }
0x9c: {  	p1 =	slt.u32 s2, $0x1F30;
	_ =	sdelay $0x4  }
0x9d: {  	v3 =	vperm.xlane v4, v1;
	(xrf1) =	vunique.msk.u32 $0xffff, v4;
	_ =	sdelay $0xd  }
0x9e: {  	v6, _, _ =	vpop (xrf1)  }
0x9f: {  	vm5 =	vne.s32 v4, v5;
	vm4 =	veq.s32 v6, v2  }
0xa0: {  	vm6 =	vlt.u32 v4, $0x2800;
	vm4 =	vmand vm5, vm4  }
0xa1: {  	vm4 =	vmand vm6, vm4  }
0xa2: {  	v4 =	vnsel vm4, $0xFFFFFFFF, v4  }
.Ltmp9:
0xa3: {  	v5 =	vnsel vm6, $0xFFFFFFFE, v4;
	(pc) =	sbr.rel @p1 .LBB3_3-.Ltmp9, $3  }
0xa4: {  	_ =	sdelay $0x1  }
0xa5: {  	s22 =	sadd.s32 $0xFFFFFFF0, s22;
	s26 =	sadd.s32 $0xFFFFFFF0, s26;
	(ifvalue) =	ssetifvalue $0xFFFFFFFF  }
0xa6: {  	[tilespmem:s26], [sflag:$0x8] =	stream.indirect_vreg.gather [hbm4b:s1+s16], $0x1, v4, vm0, $0x4038;
	[tilespmem:s28+$0x0] =	vst v5  }
0xa7: {  	s2 =	sshrl.u32 s25, $0x3  }
0xa8: {  	s0 =	sadd.s32 $0x9D40, s0;
	s2 =	sadd.s32 s9, s2  }
0xa9: {  	[tilespmem:s0], [sflag:$0x8] =	stream.linear.gather [hbm:s2], $0x1F40, $0x38;
	[tilespmem:$0x11A60] =	vst v63  }
.LBB3_5:
0xaa: {  	p1 =	slt.u32 s24, $0x2  }
0xab: {  	p2 =	sge.u32 @!p1 s24, s12  }
0xac: {  	p1 =	por p1, p2  }
.Ltmp10:
0xad: {  	_ = 	snop;
	(pc) =	sbr.rel @p1 .LBB3_9-.Ltmp10, $1  }
0xae: {  	_ =	sdelay $0x3  }
0xaf: {  	s0 =	sadd.s32 $0xFFFFFFFE, s24  }
0xb0: {  	s2 =	smulhi.u32 $0xAAAAAAAB, s0;
	_ =	sdelay $0x1  }
0xb1: {  	s2 =	sshrl.u32 s2, $0x1  }
0xb2: {  	s2 =	smul.u32 $0x3, s2;
	_ =	sdelay $0x1  }
0xb3: {  	s0 =	ssub.s32 s0, s2  }
0xb4: {  	_ =	swait.ge [sflag:s8], $0x3E80;
	s0 =	smul.u32 $0x1F40, s0  }
0xb5: {  	p1 =	sne.s32 s24, s11;
	[sflag:s8] =	ssyncset.done $0x0  }
0xb6: {  	[sflag:s8] =	ssyncadd.s32 $0xFFFFC180;
	s2 =	sadd.s32 @!p1 $0x203F, s0  }
0xb7: {  	[spmem:s14] =	stream.linear.scatter @!p1 [tilespmem:s2], [sflag:$0x1], $0x1, $0x38;
	[tilespmem:$0x11A60] =	vst v63  }
0xb8: {  	s2 =	simm.s32 @!p1 $0x1  }
0xb9: {  	_ =	swait.ge @!p1 [sflag:s2], $0x1  }
0xba: {  	s22 =	sshll.u32 s24, $0x4;
	[sflag:s2] =	ssyncset.done @!p1 $0x0  }
0xbb: {  	s25 =	sand.u32 $0x10, s22;
	[sflag:s2] =	ssyncadd.s32 @!p1 $0xFFFFFFFF  }
0xbc: {  	s2 =	sxor.u32 $0x10, s25;
	v4 =	vld [tilespmem:s25+$0x10]  }
0xbd: {  	v5 =	vld [tilespmem:s2+$0x60]  }
0xbe: {  	v3 =	vld [tilespmem:$0x80];
	_ =	sdelay $0x2  }
0xbf: {  	(v2sf) =	vpush v4, $0x0  }
0xc0: {  	(v2sf) =	vpush v5, $0x0  }
0xc1: {  	(v2sf) =	vpush v3, $0x0;
	_ =	sdelay $0xc  }
0xc2: {  	s22 =	spop (v2sf)  }
0xc3: {  	s26 =	spop (v2sf)  }
0xc4: {  	s28 =	spop (v2sf)  }
0xc5: {  	p2 =	seq.s32 s22, s26;
	p3 =	seq.s32 s28, s22  }
0xc6: {  	p3 =	por p2, p3  }
0xc7: {  	s26 =	sand.u32 $0x1, s24;
	v4 =	vpsel p3, $0xFFFFFFFF, v4  }
0xc8: {  	s29 =	smul.u32 $0x1F40, s26;
	[tilespmem:s25+$0x10] =	vst.msk $0x1, v4  }
0xc9: {  	v4 =	vld [tilespmem:$0x30]  }
0xca: {  	v5 =	vld [tilespmem:s29+$0x9D40]  }
0xcb: {  	v6 =	vld [tilespmem:s25+$0x40];
	_ =	sdelay $0x3  }
0xcc: {  	vm4 =	vmmov vm1;
	v5 =	vadd.f32 v5, v4  }
0xcd: {  	vm5 =	vmmov vm2;
	vm4 =	vmmov @p2 vm2;
	s22 =	sshll.u32 s26, $0x4;
	v4 =	vadd.f32 v6, v4  }
0xce: {  	s26 =	sor.u32 $0x11A40, s22;
	vm5 =	vmmov @p3 vm1;
	[tilespmem:s29+$0x9D40] =	vst.msk vm4, v5  }
0xcf: {  	[tilespmem:s26+$0x0] =	vst.msk vm5, v4  }
0xd0: {  	v4 =	vld [tilespmem:s29+$0x7DF0];
	_ =	sdelay $0x3  }
0xd1: {  	v5 =	vimm.f32 $0.0e+00  }
0xd2: {  	v4 =	vshift.insert v4, v5, s21  }
0xd3: {  	s22 =	sor.u32 $0x40, s2  }
0xd4: {  	[tilespmem:s22+$0x0] =	vst.msk $0x1, v4  }
0xd5: {  	[tilespmem:s29+$0x7DFF] =	vst.msk $0x1, v5  }
0xd6: {  	v4 =	vld [tilespmem:s0+$0x2030];
	_ =	sdelay $0x1  }
0xd7: {  	s22 =	smulhi.u32 $0xAAAAAAAB, s20;
	s0 =	simm.s32 $0x1  }
0xd8: {  	s0 =	simm.s32 @!p0 $0x0  }
0xd9: {  	s22 =	sshrl.u32 s22, $0x1;
	s0 =	smul.u32 $0x7D00, s0  }
0xda: {  	s22 =	smul.u32 $0xFFFE8900, s22;
	v4 =	vshift.insert v4, v1, s21  }
0xdb: {  	s0 =	sshrl.u32 s0, $0x2  }
0xdc: {  	s22 =	sshra.s32 s22, $0x2;
	s30 =	sadd.s32 $0x9D40, s0;
	[tilespmem:s2+$0x10] =	vst.msk $0x1, v4  }
0xdd: {  	s22 =	sadd.s32 s22, s19;
	v6 =	vld [tilespmem:s30+$0x0]  }
0xde: {  	v7 =	vld [tilespmem:s22+$0x0];
	_ =	sdelay $0x3  }
0xdf: {  	v5 =	vadd.f32 v6, v5  }
0xe0: {  	vm4 =	vne.s32 v7, $0xFFFFFFFF  }
0xe1: {  	(xrf2) =	vadd.seg.scan.f32 vm4, v5;
	_ =	sdelay $0x3  }
0xe2: {  	s31 =	sadd.s32 $0x5EC0, s0;
	v5 =	vperm.xlane v4, v1  }
0xe3: {  	v6 =	vld [tilespmem:s31+$0x0]  }
0xe4: {  	vm5 =	veq.s32 v7, v3;
	vm6 =	veq.s32 v7, v5  }
0xe5: {  	vm7 =	vgt.u32 v7, $0xFFFFFFFD;
	vm6 =	vmor vm6, vm5  }
0xe6: {  	vm6 =	vmor vm6, vm7  }
0xe7: {  	v9 =	vld [tilespmem:$0xA0];
	v7 =	vsel vm6, $0xFFFFFFFF, v7  }
0xe8: {  	v10 =	vld [tilespmem:$0x90];
	v6 =	vsel vm5, $0x0, v6;
	v8, _, _ =	vpop (xrf2)  }
0xe9: {  	v6 =	vadd.f32 v8, v6  }
0xea: {  	s0 =	sadd.s32 $0xDBC0, s0  }
0xeb: {  	vm4 =	vmand vm4, vm3;
	[tilespmem:s0+$0x0] =	vst v6;
	(ifvalue) =	ssetifvalue $0xFFFFFFFF  }
0xec: {  	vm6 =	veq.s32 v9, $0x1;
	[hbm4b:s1+s16] =	stream.indirect_vreg.scatter [tilespmem:s0], [sflag:$0x2], $0x1, v7, vm0, $0x4038;
	v7 =	vsel vm4, $0x0, v8;
	[tilespmem:$0x11A60] =	vst v63  }
0xed: {  	s2 =	simm.s32 $0x0;
	s22 =	sadd.s32 $0x10, s22;
	vm4 =	vmor vm6, vm5;
	v6 =	vsel vm5, v8, v10;
	v7 =	vshift.insert v7, v0, s21  }
.LBB3_7:
0xee: {  	v8 =	vld [tilespmem:s22+$0x0];
	s30 =	sadd.s32 $0x10, s30  }
0xef: {  	s31 =	sadd.s32 $0x10, s31;
	v9 =	vld [tilespmem:s30+$0x0]  }
0xf0: {  	s2 =	sadd.s32 $0x10, s2;
	v10 =	vld [tilespmem:s31+$0x0]  }
0xf1: {  	p2 =	slt.u32 s2, $0x1F30;
	_ =	sdelay $0x2  }
0xf2: {  	v7 =	vadd.f32 v9, v7  }
0xf3: {  	vm5 =	vne.s32 v8, $0xFFFFFFFF  }
0xf4: {  	vm6 =	vmand vm5, vm3;
	(xrf2) =	vadd.seg.scan.f32 vm5, v7;
	_ =	sdelay $0x5  }
0xf5: {  	vm7 =	veq.s32 v8, v5;
	vm5 =	veq.s32 v8, v3  }
0xf6: {  	vm8 =	vgt.u32 v8, $0xFFFFFFFD;
	vm4 =	vmor vm4, vm5;
	vm7 =	vmor vm7, vm5  }
0xf7: {  	vm7 =	vmor vm7, vm8  }
0xf8: {  	v8 =	vsel vm7, $0xFFFFFFFF, v8  }
.Ltmp11:
0xf9: {  	v7 =	vsel vm5, $0x0, v10;
	v9, _, _ =	vpop (xrf2);
	(pc) =	sbr.rel @p2 .LBB3_7-.Ltmp11, $4  }
0xfa: {  	v6 =	vsel vm5, v9, v6;
	v10 =	vadd.f32 v9, v7;
	v7 =	vsel vm6, $0x0, v9  }
0xfb: {  	s0 =	sadd.s32 $0x10, s0;
	v7 =	vshift.insert v7, v0, s21  }
0xfc: {  	s22 =	sadd.s32 $0x10, s22;
	[tilespmem:s0+$0x0] =	vst v10;
	(ifvalue) =	ssetifvalue $0xFFFFFFFF  }
0xfd: {  	[hbm4b:s1+s16] =	stream.indirect_vreg.scatter [tilespmem:s0], [sflag:$0x2], $0x1, v8, vm0, $0x4038;
	[tilespmem:$0x11A60] =	vst v63  }
0xfe: {  	v3 =	vld [tilespmem:s29+$0xFAF0];
	_ =	sdelay $0x4  }
0xff: {  	v3 =	vshift.insert v3, v0, s21  }
0x100: {  	s0 =	simm.s32 $0x30  }
0x101: {  	[tilespmem:s0+$0x0] =	vst.msk $0x1, v3  }
0x102: {  	v3 =	vsel vm4, $0x1, v1;
	[tilespmem:$0x90] =	vst v6  }
0x103: {  	s0 =	sadd.s32 @!p1 $0xFAFF, s29;
	[tilespmem:$0xA0] =	vst v3  }
0x104: {  	[spmem:s15] =	stream.linear.scatter @!p1 [tilespmem:s0], [sflag:$0x1], $0x1, $0x38;
	[tilespmem:$0x11A60] =	vst v63  }
0x105: {  	s0 =	simm.s32 @!p1 $0x1  }
0x106: {  	v3 =	vmctz.xlane @!p1 vm4;
	_ =	swait.ge @!p1 [sflag:s0], $0x1  }
0x107: {  	(v2sf) =	vpush @!p1 v4, $0x0  }
0x108: {  	(v2sf) =	vpush @!p1 v3, $0x0;
	_ =	sdelay $0xd  }
0x109: {  	s2 =	spop @!p1 (v2sf)  }
0x10a: {  	s22 =	spop @!p1 (v2sf)  }
0x10b: {  	p2 =	sne.s32 @!p1 s28, s2;
	p3 =	slt.s32 @!p1 s22, $0xF  }
0x10c: {  	[sflag:s0] =	ssyncset.done @!p1 $0x0;
	p2 =	por p2, p1;
	p3 =	por !p3, p1  }
0x10d: {  	[sflag:s0] =	ssyncadd.s32 @!p1 $0xFFFFFFFF;
	v3 =	vimm.s32 @!p2 $0xFFFFFFFF;
	s22 =	simm.s32 @p3 $0xF  }
0x10e: {  	[tilespmem:$0x80] =	vst @!p2 v3;
	s2 =	sadd.s32 @!p1 $0x90, s22  }
0x10f: {  	[spmem:s3] =	stream.linear.scatter @!p1 [tilespmem:s2], [sflag:$0x1], $0x1, $0x38;
	[tilespmem:$0x11A60] =	vst v63  }
0x110: {  	_ =	swait.ge @!p1 [sflag:s0], $0x1  }
0x111: {  	[sflag:s0] =	ssyncset.done @!p1 $0x0  }
0x112: {  	s2 =	simm.s32 @!p1 $0x80;
	[sflag:s0] =	ssyncadd.s32 @!p1 $0xFFFFFFFF  }
0x113: {  	[spmem:s13] =	stream.linear.scatter @!p1 [tilespmem:s2], [sflag:$0x1], $0x1, $0x38;
	[tilespmem:$0x11A60] =	vst v63  }
0x114: {  	_ =	swait.ge @!p1 [sflag:s0], $0x1  }
0x115: {  	[sflag:s0] =	ssyncset.done @!p1 $0x0  }
0x116: {  	[sflag:s0] =	ssyncadd.s32 @!p1 $0xFFFFFFFF;
	(ifvalue) =	ssetifvalue $0xFFFFFFFF;
	v3 =	vld [tilespmem:s25+$0x10];
	_ =	sdelay $0x3  }
.Ltmp12:
0x117: {  	_ = 	snop;
	(pc) =	sbr.rel .LBB3_9-.Ltmp12, $3  }
0x118: {  	_ =	sdelay $0x1  }
0x119: {  	(ifvalue) =	ssetifvalue $0xFFFFFFFF  }
0x11a: {  	[hbm4b:s1+s16] =	stream.indirect_vreg.scatter [tilespmem:s26], [sflag:$0x9], $0x1, v3, vm0, $0x4038;
	[tilespmem:$0x11A60] =	vst v63  }
.LBB3_10:
0x11b: {  	_ =	sfence.sel $0x180000  }
0x11c: {  	s0 =	simm.s32 $0x7;
	[bflag:$0x0] =	sbarrier.arrive $0xFFFF  }
0x11d: {  	s26 =	simm.s32 $0x8;
	[sflag:s0] =	ssyncpa.u1 $0x1  }
0x11e: {  	s28 =	simm.s32 $0x9;
	[sflag:s26] =	ssyncpa.u1 $0x1  }
0x11f: {  	[sflag:s28] =	ssyncpa.u1 $0x1  }
0x120: {  	_ =	sfence.stream.spmem  }
0x121: {  	s29 =	simm.s32 $0x3;
	[bflag:$0x0] =	sbarrier.arrive $0xFFFF  }
0x122: {  	s30 =	simm.s32 $0x4;
	[sflag:s29] =	ssyncpa.u1 $0x1  }
0x123: {  	s31 =	simm.s32 $0x3C;
	s2 =	stileid.u32;
	[sflag:s30] =	ssyncpa.u1 $0x1  }
0x124: {  	p0 =	sne.s32 s2, $0x0;
	[sflag:s31] =	ssyncpa.u1 $0x1  }
0x125: {  	s0 =	simm.s32 @p0 $0x1;
	_ =	sfence @p0  }
0x126: {  	[sflag:s0] =	ssyncpa.u1 @p0 $0x1;
	s0 =	simm.s32 @p0 $0x2  }
0x127: {  	[sflag:s0] =	ssyncpa.u1 @p0 $0x1  }
0x128: {  	_ =	strace @p0 $0x90000053  }
0x129: {  	[bflag:$0x2] =	sbarrier.arrive @p0 $0xFFFF  }
0x12a: {  	_ =	shalt @p0  }
.LBB3_11:
0x12b: {  	_ =	sfence.stream.spmem;
	s0 =	simm.s32 $0x5  }
0x12c: {  	s2 =	simm.s32 $0x80;
	s3 =	simm.s32 $0xC0;
	[sflag:s0] =	ssyncpa.u1 $0x0  }
0x12d: {  	[tilespmem:s3], [sflag:$0x5] =	stream.linear.gather [spmem:s2], $0x20, $0x38;
	[tilespmem:$0x11A60] =	vst v63  }
0x12e: {  	s2 =	simm.s32 $0x0;
	s3 =	simm.s32 $0xE0  }
0x12f: {  	[tilespmem:s3], [sflag:$0x5] =	stream.linear.gather [spmem:s2], $0x20, $0x38;
	[tilespmem:$0x11A60] =	vst v63  }
.Ltmp13:
0x130: {  	_ = 	snop;
	(pc) =	sbr.rel .LBB3_12-.Ltmp13, $4  }
0x131: {  	_ =	swait.ge [sflag:s0], $0x40  }
0x132: {  	[sflag:s0] =	ssyncset.done $0x0  }
0x133: {  	s31 =	simm.s32 $0x6;
	[sflag:s0] =	ssyncadd.s32 $0xFFFFFFC0  }
0x134: {  	s4 =	simm.s32 $0x0;
	[sflag:s31] =	ssyncpa.u1 $0x0  }
.LBB3_17:
0x135: {  	p0 =	sgt.u32 s5, $0x27FF  }
0x136: {  	s0 =	sshrl.u32 @!p0 s5, $0x3  }
0x137: {  	s5 =	sand.u32 @!p0 $0x7, s5;
	s6 =	simm.s32 @!p0 $0xB0;
	s0 =	sadd.s32 @!p0 s1, s0  }
0x138: {  	[tilespmem:s6], [sflag:$0x6] =	stream.linear.gather @!p0 [hbm4b:s0+s5], $0x1, $0x38;
	[tilespmem:$0x11A60] =	vst v63  }
0x139: {  	s0 =	simm.s32 @!p0 $0x6  }
0x13a: {  	_ =	swait.ge @!p0 [sflag:s0], $0x1  }
0x13b: {  	[sflag:s0] =	ssyncset.done @!p0 $0x0  }
0x13c: {  	[sflag:s0] =	ssyncadd.s32 @!p0 $0xFFFFFFFF  }
0x13d: {  	v2 =	vmov @!p0 s4;
	v1 =	vld.msk @!p0 [tilespmem:$0xB0], $0x1;
	_ =	sdelay $0x3  }
0x13e: {  	s0 =	simm.s32 @!p0 $0xE0  }
0x13f: {  	[tilespmem:v2+s0+$0x0], v1 =	vst.idx.ret.add.f32.msk @!p0 $0x1, v1  }
0x140: {  	[tilespmem:s2+$0xC0] =	vst.msk $0x1, v0  }
0x141: {  	v0 =	vld.msk [tilespmem:s4+$0xE0], $0x1;
	_ =	sdelay $0x4  }
0x142: {  	[tilespmem:s2+$0xE0] =	vst.msk $0x1, v0;
	s2 =	sadd.s32 $0x1, s2  }
.LBB3_19:
0x143: {  	s4 =	sadd.s32 $0x1, s4  }
0x144: {  	p0 =	sne.s32 s4, $0x20  }
.Ltmp14:
0x145: {  	_ = 	snop;
	(pc) =	sbr.rel @!p0 .LBB3_20-.Ltmp14, $1  }
0x146: {  	_ =	sdelay $0x3  }
.LBB3_12:
0x147: {  	v0 =	vld.msk [tilespmem:s4+$0xC0], $0x1;
	_ =	sdelay $0x4  }
0x148: {  	(v2sf) =	vpush v0, $0x0;
	_ =	sdelay $0xe  }
0x149: {  	s5 =	spop (v2sf)  }
0x14a: {  	p0 =	seq.s32 s5, $0xFFFFFFFF  }
.Ltmp15:
0x14b: {  	_ = 	snop;
	(pc) =	sbr.rel @p0 .LBB3_19-.Ltmp15, $1  }
0x14c: {  	_ =	sdelay $0x3  }
0x14d: {  	p0 =	slt.s32 s2, $0x1  }
.Ltmp16:
0x14e: {  	_ = 	snop;
	(pc) =	sbr.rel @p0 .LBB3_17-.Ltmp16, $1  }
0x14f: {  	_ =	sdelay $0x3  }
0x150: {  	s0 =	simm.s32 $0xC0;
	p0 =	por $0x0, $0x0  }
0x151: {  	v1 =	vld.msk @!p0 [tilespmem:s0+$0x0], $0x1;
	_ =	sdelay $0x4  }
0x152: {  	(v2sf) =	vpush @!p0 v1, $0x0;
	_ =	sdelay $0xd  }
0x153: {  	p2 =	sne.s32 s2, $0x1  }
.Ltmp17:
0x154: {  	s6 =	spop @!p0 (v2sf);
	(pc) =	sbr.rel @!p2 .LBB3_16-.Ltmp17, $4  }
0x155: {  	p1 =	seq.s32 @!p0 s5, s6  }
0x156: {  	s6 =	simm.s32 $0x0;
	p1 =	por !p1, p0  }
0x157: {  	s8 =	simm.s32 $0xFFFFFFFF;
	s6 =	simm.s32 @p1 $0xFFFFFFFF  }
0x158: {  	s7 =	simm.s32 $0x1;
	s6 =	smov.u32 @p0 s8  }
.LBB3_15:
0x159: {  	s8 =	smov.u32 s6;
	p0 =	sne.s32 s6, $0xFFFFFFFF  }
0x15a: {  	s0 =	sadd.s32 $0x1, s0;
	s6 =	smov.u32 s7;
	s7 =	sadd.s32 $0x1, s7  }
0x15b: {  	p1 =	sne.s32 s2, s7;
	v1 =	vld.msk @!p0 [tilespmem:s0+$0x0], $0x1;
	_ =	sdelay $0x4  }
0x15c: {  	(v2sf) =	vpush @!p0 v1, $0x0;
	_ =	sdelay $0xe  }
.Ltmp18:
0x15d: {  	s9 =	spop @!p0 (v2sf);
	(pc) =	sbr.rel @p1 .LBB3_15-.Ltmp18, $4  }
0x15e: {  	p2 =	seq.s32 @!p0 s5, s9  }
0x15f: {  	p2 =	por !p2, p0  }
0x160: {  	s6 =	simm.s32 @p2 $0xFFFFFFFF  }
0x161: {  	s6 =	smov.u32 @p0 s8  }
.LBB3_16:
0x162: {  	p0 =	sne.s32 s6, $0xFFFFFFFF  }
.Ltmp19:
0x163: {  	_ = 	snop;
	(pc) =	sbr.rel @!p0 .LBB3_17-.Ltmp19, $1  }
0x164: {  	_ =	sdelay $0x3  }
0x165: {  	v0 =	vld.msk [tilespmem:s4+$0xE0], $0x1;
	v1 =	vmov s6  }
.Ltmp20:
0x166: {  	_ = 	snop;
	(pc) =	sbr.rel .LBB3_19-.Ltmp20, $2  }
0x167: {  	_ =	sdelay $0x2  }
0x168: {  	[tilespmem:v1+s3+$0x0], v0 =	vst.idx.ret.add.f32.msk $0x1, v0  }
.LBB3_20:
0x169: {  	p0 =	slt.s32 s2, $0x1  }
.Ltmp21:
0x16a: {  	_ = 	snop;
	(pc) =	sbr.rel @p0 .LBB3_24-.Ltmp21, $3  }
0x16b: {  	_ =	sdelay $0x1  }
0x16c: {  	s0 =	simm.s32 $0x6  }
0x16d: {  	s3 =	simm.s32 $0x0;
	[sflag:s0] =	ssyncpa.u1 $0x1  }
0x16e: {  	s0 =	simm.s32 $0xC0  }
0x16f: {  	v0 =	vld.msk [tilespmem:s0+$0x0], $0x1;
	_ =	sdelay $0x4  }
0x170: {  	(v2sf) =	vpush v0, $0x0;
	_ =	sdelay $0xe  }
0x171: {  	s2 =	sadd.s32 $0xFFFFFFFF, s2;
	s4 =	spop (v2sf)  }
0x172: {  	p1 =	sne.s32 s2, $0x0;
	p0 =	sgt.u32 s4, $0x27FF  }
.Ltmp22:
0x173: {  	s5 =	sshrl.u32 @!p0 s4, $0x3;
	(pc) =	sbr.rel @!p1 .LBB3_23-.Ltmp22, $4  }
0x174: {  	s0 =	simm.s32 $0xE0;
	s4 =	sand.u32 @!p0 $0x7, s4;
	s5 =	sadd.s32 @!p0 s1, s5  }
0x175: {  	[hbm4b:s5+s4] =	stream.linear.scatter @!p0 [tilespmem:s0], [sflag:$0x5], $0x1, $0x38;
	[tilespmem:$0x11A60] =	vst v63  }
0x176: {  	s5 =	simm.s32 $0x0  }
0x177: {  	s4 =	simm.s32 $0xC1;
	s5 =	simm.s32 @!p0 $0x4  }
.LBB3_22:
0x178: {  	v0 =	vld.msk [tilespmem:s4+$0x0], $0x1;
	s2 =	sadd.s32 $0xFFFFFFFF, s2;
	s3 =	sadd.s32 s3, s5  }
0x179: {  	p0 =	sne.s32 s2, $0x0;
	_ =	sdelay $0x3  }
0x17a: {  	(v2sf) =	vpush v0, $0x0;
	_ =	sdelay $0xe  }
.Ltmp23:
0x17b: {  	s6 =	spop (v2sf);
	(pc) =	sbr.rel @p0 .LBB3_22-.Ltmp23, $4  }
0x17c: {  	s5 =	simm.s32 $0x0;
	p1 =	sgt.u32 s6, $0x27FF  }
0x17d: {  	s0 =	sadd.s32 $0x1, s0;
	s5 =	simm.s32 @!p1 $0x4;
	s7 =	sshrl.u32 @!p1 s6, $0x3  }
0x17e: {  	s4 =	sadd.s32 $0x1, s4;
	s6 =	sand.u32 @!p1 $0x7, s6;
	s7 =	sadd.s32 @!p1 s1, s7  }
0x17f: {  	[hbm4b:s7+s6] =	stream.linear.scatter @!p1 [tilespmem:s0], [sflag:$0x5], $0x1, $0x38;
	[tilespmem:$0x11A60] =	vst v63  }
.LBB3_23:
0x180: {  	s0 =	sadd.s32 s3, s5  }
0x181: {  	s3 =	sshrl.u32 s0, $0x2  }
.LBB3_24:
0x182: {  	s0 =	simm.s32 $0x5  }
0x183: {  	_ =	swait.ge [sflag:s0], s3  }
0x184: {  	s1 =	ssub.s32 $0x0, s3;
	[sflag:s0] =	ssyncset.done $0x0  }
0x185: {  	[sflag:s0] =	ssyncadd.s32 s1  }
0x186: {  	[sflag:s0] =	ssyncpa.u1 $0x1  }
0x187: {  	s29 =	simm.s32 $0x1;
	_ =	sfence  }
0x188: {  	s30 =	simm.s32 $0x2;
	[sflag:s29] =	ssyncpa.u1 $0x1  }
0x189: {  	[sflag:s30] =	ssyncpa.u1 $0x1  }
0x18a: {  	_ =	strace $0x90000053  }
0x18b: {  	[bflag:$0x2] =	sbarrier.arrive $0xFFFF  }
0x18c: {  	s31 =	rddreg [dreg:$0x1]  }
0x18d: {  	s0 =	sadd.s32 $0x100000, s31  }
0x18e: {  	[sflag:s0] =	ssyncadd.tile.s32 $0x1;
	_ =	shalt  }
.Lfunc_end3:
_tile_overlayer_lowered:
.L_overlay_start_3:
0x18f: {  	(tag) =	ssettag $0x3  }
0x190: {  	s0 =	rddreg [dreg:$0x0];
	s2 =	stileid.u32  }
0x191: {  	s1 =	rddreg [dreg:$0x1];
	p0 =	sne.s32 s2, $0x0  }
0x192: {  	s3 =	rddreg [dreg:$0x2];
	[bflag:$0x3] =	sbarrier.arrive $0xFFFF;
	s2 =	simm.s32 @!p0 $0x1C01  }
0x193: {  	[timem:s3], [sflag:s2] =	dma.local @!p0 [hbm:s0], s1  }
0x194: {  	s0 =	simm.s32 @!p0 $0x1  }
0x195: {  	_ =	swait.ge @!p0 [sflag:s0], s1  }
0x196: {  	s1 =	ssub.s32 @!p0 $0x0, s1;
	[sflag:s0] =	ssyncset.done @!p0 $0x0  }
0x197: {  	[sflag:s0] =	ssyncadd.s32 @!p0 s1  }
0x198: {  	[bflag:$0x3] =	sbarrier.arrive $0xFFFF  }
0x199: {  	_ =	shalt  }

// kernel: scatter_offload_async_start
scs
__scs_entry_jumppad:
0x0: {  	(pc) =	sbr.rel $0x88, $3  }
0x1: {  	(tag) =	ssettag $0x0;
	lr =	simm.s32 $0x1  }
0x2: {  	[smem:$0x3F96] =	sst lr;
	_ =	strace $0xD0000000  }
0x3: {  	_ = 	snop  }
0x4: {  	_ = 	snop  }
0x5: {  	_ = 	snop  }
0x6: {  	_ = 	snop  }
0x7: {  	_ = 	snop  }
__scs_overlays_trampoline_lowered:
0x8: {  	[smem:$0x3FA5] =	sst s0  }
0x9: {  	[smem:$0x3FA6] =	sst s1  }
0xa: {  	[smem:$0x3FA7] =	sst s2  }
0xb: {  	[smem:$0x3FA8] =	sst s3  }
0xc: {  	[smem:$0x3FA9] =	sst s4  }
0xd: {  	[smem:$0x3FAA] =	sst s5  }
0xe: {  	[smem:$0x3FAB] =	sst s6  }
0xf: {  	[smem:$0x3FAC] =	sst s7  }
0x10: {  	[smem:$0x3FAD] =	sst s8  }
0x11: {  	[smem:$0x3FAE] =	sst s9;
	s0 =	simm.s32 @!p0 $0x0  }
0x12: {  	s1 =	sld [smem:$0x3F94];
	s0 =	simm.s32 @p0 $0x1  }
0x13: {  	[smem:$0x3FAF] =	sst s0;
	s0 =	simm.s32 @!p1 $0x0  }
0x14: {  	s2 =	sld [smem:$0x3F93];
	s0 =	simm.s32 @p1 $0x1  }
0x15: {  	[smem:$0x3FB0] =	sst s0;
	s0 =	simm.s32 @!p2 $0x0  }
0x16: {  	s3 =	sld [smem:$0x3FDB];
	s0 =	simm.s32 @p2 $0x1  }
0x17: {  	s4 =	simm.s32 $0x1BF5;
	[smem:$0x3FB2] =	sst s0  }
0x18: {  	s0 =	sld [smem:$0x3F95];
	_ =	swait.ge [sflag:s4], $0x0  }
0x19: {  	s7 =	sld [smem:$0x3F96]  }
0x1a: {  	s8 =	sadd.s32 $0xFFFFE003, lr  }
0x1b: {  	s9 =	sadd.s32 $0xFFFFFEF7, lr;
	s5 =	simm.s32 $0xFFFFFFFF;
	p2 =	slt.u32 s8, $0xFFFFF086  }
0x1c: {  	p1 =	slt.u32 s9, $0xF7A;
	s5 =	simm.s32 @!p2 $0x0  }
0x1d: {  	s5 =	simm.s32 @p1 $0x1;
	p0 =	seq.s32 s7, s2  }
0x1e: {  	s7 =	smul.u32 @!p0 $0xF7A, s2;
	p2 =	seq.s32 @!p0 s5, $0x0  }
0x1f: {  	s9 =	smul.u32 $0xF7A, s1;
	s8 =	simm.s32 @!p0 $0x1BF5;
	p2 =	por !p2, p0  }
0x20: {  	[sflag:s8] =	ssyncset.s32 @!p0 $0xFFFFF086;
	s6 =	sadd.s32 @!p0 s3, s7;
	s7 =	simm.s32 @!p0 $0x108  }
0x21: {  	s3 =	sadd.s32 s3, s9;
	s6 =	sadd.s32 @!p0 $0x88, s6;
	s7 =	simm.s32 @p2 $0x1082  }
0x22: {  	[simem:s7], [sflag:s8] =	dma.local @!p0 [hbm:s6], $0xF7A  }
0x23: {  	s9 =	sor.u32 $0xD0000000, s2;
	s6 =	simm.s32 $0x108;
	_ =	swait.ge @!p0 [sflag:s8], $0x0  }
0x24: {  	s3 =	sadd.s32 $0x88, s3;
	s6 =	simm.s32 @!p1 $0x1082;
	[sflag:s4] =	ssyncset.s32 $0xFFFFF086  }
0x25: {  	[simem:s6], [sflag:s4] =	dma.local [hbm:s3], $0xF7A  }
0x26: {  	[smem:$0x3F96] =	sst s1;
	(tag) =	ssettag s2;
	_ =	strace s9  }
0x27: {  	s1 =	sld [smem:$0x3FA6]  }
0x28: {  	s2 =	sld [smem:$0x3FA7]  }
0x29: {  	s4 =	sld [smem:$0x3FA9]  }
0x2a: {  	p0 =	seq.s32 s5, $0x0;
	s5 =	sld [smem:$0x3FAA]  }
0x2b: {  	s6 =	sld [smem:$0x3FAB]  }
0x2c: {  	s7 =	sld [smem:$0x3FAC]  }
0x2d: {  	s3 =	simm.s32 $0x108;
	s8 =	sld [smem:$0x3FAD]  }
0x2e: {  	s3 =	simm.s32 @!p0 $0x1082;
	s9 =	sld [smem:$0x3FAE]  }
0x2f: {  	lr =	sadd.s32 s0, s3;
	s0 =	sld [smem:$0x3FA5]  }
0x30: {  	s3 =	sld [smem:$0x3FA8]  }
0x31: {  	[smem:$0x3FB1] =	sst s10  }
0x32: {  	s10 =	sld [smem:$0x3FAF];
	_ =	sdelay $0x3  }
0x33: {  	p0 =	seq.s32 s10, $0x1;
	s10 =	sld [smem:$0x3FB1];
	_ =	sdelay $0x3  }
0x34: {  	[smem:$0x3FB1] =	sst s10  }
0x35: {  	s10 =	sld [smem:$0x3FB0];
	_ =	sdelay $0x3  }
0x36: {  	p1 =	seq.s32 s10, $0x1;
	s10 =	sld [smem:$0x3FB1];
	_ =	sdelay $0x3  }
0x37: {  	[smem:$0x3FB1] =	sst s10  }
0x38: {  	s10 =	sld [smem:$0x3FB2]  }
0x39: {  	_ = 	snop;
	(pc) =	sbr.ind lr, $3  }
0x3a: {  	_ = 	snop  }
0x3b: {  	_ = 	snop  }
0x3c: {  	p2 =	seq.s32 s10, $0x1;
	s10 =	sld [smem:$0x3FB1]  }
0x3d: {  	_ =	shalt  }
0x3e: {  	_ =	shalt  }
0x3f: {  	_ =	shalt  }
0x40: {  	_ =	shalt  }
0x41: {  	_ =	shalt  }
0x42: {  	_ =	shalt  }
0x43: {  	_ =	shalt  }
0x44: {  	_ =	shalt  }
0x45: {  	_ =	shalt  }
0x46: {  	_ =	shalt  }
0x47: {  	_ =	shalt  }
0x48: {  	_ =	shalt  }
0x49: {  	_ =	shalt  }
0x4a: {  	_ =	shalt  }
0x4b: {  	_ =	shalt  }
0x4c: {  	_ =	shalt  }
0x4d: {  	_ =	shalt  }
0x4e: {  	_ =	shalt  }
0x4f: {  	_ =	shalt  }
0x50: {  	_ =	shalt  }
0x51: {  	_ =	shalt  }
0x52: {  	_ =	shalt  }
0x53: {  	_ =	shalt  }
0x54: {  	_ =	shalt  }
0x55: {  	_ =	shalt  }
0x56: {  	_ =	shalt  }
0x57: {  	_ =	shalt  }
0x58: {  	_ =	shalt  }
0x59: {  	_ =	shalt  }
0x5a: {  	_ =	shalt  }
0x5b: {  	_ =	shalt  }
0x5c: {  	_ =	shalt  }
0x5d: {  	_ =	shalt  }
0x5e: {  	_ =	shalt  }
0x5f: {  	_ =	shalt  }
0x60: {  	_ =	shalt  }
0x61: {  	_ =	shalt  }
0x62: {  	_ =	shalt  }
0x63: {  	_ =	shalt  }
0x64: {  	_ =	shalt  }
0x65: {  	_ =	shalt  }
0x66: {  	_ =	shalt  }
0x67: {  	_ =	shalt  }
0x68: {  	_ =	shalt  }
0x69: {  	_ =	shalt  }
0x6a: {  	_ =	shalt  }
0x6b: {  	_ =	shalt  }
0x6c: {  	_ =	shalt  }
0x6d: {  	_ =	shalt  }
0x6e: {  	_ =	shalt  }
0x6f: {  	_ =	shalt  }
0x70: {  	_ =	shalt  }
0x71: {  	_ =	shalt  }
0x72: {  	_ =	shalt  }
0x73: {  	_ =	shalt  }
0x74: {  	_ =	shalt  }
0x75: {  	_ =	shalt  }
0x76: {  	_ =	shalt  }
0x77: {  	_ =	shalt  }
0x78: {  	_ =	shalt  }
0x79: {  	_ =	shalt  }
0x7a: {  	_ =	shalt  }
0x7b: {  	_ =	shalt  }
0x7c: {  	_ =	shalt  }
0x7d: {  	_ =	shalt  }
0x7e: {  	_ =	shalt  }
0x7f: {  	_ =	shalt  }
0x80: {  	_ =	shalt  }
0x81: {  	_ =	shalt  }
0x82: {  	_ =	shalt  }
0x83: {  	_ =	shalt  }
0x84: {  	_ =	shalt  }
0x85: {  	_ =	shalt  }
0x86: {  	_ =	shalt  }
0x87: {  	_ =	shalt  }
.Lfunc_end0:
.L_simem_size_0:
called_computation_lowered:
.L_overlay_start_0:
0x88: {  	s2 =	sld [smem:$0x3FD9]  }
0x89: {  	s3 =	sld [smem:$0x3FFE];
	_ =	sdelay $0x1  }
0x8a: {  	s1 =	srdreg.scid  }
0x8b: {  	s0 =	sand.u32 $0x1, s1  }
0x8c: {  	s12 =	sshll.u32 s0, $0xA;
	s2 =	sadd.s32 s3, s2  }
0x8d: {  	s2 =	sadd.s32 s2, s12  }
0x8e: {  	[smem:$0x3FBD] =	sst s2  }
0x8f: {  	_ = 	snop  }
0x90: {  	(tm) =	ssettm $0x1  }
0x91: {  	s13 =	sld [smem:$0x3FFB];
	_ =	sdelay $0x3  }
0x92: {  	_ =	strace s13  }
0x93: {  	s2 =	sld [smem:$0x3FFC];
	_ =	sdelay $0x3  }
0x94: {  	_ =	strace s2  }
0x95: {  	s2 =	sld [smem:$0x3FFD];
	_ =	sdelay $0x3  }
0x96: {  	_ =	strace s2  }
0x97: {  	_ =	strace $0x8FFFFFFF  }
0x98: {  	s14 =	sld [smem:$0x3FDB];
	_ =	sdelay $0x1  }
0x99: {  	s15 =	simm.s32 $_scs_section_size  }
0x9a: {  	s4 =	simm.s32 $_size__tile_overlayer_lowered;
	s5 =	simm.s32 $_tile_overlayer_lowered  }
0x9b: {  	s19 =	simm.s32 $0x1BFF;
	s17 =	sshll.u32 s5, $0x1;
	s6 =	sadd.s32 s15, s14  }
0x9c: {  	s20 =	simm.s32 $0x0;
	s16 =	sshll.u32 s4, $0x1;
	s18 =	sadd.s32 s17, s6  }
0x9d: {  	[timem:s20], [sflag:s19] =	dma.local [hbm:s18], s16  }
0x9e: {  	_ =	swait.ge [sflag:s19], s16  }
0x9f: {  	s3 =	ssub.s32 $0x0, s16;
	[sflag:s19] =	ssyncset.done $0x0  }
0xa0: {  	[sflag:s19] =	ssyncadd.s32 s3;
	_ =	sdelay $0x1  }
0xa1: {  	s21 =	simm.s32 $0x1B8B  }
0xa2: {  	_ =	swait.ge [sflag:s21], $0x1  }
0xa3: {  	[sflag:s21] =	ssyncset.done $0x0  }
0xa4: {  	[sflag:s21] =	ssyncadd.s32 $0xFFFFFFFF  }
0xa5: {  	s3 =	sld [smem:$0x0]  }
0xa6: {  	s4 =	sand.u32 $0xFFFFFFFE, s1  }
0xa7: {  	p0 =	sne.s32 s1, s4  }
0xa8: {  	s4 =	sshll.u32 @p0 s4, $0xE  }
0xa9: {  	s5 =	sadd.s32 @p0 $0x11B8D, s4;
	s7 =	sshll.u32 @p0 s3, $0x11  }
0xaa: {  	s5 =	sor.u32 @p0 s7, s5  }
0xab: {  	[sflag:s5] =	ssyncadd.remote.s32 @p0 $0x1;
	_ =	sdelay $0x1  }
0xac: {  	s5 =	simm.s32 @p0 $0x1B8D  }
0xad: {  	_ =	swait.eq @p0 [sflag:s5], $0x1  }
0xae: {  	[sflag:s5] =	ssyncadd.s32 @p0 $0xFFFFFFFF  }
0xaf: {  	s7 =	sshll.u32 @!p0 s1, $0xE  }
0xb0: {  	s7 =	sor.u32 @!p0 $0x4000, s7;
	s5 =	simm.s32 @!p0 $0x1B8D  }
0xb1: {  	s9 =	sshll.u32 @!p0 s3, $0x11;
	s8 =	sadd.s32 @!p0 $0x11B8D, s7;
	_ =	swait.eq @!p0 [sflag:s5], $0x1  }
0xb2: {  	[sflag:s5] =	ssyncadd.s32 @!p0 $0xFFFFFFFF;
	s5 =	sor.u32 @!p0 s9, s8  }
0xb3: {  	s23 =	simm.s32 $0x1B8E;
	s22 =	sld [smem:$0x3FFE];
	[sflag:s5] =	ssyncadd.remote.s32 @!p0 $0x1  }
0xb4: {  	s24 =	simm.s32 $execute0_lowered;
	[smem:$0x3FD2] =	sst s23  }
0xb5: {  	s8 =	sshll.u32 s24, $0x1;
	_ =	strace $0x80000055;
	[dreg:$0x1] =	wrdreg $0xFFFFFFFF  }
0xb6: {  	s25 =	simm.s32 $_size_execute0_lowered;
	s8 =	sadd.s32 s6, s8;
	[dreg:$0x0] =	wrdreg $0x0  }
0xb7: {  	s9 =	sshll.u32 s25, $0x1;
	[dreg:$0x2] =	wrdreg s8  }
0xb8: {  	[dreg:$0x3] =	wrdreg s9  }
0xb9: {  	[dreg:$0x4] =	wrdreg $0xC0  }
0xba: {  	s26 =	simm.s32 $execute1_lowered;
	_ =	task [dreg:s20], $0x5FFFF  }
0xbb: {  	s8 =	sshll.u32 s26, $0x1;
	[dreg:$0x1] =	wrdreg $0xFFFFFFFF  }
0xbc: {  	s6 =	sadd.s32 s6, s8;
	[dreg:$0x0] =	wrdreg $0x60  }
0xbd: {  	[dreg:$0x2] =	wrdreg s6  }
0xbe: {  	[dreg:$0x3] =	wrdreg s22  }
0xbf: {  	[dreg:$0x4] =	wrdreg $0xD  }
0xc0: {  	_ =	task.clear_ibuf [dreg:s20], $0x5FFFF;
	_ =	strace $0x90000055  }
0xc1: {  	s28 =	simm.s32 $0xD;
	_ =	strace $0x80000057  }
0xc2: {  	_ =	swait.ge [sflag:s28], $0x1  }
0xc3: {  	[sflag:s28] =	ssyncadd.s32 $0xFFFFFFFF  }
0xc4: {  	_ =	strace $0x90000057  }
0xc5: {  	s6 =	sld [smem:$0x0];
	_ =	sdelay $0x3  }
0xc6: {  	s4 =	sadd.s32 @p0 $0x11BF3, s4;
	s8 =	sshll.u32 @p0 s6, $0x11  }
0xc7: {  	s4 =	sor.u32 @p0 s8, s4  }
0xc8: {  	[sflag:s4] =	ssyncadd.remote.s32 @p0 $0x1;
	_ =	sdelay $0x1  }
0xc9: {  	s4 =	simm.s32 @p0 $0x1BF3  }
0xca: {  	_ =	swait.eq @p0 [sflag:s4], $0x1  }
0xcb: {  	[sflag:s4] =	ssyncadd.s32 @p0 $0xFFFFFFFF;
	_ =	sdelay $0x1  }
0xcc: {  	s4 =	simm.s32 @!p0 $0x1BF3  }
0xcd: {  	s7 =	sadd.s32 @!p0 $0x11BF3, s7;
	s6 =	sshll.u32 @!p0 s6, $0x11;
	_ =	swait.eq @!p0 [sflag:s4], $0x1  }
0xce: {  	[sflag:s4] =	ssyncadd.s32 @!p0 $0xFFFFFFFF;
	s4 =	sor.u32 @!p0 s6, s7  }
0xcf: {  	[sflag:s4] =	ssyncadd.remote.s32 @!p0 $0x1  }
0xd0: {  	_ =	strace $0x80000058;
	[dreg:$0x1] =	wrdreg $0xFFFFFFFF  }
0xd1: {  	[dreg:$0x0] =	wrdreg $0x2030  }
0xd2: {  	[dreg:$0x2] =	wrdreg s22  }
0xd3: {  	[dreg:$0x3] =	wrdreg s1  }
0xd4: {  	[dreg:$0x4] =	wrdreg s3  }
0xd5: {  	[dreg:$0x5] =	wrdreg $0xE  }
0xd6: {  	_ =	task.clear_ibuf [dreg:s20], $0x6FFFF;
	_ =	strace $0x90000058  }
0xd7: {  	s29 =	simm.s32 $0xE;
	_ =	strace $0x8000005A  }
0xd8: {  	_ =	swait.ge [sflag:s29], $0x1  }
0xd9: {  	[sflag:s29] =	ssyncadd.s32 $0xFFFFFFFF  }
0xda: {  	_ =	strace $0x9000005A  }
0xdb: {  	_ =	sfence  }
0xdc: {  	s30 =	sld [smem:$0x0];
	_ =	sdelay $0x2  }
0xdd: {  	s31 =	sshll.u32 s1, $0xD;
	s1 =	sshrl.u32 s1, $0x2  }
0xde: {  	s4 =	sand.u32 $0x4000, s31;
	s1 =	sadd.s32 s1, s30  }
0xdf: {  	s0 =	sor.u32 s4, s0;
	s1 =	sshll.u32 s1, $0x11  }
0xe0: {  	s0 =	sor.u32 s1, s0  }
0xe1: {  	s0 =	sadd.s32 $0x8F2B, s0  }
0xe2: {  	[sflag:s0] =	ssyncadd.remote.s32 $0x1  }
0xe3: {  	_ =	sfence.sel $0xFFFF  }
0xe4: {  	[dreg:$0x0] =	wrdreg $0xFFFFFFFF;
	(pc) =	sbr.abs _section_cstart, $3  }
0xe5: {  	[dreg:$0x1] =	wrdreg $0xFFFFFFFF  }
0xe6: {  	_ =	task.clear_ibuf [dreg:s20], $0x2FFFF;
	_ =	strace $0x9FFFFFFF  }
0xe7: {  	(tm) =	ssettm $0x7FFFFFFF  }
tec
execute0_lowered:
.L_overlay_start_1:
0x0: {  	(tag) =	ssettag $0x1  }
0x1: {  	s3 =	rddreg [dreg:$0x0]  }
0x2: {  	s2 =	rddreg [dreg:$0x1]  }
0x3: {  	s0 =	rddreg [dreg:$0x2];
	s4 =	stileid.u32;
	[bflag:$0x3] =	sbarrier.arrive $0xFFFF  }
0x4: {  	s1 =	simm.s32 $_size_execute1_lowered;
	s29 =	srdreg.scid;
	p0 =	sne.s32 s4, $0x0  }
0x5: {  	s1 =	sshll.u32 s1, $0x1;
	s5 =	simm.s32 @!p0 $0x1C3F;
	s6 =	simm.s32 @!p0 $0x4060  }
0x6: {  	[timem:s6], [sflag:s5] =	dma.local @!p0 [hbm:s3], s1  }
0x7: {  	s3 =	sshll.u32 s29, $0x7  }
0x8: {  	s4 =	sshll.u32 s4, $0x8;
	s3 =	sand.u32 $0x80, s3  }
0x9: {  	s7 =	simm.s32 $0x1;
	s8 =	simm.s32 $0x2;
	s3 =	sor.u32 s4, s3  }
0xa: {  	s9 =	simm.s32 $0x0;
	s12 =	simm.s32 $0x0;
	s30 =	ssub.s32 $0x2800, s3  }
.Ltmp0:
0xb: {  	s11 =	simm.s32 $0x0;
	s31 =	sand.u32 $0xF80, s30;
	(pc) =	sbr.rel .LBB2_1-.Ltmp0, $4  }
0xc: {  	s5 =	simm.s32 $0x1;
	_ =	strace $0x80000056;
	p1 =	sne.s32 s31, $0x0  }
0xd: {  	[sflag:s5] =	ssyncpa.u1 $0x0;
	s6 =	sshrl.u32 s30, $0xC;
	s7 =	simm.s32 @!p1 $0x0  }
0xe: {  	s4 =	sadd.s32 $0x28000, s2;
	[sflag:s8] =	ssyncpa.u1 $0x0;
	s6 =	sadd.s32 s7, s6  }
0xf: {  	s8 =	simm.s32 $0x0;
	s10 =	smov.u32 s3;
	s7 =	sadd.s32 $0x1, s6  }
.LBB2_4:
0x10: {  	_ =	sdelay $0x3  }
0x11: {  	[tilespmem:v0+s14+$0xFFFFFFA0 ss:$0x1] =	vst.idx.msk $0xffff, v6  }
0x12: {  	v56 =	vld.idx.msk [tilespmem:v1+s15+$0x30 ss:$0x1], $0xffff;
	[tilespmem:v0+s14+$0xFFFFFFB0 ss:$0x1] =	vst.idx.msk $0xffff, v4  }
0x13: {  	v57 =	vld.idx.msk [tilespmem:v1+s15+$0xFFFFFFC0 ss:$0x1], $0xffff;
	[tilespmem:v0+s14+$0xFFFFFFC0 ss:$0x1] =	vst.idx.msk $0xffff, v2  }
0x14: {  	v58 =	vld.idx.msk [tilespmem:v1+s15+$0xFFFFFFD0 ss:$0x1], $0xffff;
	[tilespmem:v0+s14+$0xFFFFFFD0 ss:$0x1] =	vst.idx.msk $0xffff, v3  }
0x15: {  	v59 =	vld.idx.msk [tilespmem:v1+s15+$0xFFFFFFE0 ss:$0x1], $0xffff;
	[tilespmem:v0+s14+$0xFFFFFFE0 ss:$0x1] =	vst.idx.msk $0xffff, v5  }
0x16: {  	v60 =	vld.idx.msk [tilespmem:v1+s15+$0xFFFFFFF0 ss:$0x1], $0xffff;
	[tilespmem:v0+s14+$0xFFFFFFF0 ss:$0x1] =	vst.idx.msk $0xffff, v7;
	s12 =	sand.u32 $0x1FFFFFF, s12  }
0x17: {  	v61 =	vld.idx.msk [tilespmem:v1+s15+$0x0 ss:$0x1], $0xffff;
	s31 =	smulhi.u32 $0xCCCCCD, s12;
	[tilespmem:v0+s15+$0x0 ss:$0x1] =	vst.idx.msk $0xffff, v56  }
0x18: {  	v62 =	vld.idx.msk [tilespmem:v1+s15+$0x10 ss:$0x1], $0xffff;
	[tilespmem:v0+s15+$0xFFFFFF90 ss:$0x1] =	vst.idx.msk $0xffff, v57  }
0x19: {  	v63 =	vld.idx.msk [tilespmem:v1+s15+$0x20 ss:$0x1], $0xffff;
	s14 =	sshrl.u32 s31, $0x5;
	[tilespmem:v0+s15+$0xFFFFFFA0 ss:$0x1] =	vst.idx.msk $0xffff, v58  }
0x1a: {  	s14 =	smul.u32 $0x2800, s14;
	[tilespmem:v0+s15+$0xFFFFFFB0 ss:$0x1] =	vst.idx.msk $0xffff, v59  }
0x1b: {  	[tilespmem:v0+s15+$0xFFFFFFC0 ss:$0x1] =	vst.idx.msk $0xffff, v60  }
0x1c: {  	[tilespmem:v0+s15+$0xFFFFFFD0 ss:$0x1] =	vst.idx.msk $0xffff, v61;
	s12 =	ssub.s32 s12, s14  }
0x1d: {  	[tilespmem:v0+s15+$0xFFFFFFE0 ss:$0x1] =	vst.idx.msk $0xffff, v62;
	s12 =	sshll.u32 s12, $0x4  }
0x1e: {  	[tilespmem:v0+s15+$0xFFFFFFF0 ss:$0x1] =	vst.idx.msk $0xffff, v63;
	s12 =	sadd.s32 s4, s12  }
0x1f: {  	[hbm4b:s12+s8] =	stream.linear.scatter [tilespmem:s13], [sflag:$0x2], $0x4000, $0x38;
	[tilespmem:$0x10000] =	vst v63  }
.LBB2_5:
0x20: {  	s14 =	sadd.s32 $0x1000, s10  }
0x21: {  	p2 =	sgt.s32 s14, $0x27FF  }
0x22: {  	s14 =	smov.u32 @p2 s3;
	p2 =	sne.s32 s11, s7  }
.Ltmp1:
0x23: {  	p1 =	slt.u32 s11, $0x2;
	(pc) =	sbr.rel @!p2 .LBB2_6-.Ltmp1, $4  }
0x24: {  	s13 =	simm.s32 @!p1 $0x2  }
0x25: {  	s15 =	sadd.s32 $0x1, s11;
	_ =	swait.ge @!p1 [sflag:s13], $0x4000  }
0x26: {  	s12 =	smov.u32 s10;
	s9 =	sadd.s32 $0x4000, s9;
	[sflag:s13] =	ssyncset.done @!p1 $0x0  }
0x27: {  	s11 =	smov.u32 s15;
	s10 =	smov.u32 s14;
	[sflag:s13] =	ssyncadd.s32 @!p1 $0xFFFFC000  }
.LBB2_1:
0x28: {  	p1 =	sge.u32 s11, s6  }
0x29: {  	s13 =	sand.u32 @!p1 $0x1FFFFFF, s10  }
0x2a: {  	s14 =	smulhi.u32 @!p1 $0xCCCCCD, s13;
	_ =	sdelay $0x1  }
0x2b: {  	s14 =	sshrl.u32 @!p1 s14, $0x5  }
0x2c: {  	s14 =	smul.u32 @!p1 $0x2800, s14;
	_ =	sdelay $0x1  }
0x2d: {  	s15 =	sxor.u32 @!p1 $0xFFFFFFFF, s11;
	s13 =	ssub.s32 @!p1 s13, s14  }
0x2e: {  	s31 =	sadd.s32 $0xFFFFFFFF, s11;
	s14 =	sshll.u32 @!p1 s15, $0xE;
	s13 =	sshll.u32 @!p1 s13, $0x4  }
0x2f: {  	s15 =	simm.s32 @!p1 $0x0;
	s14 =	sand.u32 @!p1 $0x4000, s14;
	s13 =	sadd.s32 @!p1 s2, s13  }
0x30: {  	[tilespmem:s14], [sflag:$0x1] =	stream.linear.gather @!p1 [hbm4b:s13+s15], $0x4000, $0x38;
	[tilespmem:$0x10000] =	vst v63  }
0x31: {  	p1 =	sge.u32 s31, s6  }
.Ltmp2:
0x32: {  	_ = 	snop;
	(pc) =	sbr.rel @p1 .LBB2_5-.Ltmp2, $1  }
0x33: {  	_ =	sdelay $0x3  }
0x34: {  	s13 =	sand.u32 $0x4000, s9  }
0x35: {  	s14 =	sor.u32 $0x40, s13  }
0x36: {  	v1 =	vmov s14;
	_ =	sdelay $0x1  }
0x37: {  	_ =	swait.ge [sflag:s5], $0x4000  }
0x38: {  	[sflag:s5] =	ssyncset.done $0x0  }
0x39: {  	[sflag:s5] =	ssyncadd.s32 $0xFFFFC000;
	s14 =	simm.s32 $0x0  }
0x3a: {  	s13 =	sor.u32 $0x8070, s13;
	v7 =	vld.idx.msk [tilespmem:v1+s14+$0x30 ss:$0x1], $0xffff  }
0x3b: {  	v0 =	vmov s13;
	v8 =	vld.idx.msk [tilespmem:v1+s14+$0xFFFFFFC0 ss:$0x1], $0xffff  }
0x3c: {  	v6 =	vld.idx.msk [tilespmem:v1+s14+$0xFFFFFFD0 ss:$0x1], $0xffff  }
0x3d: {  	v4 =	vld.idx.msk [tilespmem:v1+s14+$0xFFFFFFE0 ss:$0x1], $0xffff  }
0x3e: {  	v2 =	vld.idx.msk [tilespmem:v1+s14+$0xFFFFFFF0 ss:$0x1], $0xffff  }
0x3f: {  	s31 =	sshll.u32 s11, $0xE;
	v3 =	vld.idx.msk [tilespmem:v1+s14+$0x0 ss:$0x1], $0xffff  }
0x40: {  	s13 =	sand.u32 $0x4000, s31;
	v5 =	vld.idx.msk [tilespmem:v1+s14+$0x10 ss:$0x1], $0xffff;
	[tilespmem:v0+s14+$0x0 ss:$0x1] =	vst.idx.msk $0xffff, v7  }
0x41: {  	s15 =	simm.s32 $0x80;
	s16 =	simm.s32 $0x400;
	s13 =	sor.u32 $0x8000, s13;
	[tilespmem:v0+s14+$0xFFFFFF90 ss:$0x1] =	vst.idx.msk $0xffff, v8;
	v7 =	vld.idx.msk [tilespmem:v1+s14+$0x20 ss:$0x1], $0xffff  }
.LBB2_3:
0x42: {  	p1 =	sne.s32 s16, $0xFE00;
	v8 =	vld.idx.msk [tilespmem:v1+s15+$0x30 ss:$0x1], $0xffff;
	[tilespmem:v0+s14+$0xFFFFFFA0 ss:$0x1] =	vst.idx.msk $0xffff, v6  }
0x43: {  	v9 =	vld.idx.msk [tilespmem:v1+s15+$0xFFFFFFC0 ss:$0x1], $0xffff;
	[tilespmem:v0+s14+$0xFFFFFFB0 ss:$0x1] =	vst.idx.msk $0xffff, v4  }
0x44: {  	v6 =	vld.idx.msk [tilespmem:v1+s15+$0xFFFFFFD0 ss:$0x1], $0xffff;
	[tilespmem:v0+s14+$0xFFFFFFC0 ss:$0x1] =	vst.idx.msk $0xffff, v2  }
.Ltmp3:
0x45: {  	v4 =	vld.idx.msk [tilespmem:v1+s15+$0xFFFFFFE0 ss:$0x1], $0xffff;
	[tilespmem:v0+s14+$0xFFFFFFD0 ss:$0x1] =	vst.idx.msk $0xffff, v3;
	(pc) =	sbr.rel @p1 .LBB2_3-.Ltmp3, $4  }
0x46: {  	v2 =	vld.idx.msk [tilespmem:v1+s15+$0xFFFFFFF0 ss:$0x1], $0xffff;
	[tilespmem:v0+s14+$0xFFFFFFE0 ss:$0x1] =	vst.idx.msk $0xffff, v5  }
0x47: {  	v3 =	vld.idx.msk [tilespmem:v1+s15+$0x0 ss:$0x1], $0xffff;
	[tilespmem:v0+s14+$0xFFFFFFF0 ss:$0x1] =	vst.idx.msk $0xffff, v7;
	s14 =	smov.u32 s15  }
0x48: {  	v5 =	vld.idx.msk [tilespmem:v1+s14+$0x10 ss:$0x1], $0xffff;
	[tilespmem:v0+s14+$0x0 ss:$0x1] =	vst.idx.msk $0xffff, v8  }
0x49: {  	s15 =	sshra.s32 s16, $0x2;
	s16 =	sadd.s32 $0x200, s16;
	[tilespmem:v0+s14+$0xFFFFFF90 ss:$0x1] =	vst.idx.msk $0xffff, v9;
	v7 =	vld.idx.msk [tilespmem:v1+s14+$0x20 ss:$0x1], $0xffff  }
.Ltmp4:
0x4a: {  	_ = 	snop;
	(pc) =	sbr.rel .LBB2_4-.Ltmp4, $1  }
0x4b: {  	_ =	sdelay $0x3  }
.LBB2_6:
0x4c: {  	_ =	sfence.sel $0x180000  }
0x4d: {  	s2 =	simm.s32 $0x1;
	[bflag:$0x0] =	sbarrier.arrive $0xFFFF  }
0x4e: {  	s31 =	simm.s32 $0x2;
	[sflag:s2] =	ssyncpa.u1 $0x1  }
0x4f: {  	[sflag:s31] =	ssyncpa.u1 $0x1  }
0x50: {  	_ =	strace $0x90000056  }
0x51: {  	s0 =	sadd.s32 @!p0 $0x100000, s0;
	[bflag:$0x2] =	sbarrier.arrive $0xFFFF  }
0x52: {  	[sflag:s0] =	ssyncadd.tile.s32 @!p0 $0x1;
	s0 =	simm.s32 @!p0 $0x3F  }
0x53: {  	_ =	swait.ge @!p0 [sflag:s0], s1  }
0x54: {  	s1 =	ssub.s32 @!p0 $0x0, s1;
	[sflag:s0] =	ssyncset.done @!p0 $0x0  }
0x55: {  	[sflag:s0] =	ssyncadd.s32 @!p0 s1  }
0x56: {  	[bflag:$0x3] =	sbarrier.arrive $0xFFFF  }
0x57: {  	_ =	shalt  }
.Lfunc_end2:
execute1_lowered:
.L_overlay_start_2:
0x58: {  	(tag) =	ssettag $0x2  }
0x59: {  	s2 =	rddreg [dreg:$0x0]  }
0x5a: {  	s3 =	rddreg [dreg:$0x1];
	_ =	strace $0x80000059;
	s0 =	simm.s32 $0x1  }
0x5b: {  	v0 =	vimm.s32 $0x0;
	[sflag:s0] =	ssyncpa.u1 $0x0;
	s0 =	simm.s32 $0x108  }
0x5c: {  	[tilespmem:s0+$0x70] =	vst v0  }
0x5d: {  	[tilespmem:s0+$0x60] =	vst v0  }
0x5e: {  	[tilespmem:s0+$0x50] =	vst v0  }
0x5f: {  	[tilespmem:s0+$0x40] =	vst v0  }
0x60: {  	s1 =	sadd.s32 $0x28000, s2;
	[tilespmem:s0+$0x30] =	vst v0  }
0x61: {  	s15 =	sadd.s32 $0xA62200, s2;
	s6 =	sadd.s32 $0xAA8600, s2;
	[tilespmem:s0+$0x20] =	vst v0  }
0x62: {  	s14 =	sadd.s32 $0xA94400, s2;
	s5 =	sand.u32 $0x1, s3;
	s3 =	simm.s32 $0x40;
	[tilespmem:s0+$0x10] =	vst v0  }
.LBB3_1:
0x63: {  	s3 =	sadd.s32 $0x40, s3;
	[tilespmem:s0+$0x0] =	vst v0;
	s0 =	sadd.s32 $0x80, s0  }
0x64: {  	p0 =	slt.u32 s3, $0x3C40;
	[tilespmem:s0+$0x70] =	vst v0  }
0x65: {  	[tilespmem:s0+$0x60] =	vst v0  }
.Ltmp5:
0x66: {  	[tilespmem:s0+$0x50] =	vst v0;
	(pc) =	sbr.rel @p0 .LBB3_1-.Ltmp5, $4  }
0x67: {  	[tilespmem:s0+$0x40] =	vst v0  }
0x68: {  	[tilespmem:s0+$0x30] =	vst v0  }
0x69: {  	[tilespmem:s0+$0x20] =	vst v0  }
0x6a: {  	[tilespmem:s0+$0x10] =	vst v0  }
0x6b: {  	s9 =	stileid.u32  }
0x6c: {  	s2 =	smul.u32 $0x29, s9  }
0x6d: {  	s3 =	smin.u32 s9, $0xB  }
0x6e: {  	s2 =	sadd.s32 s3, s2  }
0x6f: {  	p0 =	slt.u32 s9, $0xB;
	s7 =	smul.u32 $0xF0, s2;
	s2 =	simm.s32 $0x2760  }
0x70: {  	s2 =	simm.s32 @!p0 $0x2670  }
0x71: {  	s2 =	sadd.s32 s2, s7  }
0x72: {  	s8 =	smin.u32 s2, $0x27100  }
0x73: {  	s2 =	ssub.s32 s8, s7  }
0x74: {  	p0 =	sgt.s32 s2, $0x0  }
0x75: {  	s29 =	simm.s32 $0x2;
	s10 =	simm.s32 $0x9;
	s2 =	simm.s32 @!p0 $0x0  }
0x76: {  	s4 =	simm.s32 $0xA;
	s11 =	simm.s32 $0xB;
	s28 =	smulhi.u32 $0x88888889, s2  }
0x77: {  	[dreg:$0x4] =	wrdreg s5;
	s31 =	smul.u32 $0x4E20, s5;
	s12 =	simm.s32 $0x1  }
0x78: {  	s22 =	simm.s32 $0x0;
	s18 =	simm.s32 $0xC;
	s30 =	sshrl.u32 s28, $0x7  }
0x79: {  	s20 =	simm.s32 $0x0;
	s21 =	simm.s32 $0x0;
	s3 =	smul.u32 $0xF0, s30  }
.Ltmp6:
0x7a: {  	[tilespmem:s0+$0x0] =	vst v0;
	v0 =	vimm.s32 $0xFFFFFFFF;
	[sflag:s29] =	ssyncpa.u1 $0x0;
	s16 =	sshll.u32 s9, $0x8;
	(pc) =	sbr.rel .LBB3_3-.Ltmp6, $4  }
0x7b: {  	[tilespmem:$0xF208] =	vst v0;
	[sflag:s10] =	ssyncpa.u1 $0x0;
	p0 =	sne.s32 s2, s3;
	s2 =	simm.s32 $0x1  }
0x7c: {  	s14 =	sadd.s32 s31, s14;
	[sflag:s4] =	ssyncpa.u1 $0x0;
	s2 =	simm.s32 @!p0 $0x0  }
0x7d: {  	s15 =	sadd.s32 s31, s15;
	[sflag:s11] =	ssyncpa.u1 $0x0;
	s13 =	sadd.s32 s2, s30  }
0x7e: {  	v0 =	vlaneseq.u32;
	s19 =	smov.u32 s7;
	p0 =	por $0x0, $0x0;
	s17 =	sadd.s32 $0x1, s13  }
.LBB3_18:
0x7f: {  	s0 =	sshrl.u32 s31, $0x2  }
.LBB3_20:
0x80: {  	_ =	swait.ge [sflag:s18], s0  }
0x81: {  	s31 =	ssub.s32 $0x0, s0;
	v1 =	vmov s24;
	vm0 =	veq.s32 v0, $0x0;
	[sflag:s18] =	ssyncset.done $0x0  }
0x82: {  	vm15 =	veq.s32 v0, $0x2;
	v1 =	vsel vm0, s30, v1;
	[sflag:s18] =	ssyncadd.s32 s31  }
0x83: {  	v1 =	vsel vm15, s22, v1;
	[sflag:s18] =	ssyncpa.u1 $0x1  }
0x84: {  	[tilespmem:$0xF208] =	vst v1  }
.LBB3_21:
0x85: {  	s0 =	sadd.s32 $0xF0, s19  }
0x86: {  	s2 =	smov.u32 s7;
	p1 =	slt.s32 s0, s8  }
0x87: {  	s2 =	smov.u32 @p1 s0;
	p1 =	sne.s32 s21, s17  }
.Ltmp7:
0x88: {  	_ = 	snop;
	(pc) =	sbr.rel @!p1 .LBB3_22-.Ltmp7, $3  }
0x89: {  	_ =	sdelay $0x1  }
0x8a: {  	s22 =	smov.u32 s20;
	s31 =	sadd.s32 $0x1, s21;
	s20 =	smov.u32 s19  }
0x8b: {  	p0 =	por !p0, !p0;
	s21 =	smov.u32 s31;
	s19 =	smov.u32 s2  }
.LBB3_3:
0x8c: {  	p1 =	sge.u32 s21, s13  }
0x8d: {  	s0 =	smulhi.u32 @!p1 $0xAAAAAAAB, s21  }
0x8e: {  	s2 =	smov.u32 s19;
	p2 =	sgt.s32 @!p1 s19, $0x27010  }
0x8f: {  	s3 =	sshra.s32 @!p1 s19, $0x1F;
	p2 =	por !p2, p1;
	s0 =	sshrl.u32 @!p1 s0, $0x1  }
0x90: {  	s3 =	sand.u32 @!p1 s3, s19;
	s2 =	simm.s32 @p2 $0x27010;
	s0 =	smul.u32 @!p1 $0x3, s0  }
0x91: {  	s2 =	ssub.s32 @!p1 s2, s3  }
0x92: {  	s2 =	sadd.s32 @!p1 $0xFFFD8FF0, s2;
	s0 =	ssub.s32 @!p1 s21, s0  }
0x93: {  	s3 =	sshll.u32 @!p1 s2, $0x2;
	p2 =	sgt.s32 @!p1 s2, $0xEF;
	s0 =	smul.u32 @!p1 $0x3C0, s0  }
0x94: {  	s4 =	sand.u32 @!p1 $0x7, s19;
	s2 =	ssub.s32 @!p1 $0x3C0, s3;
	p2 =	por !p2, p1  }
0x95: {  	s3 =	sshrl.u32 @!p1 s19, $0x3;
	s2 =	sshrl.u32 @!p1 s2, $0x2;
	s0 =	sshrl.u32 @!p1 s0, $0x2  }
0x96: {  	s3 =	sadd.s32 @!p1 s3, s14;
	s2 =	simm.s32 @!p2 $0x0;
	s0 =	sadd.s32 @!p1 $0x10248, s0  }
0x97: {  	[tilespmem:s0], [sflag:$0xA] =	stream.linear.gather @!p1 [hbm4b:s3+s4], s2, $0x38;
	[tilespmem:$0x1F6F8] =	vst v63  }
0x98: {  	s0 =	sadd.s32 $0xFFFFFFFF, s21  }
0x99: {  	p1 =	sge.u32 s0, s13  }
0x9a: {  	p2 =	sgt.s32 @!p1 s20, $0x27010  }
0x9b: {  	s2 =	smov.u32 s20;
	s3 =	sshra.s32 @!p1 s20, $0x1F;
	p2 =	por !p2, p1  }
0x9c: {  	s3 =	sand.u32 @!p1 s3, s20;
	s2 =	simm.s32 @p2 $0x27010  }
0x9d: {  	s2 =	ssub.s32 @!p1 s2, s3  }
0x9e: {  	s2 =	sadd.s32 @!p1 $0xFFFD8FF0, s2  }
0x9f: {  	s4 =	sand.u32 @!p1 $0x1, s0;
	s3 =	sshll.u32 @!p1 s2, $0x2  }
0xa0: {  	p2 =	sgt.s32 @!p1 s2, $0xEF;
	s2 =	ssub.s32 @!p1 $0x3C0, s3;
	s3 =	smulhi.u32 @!p1 $0xAAAAAAAB, s0  }
0xa1: {  	s23 =	smul.u32 @!p1 $0x3C0, s4;
	p2 =	por !p2, p1;
	s2 =	sshrl.u32 @!p1 s2, $0x2  }
0xa2: {  	s5 =	simm.s32 @!p1 $0xA;
	s2 =	simm.s32 @!p2 $0x0;
	s3 =	sshrl.u32 @!p1 s3, $0x1  }
0xa3: {  	s23 =	sshrl.u32 @!p1 s23, $0x2;
	_ =	swait.ge @!p1 [sflag:s5], s2;
	s3 =	smul.u32 @!p1 $0x3, s3  }
0xa4: {  	s23 =	sadd.s32 @!p1 $0x10518, s23;
	s24 =	ssub.s32 @!p1 $0x0, s2;
	[sflag:s5] =	ssyncset.done @!p1 $0x0  }
0xa5: {  	[sflag:s5] =	ssyncadd.s32 @!p1 s24;
	s5 =	sshrl.u32 @!p1 s20, $0x3;
	s0 =	ssub.s32 @!p1 s0, s3  }
0xa6: {  	s24 =	sand.u32 @!p1 $0x7, s20;
	s5 =	sadd.s32 @!p1 s5, s15;
	s0 =	smul.u32 @!p1 $0x3C0, s0  }
0xa7: {  	[tilespmem:s23], [sflag:$0xB] =	stream.linear.gather @!p1 [hbm4b:s5+s24], s2, $0x38;
	[tilespmem:$0x1F6F8] =	vst v63  }
0xa8: {  	s3 =	ssub.s32 @!p1 $0x27100, s20;
	s2 =	smul.u32 @!p1 $0x1E000, s4  }
0xa9: {  	p2 =	slt.s32 @!p1 s3, $0xF0  }
0xaa: {  	p2 =	por !p2, p1;
	s0 =	sshrl.u32 @!p1 s0, $0x2;
	s2 =	sshrl.u32 @!p1 s2, $0x2  }
0xab: {  	s3 =	simm.s32 @p2 $0xF0;
	s0 =	sadd.s32 @!p1 $0x10248, s0;
	s2 =	sor.u32 @!p1 $0x106F8, s2  }
0xac: {  	[tilespmem:s2], [sflag:$0x9] =	stream.indirect.gather @!p1 [hbm4b:s6+s3], $0x80, s0, s3, $0xb8;
	[tilespmem:$0x1F6F8] =	vst v63  }
0xad: {  	p1 =	slt.u32 s21, $0x2  }
.Ltmp8:
0xae: {  	_ = 	snop;
	(pc) =	sbr.rel @p1 .LBB3_21-.Ltmp8, $1  }
0xaf: {  	_ =	sdelay $0x3  }
0xb0: {  	p1 =	sgt.s32 s22, $0x27010  }
0xb1: {  	s0 =	smov.u32 s22;
	s2 =	sshra.s32 s22, $0x1F;
	s3 =	ssub.s32 $0x27100, s22  }
0xb2: {  	s0 =	simm.s32 @!p1 $0x27010;
	s2 =	sand.u32 s2, s22;
	p1 =	slt.s32 s3, $0xF0  }
0xb3: {  	s0 =	ssub.s32 s0, s2;
	s3 =	simm.s32 @!p1 $0xF0  }
0xb4: {  	s0 =	sadd.s32 $0xFFFD8FF0, s0;
	s25 =	sshll.u32 s3, $0x7  }
0xb5: {  	s26 =	sshll.u32 s0, $0x2;
	s2 =	sand.u32 $0x3FFFFF80, s25  }
0xb6: {  	p1 =	sgt.s32 s0, $0xEF;
	s29 =	ssub.s32 $0x3C0, s26;
	_ =	swait.ge [sflag:s10], s2  }
0xb7: {  	s2 =	ssub.s32 $0x0, s2;
	[sflag:s10] =	ssyncset.done $0x0;
	s0 =	sshrl.u32 s29, $0x2  }
0xb8: {  	[sflag:s10] =	ssyncadd.s32 s2;
	s0 =	simm.s32 @p1 $0x0  }
0xb9: {  	_ =	swait.ge [sflag:s11], s0  }
0xba: {  	s0 =	ssub.s32 $0x0, s0;
	[sflag:s11] =	ssyncset.done $0x0  }
0xbb: {  	[sflag:s11] =	ssyncadd.s32 s0  }
0xbc: {  	v1 =	vld [tilespmem:$0xF208];
	_ =	sdelay $0x4  }
0xbd: {  	(v2sf) =	vpush v1, $0x0  }
0xbe: {  	(v2sf) =	vpush v1, $0x1  }
0xbf: {  	(v2sf) =	vpush v1, $0x2;
	_ =	sdelay $0x3  }
0xc0: {  	s0 =	sadd.s32 $0xF0, s22  }
0xc1: {  	s2 =	ssub.s32 $0x4E200, s22;
	p1 =	slt.s32 s8, s0  }
0xc2: {  	s0 =	smov.u32 @p1 s8;
	p1 =	sgt.s32 s2, $0x0  }
0xc3: {  	s26 =	ssub.s32 s0, s22;
	s2 =	simm.s32 @!p1 $0x0  }
0xc4: {  	p1 =	slt.s32 s2, s26  }
0xc5: {  	s26 =	smov.u32 @p1 s2  }
0xc6: {  	s25 =	simm.s32 $0x1;
	p1 =	slt.s32 s26, $0x1  }
.Ltmp9:
0xc7: {  	s25 =	simm.s32 @!p0 $0x0;
	(pc) =	sbr.rel @p1 .LBB3_8-.Ltmp9, $4  }
0xc8: {  	s31 =	smul.u32 $0x3C0, s25  }
0xc9: {  	s28 =	spop (v2sf)  }
0xca: {  	s0 =	sshrl.u32 s31, $0x2;
	s30 =	spop (v2sf)  }
0xcb: {  	s23 =	sadd.s32 $0x10518, s0;
	s22 =	spop (v2sf)  }
0xcc: {  	s0 =	smin.u32 s26, $0x10  }
0xcd: {  	v1 =	vmov s0  }
0xce: {  	p2 =	sgt.s32 s26, $0x10;
	vm1 =	vgt.u32 v1, v0  }
.Ltmp10:
0xcf: {  	_ = 	snop;
	(pc) =	sbr.rel @!p2 .LBB3_7-.Ltmp10, $2  }
0xd0: {  	_ =	sdelay $0x2  }
0xd1: {  	s4 =	simm.s32 $0x10;
	s24 =	sadd.s32 $0xFFFFFFF0, s26;
	s0 =	smov.u32 s23;
	vm0 =	vmmov vm1  }
.LBB3_6:
0xd2: {  	s2 =	smin.u32 s24, $0x10;
	s4 =	sadd.s32 $0x10, s4;
	v1 =	vld.msk [tilespmem:s0+$0x0 ss:$0x1], vm1  }
0xd3: {  	v2 =	vmov s2;
	p2 =	slt.s32 s4, s26  }
0xd4: {  	vm1 =	vgt.u32 v2, v0  }
.Ltmp11:
0xd5: {  	(pc) =	sbr.rel @p2 .LBB3_6-.Ltmp11, $3  }
0xd6: {  	_ =	sdelay $0x1  }
0xd7: {  	v1 =	vshll.u32 v1, $0x4  }
0xd8: {  	s24 =	sadd.s32 $0xFFFFFFF0, s24;
	[tilespmem:s0+$0x0] =	vst.msk vm0, v1;
	s0 =	sadd.s32 $0x10, s0;
	vm0 =	vmmov vm1  }
.LBB3_7:
0xd9: {  	_ =	sdelay $0x4  }
0xda: {  	v1 =	vld.msk [tilespmem:s0+$0x0 ss:$0x1], vm1;
	_ =	sdelay $0x4  }
0xdb: {  	v1 =	vshll.u32 v1, $0x4  }
0xdc: {  	[tilespmem:s0+$0x0] =	vst.msk vm0, v1  }
.LBB3_8:
0xdd: {  	s0 =	sand.u32 $0x1, s21  }
0xde: {  	s0 =	smul.u32 $0xF0, s0  }
0xdf: {  	p2 =	sne.s32 s30, $0xFFFFFFFF  }
0xe0: {  	v1 =	vld.msk @!p2 [tilespmem:s0+$0x10518], $0x1;
	_ =	sdelay $0x4  }
0xe1: {  	(v2sf) =	vpush @!p2 v1, $0x0;
	_ =	sdelay $0xc  }
.Ltmp12:
0xe2: {  	_ = 	snop;
	(pc) =	sbr.rel @p1 .LBB3_19-.Ltmp12, $4  }
0xe3: {  	_ = 	snop  }
0xe4: {  	s29 =	spop @!p2 (v2sf)  }
0xe5: {  	s22 =	simm.s32 @!p2 $0x0;
	s24 =	smov.u32 s29  }
0xe6: {  	[sflag:s18] =	ssyncpa.u1 $0x0;
	s29 =	smov.u32 @p2 s28;
	s24 =	smov.u32 @p2 s30  }
0xe7: {  	v1 =	vld.msk [tilespmem:s23+$0x0], $0x1;
	_ =	sdelay $0x4  }
0xe8: {  	(v2sf) =	vpush v1, $0x0;
	_ =	sdelay $0xe  }
0xe9: {  	s2 =	smul.u32 $0x1E000, s25;
	s0 =	spop (v2sf)  }
0xea: {  	s26 =	ssub.s32 $0x0, s26;
	p1 =	seq.s32 s29, s0  }
0xeb: {  	s30 =	sadd.s32 $0x1, s26;
	s2 =	sshrl.u32 s2, $0x2;
	p2 =	sgt.s32 @!p1 s29, $0x0  }
0xec: {  	s25 =	sor.u32 $0x10738, s2;
	s2 =	smov.u32 s29;
	p2 =	por !p2, p1  }
0xed: {  	s2 =	simm.s32 @p2 $0x0;
	p2 =	seq.s32 s30, $0x0  }
.Ltmp13:
0xee: {  	_ = 	snop;
	(pc) =	sbr.rel @p2 .LBB3_11-.Ltmp13, $4  }
0xef: {  	_ = 	snop  }
0xf0: {  	s28 =	simm.s32 $0x0;
	s31 =	sadd.s32 $0x1, s23;
	s2 =	smin.u32 @!p1 s2, $0x27FF0  }
0xf1: {  	s4 =	simm.s32 @!p1 $0x1;
	s5 =	simm.s32 @!p1 $0x7988;
	s3 =	sand.u32 @!p1 $0x3FFF8, s2  }
0xf2: {  	s4 =	smov.u32 @p1 s28;
	s2 =	sand.u32 @!p1 $0x7, s2;
	s3 =	sadd.s32 @!p1 s1, s3  }
.LBB3_10:
0xf3: {  	s9 =	smov.u32 s4  }
0xf4: {  	[tilespmem:s5], [sflag:$0x2] =	stream.linear.gather @!p1 [hbm4b:s3+s2], $0x80, $0x38;
	[tilespmem:$0x1F6F8] =	vst v63  }
0xf5: {  	s30 =	sadd.s32 $0x1, s30;
	s2 =	smov.u32 s0;
	v1 =	vld.msk [tilespmem:s31+$0x0], $0x1  }
0xf6: {  	p2 =	seq.s32 s30, $0x0;
	_ =	sdelay $0x3  }
0xf7: {  	(v2sf) =	vpush v1, $0x0;
	_ =	sdelay $0xe  }
0xf8: {  	s0 =	spop (v2sf)  }
0xf9: {  	p1 =	seq.s32 s2, s0  }
0xfa: {  	p3 =	sgt.s32 @!p1 s2, $0x0;
	s3 =	sshll.u32 @!p1 s4, $0x9;
	s4 =	sadd.s32 @!p1 $0x1, s4  }
.Ltmp14:
0xfb: {  	p3 =	por !p3, p1;
	s3 =	sshra.s32 @!p1 s3, $0x2;
	(pc) =	sbr.rel @!p2 .LBB3_10-.Ltmp14, $4  }
0xfc: {  	s4 =	smov.u32 @p1 s9;
	s2 =	simm.s32 @p3 $0x0;
	s5 =	sadd.s32 @!p1 $0x7988, s3  }
0xfd: {  	s2 =	smin.u32 @!p1 s2, $0x27FF0  }
0xfe: {  	s3 =	sand.u32 @!p1 $0x3FFF8, s2;
	s2 =	sand.u32 @!p1 $0x7, s2  }
0xff: {  	s31 =	sadd.s32 $0x1, s31;
	s3 =	sadd.s32 @!p1 s1, s3  }
.LBB3_11:
0x100: {  	[tilespmem:s5], [sflag:$0x2] =	stream.linear.gather @!p1 [hbm4b:s3+s2], $0x80, $0x38;
	[tilespmem:$0x1F6F8] =	vst v63  }
.Ltmp15:
0x101: {  	s0 =	sshll.u32 s4, $0x7;
	(pc) =	sbr.rel .LBB3_12-.Ltmp15, $4  }
0x102: {  	s30 =	simm.s32 $0x2;
	s0 =	sand.u32 $0x3FFFFF80, s0  }
0x103: {  	_ =	swait.ge [sflag:s30], s0  }
0x104: {  	s0 =	ssub.s32 $0x0, s0;
	[sflag:s30] =	ssyncset.done $0x0  }
0x105: {  	s31 =	simm.s32 $0x0;
	[sflag:s30] =	ssyncadd.s32 s0  }
.LBB3_13:
0x106: {  	v1 =	vld [tilespmem:s25+$0xFFFFFFC0];
	_ =	sdelay $0x3  }
0x107: {  	s0 =	sshra.s32 s0, $0x2  }
0x108: {  	[tilespmem:s0+$0x108] =	vst.add.f32.msk $0xffff, v1  }
0x109: {  	v1 =	vld [tilespmem:s25+$0xFFFFFFD0];
	_ =	sdelay $0x4  }
0x10a: {  	[tilespmem:s0+$0x118] =	vst.add.f32.msk $0xffff, v1  }
0x10b: {  	v1 =	vld [tilespmem:s25+$0xFFFFFFE0];
	_ =	sdelay $0x4  }
0x10c: {  	[tilespmem:s0+$0x128] =	vst.add.f32.msk $0xffff, v1  }
0x10d: {  	v1 =	vld [tilespmem:s25+$0xFFFFFFF0];
	_ =	sdelay $0x4  }
0x10e: {  	[tilespmem:s0+$0x138] =	vst.add.f32.msk $0xffff, v1  }
0x10f: {  	v1 =	vld [tilespmem:s25+$0x0];
	_ =	sdelay $0x4  }
0x110: {  	[tilespmem:s0+$0x148] =	vst.add.f32.msk $0xffff, v1  }
0x111: {  	v1 =	vld [tilespmem:s25+$0x10];
	_ =	sdelay $0x4  }
0x112: {  	[tilespmem:s0+$0x158] =	vst.add.f32.msk $0xffff, v1  }
0x113: {  	v1 =	vld [tilespmem:s25+$0x20];
	_ =	sdelay $0x4  }
0x114: {  	[tilespmem:s0+$0x168] =	vst.add.f32.msk $0xffff, v1  }
0x115: {  	v1 =	vld [tilespmem:s25+$0x30];
	_ =	sdelay $0x4  }
0x116: {  	[tilespmem:s0+$0x178] =	vst.add.f32.msk $0xffff, v1  }
.LBB3_17:
0x117: {  	s26 =	sadd.s32 $0x1, s26  }
0x118: {  	p1 =	seq.s32 s26, $0x0  }
.Ltmp16:
0x119: {  	_ = 	snop;
	(pc) =	sbr.rel @p1 .LBB3_18-.Ltmp16, $2  }
0x11a: {  	_ =	sdelay $0x2  }
0x11b: {  	s23 =	sadd.s32 $0x1, s23;
	s25 =	sadd.s32 $0x80, s25;
	s29 =	smov.u32 s30  }
.LBB3_12:
0x11c: {  	v1 =	vld.msk [tilespmem:s23+$0x0], $0x1;
	_ =	sdelay $0x4  }
0x11d: {  	(v2sf) =	vpush v1, $0x0;
	_ =	sdelay $0xe  }
0x11e: {  	s30 =	spop (v2sf)  }
0x11f: {  	p1 =	sne.s32 s29, s30  }
.Ltmp17:
0x120: {  	_ = 	snop;
	(pc) =	sbr.rel @!p1 .LBB3_13-.Ltmp17, $2  }
0x121: {  	_ =	sdelay $0x2  }
0x122: {  	s0 =	sshll.u32 s22, $0x9  }
0x123: {  	p1 =	seq.s32 s29, s24  }
.Ltmp18:
0x124: {  	_ = 	snop;
	(pc) =	sbr.rel @!p1 .LBB3_15-.Ltmp18, $1  }
0x125: {  	_ =	sdelay $0x3  }
0x126: {  	s0 =	sshra.s32 s0, $0x2  }
.Ltmp19:
0x127: {  	s0 =	sadd.s32 $0x108, s0;
	(pc) =	sbr.rel .LBB3_16-.Ltmp19, $4  }
0x128: {  	[spmem:s16] =	stream.linear.scatter [tilespmem:s0], [sflag:$0x1], $0x80, $0x38;
	[tilespmem:$0x1F6F8] =	vst v63  }
0x129: {  	_ =	swait.ge [sflag:s12], $0x80  }
0x12a: {  	[sflag:s12] =	ssyncset.done $0x0  }
0x12b: {  	[sflag:s12] =	ssyncadd.s32 $0xFFFFFF80  }
.LBB3_15:
0x12c: {  	s2 =	sshll.u32 s28, $0x9  }
0x12d: {  	s2 =	sshra.s32 s2, $0x2  }
0x12e: {  	v1 =	vld [tilespmem:s2+$0x7988];
	_ =	sdelay $0x3  }
0x12f: {  	s0 =	sshra.s32 s0, $0x2  }
0x130: {  	[tilespmem:s0+$0x108] =	vst.add.f32.msk $0xffff, v1  }
0x131: {  	v1 =	vld [tilespmem:s2+$0x7998];
	_ =	sdelay $0x4  }
0x132: {  	[tilespmem:s0+$0x118] =	vst.add.f32.msk $0xffff, v1  }
0x133: {  	v1 =	vld [tilespmem:s2+$0x79A8];
	_ =	sdelay $0x4  }
0x134: {  	[tilespmem:s0+$0x128] =	vst.add.f32.msk $0xffff, v1  }
0x135: {  	v1 =	vld [tilespmem:s2+$0x79B8];
	_ =	sdelay $0x4  }
0x136: {  	[tilespmem:s0+$0x138] =	vst.add.f32.msk $0xffff, v1  }
0x137: {  	v1 =	vld [tilespmem:s2+$0x79C8];
	_ =	sdelay $0x4  }
0x138: {  	[tilespmem:s0+$0x148] =	vst.add.f32.msk $0xffff, v1  }
0x139: {  	v1 =	vld [tilespmem:s2+$0x79D8];
	_ =	sdelay $0x4  }
0x13a: {  	[tilespmem:s0+$0x158] =	vst.add.f32.msk $0xffff, v1  }
0x13b: {  	v1 =	vld [tilespmem:s2+$0x79E8];
	_ =	sdelay $0x4  }
0x13c: {  	[tilespmem:s0+$0x168] =	vst.add.f32.msk $0xffff, v1  }
0x13d: {  	v1 =	vld [tilespmem:s2+$0x79F8];
	_ =	sdelay $0x2  }
0x13e: {  	p1 =	sgt.u32 s29, $0x27FF0  }
0x13f: {  	s2 =	sand.u32 @!p1 $0x3FFF8, s29  }
0x140: {  	s3 =	sadd.s32 $0x108, s0;
	[tilespmem:s0+$0x178] =	vst.add.f32.msk $0xffff, v1;
	s0 =	sadd.s32 @!p1 s1, s2;
	s2 =	sand.u32 @!p1 $0x7, s29  }
0x141: {  	[hbm4b:s0+s2] =	stream.linear.scatter @!p1 [tilespmem:s3], [sflag:$0xC], $0x80, $0x38;
	[tilespmem:$0x1F6F8] =	vst v63  }
0x142: {  	s0 =	simm.s32 $0x0  }
0x143: {  	s0 =	simm.s32 @!p1 $0x200  }
0x144: {  	s31 =	sadd.s32 s0, s31  }
.LBB3_16:
0x145: {  	s0 =	sadd.s32 $0x1, s22  }
0x146: {  	s2 =	smulhi.u32 $0x88888889, s0;
	_ =	sdelay $0x1  }
0x147: {  	v1 =	vld [tilespmem:s25+$0xFFFFFFC0];
	s2 =	sshrl.u32 s2, $0x7  }
0x148: {  	s2 =	smul.u32 $0xF0, s2;
	_ =	sdelay $0x1  }
0x149: {  	s22 =	ssub.s32 s0, s2  }
0x14a: {  	s0 =	sshll.u32 s22, $0x7  }
0x14b: {  	[tilespmem:s0+$0x108] =	vst v1  }
0x14c: {  	v1 =	vld [tilespmem:s25+$0xFFFFFFD0];
	_ =	sdelay $0x4  }
0x14d: {  	[tilespmem:s0+$0x118] =	vst v1  }
0x14e: {  	v1 =	vld [tilespmem:s25+$0xFFFFFFE0];
	_ =	sdelay $0x4  }
0x14f: {  	[tilespmem:s0+$0x128] =	vst v1  }
0x150: {  	v1 =	vld [tilespmem:s25+$0xFFFFFFF0];
	_ =	sdelay $0x4  }
0x151: {  	[tilespmem:s0+$0x138] =	vst v1  }
0x152: {  	v1 =	vld [tilespmem:s25+$0x0];
	_ =	sdelay $0x4  }
0x153: {  	[tilespmem:s0+$0x148] =	vst v1  }
0x154: {  	v1 =	vld [tilespmem:s25+$0x10];
	_ =	sdelay $0x4  }
0x155: {  	[tilespmem:s0+$0x158] =	vst v1  }
0x156: {  	v1 =	vld [tilespmem:s25+$0x20];
	_ =	sdelay $0x4  }
0x157: {  	[tilespmem:s0+$0x168] =	vst v1  }
0x158: {  	v1 =	vld [tilespmem:s25+$0x30]  }
.Ltmp20:
0x159: {  	_ = 	snop;
	(pc) =	sbr.rel .LBB3_17-.Ltmp20, $2  }
0x15a: {  	_ =	sdelay $0x2  }
0x15b: {  	s28 =	sadd.s32 $0x1, s28;
	[tilespmem:s0+$0x178] =	vst v1  }
.LBB3_19:
.Ltmp21:
0x15c: {  	(pc) =	sbr.rel .LBB3_20-.Ltmp21, $4  }
0x15d: {  	_ = 	snop  }
0x15e: {  	s0 =	simm.s32 $0x2  }
0x15f: {  	_ =	swait.ge [sflag:s0], $0x0  }
0x160: {  	s30 =	smov.u32 s29;
	[sflag:s0] =	ssyncset.done $0x0;
	s0 =	simm.s32 $0x0  }
.LBB3_22:
0x161: {  	_ =	sfence.sel $0x180000  }
0x162: {  	s0 =	simm.s32 $0x9;
	[bflag:$0x0] =	sbarrier.arrive $0xFFFF  }
0x163: {  	s24 =	simm.s32 $0xA;
	[sflag:s0] =	ssyncpa.u1 $0x1  }
0x164: {  	s25 =	simm.s32 $0xB;
	[sflag:s24] =	ssyncpa.u1 $0x1  }
0x165: {  	s26 =	simm.s32 $0x2;
	[sflag:s25] =	ssyncpa.u1 $0x1  }
0x166: {  	[sflag:s26] =	ssyncpa.u1 $0x1  }
0x167: {  	v0 =	vld [tilespmem:$0xF208];
	_ =	sdelay $0x4  }
0x168: {  	(v2sf) =	vpush v0, $0x0  }
0x169: {  	(v2sf) =	vpush v0, $0x1;
	_ =	sdelay $0x1  }
0x16a: {  	(v2sf) =	vpush v0, $0x2;
	_ =	sdelay $0xb  }
0x16b: {  	s0 =	spop (v2sf)  }
0x16c: {  	s2 =	spop (v2sf)  }
0x16d: {  	s3 =	smov.u32 s0;
	p0 =	sne.s32 s0, s2  }
0x16e: {  	s4 =	spop (v2sf);
	s3 =	simm.s32 @!p0 $0xFFFFFFFF  }
0x16f: {  	v2 =	vimm.s32 $0x1;
	v3 =	vlaneseq.u32;
	p0 =	seq.s32 s4, $0xFFFFFFFF;
	v1 =	vmov s3  }
0x170: {  	s16 =	stileid.u32;
	v0 =	vperm.xlane v0, v2;
	p1 =	sne.s32 @!p0 s0, s2;
	v1 =	vperm.xlane v1, v3  }
0x171: {  	vm0 =	vcmask $0x3F04;
	s6 =	simm.s32 $0xF208;
	s0 =	simm.s32 @!p0 $0x1;
	p1 =	por !p1, p0  }
0x172: {  	s3 =	sshll.u32 s16, $0x1;
	s2 =	sshll.u32 @!p0 s4, $0x9;
	s0 =	simm.s32 @p1 $0x0;
	v0 =	vsel vm0, v1, v0  }
0x173: {  	s5 =	sor.u32 $0x1000, s3;
	s2 =	sshra.s32 @!p0 s2, $0x2;
	s0 =	sor.u32 @!p0 s0, s3;
	[tilespmem:$0xF208] =	vst v0  }
0x174: {  	[spmem:s5] =	stream.linear.scatter [tilespmem:s6], [sflag:$0x1], $0x2, $0x38;
	[tilespmem:$0x1F6F8] =	vst v63  }
0x175: {  	s2 =	sadd.s32 @!p0 $0x108, s2;
	s0 =	sshll.u32 @!p0 s0, $0x7  }
0x176: {  	[spmem:s0] =	stream.linear.scatter @!p0 [tilespmem:s2], [sflag:$0x1], $0x80, $0x38;
	[tilespmem:$0x1F6F8] =	vst v63  }
0x177: {  	s0 =	simm.s32 @!p0 $0x82  }
0x178: {  	s28 =	simm.s32 $0x1;
	s0 =	simm.s32 @p0 $0x2  }
0x179: {  	_ =	swait.ge [sflag:s28], s0  }
0x17a: {  	s0 =	ssub.s32 $0x0, s0;
	[sflag:s28] =	ssyncset.done $0x0  }
0x17b: {  	p0 =	sne.s32 s16, $0x0;
	[sflag:s28] =	ssyncadd.s32 s0  }
.Ltmp22:
0x17c: {  	_ =	sfence.stream.spmem;
	(pc) =	sbr.rel @p0 .LBB3_39-.Ltmp22, $4  }
0x17d: {  	s29 =	simm.s32 $0x3;
	[bflag:$0x0] =	sbarrier.arrive $0xFFFF  }
0x17e: {  	s30 =	simm.s32 $0x4;
	[sflag:s29] =	ssyncpa.u1 $0x1  }
0x17f: {  	s31 =	simm.s32 $0x3C;
	[sflag:s30] =	ssyncpa.u1 $0x1  }
0x180: {  	s15 =	rddreg [dreg:$0x4];
	[sflag:s31] =	ssyncpa.u1 $0x1  }
0x181: {  	_ =	sfence.stream.spmem;
	s0 =	simm.s32 $0x5  }
0x182: {  	s2 =	simm.s32 $0x1000;
	s3 =	simm.s32 $0xF218;
	[sflag:s0] =	ssyncpa.u1 $0x0  }
0x183: {  	[tilespmem:s3], [sflag:$0x5] =	stream.linear.gather [spmem:s2], $0x20, $0x38;
	[tilespmem:$0x1F6F8] =	vst v63  }
0x184: {  	s26 =	simm.s32 $0x0;
	s28 =	simm.s32 $0xF238  }
0x185: {  	[tilespmem:s28], [sflag:$0x5] =	stream.linear.gather [spmem:s26], $0x1000, $0x38;
	[tilespmem:$0x1F6F8] =	vst v63  }
0x186: {  	_ =	swait.ge [sflag:s0], $0x1020  }
0x187: {  	[sflag:s0] =	ssyncset.done $0x0  }
0x188: {  	s29 =	simm.s32 $0x0;
	[sflag:s0] =	ssyncadd.s32 $0xFFFFEFE0  }
0x189: {  	v0 =	vld.msk [tilespmem:s29+$0xF218], $0x1;
	_ =	sdelay $0x1  }
0x18a: {  	s30 =	simm.s32 $0x1  }
0x18b: {  	v1 =	vld.msk [tilespmem:s30+$0xF218], $0x1;
	_ =	sdelay $0x1  }
0x18c: {  	(v2sf) =	vpush v0, $0x0;
	_ =	sdelay $0x2  }
0x18d: {  	(v2sf) =	vpush v1, $0x0;
	_ =	sdelay $0x2  }
0x18e: {  	s31 =	simm.s32 $0x2  }
0x18f: {  	v0 =	vld.msk [tilespmem:s31+$0xF218], $0x1;
	_ =	sdelay $0x2  }
0x190: {  	s4 =	simm.s32 $0xFFFFFFFF;
	s5 =	simm.s32 $0xFFFFFFFF;
	s0 =	simm.s32 $0xC  }
.LBB3_24:
0x191: {  	s2 =	smov.u32 s5;
	s3 =	smov.u32 s4  }
0x192: {  	s4 =	sshra.s32 s0, $0x2;
	p1 =	sne.s32 s0, $0x7C;
	s0 =	sadd.s32 $0x4, s0;
	(v2sf) =	vpush v0, $0x0  }
0x193: {  	v0 =	vld.msk [tilespmem:s4+$0xF218], $0x1  }
.Ltmp23:
0x194: {  	(pc) =	sbr.rel @p1 .LBB3_24-.Ltmp23, $4  }
0x195: {  	s5 =	spop (v2sf)  }
0x196: {  	p2 =	sne.s32 s3, $0xFFFFFFFF;
	s4 =	smov.u32 s5  }
0x197: {  	p3 =	seq.s32 s5, $0xFFFFFFFF;
	s4 =	smov.u32 @p2 s3  }
0x198: {  	s5 =	smov.u32 @p3 s2;
	s4 =	smov.u32 @p3 s3  }
0x199: {  	(v2sf) =	vpush v0, $0x0;
	_ =	sdelay $0x8  }
0x19a: {  	s0 =	spop (v2sf)  }
0x19b: {  	p1 =	sne.s32 s4, $0xFFFFFFFF;
	s2 =	smov.u32 s0  }
0x19c: {  	s9 =	simm.s32 $0x6;
	p2 =	seq.s32 s0, $0xFFFFFFFF;
	s2 =	smov.u32 @p1 s4  }
0x19d: {  	s6 =	simm.s32 $0x0;
	s2 =	smov.u32 @p2 s4;
	s3 =	spop (v2sf)  }
0x19e: {  	s0 =	smov.u32 @p2 s5;
	p1 =	sne.s32 s2, $0xFFFFFFFF;
	s4 =	smov.u32 s3  }
.Ltmp24:
0x19f: {  	p2 =	seq.s32 s3, $0xFFFFFFFF;
	s4 =	smov.u32 @p1 s2;
	(pc) =	sbr.rel .LBB3_26-.Ltmp24, $4  }
0x1a0: {  	s10 =	simm.s32 $0xF188;
	s4 =	smov.u32 @p2 s2;
	s7 =	spop (v2sf)  }
0x1a1: {  	s11 =	simm.s32 $0x0;
	p1 =	sne.s32 s4, $0xFFFFFFFF;
	s8 =	smov.u32 s7  }
0x1a2: {  	s3 =	smov.u32 @p2 s0;
	p2 =	seq.s32 s7, $0xFFFFFFFF;
	s8 =	smov.u32 @p1 s4  }
0x1a3: {  	[sflag:s9] =	ssyncpa.u1 $0x0;
	s7 =	smov.u32 @p2 s3;
	s8 =	smov.u32 @p2 s4  }
.LBB3_32:
0x1a4: {  	p1 =	sgt.u32 s12, $0x27FF0  }
0x1a5: {  	p2 =	seq.s32 @!p1 s12, s8  }
0x1a6: {  	p1 =	por p1, p2  }
0x1a7: {  	p2 =	sne.s32 @!p1 s12, s7  }
0x1a8: {  	p1 =	por p1, !p2  }
0x1a9: {  	s0 =	sshll.u32 @p1 s11, $0x9  }
0x1aa: {  	s0 =	sand.u32 @!p1 $0x3FFF8, s12  }
0x1ab: {  	s2 =	sand.u32 @!p1 $0x7, s12;
	s0 =	sadd.s32 @!p1 s1, s0  }
0x1ac: {  	[tilespmem:s10], [sflag:$0x6] =	stream.linear.gather @!p1 [hbm4b:s0+s2], $0x80, $0x38;
	[tilespmem:$0x1F6F8] =	vst v63  }
0x1ad: {  	_ =	swait.ge @!p1 [sflag:s9], $0x80  }
0x1ae: {  	[sflag:s9] =	ssyncset.done @!p1 $0x0  }
0x1af: {  	[sflag:s9] =	ssyncadd.s32 @!p1 $0xFFFFFF80  }
0x1b0: {  	v1 =	vld @!p1 [tilespmem:$0xF188];
	_ =	sdelay $0x2  }
0x1b1: {  	s0 =	sshll.u32 @!p1 s11, $0x9  }
0x1b2: {  	s2 =	sshrl.u32 @!p1 s0, $0x2  }
0x1b3: {  	[tilespmem:s2+$0xF238] =	vst.add.f32.msk @!p1 $0xffff, v1  }
0x1b4: {  	v1 =	vld @!p1 [tilespmem:$0xF198];
	_ =	sdelay $0x4  }
0x1b5: {  	[tilespmem:s2+$0xF248] =	vst.add.f32.msk @!p1 $0xffff, v1  }
0x1b6: {  	v1 =	vld @!p1 [tilespmem:$0xF1A8];
	_ =	sdelay $0x4  }
0x1b7: {  	[tilespmem:s2+$0xF258] =	vst.add.f32.msk @!p1 $0xffff, v1  }
0x1b8: {  	v1 =	vld @!p1 [tilespmem:$0xF1B8];
	_ =	sdelay $0x4  }
0x1b9: {  	[tilespmem:s2+$0xF268] =	vst.add.f32.msk @!p1 $0xffff, v1  }
0x1ba: {  	v1 =	vld @!p1 [tilespmem:$0xF1C8];
	_ =	sdelay $0x4  }
0x1bb: {  	[tilespmem:s2+$0xF278] =	vst.add.f32.msk @!p1 $0xffff, v1  }
0x1bc: {  	v1 =	vld @!p1 [tilespmem:$0xF1D8];
	_ =	sdelay $0x4  }
0x1bd: {  	[tilespmem:s2+$0xF288] =	vst.add.f32.msk @!p1 $0xffff, v1  }
0x1be: {  	v1 =	vld @!p1 [tilespmem:$0xF1E8];
	_ =	sdelay $0x4  }
0x1bf: {  	[tilespmem:s2+$0xF298] =	vst.add.f32.msk @!p1 $0xffff, v1  }
0x1c0: {  	v1 =	vld @!p1 [tilespmem:$0xF1F8];
	_ =	sdelay $0x4  }
0x1c1: {  	[tilespmem:s2+$0xF2A8] =	vst.add.f32.msk @!p1 $0xffff, v1  }
0x1c2: {  	s0 =	sshrl.u32 s0, $0x2;
	[tilespmem:s6+$0xF218] =	vst.msk $0x1, v0  }
0x1c3: {  	v0 =	vld [tilespmem:s0+$0xF238];
	_ =	sdelay $0x2  }
0x1c4: {  	s31 =	sshll.u32 s6, $0x9  }
0x1c5: {  	s2 =	sshra.s32 s31, $0x2  }
0x1c6: {  	[tilespmem:s2+$0xF238] =	vst v0  }
0x1c7: {  	v0 =	vld [tilespmem:s0+$0xF248];
	_ =	sdelay $0x4  }
0x1c8: {  	[tilespmem:s2+$0xF248] =	vst v0  }
0x1c9: {  	v0 =	vld [tilespmem:s0+$0xF258];
	_ =	sdelay $0x4  }
0x1ca: {  	[tilespmem:s2+$0xF258] =	vst v0  }
0x1cb: {  	v0 =	vld [tilespmem:s0+$0xF268];
	_ =	sdelay $0x4  }
0x1cc: {  	[tilespmem:s2+$0xF268] =	vst v0  }
0x1cd: {  	v0 =	vld [tilespmem:s0+$0xF278];
	_ =	sdelay $0x4  }
0x1ce: {  	[tilespmem:s2+$0xF278] =	vst v0  }
0x1cf: {  	v0 =	vld [tilespmem:s0+$0xF288];
	_ =	sdelay $0x4  }
0x1d0: {  	[tilespmem:s2+$0xF288] =	vst v0  }
0x1d1: {  	v0 =	vld [tilespmem:s0+$0xF298];
	_ =	sdelay $0x4  }
0x1d2: {  	[tilespmem:s2+$0xF298] =	vst v0  }
0x1d3: {  	v0 =	vld [tilespmem:s0+$0xF2A8];
	_ =	sdelay $0x4  }
0x1d4: {  	s6 =	sadd.s32 $0x1, s6;
	[tilespmem:s2+$0xF2A8] =	vst v0  }
.LBB3_33:
0x1d5: {  	s11 =	sadd.s32 $0x1, s11  }
0x1d6: {  	p1 =	sne.s32 s11, $0x20  }
.Ltmp25:
0x1d7: {  	_ = 	snop;
	(pc) =	sbr.rel @!p1 .LBB3_34-.Ltmp25, $1  }
0x1d8: {  	_ =	sdelay $0x3  }
.LBB3_26:
0x1d9: {  	v0 =	vld.msk [tilespmem:s11+$0xF218], $0x1;
	_ =	sdelay $0x4  }
0x1da: {  	(v2sf) =	vpush v0, $0x0;
	_ =	sdelay $0xe  }
0x1db: {  	s12 =	spop (v2sf)  }
0x1dc: {  	p1 =	seq.s32 s12, $0xFFFFFFFF  }
.Ltmp26:
0x1dd: {  	_ = 	snop;
	(pc) =	sbr.rel @p1 .LBB3_33-.Ltmp26, $1  }
0x1de: {  	_ =	sdelay $0x3  }
0x1df: {  	p1 =	slt.s32 s6, $0x1  }
.Ltmp27:
0x1e0: {  	_ = 	snop;
	(pc) =	sbr.rel @p1 .LBB3_32-.Ltmp27, $1  }
0x1e1: {  	_ =	sdelay $0x3  }
0x1e2: {  	s13 =	simm.s32 $0xF218;
	p1 =	por $0x0, $0x0  }
0x1e3: {  	v1 =	vld.msk @!p1 [tilespmem:s13+$0x0], $0x1;
	_ =	sdelay $0x4  }
0x1e4: {  	(v2sf) =	vpush @!p1 v1, $0x0;
	_ =	sdelay $0xd  }
0x1e5: {  	p3 =	sne.s32 s6, $0x1  }
.Ltmp28:
0x1e6: {  	s0 =	spop @!p1 (v2sf);
	(pc) =	sbr.rel @!p3 .LBB3_30-.Ltmp28, $4  }
0x1e7: {  	p2 =	seq.s32 @!p1 s12, s0  }
0x1e8: {  	s14 =	simm.s32 $0x0;
	p2 =	por !p2, p1  }
0x1e9: {  	s2 =	simm.s32 $0xFFFFFFFF;
	s14 =	simm.s32 @p2 $0xFFFFFFFF  }
0x1ea: {  	s0 =	simm.s32 $0x1;
	s14 =	smov.u32 @p1 s2  }
.LBB3_29:
0x1eb: {  	s2 =	smov.u32 s14;
	p1 =	sne.s32 s14, $0xFFFFFFFF  }
0x1ec: {  	s13 =	sadd.s32 $0x1, s13;
	s14 =	smov.u32 s0;
	s0 =	sadd.s32 $0x1, s0  }
0x1ed: {  	p2 =	sne.s32 s6, s0;
	v1 =	vld.msk @!p1 [tilespmem:s13+$0x0], $0x1;
	_ =	sdelay $0x4  }
0x1ee: {  	(v2sf) =	vpush @!p1 v1, $0x0;
	_ =	sdelay $0xe  }
.Ltmp29:
0x1ef: {  	s3 =	spop @!p1 (v2sf);
	(pc) =	sbr.rel @p2 .LBB3_29-.Ltmp29, $4  }
0x1f0: {  	p3 =	seq.s32 @!p1 s12, s3  }
0x1f1: {  	p3 =	por !p3, p1  }
0x1f2: {  	s14 =	simm.s32 @p3 $0xFFFFFFFF  }
0x1f3: {  	s14 =	smov.u32 @p1 s2  }
.LBB3_30:
0x1f4: {  	p1 =	seq.s32 s14, $0xFFFFFFFF  }
.Ltmp30:
0x1f5: {  	_ = 	snop;
	(pc) =	sbr.rel @p1 .LBB3_32-.Ltmp30, $1  }
0x1f6: {  	_ =	sdelay $0x3  }
0x1f7: {  	s0 =	sshll.u32 s11, $0x7  }
0x1f8: {  	s0 =	sand.u32 $0x3FFFFF80, s0  }
0x1f9: {  	v0 =	vld [tilespmem:s0+$0xF238];
	_ =	sdelay $0x2  }
0x1fa: {  	s2 =	sshll.u32 s14, $0x9  }
0x1fb: {  	s2 =	sshra.s32 s2, $0x2  }
0x1fc: {  	[tilespmem:s2+$0xF238] =	vst.add.f32.msk $0xffff, v0  }
0x1fd: {  	v0 =	vld [tilespmem:s0+$0xF248];
	_ =	sdelay $0x4  }
0x1fe: {  	[tilespmem:s2+$0xF248] =	vst.add.f32.msk $0xffff, v0  }
0x1ff: {  	v0 =	vld [tilespmem:s0+$0xF258];
	_ =	sdelay $0x4  }
0x200: {  	[tilespmem:s2+$0xF258] =	vst.add.f32.msk $0xffff, v0  }
0x201: {  	v0 =	vld [tilespmem:s0+$0xF268];
	_ =	sdelay $0x4  }
0x202: {  	[tilespmem:s2+$0xF268] =	vst.add.f32.msk $0xffff, v0  }
0x203: {  	v0 =	vld [tilespmem:s0+$0xF278];
	_ =	sdelay $0x4  }
0x204: {  	[tilespmem:s2+$0xF278] =	vst.add.f32.msk $0xffff, v0  }
0x205: {  	v0 =	vld [tilespmem:s0+$0xF288];
	_ =	sdelay $0x4  }
0x206: {  	[tilespmem:s2+$0xF288] =	vst.add.f32.msk $0xffff, v0  }
0x207: {  	v0 =	vld [tilespmem:s0+$0xF298];
	_ =	sdelay $0x4  }
0x208: {  	[tilespmem:s2+$0xF298] =	vst.add.f32.msk $0xffff, v0  }
0x209: {  	v0 =	vld [tilespmem:s0+$0xF2A8]  }
.Ltmp31:
0x20a: {  	_ = 	snop;
	(pc) =	sbr.rel .LBB3_33-.Ltmp31, $2  }
0x20b: {  	_ =	sdelay $0x2  }
0x20c: {  	[tilespmem:s2+$0xF2A8] =	vst.add.f32.msk $0xffff, v0  }
.LBB3_34:
0x20d: {  	s0 =	simm.s32 $0x6;
	p1 =	seq.s32 s6, $0x0  }
0x20e: {  	[sflag:s0] =	ssyncpa.u1 $0x1;
	v0 =	vimm.s32 @p1 $0xFFFFFFFF  }
0x20f: {  	s9 =	sadd.s32 $0xFFFFFFFF, s6;
	[tilespmem:$0x10238] =	vst @p1 v0  }
0x210: {  	v0 =	vld.msk @!p1 [tilespmem:s9+$0xF218], $0x1;
	_ =	sdelay $0x1  }
0x211: {  	v1 =	vld.msk @!p1 [tilespmem:$0xF218], $0x1;
	_ =	sdelay $0x2  }
0x212: {  	p2 =	seq.s32 @!p1 s9, $0x0;
	v0 =	vbroadcast @!p1 v0, $0x0  }
0x213: {  	vm0 =	vmmov @!p1 $0x1;
	p2 =	por !p2, p1  }
0x214: {  	v1 =	vnsel @!p1 vm0, $0xFFFFFFFF, v1;
	vm0 =	vcmask @!p1 $0x308;
	v0 =	vpsel !p2, $0xFFFFFFFF, v0  }
0x215: {  	p2 =	sne.s32 @!p1 s8, s7;
	v0 =	vsel @!p1 vm0, v1, v0  }
0x216: {  	s0 =	simm.s32 @!p1 $0xF238;
	s2 =	simm.s32 @!p1 $0x0;
	p3 =	por !p2, p1;
	[tilespmem:$0x10238] =	vst @!p1 v0  }
0x217: {  	[spmem:s2] =	stream.linear.scatter @!p1 [tilespmem:s0], [sflag:$0x1], $0x80, $0x38;
	[tilespmem:$0x1F6F8] =	vst v63  }
0x218: {  	s0 =	sshll.u32 @!p3 s9, $0x9  }
0x219: {  	s0 =	sshra.s32 @!p3 s0, $0x2  }
0x21a: {  	s2 =	simm.s32 @!p3 $0x80;
	s0 =	sadd.s32 @!p3 $0xF238, s0  }
0x21b: {  	[spmem:s2] =	stream.linear.scatter @!p3 [tilespmem:s0], [sflag:$0x1], $0x80, $0x38;
	[tilespmem:$0x1F6F8] =	vst v63  }
0x21c: {  	s0 =	simm.s32 @!p3 $0x1  }
0x21d: {  	_ =	swait.ge @!p3 [sflag:s0], $0x100  }
0x21e: {  	p1 =	por p2, p1;
	[sflag:s0] =	ssyncset.done @!p3 $0x0  }
0x21f: {  	[sflag:s0] =	ssyncadd.s32 @!p3 $0xFFFFFF00;
	s0 =	simm.s32 @!p1 $0x1  }
0x220: {  	_ =	swait.ge @!p1 [sflag:s0], $0x80  }
0x221: {  	s29 =	simm.s32 $0x10238;
	[sflag:s0] =	ssyncset.done @!p1 $0x0  }
0x222: {  	s30 =	simm.s32 $0x1000;
	s31 =	simm.s32 $0x1;
	[sflag:s0] =	ssyncadd.s32 @!p1 $0xFFFFFF80  }
0x223: {  	[spmem:s30] =	stream.linear.scatter [tilespmem:s29], [sflag:$0x1], $0x10, $0x38;
	[tilespmem:$0x1F6F8] =	vst v63  }
0x224: {  	_ =	swait.ge [sflag:s31], $0x10  }
0x225: {  	[sflag:s31] =	ssyncset.done $0x0  }
0x226: {  	p1 =	seq.s32 s15, $0x0;
	s8 =	rddreg [dreg:$0x1];
	[sflag:s31] =	ssyncadd.s32 $0xFFFFFFF0  }
0x227: {  	s2 =	sshll.u32 @p1 s8, $0xE;
	s7 =	rddreg [dreg:$0x2]  }
0x228: {  	s0 =	sadd.s32 @p1 $0x15C3C, s2;
	s2 =	sshll.u32 @p1 s7, $0x11  }
0x229: {  	_ =	sfence.stream.spmem;
	s0 =	sor.u32 @p1 s2, s0  }
0x22a: {  	[sflag:s0] =	ssyncadd.remote.s32 @p1 $0x1;
	s0 =	simm.s32 @p1 $0x4  }
0x22b: {  	s3 =	simm.s32 @!p1 $0x3C;
	s2 =	sand.u32 $0xFFFFFFFE, s8;
	_ =	swait.ge @p1 [sflag:s0], $0x22  }
0x22c: {  	s4 =	simm.s32 @!p1 $0x0;
	s2 =	sadd.s32 @!p1 $0x4, s2;
	[sflag:s0] =	ssyncset.done @p1 $0x0  }
0x22d: {  	s5 =	simm.s32 @!p1 $0x100;
	[sflag:s0] =	ssyncadd.s32 @p1 $0xFFFFFFDE;
	s0 =	sshll.u32 @!p1 s2, $0x1A  }
0x22e: {  	s2 =	sshll.u32 @!p1 s2, $0xD;
	s0 =	sor.u32 @!p1 s0, s7;
	_ =	swait.eq @!p1 [sflag:s3], $0x1  }
0x22f: {  	s2 =	sor.u32 @!p1 $0x1C04, s2;
	s3 =	simm.s32 @!p1 $0x1C03;
	s0 =	sor.u32 @!p1 $0x80004000, s0  }
0x230: {  	[spmem:s5], [sflag:s2] =	dma.general @!p1 [spmem:s4], [sflag:s3], length:$0x20, [dreg:$0x0], stride_count:$0x0, ici_dest:s0, dma_misc:DstOpCode:WRITE  }
0x231: {  	p2 =	slt.s32 s9, $0x2;
	s4 =	simm.s32 @!p1 $0x200;
	s5 =	simm.s32 @!p1 $0x202  }
0x232: {  	[spmem:s5], [sflag:s2] =	dma.general @!p1 [spmem:s4], [sflag:s3], length:$0x2, [dreg:$0x0], stride_count:$0x0, ici_dest:s0, dma_misc:DstOpCode:WRITE  }
.Ltmp32:
0x233: {  	s0 =	simm.s32 @!p1 $0x3;
	(pc) =	sbr.rel @p2 .LBB3_38-.Ltmp32, $4  }
0x234: {  	s2 =	sshll.u32 @!p1 s8, $0xE;
	_ =	swait.ge @!p1 [sflag:s0], $0x22  }
0x235: {  	s3 =	sshll.u32 @!p1 s7, $0x11;
	s2 =	sadd.s32 @!p1 $0x11C3C, s2;
	[sflag:s0] =	ssyncset.done @!p1 $0x0  }
0x236: {  	[sflag:s0] =	ssyncadd.s32 @!p1 $0xFFFFFFDE;
	s0 =	sor.u32 @!p1 s3, s2  }
0x237: {  	[sflag:s0] =	ssyncadd.remote.s32 @!p1 $0xFFFFFFFF;
	s0 =	simm.s32 $0x0  }
0x238: {  	s0 =	simm.s32 $0xF219  }
0x239: {  	v0 =	vld.msk [tilespmem:s0+$0x0], $0x1;
	_ =	sdelay $0x4  }
0x23a: {  	(v2sf) =	vpush v0, $0x0;
	_ =	sdelay $0xb  }
0x23b: {  	s31 =	sadd.s32 $0xFFFFFFFE, s6  }
0x23c: {  	s0 =	sadd.s32 $0xFFFFFFFF, s31  }
0x23d: {  	p2 =	sne.s32 s0, $0x0  }
.Ltmp33:
0x23e: {  	s2 =	spop (v2sf);
	(pc) =	sbr.rel @!p2 .LBB3_37-.Ltmp33, $4  }
0x23f: {  	s4 =	simm.s32 $0xF2B8;
	s7 =	simm.s32 $0x0;
	p1 =	sgt.u32 s2, $0x27FF0  }
0x240: {  	s5 =	simm.s32 $0x0;
	s6 =	simm.s32 $0xF21A;
	s3 =	sand.u32 @!p1 $0x3FFF8, s2  }
0x241: {  	s2 =	sand.u32 @!p1 $0x7, s2;
	s7 =	simm.s32 @!p1 $0x200;
	s3 =	sadd.s32 @!p1 s1, s3  }
0x242: {  	[hbm4b:s3+s2] =	stream.linear.scatter @!p1 [tilespmem:s4], [sflag:$0x5], $0x80, $0x38;
	[tilespmem:$0x1F6F8] =	vst v63  }
.LBB3_36:
0x243: {  	v0 =	vld.msk [tilespmem:s6+$0x0], $0x1;
	s0 =	sadd.s32 $0xFFFFFFFF, s0;
	s5 =	sadd.s32 s5, s7  }
0x244: {  	p1 =	sne.s32 s0, $0x0;
	_ =	sdelay $0x3  }
0x245: {  	(v2sf) =	vpush v0, $0x0;
	_ =	sdelay $0xe  }
.Ltmp34:
0x246: {  	s2 =	spop (v2sf);
	(pc) =	sbr.rel @p1 .LBB3_36-.Ltmp34, $4  }
0x247: {  	s7 =	simm.s32 $0x0;
	p2 =	sgt.u32 s2, $0x27FF0  }
0x248: {  	s4 =	sadd.s32 $0x80, s4;
	s7 =	simm.s32 @!p2 $0x200;
	s3 =	sand.u32 @!p2 $0x3FFF8, s2  }
0x249: {  	s6 =	sadd.s32 $0x1, s6;
	s2 =	sand.u32 @!p2 $0x7, s2;
	s3 =	sadd.s32 @!p2 s1, s3  }
0x24a: {  	[hbm4b:s3+s2] =	stream.linear.scatter @!p2 [tilespmem:s4], [sflag:$0x5], $0x80, $0x38;
	[tilespmem:$0x1F6F8] =	vst v63  }
.LBB3_37:
0x24b: {  	s0 =	sadd.s32 s5, s7  }
0x24c: {  	s0 =	sshrl.u32 s0, $0x2  }
.LBB3_38:
0x24d: {  	s2 =	simm.s32 $0x5  }
0x24e: {  	_ =	swait.ge [sflag:s2], s0  }
0x24f: {  	s31 =	ssub.s32 $0x0, s0;
	[sflag:s2] =	ssyncset.done $0x0  }
0x250: {  	[sflag:s2] =	ssyncadd.s32 s31  }
0x251: {  	[sflag:s2] =	ssyncpa.u1 $0x1  }
.LBB3_39:
0x252: {  	s0 =	sor.u32 s15, s16  }
0x253: {  	p1 =	sne.s32 s0, $0x0  }
.Ltmp35:
0x254: {  	_ = 	snop;
	(pc) =	sbr.rel @p1 .LBB3_54-.Ltmp35, $3  }
0x255: {  	_ =	sdelay $0x1  }
0x256: {  	[bflag:$0x0] =	sbarrier.arrive $0xFFFF  }
0x257: {  	_ =	sfence  }
0x258: {  	s0 =	simm.s32 $0x7  }
0x259: {  	s2 =	simm.s32 $0x1000;
	s3 =	simm.s32 $0xF218;
	[sflag:s0] =	ssyncpa.u1 $0x0  }
0x25a: {  	[tilespmem:s3], [sflag:$0x7] =	stream.linear.gather [spmem:s2], $0x20, $0x38;
	[tilespmem:$0x1F6F8] =	vst v63  }
0x25b: {  	s30 =	simm.s32 $0xF238;
	s2 =	simm.s32 $0x0  }
0x25c: {  	[tilespmem:s30], [sflag:$0x7] =	stream.linear.gather [spmem:s2], $0x1000, $0x38;
	[tilespmem:$0x1F6F8] =	vst v63  }
.Ltmp36:
0x25d: {  	_ = 	snop;
	(pc) =	sbr.rel .LBB3_41-.Ltmp36, $4  }
0x25e: {  	_ =	swait.ge [sflag:s0], $0x1020  }
0x25f: {  	[sflag:s0] =	ssyncset.done $0x0  }
0x260: {  	s31 =	simm.s32 $0x8;
	[sflag:s0] =	ssyncadd.s32 $0xFFFFEFE0  }
0x261: {  	s3 =	simm.s32 $0x0;
	[sflag:s31] =	ssyncpa.u1 $0x0  }
.LBB3_47:
0x262: {  	p1 =	slt.u32 s4, $0x27FF1  }
0x263: {  	s0 =	sand.u32 @p1 $0x3FFF8, s4  }
0x264: {  	s4 =	sand.u32 @p1 $0x7, s4;
	s5 =	simm.s32 @p1 $0xF188;
	s0 =	sadd.s32 @p1 s1, s0  }
0x265: {  	[tilespmem:s5], [sflag:$0x8] =	stream.linear.gather @p1 [hbm4b:s0+s4], $0x80, $0x38;
	[tilespmem:$0x1F6F8] =	vst v63  }
0x266: {  	s0 =	simm.s32 @p1 $0x8  }
0x267: {  	_ =	swait.ge @p1 [sflag:s0], $0x80  }
0x268: {  	[sflag:s0] =	ssyncset.done @p1 $0x0  }
0x269: {  	[sflag:s0] =	ssyncadd.s32 @p1 $0xFFFFFF80  }
0x26a: {  	v1 =	vld @p1 [tilespmem:$0xF188];
	_ =	sdelay $0x2  }
0x26b: {  	s0 =	sshll.u32 @p1 s3, $0x9  }
0x26c: {  	s4 =	sshrl.u32 @p1 s0, $0x2  }
0x26d: {  	[tilespmem:s4+$0xF238] =	vst.add.f32.msk @p1 $0xffff, v1  }
0x26e: {  	v1 =	vld @p1 [tilespmem:$0xF198];
	_ =	sdelay $0x4  }
0x26f: {  	[tilespmem:s4+$0xF248] =	vst.add.f32.msk @p1 $0xffff, v1  }
0x270: {  	v1 =	vld @p1 [tilespmem:$0xF1A8];
	_ =	sdelay $0x4  }
0x271: {  	[tilespmem:s4+$0xF258] =	vst.add.f32.msk @p1 $0xffff, v1  }
0x272: {  	v1 =	vld @p1 [tilespmem:$0xF1B8];
	_ =	sdelay $0x4  }
0x273: {  	[tilespmem:s4+$0xF268] =	vst.add.f32.msk @p1 $0xffff, v1  }
0x274: {  	v1 =	vld @p1 [tilespmem:$0xF1C8];
	_ =	sdelay $0x4  }
0x275: {  	[tilespmem:s4+$0xF278] =	vst.add.f32.msk @p1 $0xffff, v1  }
0x276: {  	v1 =	vld @p1 [tilespmem:$0xF1D8];
	_ =	sdelay $0x4  }
0x277: {  	[tilespmem:s4+$0xF288] =	vst.add.f32.msk @p1 $0xffff, v1  }
0x278: {  	v1 =	vld @p1 [tilespmem:$0xF1E8];
	_ =	sdelay $0x4  }
0x279: {  	[tilespmem:s4+$0xF298] =	vst.add.f32.msk @p1 $0xffff, v1  }
0x27a: {  	v1 =	vld @p1 [tilespmem:$0xF1F8];
	_ =	sdelay $0x3  }
0x27b: {  	s5 =	sshll.u32 @!p1 s3, $0x9  }
0x27c: {  	s5 =	smov.u32 @p1 s0;
	[tilespmem:s4+$0xF2A8] =	vst.add.f32.msk @p1 $0xffff, v1  }
0x27d: {  	s0 =	sshrl.u32 s5, $0x2;
	[tilespmem:s2+$0xF218] =	vst.msk $0x1, v0  }
0x27e: {  	v0 =	vld [tilespmem:s0+$0xF238];
	_ =	sdelay $0x2  }
0x27f: {  	s31 =	sshll.u32 s2, $0x9  }
0x280: {  	s4 =	sshra.s32 s31, $0x2  }
0x281: {  	[tilespmem:s4+$0xF238] =	vst v0  }
0x282: {  	v0 =	vld [tilespmem:s0+$0xF248];
	_ =	sdelay $0x4  }
0x283: {  	[tilespmem:s4+$0xF248] =	vst v0  }
0x284: {  	v0 =	vld [tilespmem:s0+$0xF258];
	_ =	sdelay $0x4  }
0x285: {  	[tilespmem:s4+$0xF258] =	vst v0  }
0x286: {  	v0 =	vld [tilespmem:s0+$0xF268];
	_ =	sdelay $0x4  }
0x287: {  	[tilespmem:s4+$0xF268] =	vst v0  }
0x288: {  	v0 =	vld [tilespmem:s0+$0xF278];
	_ =	sdelay $0x4  }
0x289: {  	[tilespmem:s4+$0xF278] =	vst v0  }
0x28a: {  	v0 =	vld [tilespmem:s0+$0xF288];
	_ =	sdelay $0x4  }
0x28b: {  	[tilespmem:s4+$0xF288] =	vst v0  }
0x28c: {  	v0 =	vld [tilespmem:s0+$0xF298];
	_ =	sdelay $0x4  }
0x28d: {  	[tilespmem:s4+$0xF298] =	vst v0  }
0x28e: {  	v0 =	vld [tilespmem:s0+$0xF2A8];
	_ =	sdelay $0x4  }
0x28f: {  	s2 =	sadd.s32 $0x1, s2;
	[tilespmem:s4+$0xF2A8] =	vst v0  }
.LBB3_48:
0x290: {  	s3 =	sadd.s32 $0x1, s3  }
0x291: {  	p1 =	sne.s32 s3, $0x20  }
.Ltmp37:
0x292: {  	_ = 	snop;
	(pc) =	sbr.rel @!p1 .LBB3_49-.Ltmp37, $1  }
0x293: {  	_ =	sdelay $0x3  }
.LBB3_41:
0x294: {  	v0 =	vld.msk [tilespmem:s3+$0xF218], $0x1;
	_ =	sdelay $0x4  }
0x295: {  	(v2sf) =	vpush v0, $0x0;
	_ =	sdelay $0xe  }
0x296: {  	s4 =	spop (v2sf)  }
0x297: {  	p1 =	seq.s32 s4, $0xFFFFFFFF  }
.Ltmp38:
0x298: {  	_ = 	snop;
	(pc) =	sbr.rel @p1 .LBB3_48-.Ltmp38, $1  }
0x299: {  	_ =	sdelay $0x3  }
0x29a: {  	p1 =	slt.s32 s2, $0x1  }
.Ltmp39:
0x29b: {  	_ = 	snop;
	(pc) =	sbr.rel @p1 .LBB3_47-.Ltmp39, $1  }
0x29c: {  	_ =	sdelay $0x3  }
0x29d: {  	s5 =	simm.s32 $0xF218;
	p1 =	por $0x0, $0x0  }
0x29e: {  	v1 =	vld.msk @!p1 [tilespmem:s5+$0x0], $0x1;
	_ =	sdelay $0x4  }
0x29f: {  	(v2sf) =	vpush @!p1 v1, $0x0;
	_ =	sdelay $0xd  }
0x2a0: {  	p3 =	sne.s32 s2, $0x1  }
.Ltmp40:
0x2a1: {  	s0 =	spop @!p1 (v2sf);
	(pc) =	sbr.rel @!p3 .LBB3_45-.Ltmp40, $4  }
0x2a2: {  	p2 =	seq.s32 @!p1 s4, s0  }
0x2a3: {  	s6 =	simm.s32 $0x0;
	p2 =	por !p2, p1  }
0x2a4: {  	s7 =	simm.s32 $0xFFFFFFFF;
	s6 =	simm.s32 @p2 $0xFFFFFFFF  }
0x2a5: {  	s0 =	simm.s32 $0x1;
	s6 =	smov.u32 @p1 s7  }
.LBB3_44:
0x2a6: {  	s7 =	smov.u32 s6;
	p1 =	sne.s32 s6, $0xFFFFFFFF  }
0x2a7: {  	s5 =	sadd.s32 $0x1, s5;
	s6 =	smov.u32 s0;
	s0 =	sadd.s32 $0x1, s0  }
0x2a8: {  	p2 =	sne.s32 s2, s0;
	v1 =	vld.msk @!p1 [tilespmem:s5+$0x0], $0x1;
	_ =	sdelay $0x4  }
0x2a9: {  	(v2sf) =	vpush @!p1 v1, $0x0;
	_ =	sdelay $0xe  }
.Ltmp41:
0x2aa: {  	s8 =	spop @!p1 (v2sf);
	(pc) =	sbr.rel @p2 .LBB3_44-.Ltmp41, $4  }
0x2ab: {  	p3 =	seq.s32 @!p1 s4, s8  }
0x2ac: {  	p3 =	por !p3, p1  }
0x2ad: {  	s6 =	simm.s32 @p3 $0xFFFFFFFF  }
0x2ae: {  	s6 =	smov.u32 @p1 s7  }
.LBB3_45:
0x2af: {  	p1 =	seq.s32 s6, $0xFFFFFFFF  }
.Ltmp42:
0x2b0: {  	_ = 	snop;
	(pc) =	sbr.rel @p1 .LBB3_47-.Ltmp42, $1  }
0x2b1: {  	_ =	sdelay $0x3  }
0x2b2: {  	s0 =	sshll.u32 s3, $0x7  }
0x2b3: {  	s0 =	sand.u32 $0x3FFFFF80, s0  }
0x2b4: {  	v0 =	vld [tilespmem:s0+$0xF238];
	_ =	sdelay $0x2  }
0x2b5: {  	s4 =	sshll.u32 s6, $0x9  }
0x2b6: {  	s4 =	sshra.s32 s4, $0x2  }
0x2b7: {  	[tilespmem:s4+$0xF238] =	vst.add.f32.msk $0xffff, v0  }
0x2b8: {  	v0 =	vld [tilespmem:s0+$0xF248];
	_ =	sdelay $0x4  }
0x2b9: {  	[tilespmem:s4+$0xF248] =	vst.add.f32.msk $0xffff, v0  }
0x2ba: {  	v0 =	vld [tilespmem:s0+$0xF258];
	_ =	sdelay $0x4  }
0x2bb: {  	[tilespmem:s4+$0xF258] =	vst.add.f32.msk $0xffff, v0  }
0x2bc: {  	v0 =	vld [tilespmem:s0+$0xF268];
	_ =	sdelay $0x4  }
0x2bd: {  	[tilespmem:s4+$0xF268] =	vst.add.f32.msk $0xffff, v0  }
0x2be: {  	v0 =	vld [tilespmem:s0+$0xF278];
	_ =	sdelay $0x4  }
0x2bf: {  	[tilespmem:s4+$0xF278] =	vst.add.f32.msk $0xffff, v0  }
0x2c0: {  	v0 =	vld [tilespmem:s0+$0xF288];
	_ =	sdelay $0x4  }
0x2c1: {  	[tilespmem:s4+$0xF288] =	vst.add.f32.msk $0xffff, v0  }
0x2c2: {  	v0 =	vld [tilespmem:s0+$0xF298];
	_ =	sdelay $0x4  }
0x2c3: {  	[tilespmem:s4+$0xF298] =	vst.add.f32.msk $0xffff, v0  }
0x2c4: {  	v0 =	vld [tilespmem:s0+$0xF2A8]  }
.Ltmp43:
0x2c5: {  	_ = 	snop;
	(pc) =	sbr.rel .LBB3_48-.Ltmp43, $2  }
0x2c6: {  	_ =	sdelay $0x2  }
0x2c7: {  	[tilespmem:s4+$0xF2A8] =	vst.add.f32.msk $0xffff, v0  }
.LBB3_49:
0x2c8: {  	p1 =	slt.s32 s2, $0x1  }
.Ltmp44:
0x2c9: {  	_ = 	snop;
	(pc) =	sbr.rel @p1 .LBB3_53-.Ltmp44, $3  }
0x2ca: {  	_ =	sdelay $0x1  }
0x2cb: {  	s0 =	simm.s32 $0x8  }
0x2cc: {  	s3 =	simm.s32 $0x0;
	[sflag:s0] =	ssyncpa.u1 $0x1  }
0x2cd: {  	s0 =	simm.s32 $0xF218  }
0x2ce: {  	v0 =	vld.msk [tilespmem:s0+$0x0], $0x1;
	_ =	sdelay $0x4  }
0x2cf: {  	(v2sf) =	vpush v0, $0x0;
	_ =	sdelay $0xe  }
0x2d0: {  	s0 =	sadd.s32 $0xFFFFFFFF, s2;
	s5 =	spop (v2sf)  }
0x2d1: {  	p2 =	sne.s32 s0, $0x0;
	p1 =	sgt.u32 s5, $0x27FF0  }
.Ltmp45:
0x2d2: {  	s6 =	sand.u32 @!p1 $0x3FFF8, s5;
	(pc) =	sbr.rel @!p2 .LBB3_52-.Ltmp45, $4  }
0x2d3: {  	s4 =	simm.s32 $0xF238;
	s5 =	sand.u32 @!p1 $0x7, s5;
	s2 =	sadd.s32 @!p1 s1, s6  }
0x2d4: {  	[hbm4b:s2+s5] =	stream.linear.scatter @!p1 [tilespmem:s4], [sflag:$0x7], $0x80, $0x38;
	[tilespmem:$0x1F6F8] =	vst v63  }
0x2d5: {  	s5 =	simm.s32 $0x0  }
0x2d6: {  	s2 =	simm.s32 $0xF219;
	s5 =	simm.s32 @!p1 $0x200  }
.LBB3_51:
0x2d7: {  	v0 =	vld.msk [tilespmem:s2+$0x0], $0x1;
	s0 =	sadd.s32 $0xFFFFFFFF, s0;
	s3 =	sadd.s32 s3, s5  }
0x2d8: {  	p1 =	sne.s32 s0, $0x0;
	_ =	sdelay $0x3  }
0x2d9: {  	(v2sf) =	vpush v0, $0x0;
	_ =	sdelay $0xe  }
.Ltmp46:
0x2da: {  	s6 =	spop (v2sf);
	(pc) =	sbr.rel @p1 .LBB3_51-.Ltmp46, $4  }
0x2db: {  	s5 =	simm.s32 $0x0;
	p2 =	sgt.u32 s6, $0x27FF0  }
0x2dc: {  	s4 =	sadd.s32 $0x80, s4;
	s5 =	simm.s32 @!p2 $0x200;
	s7 =	sand.u32 @!p2 $0x3FFF8, s6  }
0x2dd: {  	s2 =	sadd.s32 $0x1, s2;
	s6 =	sand.u32 @!p2 $0x7, s6;
	s7 =	sadd.s32 @!p2 s1, s7  }
0x2de: {  	[hbm4b:s7+s6] =	stream.linear.scatter @!p2 [tilespmem:s4], [sflag:$0x7], $0x80, $0x38;
	[tilespmem:$0x1F6F8] =	vst v63  }
.LBB3_52:
0x2df: {  	s0 =	sadd.s32 s3, s5  }
0x2e0: {  	s3 =	sshrl.u32 s0, $0x2  }
.LBB3_53:
0x2e1: {  	s0 =	simm.s32 $0x7  }
0x2e2: {  	_ =	swait.ge [sflag:s0], s3  }
0x2e3: {  	s1 =	ssub.s32 $0x0, s3;
	[sflag:s0] =	ssyncset.done $0x0  }
0x2e4: {  	[sflag:s0] =	ssyncadd.s32 s1  }
0x2e5: {  	[sflag:s0] =	ssyncpa.u1 $0x1  }
.LBB3_54:
0x2e6: {  	_ =	sfence;
	s0 =	simm.s32 $0x1  }
0x2e7: {  	[sflag:s0] =	ssyncpa.u1 $0x1  }
0x2e8: {  	_ =	strace $0x90000059  }
0x2e9: {  	[bflag:$0x2] =	sbarrier.arrive $0xFFFF  }
0x2ea: {  	s0 =	rddreg [dreg:$0x3]  }
0x2eb: {  	s0 =	sadd.s32 @!p0 $0x100000, s0  }
0x2ec: {  	[sflag:s0] =	ssyncadd.tile.s32 @!p0 $0x1;
	_ =	shalt  }
.Lfunc_end3:
_tile_overlayer_lowered:
.L_overlay_start_3:
0x2ed: {  	(tag) =	ssettag $0x3  }
0x2ee: {  	s0 =	rddreg [dreg:$0x0];
	s2 =	stileid.u32  }
0x2ef: {  	s1 =	rddreg [dreg:$0x1];
	p0 =	sne.s32 s2, $0x0  }
0x2f0: {  	s3 =	rddreg [dreg:$0x2];
	[bflag:$0x3] =	sbarrier.arrive $0xFFFF;
	s2 =	simm.s32 @!p0 $0x1C01  }
0x2f1: {  	[timem:s3], [sflag:s2] =	dma.local @!p0 [hbm:s0], s1  }
0x2f2: {  	s0 =	simm.s32 @!p0 $0x1  }
0x2f3: {  	_ =	swait.ge @!p0 [sflag:s0], s1  }
0x2f4: {  	s1 =	ssub.s32 @!p0 $0x0, s1;
	[sflag:s0] =	ssyncset.done @!p0 $0x0  }
0x2f5: {  	[sflag:s0] =	ssyncadd.s32 @!p0 s1  }
0x2f6: {  	[bflag:$0x3] =	sbarrier.arrive $0xFFFF  }
0x2f7: {  	_ =	shalt  }

</sc_bundles>
